<compile_context>
chip_gen: v7x
topology: tpu7x:2x2x1
jax: 0.10.2.dev20260603
libtpu: 0.0.44.dev20260713+nightly
codegen_flags: <defaults>
</compile_context>

<pallas_src>
import functools

import jax
import jax.numpy as jnp
from jax import lax
from jax.experimental import pallas as pl
from jax.experimental.pallas import tpu as pltpu
from jax.experimental.pallas import tpu_sc as plsc

N = 10000
E = 320000
D = 128
G = 64
C = 10

NSUB = 16
K = 128
CH = (E + NSUB * K - 1) // (NSUB * K)
CH += CH % 2
EPAD = NSUB * K * CH
N1 = 10112
RPT = N1 // NSUB

BR = 1000
GRID = N // BR

_f32 = jnp.float32



def _sc_body(tpq, inter, zrows, out, idx2, rows, acc, sem0, sem1):
    sem = (sem0, sem1)
    cid = lax.axis_index("c")
    sid = lax.axis_index("s")
    rbase = sid * RPT

    pltpu.sync_copy(zrows, rows.at[pl.ds(0, K)])
    for j in range((RPT + K - 1) // K):
        sz = min(K, RPT - j * K)
        pltpu.sync_copy(rows.at[pl.ds(0, sz)],
                        acc.at[pl.ds(rbase + j * K, sz)])
    plsc.subcore_barrier()

    cbase = cid * (NSUB * CH) + sid * CH

    def load_start(c, slot):
        pltpu.sync_copy(inter.at[cbase + c], idx2.at[slot])
        pltpu.async_copy(tpq.at[idx2.at[slot, 0]],
                         rows.at[pl.ds(slot * K, K)], sem[slot])

    def drain_scatter(slot):
        pltpu.make_async_copy(tpq.at[idx2.at[slot, 0]],
                              rows.at[pl.ds(slot * K, K)], sem[slot]).wait()
        pltpu.sync_copy(rows.at[pl.ds(slot * K, K)], acc.at[idx2.at[slot, 1]],
                        add=True)

    load_start(0, 0)

    def pair(i2, carry):
        load_start(2 * i2 + 1, 1)
        drain_scatter(0)

        @pl.when(2 * i2 + 2 < CH)
        def _():
            load_start(2 * i2 + 2, 0)

        drain_scatter(1)
        return carry

    lax.fori_loop(0, CH // 2, pair, 0)
    plsc.subcore_barrier()

    for j in range((RPT + K - 1) // K):
        sz = min(K, RPT - j * K)
        pltpu.sync_copy(acc.at[pl.ds(rbase + j * K, sz)],
                        rows.at[pl.ds(0, sz)])
        pltpu.sync_copy(rows.at[pl.ds(0, sz)],
                        out.at[pl.ds(cid * N1 + rbase + j * K, sz)])


@functools.cache
def _sc_kernel():
    return pl.kernel(
        _sc_body,
        out_type=jax.ShapeDtypeStruct((2 * N1, D), _f32),
        mesh=plsc.VectorSubcoreMesh(core_axis_name="c", subcore_axis_name="s"),
        scratch_types=[
            pltpu.VMEM((2, 2, K), jnp.int32),
            pltpu.VMEM((2 * K, D), _f32),
            pltpu.VMEM_SHARED((N1, D), _f32),
            pltpu.SemaphoreType.DMA,
            pltpu.SemaphoreType.DMA,
        ],
    )


def _sc_edge_pass(tpq2n, inter, zrows):
    return _sc_kernel()(tpq2n, inter, zrows)



def _node_m(h, g, b, we, be):
    e = we[7:8, :] + be[...]
    m = jnp.maximum(h * g[...] + b[...] + e, 0.0) + 1e-7
    return m


def _tpq_body(h_ref, g_ref, b_ref, we_ref, be_ref, tpq_ref):
    m = _node_m(h_ref[...], g_ref, b_ref, we_ref, be_ref)
    p = jnp.exp(m)
    tpq_ref[0] = p
    tpq_ref[1] = m * p


def _conv_out(s_ref, h_ref, g0, b0, wc, bc):
    agg = s_ref[1] / (s_ref[0] + 1e-30)
    hn = h_ref[...] * g0[...] + b0[...]
    z = jnp.dot(hn + agg, wc[...], preferred_element_type=_f32) + bc[...]
    return jnp.maximum(z, 0.0)


def _ba_body(s_ref, h_ref, g0, b0, wc, bc, g1, b1, we1, be1, hout_ref, tpq_ref):
    hnew = _conv_out(s_ref, h_ref, g0, b0, wc, bc)
    hout_ref[...] = hnew
    m = _node_m(hnew, g1, b1, we1, be1)
    p = jnp.exp(m)
    tpq_ref[0] = p
    tpq_ref[1] = m * p


def _b3_body(s_ref, h_ref, g2, b2, wc2, bc2, batch_ref, gfc, bfc, wlin, blin,
             gh, bh, wcls, bcls, out_ref, pooled):
    i = pl.program_id(0)
    h3 = _conv_out(s_ref, h_ref, g2, b2, wc2, bc2)
    bvec = batch_ref[0, 0, :]
    onehot = (bvec[:, None]
              == lax.broadcasted_iota(jnp.int32, (BR, G), 1)).astype(_f32)
    part = lax.dot_general(onehot, h3, (((0,), (0,)), ((), ())),
                           preferred_element_type=_f32)

    @pl.when(i == 0)
    def _():
        pooled[...] = jnp.zeros_like(pooled)

    pooled[...] += part

    @pl.when(i == GRID - 1)
    def _():
        pool = pooled[...]
        z = jnp.maximum(
            jnp.dot(pool * gfc[...] + bfc[...], wlin[...],
                    preferred_element_type=_f32) + blin[...], 0.0)
        z = z * gh[...] + bh[...]
        logits = jnp.dot(z, wcls[...], preferred_element_type=_f32) + bcls[...]
        colid = lax.broadcasted_iota(jnp.int32, (G, D), 1)
        mask = colid < C
        mx = jnp.max(jnp.where(mask, logits, -jnp.inf), axis=1, keepdims=True)
        ex = jnp.where(mask, jnp.exp(logits - mx), 0.0)
        lse = jnp.log(jnp.sum(ex, axis=1, keepdims=True)) + mx
        out_ref[...] = logits - lse


_vspec = pl.BlockSpec((1, D), lambda i: (0, 0))
_wspec = pl.BlockSpec((D, D), lambda i: (0, 0))
_wespec = pl.BlockSpec((16, D), lambda i: (0, 0))
_hspec = pl.BlockSpec((BR, D), lambda i: (i, 0))
_sspec = pl.BlockSpec((2, BR, D), lambda i: (0, i, 0))
_tpqspec = pl.BlockSpec((2, BR, D), lambda i: (0, i, 0))

_tpq_call = pl.pallas_call(
    _tpq_body,
    grid=(GRID,),
    in_specs=[_hspec, _vspec, _vspec, _wespec, _vspec],
    out_specs=_tpqspec,
    out_shape=jax.ShapeDtypeStruct((2, N, D), _f32),
)

_ba_call = pl.pallas_call(
    _ba_body,
    grid=(GRID,),
    in_specs=[_sspec, _hspec, _vspec, _vspec, _wspec, _vspec,
              _vspec, _vspec, _wespec, _vspec],
    out_specs=[_hspec, _tpqspec],
    out_shape=[jax.ShapeDtypeStruct((N, D), _f32),
               jax.ShapeDtypeStruct((2, N, D), _f32)],
)

_b3_call = pl.pallas_call(
    _b3_body,
    grid=(GRID,),
    in_specs=[_sspec, _hspec, _vspec, _vspec, _wspec, _vspec,
              pl.BlockSpec((1, 1, BR), lambda i: (i, 0, 0)),
              _vspec, _vspec, _wspec, _vspec, _vspec, _vspec, _wspec, _vspec],
    out_specs=pl.BlockSpec((G, D), lambda i: (0, 0)),
    out_shape=jax.ShapeDtypeStruct((G, D), _f32),
    scratch_shapes=[pltpu.VMEM((G, D), _f32)],
)



def kernel(x, edge_index, batch, bn0_g, bn0_b, We0, be0, Wc0, bc0,
           bn1_g, bn1_b, We1, be1, Wc1, bc1, bn2_g, bn2_b, We2, be2, Wc2, bc2,
           bnfc_g, bnfc_b, Wlin, blin, bnh_g, bnh_b, Wcls, bcls):
    src = edge_index[0]
    dst = edge_index[1]
    pad = EPAD - E
    src_p = jnp.concatenate([src, jnp.zeros((pad,), jnp.int32)])
    dst_p = jnp.concatenate([dst, jnp.full((pad,), N, jnp.int32)])
    cs = src_p.reshape(NSUB * CH, K)
    cd = dst_p.reshape(NSUB * CH, K)
    inter = jnp.concatenate([jnp.stack([cs, cd], axis=1),
                             jnp.stack([cs + N, cd], axis=1)])
    zrows = jnp.zeros((K, D), _f32)

    def v(a):
        return a.reshape(1, D)

    def we(a):
        return jnp.pad(a, ((0, 16 - a.shape[0]), (0, 0)))

    params = [
        (v(bn0_g), v(bn0_b), we(We0), v(be0), Wc0, v(bc0)),
        (v(bn1_g), v(bn1_b), we(We1), v(be1), Wc1, v(bc1)),
        (v(bn2_g), v(bn2_b), we(We2), v(be2), Wc2, v(bc2)),
    ]

    g0, b0, we0_, be0_, wc0, bc0_ = params[0]
    g1, b1, we1_, be1_, wc1, bc1_ = params[1]
    g2, b2, we2_, be2_, wc2, bc2_ = params[2]

    tpq = _tpq_call(x, g0, b0, we0_, be0_)
    s0 = _sc_edge_pass(tpq.reshape(2 * N, D), inter, zrows)
    h1, tpq = _ba_call(s0.reshape(2, N1, D), x, g0, b0, wc0, bc0_,
                       g1, b1, we1_, be1_)
    s1 = _sc_edge_pass(tpq.reshape(2 * N, D), inter, zrows)
    h2, tpq = _ba_call(s1.reshape(2, N1, D), h1, g1, b1, wc1, bc1_,
                       g2, b2, we2_, be2_)
    s2 = _sc_edge_pass(tpq.reshape(2 * N, D), inter, zrows)

    batch3 = batch.reshape(GRID, 1, BR)
    wcls_p = jnp.pad(Wcls, ((0, 0), (0, D - C)))
    bcls_p = jnp.pad(bcls, ((0, D - C))).reshape(1, D)
    out = _b3_call(s2.reshape(2, N1, D), h2, g2, b2, wc2, bc2_, batch3,
                   v(bnfc_g), v(bnfc_b), Wlin, v(blin),
                   v(bnh_g), v(bnh_b), wcls_p, bcls_p)
    return out[:, :C]

# --- scband reference (transcript-rebuilt; emitter-appended) ---
"""Pipeline reference for scband-gnn-64484638982296 (READ-ONLY COPY).

The authoritative reference and input builder live on the scoring server;
editing this copy changes nothing except your own understanding.
"""

import jax, jax.numpy as jnp
import numpy as np

N = 10000
E = 320000
D = 128
H = 128
C = 10
G = 64
EDGE_DIM = 9

def setup_inputs(seed: int = 0):
    key = jax.random.key(seed)
    ks = jax.random.split(key, 16)
    inp = {}
    inp["x"] = jax.random.normal(ks[0], (N, D), dtype=jnp.float32)
    inp["edge_index"] = jax.random.randint(ks[1], (2, E), 0, N, dtype=jnp.int32)
    inp["batch"] = jnp.sort(jax.random.randint(ks[2], (N,), 0, G, dtype=jnp.int32))
    dims = [D, H, H]
    k = 3
    for i, din in enumerate(dims):
        inp["bn%d_g" % i] = jnp.ones((din,), dtype=jnp.float32)
        inp["bn%d_b" % i] = jnp.zeros((din,), dtype=jnp.float32)
        inp["We%d" % i] = jax.random.normal(ks[k], (EDGE_DIM, din), dtype=jnp.float32) * 0.1
        k += 1
        inp["be%d" % i] = jnp.zeros((din,), dtype=jnp.float32)
        inp["Wc%d" % i] = jax.random.normal(ks[k], (din, H), dtype=jnp.float32) * (1.0 / np.sqrt(din))
        k += 1
        inp["bc%d" % i] = jnp.zeros((H,), dtype=jnp.float32)
    inp["bnfc_g"] = jnp.ones((H,), dtype=jnp.float32)
    inp["bnfc_b"] = jnp.zeros((H,), dtype=jnp.float32)
    inp["Wlin"] = jax.random.normal(ks[k], (H, H), dtype=jnp.float32) * (1.0 / np.sqrt(H))
    k += 1
    inp["blin"] = jnp.zeros((H,), dtype=jnp.float32)
    inp["bnh_g"] = jnp.ones((H,), dtype=jnp.float32)
    inp["bnh_b"] = jnp.zeros((H,), dtype=jnp.float32)
    inp["Wcls"] = jax.random.normal(ks[k], (H, C), dtype=jnp.float32) * (1.0 / np.sqrt(H))
    inp["bcls"] = jnp.zeros((C,), dtype=jnp.float32)
    return inp

def _bn(x, g, b):
    # eval-mode BatchNorm1d with running stats (0, 1): affine transform
    return x * g + b

def _gen_conv(x, src, dst, edge_attr, We, be, Wc, bc):
    # GENConv-style message passing: edge linear -> relu(x_j + e) + eps -> softmax aggr over dst -> root add -> linear
    e = edge_attr @ We + be
    m = jax.nn.relu(x[src] + e) + 1e-7
    mmax = jax.ops.segment_max(m, dst, num_segments=N)
    mmax = jnp.where(jnp.isfinite(mmax), mmax, 0.0)
    w = jnp.exp(m - mmax[dst])
    denom = jax.ops.segment_sum(w, dst, num_segments=N)
    alpha = w / (denom[dst] + 1e-16)
    agg = jax.ops.segment_sum(alpha * m, dst, num_segments=N)
    return (x + agg) @ Wc + bc

def reference(x, edge_index, batch, bn0_g, bn0_b, We0, be0, Wc0, bc0, bn1_g, bn1_b, We1, be1, Wc1, bc1, bn2_g, bn2_b, We2, be2, Wc2, bc2, bnfc_g, bnfc_b, Wlin, blin, bnh_g, bnh_b, Wcls, bcls):
    src = edge_index[0]
    dst = edge_index[1]
    edge_attr = jnp.zeros((E, EDGE_DIM), dtype=jnp.float32).at[:, 7].set(1.0)
    convs = [(bn0_g, bn0_b, We0, be0, Wc0, bc0), (bn1_g, bn1_b, We1, be1, Wc1, bc1), (bn2_g, bn2_b, We2, be2, Wc2, bc2)]
    h = x
    for (g, b, We, be, Wc, bc) in convs:
        hn = _bn(h, g, b)
        h = jax.nn.relu(_gen_conv(hn, src, dst, edge_attr, We, be, Wc, bc))
    pooled = jax.ops.segment_sum(h, batch, num_segments=G)
    x_ = jax.nn.relu(_bn(pooled, bnfc_g, bnfc_b) @ Wlin + blin)
    x_ = _bn(x_, bnh_g, bnh_b)
    logits = x_ @ Wcls + bcls
    return jax.nn.log_softmax(logits, axis=-1)

if __name__ == "__main__":
    import jax
    _d = setup_inputs()
    print(jax.jit(kernel)(*tuple(_d.values())))

</pallas_src>

<mosaic_0001>
#map = affine_map<(d0, d1) -> (0, 0)>
#map1 = affine_map<(d0, d1) -> (0, 0, 0)>
module attributes {stable_mosaic.version = 14 : i64} {
  func.func @_sc_body(%arg0: i32, %arg1: i32, %arg2: memref<20000x128xf32, #tpu.memory_space<hbm>>, %arg3: memref<5056x2x128xi32, #tpu.memory_space<hbm>>, %arg4: memref<128x128xf32, #tpu.memory_space<hbm>>, %arg5: memref<20224x128xf32, #tpu.memory_space<hbm>>, %arg6: memref<2x2x128xi32, #tpu.memory_space<vmem>>, %arg7: memref<256x128xf32, #tpu.memory_space<vmem>>, %arg8: memref<10112x128xf32, #tpu.memory_space<vmem_shared>>, %arg9: memref<!tpu.dma_semaphore, #tpu.memory_space<semaphore_mem>>, %arg10: memref<!tpu.dma_semaphore, #tpu.memory_space<semaphore_mem>>) attributes {dimension_semantics = [#tpu.dimension_semantics<core_parallel>, #tpu.dimension_semantics<subcore_parallel>], iteration_bounds = array<i64: 2, 16>, scalar_prefetch = 0 : i64, scratch_operands = 5 : i64, tpu.core_type = #tpu.core_type<sc_vector_subcore>, window_params = [{transform_indices = #map}, {transform_indices = #map1}, {transform_indices = #map}, {transform_indices = #map}]} {
    %mul3A = arith.constant 632 : i32
    %mul3A_0 = arith.muli %arg1, %mul3A : i32
    "tpu.region"() ({
      %run_scoped3A_68 = tpu.sem_alloc : memref<!tpu.dma_semaphore, #tpu.memory_space<semaphore_mem>>
      %dma_start3A_69 = arith.constant 0 : i32
      %dma_start3A_70 = arith.constant 0 : i32
      %dma_start3A_71 = tpu.memref_slice %arg7[%dma_start3A_69, %dma_start3A_70] : memref<256x128xf32, #tpu.memory_space<vmem>> -> memref<128x128xf32, #tpu.memory_space<vmem>>
      %dma_start3A_72 = arith.constant 0 : i32
      %dma_start3A_73 = arith.constant 0 : i32
      %dma_start3A_74 = tpu.memref_slice %arg7[%dma_start3A_72, %dma_start3A_73] : memref<256x128xf32, #tpu.memory_space<vmem>> -> memref<128x128xf32, #tpu.memory_space<vmem>>
      tpu.enqueue_dma source(%arg4 : memref<128x128xf32, #tpu.memory_space<hbm>>) target(%dma_start3A_74 : memref<128x128xf32, #tpu.memory_space<vmem>>) target_semaphore(%run_scoped3A_68 : memref<!tpu.dma_semaphore, #tpu.memory_space<semaphore_mem>>)
      %dma_wait3A = arith.constant 0 : i32
      %dma_wait3A_75 = arith.constant 0 : i32
      %dma_wait3A_76 = tpu.memref_slice %arg7[%dma_wait3A, %dma_wait3A_75] : memref<256x128xf32, #tpu.memory_space<vmem>> -> memref<128x128xf32, #tpu.memory_space<vmem>>
      %dma_wait3A_77 = arith.constant 0 : i32
      %dma_wait3A_78 = arith.constant 0 : i32
      %dma_wait3A_79 = tpu.memref_slice %arg7[%dma_wait3A_77, %dma_wait3A_78] : memref<256x128xf32, #tpu.memory_space<vmem>> -> memref<128x128xf32, #tpu.memory_space<vmem>>
      tpu.wait_dma2 semaphore(%run_scoped3A_68 : memref<!tpu.dma_semaphore, #tpu.memory_space<semaphore_mem>>) src(%arg4 : memref<128x128xf32, #tpu.memory_space<hbm>>) dst(%dma_wait3A_79 : memref<128x128xf32, #tpu.memory_space<vmem>>)
      tpu.yield
    }) : () -> ()
    %add3A = arith.constant 0 : i32
    %add3A_1 = arith.addi %mul3A_0, %add3A : i32
    "tpu.region"() ({
      %run_scoped3A_68 = tpu.sem_alloc : memref<!tpu.dma_semaphore, #tpu.memory_space<semaphore_mem>>
      %dma_start3A_69 = arith.constant 0 : i32
      %dma_start3A_70 = arith.constant 0 : i32
      %dma_start3A_71 = tpu.memref_slice %arg7[%dma_start3A_69, %dma_start3A_70] : memref<256x128xf32, #tpu.memory_space<vmem>> -> memref<128x128xf32, #tpu.memory_space<vmem>>
      %dma_start3A_72 = arith.constant 0 : i32
      %dma_start3A_73 = tpu.memref_slice %arg8[%add3A_1, %dma_start3A_72] : memref<10112x128xf32, #tpu.memory_space<vmem_shared>> -> memref<128x128xf32, #tpu.memory_space<vmem_shared>>
      %dma_start3A_74 = arith.constant 0 : i32
      %dma_start3A_75 = tpu.memref_slice %arg8[%add3A_1, %dma_start3A_74] : memref<10112x128xf32, #tpu.memory_space<vmem_shared>> -> memref<128x128xf32, #tpu.memory_space<vmem_shared>>
      %dma_start3A_76 = arith.constant 0 : i32
      %dma_start3A_77 = arith.constant 0 : i32
      %dma_start3A_78 = tpu.memref_slice %arg7[%dma_start3A_76, %dma_start3A_77] : memref<256x128xf32, #tpu.memory_space<vmem>> -> memref<128x128xf32, #tpu.memory_space<vmem>>
      tpu.enqueue_dma source(%dma_start3A_78 : memref<128x128xf32, #tpu.memory_space<vmem>>) target(%dma_start3A_75 : memref<128x128xf32, #tpu.memory_space<vmem_shared>>) target_semaphore(%run_scoped3A_68 : memref<!tpu.dma_semaphore, #tpu.memory_space<semaphore_mem>>)
      %dma_wait3A = arith.constant 0 : i32
      %dma_wait3A_79 = arith.constant 0 : i32
      %dma_wait3A_80 = tpu.memref_slice %arg7[%dma_wait3A, %dma_wait3A_79] : memref<256x128xf32, #tpu.memory_space<vmem>> -> memref<128x128xf32, #tpu.memory_space<vmem>>
      %dma_wait3A_81 = arith.constant 0 : i32
      %dma_wait3A_82 = tpu.memref_slice %arg8[%add3A_1, %dma_wait3A_81] : memref<10112x128xf32, #tpu.memory_space<vmem_shared>> -> memref<128x128xf32, #tpu.memory_space<vmem_shared>>
      %dma_wait3A_83 = arith.constant 0 : i32
      %dma_wait3A_84 = tpu.memref_slice %arg8[%add3A_1, %dma_wait3A_83] : memref<10112x128xf32, #tpu.memory_space<vmem_shared>> -> memref<128x128xf32, #tpu.memory_space<vmem_shared>>
      %dma_wait3A_85 = arith.constant 0 : i32
      %dma_wait3A_86 = arith.constant 0 : i32
      %dma_wait3A_87 = tpu.memref_slice %arg7[%dma_wait3A_85, %dma_wait3A_86] : memref<256x128xf32, #tpu.memory_space<vmem>> -> memref<128x128xf32, #tpu.memory_space<vmem>>
      tpu.wait_dma2 semaphore(%run_scoped3A_68 : memref<!tpu.dma_semaphore, #tpu.memory_space<semaphore_mem>>) src(%dma_wait3A_87 : memref<128x128xf32, #tpu.memory_space<vmem>>) dst(%dma_wait3A_84 : memref<128x128xf32, #tpu.memory_space<vmem_shared>>)
      tpu.yield
    }) : () -> ()
    %add3A_2 = arith.constant 128 : i32
    %add3A_3 = arith.addi %mul3A_0, %add3A_2 : i32
    "tpu.region"() ({
      %run_scoped3A_68 = tpu.sem_alloc : memref<!tpu.dma_semaphore, #tpu.memory_space<semaphore_mem>>
      %dma_start3A_69 = arith.constant 0 : i32
      %dma_start3A_70 = arith.constant 0 : i32
      %dma_start3A_71 = tpu.memref_slice %arg7[%dma_start3A_69, %dma_start3A_70] : memref<256x128xf32, #tpu.memory_space<vmem>> -> memref<128x128xf32, #tpu.memory_space<vmem>>
      %dma_start3A_72 = arith.constant 0 : i32
      %dma_start3A_73 = tpu.memref_slice %arg8[%add3A_3, %dma_start3A_72] : memref<10112x128xf32, #tpu.memory_space<vmem_shared>> -> memref<128x128xf32, #tpu.memory_space<vmem_shared>>
      %dma_start3A_74 = arith.constant 0 : i32
      %dma_start3A_75 = tpu.memref_slice %arg8[%add3A_3, %dma_start3A_74] : memref<10112x128xf32, #tpu.memory_space<vmem_shared>> -> memref<128x128xf32, #tpu.memory_space<vmem_shared>>
      %dma_start3A_76 = arith.constant 0 : i32
      %dma_start3A_77 = arith.constant 0 : i32
      %dma_start3A_78 = tpu.memref_slice %arg7[%dma_start3A_76, %dma_start3A_77] : memref<256x128xf32, #tpu.memory_space<vmem>> -> memref<128x128xf32, #tpu.memory_space<vmem>>
      tpu.enqueue_dma source(%dma_start3A_78 : memref<128x128xf32, #tpu.memory_space<vmem>>) target(%dma_start3A_75 : memref<128x128xf32, #tpu.memory_space<vmem_shared>>) target_semaphore(%run_scoped3A_68 : memref<!tpu.dma_semaphore, #tpu.memory_space<semaphore_mem>>)
      %dma_wait3A = arith.constant 0 : i32
      %dma_wait3A_79 = arith.constant 0 : i32
      %dma_wait3A_80 = tpu.memref_slice %arg7[%dma_wait3A, %dma_wait3A_79] : memref<256x128xf32, #tpu.memory_space<vmem>> -> memref<128x128xf32, #tpu.memory_space<vmem>>
      %dma_wait3A_81 = arith.constant 0 : i32
      %dma_wait3A_82 = tpu.memref_slice %arg8[%add3A_3, %dma_wait3A_81] : memref<10112x128xf32, #tpu.memory_space<vmem_shared>> -> memref<128x128xf32, #tpu.memory_space<vmem_shared>>
      %dma_wait3A_83 = arith.constant 0 : i32
      %dma_wait3A_84 = tpu.memref_slice %arg8[%add3A_3, %dma_wait3A_83] : memref<10112x128xf32, #tpu.memory_space<vmem_shared>> -> memref<128x128xf32, #tpu.memory_space<vmem_shared>>
      %dma_wait3A_85 = arith.constant 0 : i32
      %dma_wait3A_86 = arith.constant 0 : i32
      %dma_wait3A_87 = tpu.memref_slice %arg7[%dma_wait3A_85, %dma_wait3A_86] : memref<256x128xf32, #tpu.memory_space<vmem>> -> memref<128x128xf32, #tpu.memory_space<vmem>>
      tpu.wait_dma2 semaphore(%run_scoped3A_68 : memref<!tpu.dma_semaphore, #tpu.memory_space<semaphore_mem>>) src(%dma_wait3A_87 : memref<128x128xf32, #tpu.memory_space<vmem>>) dst(%dma_wait3A_84 : memref<128x128xf32, #tpu.memory_space<vmem_shared>>)
      tpu.yield
    }) : () -> ()
    %add3A_4 = arith.constant 256 : i32
    %add3A_5 = arith.addi %mul3A_0, %add3A_4 : i32
    "tpu.region"() ({
      %run_scoped3A_68 = tpu.sem_alloc : memref<!tpu.dma_semaphore, #tpu.memory_space<semaphore_mem>>
      %dma_start3A_69 = arith.constant 0 : i32
      %dma_start3A_70 = arith.constant 0 : i32
      %dma_start3A_71 = tpu.memref_slice %arg7[%dma_start3A_69, %dma_start3A_70] : memref<256x128xf32, #tpu.memory_space<vmem>> -> memref<128x128xf32, #tpu.memory_space<vmem>>
      %dma_start3A_72 = arith.constant 0 : i32
      %dma_start3A_73 = tpu.memref_slice %arg8[%add3A_5, %dma_start3A_72] : memref<10112x128xf32, #tpu.memory_space<vmem_shared>> -> memref<128x128xf32, #tpu.memory_space<vmem_shared>>
      %dma_start3A_74 = arith.constant 0 : i32
      %dma_start3A_75 = tpu.memref_slice %arg8[%add3A_5, %dma_start3A_74] : memref<10112x128xf32, #tpu.memory_space<vmem_shared>> -> memref<128x128xf32, #tpu.memory_space<vmem_shared>>
      %dma_start3A_76 = arith.constant 0 : i32
      %dma_start3A_77 = arith.constant 0 : i32
      %dma_start3A_78 = tpu.memref_slice %arg7[%dma_start3A_76, %dma_start3A_77] : memref<256x128xf32, #tpu.memory_space<vmem>> -> memref<128x128xf32, #tpu.memory_space<vmem>>
      tpu.enqueue_dma source(%dma_start3A_78 : memref<128x128xf32, #tpu.memory_space<vmem>>) target(%dma_start3A_75 : memref<128x128xf32, #tpu.memory_space<vmem_shared>>) target_semaphore(%run_scoped3A_68 : memref<!tpu.dma_semaphore, #tpu.memory_space<semaphore_mem>>)
      %dma_wait3A = arith.constant 0 : i32
      %dma_wait3A_79 = arith.constant 0 : i32
      %dma_wait3A_80 = tpu.memref_slice %arg7[%dma_wait3A, %dma_wait3A_79] : memref<256x128xf32, #tpu.memory_space<vmem>> -> memref<128x128xf32, #tpu.memory_space<vmem>>
      %dma_wait3A_81 = arith.constant 0 : i32
      %dma_wait3A_82 = tpu.memref_slice %arg8[%add3A_5, %dma_wait3A_81] : memref<10112x128xf32, #tpu.memory_space<vmem_shared>> -> memref<128x128xf32, #tpu.memory_space<vmem_shared>>
      %dma_wait3A_83 = arith.constant 0 : i32
      %dma_wait3A_84 = tpu.memref_slice %arg8[%add3A_5, %dma_wait3A_83] : memref<10112x128xf32, #tpu.memory_space<vmem_shared>> -> memref<128x128xf32, #tpu.memory_space<vmem_shared>>
      %dma_wait3A_85 = arith.constant 0 : i32
      %dma_wait3A_86 = arith.constant 0 : i32
      %dma_wait3A_87 = tpu.memref_slice %arg7[%dma_wait3A_85, %dma_wait3A_86] : memref<256x128xf32, #tpu.memory_space<vmem>> -> memref<128x128xf32, #tpu.memory_space<vmem>>
      tpu.wait_dma2 semaphore(%run_scoped3A_68 : memref<!tpu.dma_semaphore, #tpu.memory_space<semaphore_mem>>) src(%dma_wait3A_87 : memref<128x128xf32, #tpu.memory_space<vmem>>) dst(%dma_wait3A_84 : memref<128x128xf32, #tpu.memory_space<vmem_shared>>)
      tpu.yield
    }) : () -> ()
    %add3A_6 = arith.constant 384 : i32
    %add3A_7 = arith.addi %mul3A_0, %add3A_6 : i32
    "tpu.region"() ({
      %run_scoped3A_68 = tpu.sem_alloc : memref<!tpu.dma_semaphore, #tpu.memory_space<semaphore_mem>>
      %dma_start3A_69 = arith.constant 0 : i32
      %dma_start3A_70 = arith.constant 0 : i32
      %dma_start3A_71 = tpu.memref_slice %arg7[%dma_start3A_69, %dma_start3A_70] : memref<256x128xf32, #tpu.memory_space<vmem>> -> memref<128x128xf32, #tpu.memory_space<vmem>>
      %dma_start3A_72 = arith.constant 0 : i32
      %dma_start3A_73 = tpu.memref_slice %arg8[%add3A_7, %dma_start3A_72] : memref<10112x128xf32, #tpu.memory_space<vmem_shared>> -> memref<128x128xf32, #tpu.memory_space<vmem_shared>>
      %dma_start3A_74 = arith.constant 0 : i32
      %dma_start3A_75 = tpu.memref_slice %arg8[%add3A_7, %dma_start3A_74] : memref<10112x128xf32, #tpu.memory_space<vmem_shared>> -> memref<128x128xf32, #tpu.memory_space<vmem_shared>>
      %dma_start3A_76 = arith.constant 0 : i32
      %dma_start3A_77 = arith.constant 0 : i32
      %dma_start3A_78 = tpu.memref_slice %arg7[%dma_start3A_76, %dma_start3A_77] : memref<256x128xf32, #tpu.memory_space<vmem>> -> memref<128x128xf32, #tpu.memory_space<vmem>>
      tpu.enqueue_dma source(%dma_start3A_78 : memref<128x128xf32, #tpu.memory_space<vmem>>) target(%dma_start3A_75 : memref<128x128xf32, #tpu.memory_space<vmem_shared>>) target_semaphore(%run_scoped3A_68 : memref<!tpu.dma_semaphore, #tpu.memory_space<semaphore_mem>>)
      %dma_wait3A = arith.constant 0 : i32
      %dma_wait3A_79 = arith.constant 0 : i32
      %dma_wait3A_80 = tpu.memref_slice %arg7[%dma_wait3A, %dma_wait3A_79] : memref<256x128xf32, #tpu.memory_space<vmem>> -> memref<128x128xf32, #tpu.memory_space<vmem>>
      %dma_wait3A_81 = arith.constant 0 : i32
      %dma_wait3A_82 = tpu.memref_slice %arg8[%add3A_7, %dma_wait3A_81] : memref<10112x128xf32, #tpu.memory_space<vmem_shared>> -> memref<128x128xf32, #tpu.memory_space<vmem_shared>>
      %dma_wait3A_83 = arith.constant 0 : i32
      %dma_wait3A_84 = tpu.memref_slice %arg8[%add3A_7, %dma_wait3A_83] : memref<10112x128xf32, #tpu.memory_space<vmem_shared>> -> memref<128x128xf32, #tpu.memory_space<vmem_shared>>
      %dma_wait3A_85 = arith.constant 0 : i32
      %dma_wait3A_86 = arith.constant 0 : i32
      %dma_wait3A_87 = tpu.memref_slice %arg7[%dma_wait3A_85, %dma_wait3A_86] : memref<256x128xf32, #tpu.memory_space<vmem>> -> memref<128x128xf32, #tpu.memory_space<vmem>>
      tpu.wait_dma2 semaphore(%run_scoped3A_68 : memref<!tpu.dma_semaphore, #tpu.memory_space<semaphore_mem>>) src(%dma_wait3A_87 : memref<128x128xf32, #tpu.memory_space<vmem>>) dst(%dma_wait3A_84 : memref<128x128xf32, #tpu.memory_space<vmem_shared>>)
      tpu.yield
    }) : () -> ()
    %add3A_8 = arith.constant 512 : i32
    %add3A_9 = arith.addi %mul3A_0, %add3A_8 : i32
    "tpu.region"() ({
      %run_scoped3A_68 = tpu.sem_alloc : memref<!tpu.dma_semaphore, #tpu.memory_space<semaphore_mem>>
      %dma_start3A_69 = arith.constant 0 : i32
      %dma_start3A_70 = arith.constant 0 : i32
      %dma_start3A_71 = tpu.memref_slice %arg7[%dma_start3A_69, %dma_start3A_70] : memref<256x128xf32, #tpu.memory_space<vmem>> -> memref<120x128xf32, #tpu.memory_space<vmem>>
      %dma_start3A_72 = arith.constant 0 : i32
      %dma_start3A_73 = tpu.memref_slice %arg8[%add3A_9, %dma_start3A_72] : memref<10112x128xf32, #tpu.memory_space<vmem_shared>> -> memref<120x128xf32, #tpu.memory_space<vmem_shared>>
      %dma_start3A_74 = arith.constant 0 : i32
      %dma_start3A_75 = tpu.memref_slice %arg8[%add3A_9, %dma_start3A_74] : memref<10112x128xf32, #tpu.memory_space<vmem_shared>> -> memref<120x128xf32, #tpu.memory_space<vmem_shared>>
      %dma_start3A_76 = arith.constant 0 : i32
      %dma_start3A_77 = arith.constant 0 : i32
      %dma_start3A_78 = tpu.memref_slice %arg7[%dma_start3A_76, %dma_start3A_77] : memref<256x128xf32, #tpu.memory_space<vmem>> -> memref<120x128xf32, #tpu.memory_space<vmem>>
      tpu.enqueue_dma source(%dma_start3A_78 : memref<120x128xf32, #tpu.memory_space<vmem>>) target(%dma_start3A_75 : memref<120x128xf32, #tpu.memory_space<vmem_shared>>) target_semaphore(%run_scoped3A_68 : memref<!tpu.dma_semaphore, #tpu.memory_space<semaphore_mem>>)
      %dma_wait3A = arith.constant 0 : i32
      %dma_wait3A_79 = arith.constant 0 : i32
      %dma_wait3A_80 = tpu.memref_slice %arg7[%dma_wait3A, %dma_wait3A_79] : memref<256x128xf32, #tpu.memory_space<vmem>> -> memref<120x128xf32, #tpu.memory_space<vmem>>
      %dma_wait3A_81 = arith.constant 0 : i32
      %dma_wait3A_82 = tpu.memref_slice %arg8[%add3A_9, %dma_wait3A_81] : memref<10112x128xf32, #tpu.memory_space<vmem_shared>> -> memref<120x128xf32, #tpu.memory_space<vmem_shared>>
      %dma_wait3A_83 = arith.constant 0 : i32
      %dma_wait3A_84 = tpu.memref_slice %arg8[%add3A_9, %dma_wait3A_83] : memref<10112x128xf32, #tpu.memory_space<vmem_shared>> -> memref<120x128xf32, #tpu.memory_space<vmem_shared>>
      %dma_wait3A_85 = arith.constant 0 : i32
      %dma_wait3A_86 = arith.constant 0 : i32
      %dma_wait3A_87 = tpu.memref_slice %arg7[%dma_wait3A_85, %dma_wait3A_86] : memref<256x128xf32, #tpu.memory_space<vmem>> -> memref<120x128xf32, #tpu.memory_space<vmem>>
      tpu.wait_dma2 semaphore(%run_scoped3A_68 : memref<!tpu.dma_semaphore, #tpu.memory_space<semaphore_mem>>) src(%dma_wait3A_87 : memref<120x128xf32, #tpu.memory_space<vmem>>) dst(%dma_wait3A_84 : memref<120x128xf32, #tpu.memory_space<vmem_shared>>)
      tpu.yield
    }) : () -> ()
    %barrier3A = arith.constant 0 : index
    tpu.barrier barrier_id(%barrier3A)
    %mul3A_10 = arith.constant 2528 : i32
    %mul3A_11 = arith.muli %arg0, %mul3A_10 : i32
    %mul3A_12 = arith.constant 158 : i32
    %mul3A_13 = arith.muli %arg1, %mul3A_12 : i32
    %add3A_14 = arith.addi %mul3A_11, %mul3A_13 : i32
    %add3A_15 = arith.constant 0 : i32
    %add3A_16 = arith.addi %add3A_14, %add3A_15 : i32
    %run_scoped3A = arith.constant 0 : i32
    "tpu.region"() ({
      %run_scoped3A_68 = tpu.sem_alloc : memref<!tpu.dma_semaphore, #tpu.memory_space<semaphore_mem>>
      %dma_start3A_69 = arith.constant 0 : i32
      %dma_start3A_70 = arith.constant 0 : i32
      %dma_start3A_71 = tpu.memref_slice %arg6[%run_scoped3A, %dma_start3A_69, %dma_start3A_70] : memref<2x2x128xi32, #tpu.memory_space<vmem>> -> memref<1x2x128xi32, #tpu.memory_space<vmem>>
      %dma_start3A_72 = tpu.memref_squeeze %dma_start3A_71 : memref<1x2x128xi32, #tpu.memory_space<vmem>> -> memref<2x128xi32, #tpu.memory_space<vmem>>
      %dma_start3A_73 = arith.constant 0 : i32
      %dma_start3A_74 = arith.constant 0 : i32
      %dma_start3A_75 = tpu.memref_slice %arg3[%add3A_16, %dma_start3A_73, %dma_start3A_74] : memref<5056x2x128xi32, #tpu.memory_space<hbm>> -> memref<1x2x128xi32, #tpu.memory_space<hbm>>
      %dma_start3A_76 = tpu.memref_squeeze %dma_start3A_75 : memref<1x2x128xi32, #tpu.memory_space<hbm>> -> memref<2x128xi32, #tpu.memory_space<hbm>>
      %dma_start3A_77 = arith.constant 0 : i32
      %dma_start3A_78 = arith.constant 0 : i32
      %dma_start3A_79 = tpu.memref_slice %arg6[%run_scoped3A, %dma_start3A_77, %dma_start3A_78] : memref<2x2x128xi32, #tpu.memory_space<vmem>> -> memref<1x2x128xi32, #tpu.memory_space<vmem>>
      %dma_start3A_80 = tpu.memref_squeeze %dma_start3A_79 : memref<1x2x128xi32, #tpu.memory_space<vmem>> -> memref<2x128xi32, #tpu.memory_space<vmem>>
      %dma_start3A_81 = arith.constant 0 : i32
      %dma_start3A_82 = arith.constant 0 : i32
      %dma_start3A_83 = tpu.memref_slice %arg3[%add3A_16, %dma_start3A_81, %dma_start3A_82] : memref<5056x2x128xi32, #tpu.memory_space<hbm>> -> memref<1x2x128xi32, #tpu.memory_space<hbm>>
      %dma_start3A_84 = tpu.memref_squeeze %dma_start3A_83 : memref<1x2x128xi32, #tpu.memory_space<hbm>> -> memref<2x128xi32, #tpu.memory_space<hbm>>
      tpu.enqueue_dma source(%dma_start3A_84 : memref<2x128xi32, #tpu.memory_space<hbm>>) target(%dma_start3A_80 : memref<2x128xi32, #tpu.memory_space<vmem>>) target_semaphore(%run_scoped3A_68 : memref<!tpu.dma_semaphore, #tpu.memory_space<semaphore_mem>>)
      %dma_wait3A = arith.constant 0 : i32
      %dma_wait3A_85 = arith.constant 0 : i32
      %dma_wait3A_86 = tpu.memref_slice %arg6[%run_scoped3A, %dma_wait3A, %dma_wait3A_85] : memref<2x2x128xi32, #tpu.memory_space<vmem>> -> memref<1x2x128xi32, #tpu.memory_space<vmem>>
      %dma_wait3A_87 = tpu.memref_squeeze %dma_wait3A_86 : memref<1x2x128xi32, #tpu.memory_space<vmem>> -> memref<2x128xi32, #tpu.memory_space<vmem>>
      %dma_wait3A_88 = arith.constant 0 : i32
      %dma_wait3A_89 = arith.constant 0 : i32
      %dma_wait3A_90 = tpu.memref_slice %arg3[%add3A_16, %dma_wait3A_88, %dma_wait3A_89] : memref<5056x2x128xi32, #tpu.memory_space<hbm>> -> memref<1x2x128xi32, #tpu.memory_space<hbm>>
      %dma_wait3A_91 = tpu.memref_squeeze %dma_wait3A_90 : memref<1x2x128xi32, #tpu.memory_space<hbm>> -> memref<2x128xi32, #tpu.memory_space<hbm>>
      %dma_wait3A_92 = arith.constant 0 : i32
      %dma_wait3A_93 = arith.constant 0 : i32
      %dma_wait3A_94 = tpu.memref_slice %arg6[%run_scoped3A, %dma_wait3A_92, %dma_wait3A_93] : memref<2x2x128xi32, #tpu.memory_space<vmem>> -> memref<1x2x128xi32, #tpu.memory_space<vmem>>
      %dma_wait3A_95 = tpu.memref_squeeze %dma_wait3A_94 : memref<1x2x128xi32, #tpu.memory_space<vmem>> -> memref<2x128xi32, #tpu.memory_space<vmem>>
      %dma_wait3A_96 = arith.constant 0 : i32
      %dma_wait3A_97 = arith.constant 0 : i32
      %dma_wait3A_98 = tpu.memref_slice %arg3[%add3A_16, %dma_wait3A_96, %dma_wait3A_97] : memref<5056x2x128xi32, #tpu.memory_space<hbm>> -> memref<1x2x128xi32, #tpu.memory_space<hbm>>
      %dma_wait3A_99 = tpu.memref_squeeze %dma_wait3A_98 : memref<1x2x128xi32, #tpu.memory_space<hbm>> -> memref<2x128xi32, #tpu.memory_space<hbm>>
      tpu.wait_dma2 semaphore(%run_scoped3A_68 : memref<!tpu.dma_semaphore, #tpu.memory_space<semaphore_mem>>) src(%dma_wait3A_99 : memref<2x128xi32, #tpu.memory_space<hbm>>) dst(%dma_wait3A_95 : memref<2x128xi32, #tpu.memory_space<vmem>>)
      tpu.yield
    }) : () -> ()
    %dma_start3A = arith.constant 0 : i32
    %dma_start3A_17 = arith.constant 0 : i32
    %dma_start3A_18 = arith.constant 0 : i32
    %dma_start3A_19 = arith.constant 0 : i32
    %dma_start3A_20 = tpu.memref_slice %arg7[%dma_start3A_18, %dma_start3A_19] : memref<256x128xf32, #tpu.memory_space<vmem>> -> memref<128x128xf32, #tpu.memory_space<vmem>>
    %dma_start3A_21 = arith.constant 0 : i32
    %dma_start3A_22 = tpu.memref_slice %arg6[%dma_start3A, %dma_start3A_17, %dma_start3A_21] : memref<2x2x128xi32, #tpu.memory_space<vmem>> -> memref<1x1x128xi32, #tpu.memory_space<vmem>>
    %dma_start3A_23 = tpu.memref_squeeze %dma_start3A_22 : memref<1x1x128xi32, #tpu.memory_space<vmem>> -> memref<128xi32, #tpu.memory_space<vmem>>
    %dma_start3A_24 = arith.constant 0 : i32
    %dma_start3A_25 = arith.constant 0 : i32
    %dma_start3A_26 = tpu.memref_slice %arg2[%dma_start3A_24, %dma_start3A_25] : memref<20000x128xf32, #tpu.memory_space<hbm>> -> memref<20000x128xf32, #tpu.memory_space<hbm>>
    tpu.enqueue_indirect_dma source(%dma_start3A_26 : memref<20000x128xf32, #tpu.memory_space<hbm>>) target(%dma_start3A_20 : memref<128x128xf32, #tpu.memory_space<vmem>>) offsets(%dma_start3A_23 : memref<128xi32, #tpu.memory_space<vmem>>) semaphore(%arg9 : memref<!tpu.dma_semaphore, #tpu.memory_space<semaphore_mem>>)
    %scan3A = arith.constant 0 : i32
    %scan3A_27 = arith.constant 0 : i32
    %scan3A_28 = arith.constant 79 : i32
    %scan3A_29 = arith.addi %scan3A_27, %scan3A_28 : i32
    %scan3A_30 = arith.constant 1 : i32
    scf.for %scan3A_68 = %scan3A_27 to %scan3A_29 step %scan3A_30  : i32 {
      %mul3A_69 = arith.constant 2 : i32
      %mul3A_70 = arith.muli %mul3A_69, %scan3A_68 : i32
      %add3A_71 = arith.constant 1 : i32
      %add3A_72 = arith.addi %mul3A_70, %add3A_71 : i32
      %add3A_73 = arith.addi %add3A_14, %add3A_72 : i32
      %run_scoped3A_74 = arith.constant 1 : i32
      "tpu.region"() ({
        %run_scoped3A_117 = tpu.sem_alloc : memref<!tpu.dma_semaphore, #tpu.memory_space<semaphore_mem>>
        %dma_start3A_118 = arith.constant 0 : i32
        %dma_start3A_119 = arith.constant 0 : i32
        %dma_start3A_120 = tpu.memref_slice %arg6[%run_scoped3A_74, %dma_start3A_118, %dma_start3A_119] : memref<2x2x128xi32, #tpu.memory_space<vmem>> -> memref<1x2x128xi32, #tpu.memory_space<vmem>>
        %dma_start3A_121 = tpu.memref_squeeze %dma_start3A_120 : memref<1x2x128xi32, #tpu.memory_space<vmem>> -> memref<2x128xi32, #tpu.memory_space<vmem>>
        %dma_start3A_122 = arith.constant 0 : i32
        %dma_start3A_123 = arith.constant 0 : i32
        %dma_start3A_124 = tpu.memref_slice %arg3[%add3A_73, %dma_start3A_122, %dma_start3A_123] : memref<5056x2x128xi32, #tpu.memory_space<hbm>> -> memref<1x2x128xi32, #tpu.memory_space<hbm>>
        %dma_start3A_125 = tpu.memref_squeeze %dma_start3A_124 : memref<1x2x128xi32, #tpu.memory_space<hbm>> -> memref<2x128xi32, #tpu.memory_space<hbm>>
        %dma_start3A_126 = arith.constant 0 : i32
        %dma_start3A_127 = arith.constant 0 : i32
        %dma_start3A_128 = tpu.memref_slice %arg6[%run_scoped3A_74, %dma_start3A_126, %dma_start3A_127] : memref<2x2x128xi32, #tpu.memory_space<vmem>> -> memref<1x2x128xi32, #tpu.memory_space<vmem>>
        %dma_start3A_129 = tpu.memref_squeeze %dma_start3A_128 : memref<1x2x128xi32, #tpu.memory_space<vmem>> -> memref<2x128xi32, #tpu.memory_space<vmem>>
        %dma_start3A_130 = arith.constant 0 : i32
        %dma_start3A_131 = arith.constant 0 : i32
        %dma_start3A_132 = tpu.memref_slice %arg3[%add3A_73, %dma_start3A_130, %dma_start3A_131] : memref<5056x2x128xi32, #tpu.memory_space<hbm>> -> memref<1x2x128xi32, #tpu.memory_space<hbm>>
        %dma_start3A_133 = tpu.memref_squeeze %dma_start3A_132 : memref<1x2x128xi32, #tpu.memory_space<hbm>> -> memref<2x128xi32, #tpu.memory_space<hbm>>
        tpu.enqueue_dma source(%dma_start3A_133 : memref<2x128xi32, #tpu.memory_space<hbm>>) target(%dma_start3A_129 : memref<2x128xi32, #tpu.memory_space<vmem>>) target_semaphore(%run_scoped3A_117 : memref<!tpu.dma_semaphore, #tpu.memory_space<semaphore_mem>>)
        %dma_wait3A_134 = arith.constant 0 : i32
        %dma_wait3A_135 = arith.constant 0 : i32
        %dma_wait3A_136 = tpu.memref_slice %arg6[%run_scoped3A_74, %dma_wait3A_134, %dma_wait3A_135] : memref<2x2x128xi32, #tpu.memory_space<vmem>> -> memref<1x2x128xi32, #tpu.memory_space<vmem>>
        %dma_wait3A_137 = tpu.memref_squeeze %dma_wait3A_136 : memref<1x2x128xi32, #tpu.memory_space<vmem>> -> memref<2x128xi32, #tpu.memory_space<vmem>>
        %dma_wait3A_138 = arith.constant 0 : i32
        %dma_wait3A_139 = arith.constant 0 : i32
        %dma_wait3A_140 = tpu.memref_slice %arg3[%add3A_73, %dma_wait3A_138, %dma_wait3A_139] : memref<5056x2x128xi32, #tpu.memory_space<hbm>> -> memref<1x2x128xi32, #tpu.memory_space<hbm>>
        %dma_wait3A_141 = tpu.memref_squeeze %dma_wait3A_140 : memref<1x2x128xi32, #tpu.memory_space<hbm>> -> memref<2x128xi32, #tpu.memory_space<hbm>>
        %dma_wait3A_142 = arith.constant 0 : i32
        %dma_wait3A_143 = arith.constant 0 : i32
        %dma_wait3A_144 = tpu.memref_slice %arg6[%run_scoped3A_74, %dma_wait3A_142, %dma_wait3A_143] : memref<2x2x128xi32, #tpu.memory_space<vmem>> -> memref<1x2x128xi32, #tpu.memory_space<vmem>>
        %dma_wait3A_145 = tpu.memref_squeeze %dma_wait3A_144 : memref<1x2x128xi32, #tpu.memory_space<vmem>> -> memref<2x128xi32, #tpu.memory_space<vmem>>
        %dma_wait3A_146 = arith.constant 0 : i32
        %dma_wait3A_147 = arith.constant 0 : i32
        %dma_wait3A_148 = tpu.memref_slice %arg3[%add3A_73, %dma_wait3A_146, %dma_wait3A_147] : memref<5056x2x128xi32, #tpu.memory_space<hbm>> -> memref<1x2x128xi32, #tpu.memory_space<hbm>>
        %dma_wait3A_149 = tpu.memref_squeeze %dma_wait3A_148 : memref<1x2x128xi32, #tpu.memory_space<hbm>> -> memref<2x128xi32, #tpu.memory_space<hbm>>
        tpu.wait_dma2 semaphore(%run_scoped3A_117 : memref<!tpu.dma_semaphore, #tpu.memory_space<semaphore_mem>>) src(%dma_wait3A_149 : memref<2x128xi32, #tpu.memory_space<hbm>>) dst(%dma_wait3A_145 : memref<2x128xi32, #tpu.memory_space<vmem>>)
        tpu.yield
      }) : () -> ()
      %dma_start3A_75 = arith.constant 1 : i32
      %dma_start3A_76 = arith.constant 0 : i32
      %dma_start3A_77 = arith.constant 128 : i32
      %dma_start3A_78 = arith.constant 0 : i32
      %dma_start3A_79 = tpu.memref_slice %arg7[%dma_start3A_77, %dma_start3A_78] : memref<256x128xf32, #tpu.memory_space<vmem>> -> memref<128x128xf32, #tpu.memory_space<vmem>>
      %dma_start3A_80 = arith.constant 0 : i32
      %dma_start3A_81 = tpu.memref_slice %arg6[%dma_start3A_75, %dma_start3A_76, %dma_start3A_80] : memref<2x2x128xi32, #tpu.memory_space<vmem>> -> memref<1x1x128xi32, #tpu.memory_space<vmem>>
      %dma_start3A_82 = tpu.memref_squeeze %dma_start3A_81 : memref<1x1x128xi32, #tpu.memory_space<vmem>> -> memref<128xi32, #tpu.memory_space<vmem>>
      %dma_start3A_83 = arith.constant 0 : i32
      %dma_start3A_84 = arith.constant 0 : i32
      %dma_start3A_85 = tpu.memref_slice %arg2[%dma_start3A_83, %dma_start3A_84] : memref<20000x128xf32, #tpu.memory_space<hbm>> -> memref<20000x128xf32, #tpu.memory_space<hbm>>
      tpu.enqueue_indirect_dma source(%dma_start3A_85 : memref<20000x128xf32, #tpu.memory_space<hbm>>) target(%dma_start3A_79 : memref<128x128xf32, #tpu.memory_space<vmem>>) offsets(%dma_start3A_82 : memref<128xi32, #tpu.memory_space<vmem>>) semaphore(%arg10 : memref<!tpu.dma_semaphore, #tpu.memory_space<semaphore_mem>>)
      %dma_wait3A = arith.constant 0 : i32
      %dma_wait3A_86 = arith.constant 0 : i32
      %dma_wait3A_87 = arith.constant 0 : i32
      %dma_wait3A_88 = arith.constant 0 : i32
      %dma_wait3A_89 = tpu.memref_slice %arg7[%dma_wait3A_87, %dma_wait3A_88] : memref<256x128xf32, #tpu.memory_space<vmem>> -> memref<128x128xf32, #tpu.memory_space<vmem>>
      %dma_wait3A_90 = arith.constant 0 : i32
      %dma_wait3A_91 = tpu.memref_slice %arg6[%dma_wait3A, %dma_wait3A_86, %dma_wait3A_90] : memref<2x2x128xi32, #tpu.memory_space<vmem>> -> memref<1x1x128xi32, #tpu.memory_space<vmem>>
      %dma_wait3A_92 = tpu.memref_squeeze %dma_wait3A_91 : memref<1x1x128xi32, #tpu.memory_space<vmem>> -> memref<128xi32, #tpu.memory_space<vmem>>
      %dma_wait3A_93 = arith.constant 0 : i32
      %dma_wait3A_94 = arith.constant 0 : i32
      %dma_wait3A_95 = tpu.memref_slice %arg2[%dma_wait3A_93, %dma_wait3A_94] : memref<20000x128xf32, #tpu.memory_space<hbm>> -> memref<20000x128xf32, #tpu.memory_space<hbm>>
      tpu.wait_indirect_dma semaphore(%arg9 : memref<!tpu.dma_semaphore, #tpu.memory_space<semaphore_mem>>) src(%dma_wait3A_95 : memref<20000x128xf32, #tpu.memory_space<hbm>>) dst(%dma_wait3A_89 : memref<128x128xf32, #tpu.memory_space<vmem>>)
      %run_scoped3A_96 = arith.constant 0 : i32
      %run_scoped3A_97 = arith.constant 1 : i32
      "tpu.region"() ({
        %run_scoped3A_117 = tpu.sem_alloc : memref<!tpu.dma_semaphore, #tpu.memory_space<semaphore_mem>>
        %dma_start3A_118 = arith.constant 0 : i32
        %dma_start3A_119 = arith.constant 0 : i32
        %dma_start3A_120 = tpu.memref_slice %arg7[%dma_start3A_118, %dma_start3A_119] : memref<256x128xf32, #tpu.memory_space<vmem>> -> memref<128x128xf32, #tpu.memory_space<vmem>>
        %dma_start3A_121 = arith.constant 0 : i32
        %dma_start3A_122 = tpu.memref_slice %arg6[%run_scoped3A_96, %run_scoped3A_97, %dma_start3A_121] : memref<2x2x128xi32, #tpu.memory_space<vmem>> -> memref<1x1x128xi32, #tpu.memory_space<vmem>>
        %dma_start3A_123 = tpu.memref_squeeze %dma_start3A_122 : memref<1x1x128xi32, #tpu.memory_space<vmem>> -> memref<128xi32, #tpu.memory_space<vmem>>
        %dma_start3A_124 = arith.constant 0 : i32
        %dma_start3A_125 = arith.constant 0 : i32
        %dma_start3A_126 = tpu.memref_slice %arg8[%dma_start3A_124, %dma_start3A_125] : memref<10112x128xf32, #tpu.memory_space<vmem_shared>> -> memref<10112x128xf32, #tpu.memory_space<vmem_shared>>
        tpu.enqueue_indirect_dma source(%dma_start3A_120 : memref<128x128xf32, #tpu.memory_space<vmem>>) target(%dma_start3A_126 : memref<10112x128xf32, #tpu.memory_space<vmem_shared>>) offsets(%dma_start3A_123 : memref<128xi32, #tpu.memory_space<vmem>>) semaphore(%run_scoped3A_117 : memref<!tpu.dma_semaphore, #tpu.memory_space<semaphore_mem>>) {add = true}
        %dma_wait3A_127 = arith.constant 0 : i32
        %dma_wait3A_128 = arith.constant 0 : i32
        %dma_wait3A_129 = tpu.memref_slice %arg7[%dma_wait3A_127, %dma_wait3A_128] : memref<256x128xf32, #tpu.memory_space<vmem>> -> memref<128x128xf32, #tpu.memory_space<vmem>>
        %dma_wait3A_130 = arith.constant 0 : i32
        %dma_wait3A_131 = tpu.memref_slice %arg6[%run_scoped3A_96, %run_scoped3A_97, %dma_wait3A_130] : memref<2x2x128xi32, #tpu.memory_space<vmem>> -> memref<1x1x128xi32, #tpu.memory_space<vmem>>
        %dma_wait3A_132 = tpu.memref_squeeze %dma_wait3A_131 : memref<1x1x128xi32, #tpu.memory_space<vmem>> -> memref<128xi32, #tpu.memory_space<vmem>>
        %dma_wait3A_133 = arith.constant 0 : i32
        %dma_wait3A_134 = arith.constant 0 : i32
        %dma_wait3A_135 = tpu.memref_slice %arg8[%dma_wait3A_133, %dma_wait3A_134] : memref<10112x128xf32, #tpu.memory_space<vmem_shared>> -> memref<10112x128xf32, #tpu.memory_space<vmem_shared>>
        tpu.wait_indirect_dma semaphore(%run_scoped3A_117 : memref<!tpu.dma_semaphore, #tpu.memory_space<semaphore_mem>>) src(%dma_wait3A_129 : memref<128x128xf32, #tpu.memory_space<vmem>>) dst(%dma_wait3A_135 : memref<10112x128xf32, #tpu.memory_space<vmem_shared>>)
        tpu.yield
      }) : () -> ()
      %mul3A_98 = arith.constant 2 : i32
      %mul3A_99 = arith.muli %mul3A_98, %scan3A_68 : i32
      %add3A_100 = arith.constant 2 : i32
      %add3A_101 = arith.addi %mul3A_99, %add3A_100 : i32
      %lt3A = arith.constant 158 : i32
      %lt3A_102 = arith.cmpi slt, %add3A_101, %lt3A : i32
      %convert_element_type3A = arith.extui %lt3A_102 : i1 to i32
      %cond3A = arith.constant 0 : i32
      %cond3A_103 = arith.cmpi ne, %convert_element_type3A, %cond3A : i32
      scf.if %cond3A_103 {
        %mul3A_117 = arith.constant 2 : i32
        %mul3A_118 = arith.muli %mul3A_117, %scan3A_68 : i32
        %add3A_119 = arith.constant 2 : i32
        %add3A_120 = arith.addi %mul3A_118, %add3A_119 : i32
        %add3A_121 = arith.addi %add3A_14, %add3A_120 : i32
        %run_scoped3A_122 = arith.constant 0 : i32
        "tpu.region"() ({
          %run_scoped3A_134 = tpu.sem_alloc : memref<!tpu.dma_semaphore, #tpu.memory_space<semaphore_mem>>
          %dma_start3A_135 = arith.constant 0 : i32
          %dma_start3A_136 = arith.constant 0 : i32
          %dma_start3A_137 = tpu.memref_slice %arg6[%run_scoped3A_122, %dma_start3A_135, %dma_start3A_136] : memref<2x2x128xi32, #tpu.memory_space<vmem>> -> memref<1x2x128xi32, #tpu.memory_space<vmem>>
          %dma_start3A_138 = tpu.memref_squeeze %dma_start3A_137 : memref<1x2x128xi32, #tpu.memory_space<vmem>> -> memref<2x128xi32, #tpu.memory_space<vmem>>
          %dma_start3A_139 = arith.constant 0 : i32
          %dma_start3A_140 = arith.constant 0 : i32
          %dma_start3A_141 = tpu.memref_slice %arg3[%add3A_121, %dma_start3A_139, %dma_start3A_140] : memref<5056x2x128xi32, #tpu.memory_space<hbm>> -> memref<1x2x128xi32, #tpu.memory_space<hbm>>
          %dma_start3A_142 = tpu.memref_squeeze %dma_start3A_141 : memref<1x2x128xi32, #tpu.memory_space<hbm>> -> memref<2x128xi32, #tpu.memory_space<hbm>>
          %dma_start3A_143 = arith.constant 0 : i32
          %dma_start3A_144 = arith.constant 0 : i32
          %dma_start3A_145 = tpu.memref_slice %arg6[%run_scoped3A_122, %dma_start3A_143, %dma_start3A_144] : memref<2x2x128xi32, #tpu.memory_space<vmem>> -> memref<1x2x128xi32, #tpu.memory_space<vmem>>
          %dma_start3A_146 = tpu.memref_squeeze %dma_start3A_145 : memref<1x2x128xi32, #tpu.memory_space<vmem>> -> memref<2x128xi32, #tpu.memory_space<vmem>>
          %dma_start3A_147 = arith.constant 0 : i32
          %dma_start3A_148 = arith.constant 0 : i32
          %dma_start3A_149 = tpu.memref_slice %arg3[%add3A_121, %dma_start3A_147, %dma_start3A_148] : memref<5056x2x128xi32, #tpu.memory_space<hbm>> -> memref<1x2x128xi32, #tpu.memory_space<hbm>>
          %dma_start3A_150 = tpu.memref_squeeze %dma_start3A_149 : memref<1x2x128xi32, #tpu.memory_space<hbm>> -> memref<2x128xi32, #tpu.memory_space<hbm>>
          tpu.enqueue_dma source(%dma_start3A_150 : memref<2x128xi32, #tpu.memory_space<hbm>>) target(%dma_start3A_146 : memref<2x128xi32, #tpu.memory_space<vmem>>) target_semaphore(%run_scoped3A_134 : memref<!tpu.dma_semaphore, #tpu.memory_space<semaphore_mem>>)
          %dma_wait3A_151 = arith.constant 0 : i32
          %dma_wait3A_152 = arith.constant 0 : i32
          %dma_wait3A_153 = tpu.memref_slice %arg6[%run_scoped3A_122, %dma_wait3A_151, %dma_wait3A_152] : memref<2x2x128xi32, #tpu.memory_space<vmem>> -> memref<1x2x128xi32, #tpu.memory_space<vmem>>
          %dma_wait3A_154 = tpu.memref_squeeze %dma_wait3A_153 : memref<1x2x128xi32, #tpu.memory_space<vmem>> -> memref<2x128xi32, #tpu.memory_space<vmem>>
          %dma_wait3A_155 = arith.constant 0 : i32
          %dma_wait3A_156 = arith.constant 0 : i32
          %dma_wait3A_157 = tpu.memref_slice %arg3[%add3A_121, %dma_wait3A_155, %dma_wait3A_156] : memref<5056x2x128xi32, #tpu.memory_space<hbm>> -> memref<1x2x128xi32, #tpu.memory_space<hbm>>
          %dma_wait3A_158 = tpu.memref_squeeze %dma_wait3A_157 : memref<1x2x128xi32, #tpu.memory_space<hbm>> -> memref<2x128xi32, #tpu.memory_space<hbm>>
          %dma_wait3A_159 = arith.constant 0 : i32
          %dma_wait3A_160 = arith.constant 0 : i32
          %dma_wait3A_161 = tpu.memref_slice %arg6[%run_scoped3A_122, %dma_wait3A_159, %dma_wait3A_160] : memref<2x2x128xi32, #tpu.memory_space<vmem>> -> memref<1x2x128xi32, #tpu.memory_space<vmem>>
          %dma_wait3A_162 = tpu.memref_squeeze %dma_wait3A_161 : memref<1x2x128xi32, #tpu.memory_space<vmem>> -> memref<2x128xi32, #tpu.memory_space<vmem>>
          %dma_wait3A_163 = arith.constant 0 : i32
          %dma_wait3A_164 = arith.constant 0 : i32
          %dma_wait3A_165 = tpu.memref_slice %arg3[%add3A_121, %dma_wait3A_163, %dma_wait3A_164] : memref<5056x2x128xi32, #tpu.memory_space<hbm>> -> memref<1x2x128xi32, #tpu.memory_space<hbm>>
          %dma_wait3A_166 = tpu.memref_squeeze %dma_wait3A_165 : memref<1x2x128xi32, #tpu.memory_space<hbm>> -> memref<2x128xi32, #tpu.memory_space<hbm>>
          tpu.wait_dma2 semaphore(%run_scoped3A_134 : memref<!tpu.dma_semaphore, #tpu.memory_space<semaphore_mem>>) src(%dma_wait3A_166 : memref<2x128xi32, #tpu.memory_space<hbm>>) dst(%dma_wait3A_162 : memref<2x128xi32, #tpu.memory_space<vmem>>)
          tpu.yield
        }) : () -> ()
        %dma_start3A_123 = arith.constant 0 : i32
        %dma_start3A_124 = arith.constant 0 : i32
        %dma_start3A_125 = arith.constant 0 : i32
        %dma_start3A_126 = arith.constant 0 : i32
        %dma_start3A_127 = tpu.memref_slice %arg7[%dma_start3A_125, %dma_start3A_126] : memref<256x128xf32, #tpu.memory_space<vmem>> -> memref<128x128xf32, #tpu.memory_space<vmem>>
        %dma_start3A_128 = arith.constant 0 : i32
        %dma_start3A_129 = tpu.memref_slice %arg6[%dma_start3A_123, %dma_start3A_124, %dma_start3A_128] : memref<2x2x128xi32, #tpu.memory_space<vmem>> -> memref<1x1x128xi32, #tpu.memory_space<vmem>>
        %dma_start3A_130 = tpu.memref_squeeze %dma_start3A_129 : memref<1x1x128xi32, #tpu.memory_space<vmem>> -> memref<128xi32, #tpu.memory_space<vmem>>
        %dma_start3A_131 = arith.constant 0 : i32
        %dma_start3A_132 = arith.constant 0 : i32
        %dma_start3A_133 = tpu.memref_slice %arg2[%dma_start3A_131, %dma_start3A_132] : memref<20000x128xf32, #tpu.memory_space<hbm>> -> memref<20000x128xf32, #tpu.memory_space<hbm>>
        tpu.enqueue_indirect_dma source(%dma_start3A_133 : memref<20000x128xf32, #tpu.memory_space<hbm>>) target(%dma_start3A_127 : memref<128x128xf32, #tpu.memory_space<vmem>>) offsets(%dma_start3A_130 : memref<128xi32, #tpu.memory_space<vmem>>) semaphore(%arg9 : memref<!tpu.dma_semaphore, #tpu.memory_space<semaphore_mem>>)
      } else {
      }
      %dma_wait3A_104 = arith.constant 1 : i32
      %dma_wait3A_105 = arith.constant 0 : i32
      %dma_wait3A_106 = arith.constant 128 : i32
      %dma_wait3A_107 = arith.constant 0 : i32
      %dma_wait3A_108 = tpu.memref_slice %arg7[%dma_wait3A_106, %dma_wait3A_107] : memref<256x128xf32, #tpu.memory_space<vmem>> -> memref<128x128xf32, #tpu.memory_space<vmem>>
      %dma_wait3A_109 = arith.constant 0 : i32
      %dma_wait3A_110 = tpu.memref_slice %arg6[%dma_wait3A_104, %dma_wait3A_105, %dma_wait3A_109] : memref<2x2x128xi32, #tpu.memory_space<vmem>> -> memref<1x1x128xi32, #tpu.memory_space<vmem>>
      %dma_wait3A_111 = tpu.memref_squeeze %dma_wait3A_110 : memref<1x1x128xi32, #tpu.memory_space<vmem>> -> memref<128xi32, #tpu.memory_space<vmem>>
      %dma_wait3A_112 = arith.constant 0 : i32
      %dma_wait3A_113 = arith.constant 0 : i32
      %dma_wait3A_114 = tpu.memref_slice %arg2[%dma_wait3A_112, %dma_wait3A_113] : memref<20000x128xf32, #tpu.memory_space<hbm>> -> memref<20000x128xf32, #tpu.memory_space<hbm>>
      tpu.wait_indirect_dma semaphore(%arg10 : memref<!tpu.dma_semaphore, #tpu.memory_space<semaphore_mem>>) src(%dma_wait3A_114 : memref<20000x128xf32, #tpu.memory_space<hbm>>) dst(%dma_wait3A_108 : memref<128x128xf32, #tpu.memory_space<vmem>>)
      %run_scoped3A_115 = arith.constant 1 : i32
      %run_scoped3A_116 = arith.constant 1 : i32
      "tpu.region"() ({
        %run_scoped3A_117 = tpu.sem_alloc : memref<!tpu.dma_semaphore, #tpu.memory_space<semaphore_mem>>
        %dma_start3A_118 = arith.constant 128 : i32
        %dma_start3A_119 = arith.constant 0 : i32
        %dma_start3A_120 = tpu.memref_slice %arg7[%dma_start3A_118, %dma_start3A_119] : memref<256x128xf32, #tpu.memory_space<vmem>> -> memref<128x128xf32, #tpu.memory_space<vmem>>
        %dma_start3A_121 = arith.constant 0 : i32
        %dma_start3A_122 = tpu.memref_slice %arg6[%run_scoped3A_115, %run_scoped3A_116, %dma_start3A_121] : memref<2x2x128xi32, #tpu.memory_space<vmem>> -> memref<1x1x128xi32, #tpu.memory_space<vmem>>
        %dma_start3A_123 = tpu.memref_squeeze %dma_start3A_122 : memref<1x1x128xi32, #tpu.memory_space<vmem>> -> memref<128xi32, #tpu.memory_space<vmem>>
        %dma_start3A_124 = arith.constant 0 : i32
        %dma_start3A_125 = arith.constant 0 : i32
        %dma_start3A_126 = tpu.memref_slice %arg8[%dma_start3A_124, %dma_start3A_125] : memref<10112x128xf32, #tpu.memory_space<vmem_shared>> -> memref<10112x128xf32, #tpu.memory_space<vmem_shared>>
        tpu.enqueue_indirect_dma source(%dma_start3A_120 : memref<128x128xf32, #tpu.memory_space<vmem>>) target(%dma_start3A_126 : memref<10112x128xf32, #tpu.memory_space<vmem_shared>>) offsets(%dma_start3A_123 : memref<128xi32, #tpu.memory_space<vmem>>) semaphore(%run_scoped3A_117 : memref<!tpu.dma_semaphore, #tpu.memory_space<semaphore_mem>>) {add = true}
        %dma_wait3A_127 = arith.constant 128 : i32
        %dma_wait3A_128 = arith.constant 0 : i32
        %dma_wait3A_129 = tpu.memref_slice %arg7[%dma_wait3A_127, %dma_wait3A_128] : memref<256x128xf32, #tpu.memory_space<vmem>> -> memref<128x128xf32, #tpu.memory_space<vmem>>
        %dma_wait3A_130 = arith.constant 0 : i32
        %dma_wait3A_131 = tpu.memref_slice %arg6[%run_scoped3A_115, %run_scoped3A_116, %dma_wait3A_130] : memref<2x2x128xi32, #tpu.memory_space<vmem>> -> memref<1x1x128xi32, #tpu.memory_space<vmem>>
        %dma_wait3A_132 = tpu.memref_squeeze %dma_wait3A_131 : memref<1x1x128xi32, #tpu.memory_space<vmem>> -> memref<128xi32, #tpu.memory_space<vmem>>
        %dma_wait3A_133 = arith.constant 0 : i32
        %dma_wait3A_134 = arith.constant 0 : i32
        %dma_wait3A_135 = tpu.memref_slice %arg8[%dma_wait3A_133, %dma_wait3A_134] : memref<10112x128xf32, #tpu.memory_space<vmem_shared>> -> memref<10112x128xf32, #tpu.memory_space<vmem_shared>>
        tpu.wait_indirect_dma semaphore(%run_scoped3A_117 : memref<!tpu.dma_semaphore, #tpu.memory_space<semaphore_mem>>) src(%dma_wait3A_129 : memref<128x128xf32, #tpu.memory_space<vmem>>) dst(%dma_wait3A_135 : memref<10112x128xf32, #tpu.memory_space<vmem_shared>>)
        tpu.yield
      }) : () -> ()
    }
    %scan3A_31 = arith.constant 79 : i32
    %barrier3A_32 = arith.constant 0 : index
    tpu.barrier barrier_id(%barrier3A_32)
    %add3A_33 = arith.constant 0 : i32
    %add3A_34 = arith.addi %mul3A_0, %add3A_33 : i32
    "tpu.region"() ({
      %run_scoped3A_68 = tpu.sem_alloc : memref<!tpu.dma_semaphore, #tpu.memory_space<semaphore_mem>>
      %dma_start3A_69 = arith.constant 0 : i32
      %dma_start3A_70 = arith.constant 0 : i32
      %dma_start3A_71 = tpu.memref_slice %arg7[%dma_start3A_69, %dma_start3A_70] : memref<256x128xf32, #tpu.memory_space<vmem>> -> memref<128x128xf32, #tpu.memory_space<vmem>>
      %dma_start3A_72 = arith.constant 0 : i32
      %dma_start3A_73 = tpu.memref_slice %arg8[%add3A_34, %dma_start3A_72] : memref<10112x128xf32, #tpu.memory_space<vmem_shared>> -> memref<128x128xf32, #tpu.memory_space<vmem_shared>>
      %dma_start3A_74 = arith.constant 0 : i32
      %dma_start3A_75 = arith.constant 0 : i32
      %dma_start3A_76 = tpu.memref_slice %arg7[%dma_start3A_74, %dma_start3A_75] : memref<256x128xf32, #tpu.memory_space<vmem>> -> memref<128x128xf32, #tpu.memory_space<vmem>>
      %dma_start3A_77 = arith.constant 0 : i32
      %dma_start3A_78 = tpu.memref_slice %arg8[%add3A_34, %dma_start3A_77] : memref<10112x128xf32, #tpu.memory_space<vmem_shared>> -> memref<128x128xf32, #tpu.memory_space<vmem_shared>>
      tpu.enqueue_dma source(%dma_start3A_78 : memref<128x128xf32, #tpu.memory_space<vmem_shared>>) target(%dma_start3A_76 : memref<128x128xf32, #tpu.memory_space<vmem>>) target_semaphore(%run_scoped3A_68 : memref<!tpu.dma_semaphore, #tpu.memory_space<semaphore_mem>>)
      %dma_wait3A = arith.constant 0 : i32
      %dma_wait3A_79 = arith.constant 0 : i32
      %dma_wait3A_80 = tpu.memref_slice %arg7[%dma_wait3A, %dma_wait3A_79] : memref<256x128xf32, #tpu.memory_space<vmem>> -> memref<128x128xf32, #tpu.memory_space<vmem>>
      %dma_wait3A_81 = arith.constant 0 : i32
      %dma_wait3A_82 = tpu.memref_slice %arg8[%add3A_34, %dma_wait3A_81] : memref<10112x128xf32, #tpu.memory_space<vmem_shared>> -> memref<128x128xf32, #tpu.memory_space<vmem_shared>>
      %dma_wait3A_83 = arith.constant 0 : i32
      %dma_wait3A_84 = arith.constant 0 : i32
      %dma_wait3A_85 = tpu.memref_slice %arg7[%dma_wait3A_83, %dma_wait3A_84] : memref<256x128xf32, #tpu.memory_space<vmem>> -> memref<128x128xf32, #tpu.memory_space<vmem>>
      %dma_wait3A_86 = arith.constant 0 : i32
      %dma_wait3A_87 = tpu.memref_slice %arg8[%add3A_34, %dma_wait3A_86] : memref<10112x128xf32, #tpu.memory_space<vmem_shared>> -> memref<128x128xf32, #tpu.memory_space<vmem_shared>>
      tpu.wait_dma2 semaphore(%run_scoped3A_68 : memref<!tpu.dma_semaphore, #tpu.memory_space<semaphore_mem>>) src(%dma_wait3A_87 : memref<128x128xf32, #tpu.memory_space<vmem_shared>>) dst(%dma_wait3A_85 : memref<128x128xf32, #tpu.memory_space<vmem>>)
      tpu.yield
    }) : () -> ()
    %mul3A_35 = arith.constant 10112 : i32
    %mul3A_36 = arith.muli %arg0, %mul3A_35 : i32
    %add3A_37 = arith.addi %mul3A_36, %mul3A_0 : i32
    %add3A_38 = arith.constant 0 : i32
    %add3A_39 = arith.addi %add3A_37, %add3A_38 : i32
    "tpu.region"() ({
      %run_scoped3A_68 = tpu.sem_alloc : memref<!tpu.dma_semaphore, #tpu.memory_space<semaphore_mem>>
      %dma_start3A_69 = arith.constant 0 : i32
      %dma_start3A_70 = arith.constant 0 : i32
      %dma_start3A_71 = tpu.memref_slice %arg7[%dma_start3A_69, %dma_start3A_70] : memref<256x128xf32, #tpu.memory_space<vmem>> -> memref<128x128xf32, #tpu.memory_space<vmem>>
      %dma_start3A_72 = arith.constant 0 : i32
      %dma_start3A_73 = tpu.memref_slice %arg5[%add3A_39, %dma_start3A_72] : memref<20224x128xf32, #tpu.memory_space<hbm>> -> memref<128x128xf32, #tpu.memory_space<hbm>>
      %dma_start3A_74 = arith.constant 0 : i32
      %dma_start3A_75 = tpu.memref_slice %arg5[%add3A_39, %dma_start3A_74] : memref<20224x128xf32, #tpu.memory_space<hbm>> -> memref<128x128xf32, #tpu.memory_space<hbm>>
      %dma_start3A_76 = arith.constant 0 : i32
      %dma_start3A_77 = arith.constant 0 : i32
      %dma_start3A_78 = tpu.memref_slice %arg7[%dma_start3A_76, %dma_start3A_77] : memref<256x128xf32, #tpu.memory_space<vmem>> -> memref<128x128xf32, #tpu.memory_space<vmem>>
      tpu.enqueue_dma source(%dma_start3A_78 : memref<128x128xf32, #tpu.memory_space<vmem>>) target(%dma_start3A_75 : memref<128x128xf32, #tpu.memory_space<hbm>>) target_semaphore(%run_scoped3A_68 : memref<!tpu.dma_semaphore, #tpu.memory_space<semaphore_mem>>)
      %dma_wait3A = arith.constant 0 : i32
      %dma_wait3A_79 = arith.constant 0 : i32
      %dma_wait3A_80 = tpu.memref_slice %arg7[%dma_wait3A, %dma_wait3A_79] : memref<256x128xf32, #tpu.memory_space<vmem>> -> memref<128x128xf32, #tpu.memory_space<vmem>>
      %dma_wait3A_81 = arith.constant 0 : i32
      %dma_wait3A_82 = tpu.memref_slice %arg5[%add3A_39, %dma_wait3A_81] : memref<20224x128xf32, #tpu.memory_space<hbm>> -> memref<128x128xf32, #tpu.memory_space<hbm>>
      %dma_wait3A_83 = arith.constant 0 : i32
      %dma_wait3A_84 = tpu.memref_slice %arg5[%add3A_39, %dma_wait3A_83] : memref<20224x128xf32, #tpu.memory_space<hbm>> -> memref<128x128xf32, #tpu.memory_space<hbm>>
      %dma_wait3A_85 = arith.constant 0 : i32
      %dma_wait3A_86 = arith.constant 0 : i32
      %dma_wait3A_87 = tpu.memref_slice %arg7[%dma_wait3A_85, %dma_wait3A_86] : memref<256x128xf32, #tpu.memory_space<vmem>> -> memref<128x128xf32, #tpu.memory_space<vmem>>
      tpu.wait_dma2 semaphore(%run_scoped3A_68 : memref<!tpu.dma_semaphore, #tpu.memory_space<semaphore_mem>>) src(%dma_wait3A_87 : memref<128x128xf32, #tpu.memory_space<vmem>>) dst(%dma_wait3A_84 : memref<128x128xf32, #tpu.memory_space<hbm>>)
      tpu.yield
    }) : () -> ()
    %add3A_40 = arith.constant 128 : i32
    %add3A_41 = arith.addi %mul3A_0, %add3A_40 : i32
    "tpu.region"() ({
      %run_scoped3A_68 = tpu.sem_alloc : memref<!tpu.dma_semaphore, #tpu.memory_space<semaphore_mem>>
      %dma_start3A_69 = arith.constant 0 : i32
      %dma_start3A_70 = arith.constant 0 : i32
      %dma_start3A_71 = tpu.memref_slice %arg7[%dma_start3A_69, %dma_start3A_70] : memref<256x128xf32, #tpu.memory_space<vmem>> -> memref<128x128xf32, #tpu.memory_space<vmem>>
      %dma_start3A_72 = arith.constant 0 : i32
      %dma_start3A_73 = tpu.memref_slice %arg8[%add3A_41, %dma_start3A_72] : memref<10112x128xf32, #tpu.memory_space<vmem_shared>> -> memref<128x128xf32, #tpu.memory_space<vmem_shared>>
      %dma_start3A_74 = arith.constant 0 : i32
      %dma_start3A_75 = arith.constant 0 : i32
      %dma_start3A_76 = tpu.memref_slice %arg7[%dma_start3A_74, %dma_start3A_75] : memref<256x128xf32, #tpu.memory_space<vmem>> -> memref<128x128xf32, #tpu.memory_space<vmem>>
      %dma_start3A_77 = arith.constant 0 : i32
      %dma_start3A_78 = tpu.memref_slice %arg8[%add3A_41, %dma_start3A_77] : memref<10112x128xf32, #tpu.memory_space<vmem_shared>> -> memref<128x128xf32, #tpu.memory_space<vmem_shared>>
      tpu.enqueue_dma source(%dma_start3A_78 : memref<128x128xf32, #tpu.memory_space<vmem_shared>>) target(%dma_start3A_76 : memref<128x128xf32, #tpu.memory_space<vmem>>) target_semaphore(%run_scoped3A_68 : memref<!tpu.dma_semaphore, #tpu.memory_space<semaphore_mem>>)
      %dma_wait3A = arith.constant 0 : i32
      %dma_wait3A_79 = arith.constant 0 : i32
      %dma_wait3A_80 = tpu.memref_slice %arg7[%dma_wait3A, %dma_wait3A_79] : memref<256x128xf32, #tpu.memory_space<vmem>> -> memref<128x128xf32, #tpu.memory_space<vmem>>
      %dma_wait3A_81 = arith.constant 0 : i32
      %dma_wait3A_82 = tpu.memref_slice %arg8[%add3A_41, %dma_wait3A_81] : memref<10112x128xf32, #tpu.memory_space<vmem_shared>> -> memref<128x128xf32, #tpu.memory_space<vmem_shared>>
      %dma_wait3A_83 = arith.constant 0 : i32
      %dma_wait3A_84 = arith.constant 0 : i32
      %dma_wait3A_85 = tpu.memref_slice %arg7[%dma_wait3A_83, %dma_wait3A_84] : memref<256x128xf32, #tpu.memory_space<vmem>> -> memref<128x128xf32, #tpu.memory_space<vmem>>
      %dma_wait3A_86 = arith.constant 0 : i32
      %dma_wait3A_87 = tpu.memref_slice %arg8[%add3A_41, %dma_wait3A_86] : memref<10112x128xf32, #tpu.memory_space<vmem_shared>> -> memref<128x128xf32, #tpu.memory_space<vmem_shared>>
      tpu.wait_dma2 semaphore(%run_scoped3A_68 : memref<!tpu.dma_semaphore, #tpu.memory_space<semaphore_mem>>) src(%dma_wait3A_87 : memref<128x128xf32, #tpu.memory_space<vmem_shared>>) dst(%dma_wait3A_85 : memref<128x128xf32, #tpu.memory_space<vmem>>)
      tpu.yield
    }) : () -> ()
    %mul3A_42 = arith.constant 10112 : i32
    %mul3A_43 = arith.muli %arg0, %mul3A_42 : i32
    %add3A_44 = arith.addi %mul3A_43, %mul3A_0 : i32
    %add3A_45 = arith.constant 128 : i32
    %add3A_46 = arith.addi %add3A_44, %add3A_45 : i32
    "tpu.region"() ({
      %run_scoped3A_68 = tpu.sem_alloc : memref<!tpu.dma_semaphore, #tpu.memory_space<semaphore_mem>>
      %dma_start3A_69 = arith.constant 0 : i32
      %dma_start3A_70 = arith.constant 0 : i32
      %dma_start3A_71 = tpu.memref_slice %arg7[%dma_start3A_69, %dma_start3A_70] : memref<256x128xf32, #tpu.memory_space<vmem>> -> memref<128x128xf32, #tpu.memory_space<vmem>>
      %dma_start3A_72 = arith.constant 0 : i32
      %dma_start3A_73 = tpu.memref_slice %arg5[%add3A_46, %dma_start3A_72] : memref<20224x128xf32, #tpu.memory_space<hbm>> -> memref<128x128xf32, #tpu.memory_space<hbm>>
      %dma_start3A_74 = arith.constant 0 : i32
      %dma_start3A_75 = tpu.memref_slice %arg5[%add3A_46, %dma_start3A_74] : memref<20224x128xf32, #tpu.memory_space<hbm>> -> memref<128x128xf32, #tpu.memory_space<hbm>>
      %dma_start3A_76 = arith.constant 0 : i32
      %dma_start3A_77 = arith.constant 0 : i32
      %dma_start3A_78 = tpu.memref_slice %arg7[%dma_start3A_76, %dma_start3A_77] : memref<256x128xf32, #tpu.memory_space<vmem>> -> memref<128x128xf32, #tpu.memory_space<vmem>>
      tpu.enqueue_dma source(%dma_start3A_78 : memref<128x128xf32, #tpu.memory_space<vmem>>) target(%dma_start3A_75 : memref<128x128xf32, #tpu.memory_space<hbm>>) target_semaphore(%run_scoped3A_68 : memref<!tpu.dma_semaphore, #tpu.memory_space<semaphore_mem>>)
      %dma_wait3A = arith.constant 0 : i32
      %dma_wait3A_79 = arith.constant 0 : i32
      %dma_wait3A_80 = tpu.memref_slice %arg7[%dma_wait3A, %dma_wait3A_79] : memref<256x128xf32, #tpu.memory_space<vmem>> -> memref<128x128xf32, #tpu.memory_space<vmem>>
      %dma_wait3A_81 = arith.constant 0 : i32
      %dma_wait3A_82 = tpu.memref_slice %arg5[%add3A_46, %dma_wait3A_81] : memref<20224x128xf32, #tpu.memory_space<hbm>> -> memref<128x128xf32, #tpu.memory_space<hbm>>
      %dma_wait3A_83 = arith.constant 0 : i32
      %dma_wait3A_84 = tpu.memref_slice %arg5[%add3A_46, %dma_wait3A_83] : memref<20224x128xf32, #tpu.memory_space<hbm>> -> memref<128x128xf32, #tpu.memory_space<hbm>>
      %dma_wait3A_85 = arith.constant 0 : i32
      %dma_wait3A_86 = arith.constant 0 : i32
      %dma_wait3A_87 = tpu.memref_slice %arg7[%dma_wait3A_85, %dma_wait3A_86] : memref<256x128xf32, #tpu.memory_space<vmem>> -> memref<128x128xf32, #tpu.memory_space<vmem>>
      tpu.wait_dma2 semaphore(%run_scoped3A_68 : memref<!tpu.dma_semaphore, #tpu.memory_space<semaphore_mem>>) src(%dma_wait3A_87 : memref<128x128xf32, #tpu.memory_space<vmem>>) dst(%dma_wait3A_84 : memref<128x128xf32, #tpu.memory_space<hbm>>)
      tpu.yield
    }) : () -> ()
    %add3A_47 = arith.constant 256 : i32
    %add3A_48 = arith.addi %mul3A_0, %add3A_47 : i32
    "tpu.region"() ({
      %run_scoped3A_68 = tpu.sem_alloc : memref<!tpu.dma_semaphore, #tpu.memory_space<semaphore_mem>>
      %dma_start3A_69 = arith.constant 0 : i32
      %dma_start3A_70 = arith.constant 0 : i32
      %dma_start3A_71 = tpu.memref_slice %arg7[%dma_start3A_69, %dma_start3A_70] : memref<256x128xf32, #tpu.memory_space<vmem>> -> memref<128x128xf32, #tpu.memory_space<vmem>>
      %dma_start3A_72 = arith.constant 0 : i32
      %dma_start3A_73 = tpu.memref_slice %arg8[%add3A_48, %dma_start3A_72] : memref<10112x128xf32, #tpu.memory_space<vmem_shared>> -> memref<128x128xf32, #tpu.memory_space<vmem_shared>>
      %dma_start3A_74 = arith.constant 0 : i32
      %dma_start3A_75 = arith.constant 0 : i32
      %dma_start3A_76 = tpu.memref_slice %arg7[%dma_start3A_74, %dma_start3A_75] : memref<256x128xf32, #tpu.memory_space<vmem>> -> memref<128x128xf32, #tpu.memory_space<vmem>>
      %dma_start3A_77 = arith.constant 0 : i32
      %dma_start3A_78 = tpu.memref_slice %arg8[%add3A_48, %dma_start3A_77] : memref<10112x128xf32, #tpu.memory_space<vmem_shared>> -> memref<128x128xf32, #tpu.memory_space<vmem_shared>>
      tpu.enqueue_dma source(%dma_start3A_78 : memref<128x128xf32, #tpu.memory_space<vmem_shared>>) target(%dma_start3A_76 : memref<128x128xf32, #tpu.memory_space<vmem>>) target_semaphore(%run_scoped3A_68 : memref<!tpu.dma_semaphore, #tpu.memory_space<semaphore_mem>>)
      %dma_wait3A = arith.constant 0 : i32
      %dma_wait3A_79 = arith.constant 0 : i32
      %dma_wait3A_80 = tpu.memref_slice %arg7[%dma_wait3A, %dma_wait3A_79] : memref<256x128xf32, #tpu.memory_space<vmem>> -> memref<128x128xf32, #tpu.memory_space<vmem>>
      %dma_wait3A_81 = arith.constant 0 : i32
      %dma_wait3A_82 = tpu.memref_slice %arg8[%add3A_48, %dma_wait3A_81] : memref<10112x128xf32, #tpu.memory_space<vmem_shared>> -> memref<128x128xf32, #tpu.memory_space<vmem_shared>>
      %dma_wait3A_83 = arith.constant 0 : i32
      %dma_wait3A_84 = arith.constant 0 : i32
      %dma_wait3A_85 = tpu.memref_slice %arg7[%dma_wait3A_83, %dma_wait3A_84] : memref<256x128xf32, #tpu.memory_space<vmem>> -> memref<128x128xf32, #tpu.memory_space<vmem>>
      %dma_wait3A_86 = arith.constant 0 : i32
      %dma_wait3A_87 = tpu.memref_slice %arg8[%add3A_48, %dma_wait3A_86] : memref<10112x128xf32, #tpu.memory_space<vmem_shared>> -> memref<128x128xf32, #tpu.memory_space<vmem_shared>>
      tpu.wait_dma2 semaphore(%run_scoped3A_68 : memref<!tpu.dma_semaphore, #tpu.memory_space<semaphore_mem>>) src(%dma_wait3A_87 : memref<128x128xf32, #tpu.memory_space<vmem_shared>>) dst(%dma_wait3A_85 : memref<128x128xf32, #tpu.memory_space<vmem>>)
      tpu.yield
    }) : () -> ()
    %mul3A_49 = arith.constant 10112 : i32
    %mul3A_50 = arith.muli %arg0, %mul3A_49 : i32
    %add3A_51 = arith.addi %mul3A_50, %mul3A_0 : i32
    %add3A_52 = arith.constant 256 : i32
    %add3A_53 = arith.addi %add3A_51, %add3A_52 : i32
    "tpu.region"() ({
      %run_scoped3A_68 = tpu.sem_alloc : memref<!tpu.dma_semaphore, #tpu.memory_space<semaphore_mem>>
      %dma_start3A_69 = arith.constant 0 : i32
      %dma_start3A_70 = arith.constant 0 : i32
      %dma_start3A_71 = tpu.memref_slice %arg7[%dma_start3A_69, %dma_start3A_70] : memref<256x128xf32, #tpu.memory_space<vmem>> -> memref<128x128xf32, #tpu.memory_space<vmem>>
      %dma_start3A_72 = arith.constant 0 : i32
      %dma_start3A_73 = tpu.memref_slice %arg5[%add3A_53, %dma_start3A_72] : memref<20224x128xf32, #tpu.memory_space<hbm>> -> memref<128x128xf32, #tpu.memory_space<hbm>>
      %dma_start3A_74 = arith.constant 0 : i32
      %dma_start3A_75 = tpu.memref_slice %arg5[%add3A_53, %dma_start3A_74] : memref<20224x128xf32, #tpu.memory_space<hbm>> -> memref<128x128xf32, #tpu.memory_space<hbm>>
      %dma_start3A_76 = arith.constant 0 : i32
      %dma_start3A_77 = arith.constant 0 : i32
      %dma_start3A_78 = tpu.memref_slice %arg7[%dma_start3A_76, %dma_start3A_77] : memref<256x128xf32, #tpu.memory_space<vmem>> -> memref<128x128xf32, #tpu.memory_space<vmem>>
      tpu.enqueue_dma source(%dma_start3A_78 : memref<128x128xf32, #tpu.memory_space<vmem>>) target(%dma_start3A_75 : memref<128x128xf32, #tpu.memory_space<hbm>>) target_semaphore(%run_scoped3A_68 : memref<!tpu.dma_semaphore, #tpu.memory_space<semaphore_mem>>)
      %dma_wait3A = arith.constant 0 : i32
      %dma_wait3A_79 = arith.constant 0 : i32
      %dma_wait3A_80 = tpu.memref_slice %arg7[%dma_wait3A, %dma_wait3A_79] : memref<256x128xf32, #tpu.memory_space<vmem>> -> memref<128x128xf32, #tpu.memory_space<vmem>>
      %dma_wait3A_81 = arith.constant 0 : i32
      %dma_wait3A_82 = tpu.memref_slice %arg5[%add3A_53, %dma_wait3A_81] : memref<20224x128xf32, #tpu.memory_space<hbm>> -> memref<128x128xf32, #tpu.memory_space<hbm>>
      %dma_wait3A_83 = arith.constant 0 : i32
      %dma_wait3A_84 = tpu.memref_slice %arg5[%add3A_53, %dma_wait3A_83] : memref<20224x128xf32, #tpu.memory_space<hbm>> -> memref<128x128xf32, #tpu.memory_space<hbm>>
      %dma_wait3A_85 = arith.constant 0 : i32
      %dma_wait3A_86 = arith.constant 0 : i32
      %dma_wait3A_87 = tpu.memref_slice %arg7[%dma_wait3A_85, %dma_wait3A_86] : memref<256x128xf32, #tpu.memory_space<vmem>> -> memref<128x128xf32, #tpu.memory_space<vmem>>
      tpu.wait_dma2 semaphore(%run_scoped3A_68 : memref<!tpu.dma_semaphore, #tpu.memory_space<semaphore_mem>>) src(%dma_wait3A_87 : memref<128x128xf32, #tpu.memory_space<vmem>>) dst(%dma_wait3A_84 : memref<128x128xf32, #tpu.memory_space<hbm>>)
      tpu.yield
    }) : () -> ()
    %add3A_54 = arith.constant 384 : i32
    %add3A_55 = arith.addi %mul3A_0, %add3A_54 : i32
    "tpu.region"() ({
      %run_scoped3A_68 = tpu.sem_alloc : memref<!tpu.dma_semaphore, #tpu.memory_space<semaphore_mem>>
      %dma_start3A_69 = arith.constant 0 : i32
      %dma_start3A_70 = arith.constant 0 : i32
      %dma_start3A_71 = tpu.memref_slice %arg7[%dma_start3A_69, %dma_start3A_70] : memref<256x128xf32, #tpu.memory_space<vmem>> -> memref<128x128xf32, #tpu.memory_space<vmem>>
      %dma_start3A_72 = arith.constant 0 : i32
      %dma_start3A_73 = tpu.memref_slice %arg8[%add3A_55, %dma_start3A_72] : memref<10112x128xf32, #tpu.memory_space<vmem_shared>> -> memref<128x128xf32, #tpu.memory_space<vmem_shared>>
      %dma_start3A_74 = arith.constant 0 : i32
      %dma_start3A_75 = arith.constant 0 : i32
      %dma_start3A_76 = tpu.memref_slice %arg7[%dma_start3A_74, %dma_start3A_75] : memref<256x128xf32, #tpu.memory_space<vmem>> -> memref<128x128xf32, #tpu.memory_space<vmem>>
      %dma_start3A_77 = arith.constant 0 : i32
      %dma_start3A_78 = tpu.memref_slice %arg8[%add3A_55, %dma_start3A_77] : memref<10112x128xf32, #tpu.memory_space<vmem_shared>> -> memref<128x128xf32, #tpu.memory_space<vmem_shared>>
      tpu.enqueue_dma source(%dma_start3A_78 : memref<128x128xf32, #tpu.memory_space<vmem_shared>>) target(%dma_start3A_76 : memref<128x128xf32, #tpu.memory_space<vmem>>) target_semaphore(%run_scoped3A_68 : memref<!tpu.dma_semaphore, #tpu.memory_space<semaphore_mem>>)
      %dma_wait3A = arith.constant 0 : i32
      %dma_wait3A_79 = arith.constant 0 : i32
      %dma_wait3A_80 = tpu.memref_slice %arg7[%dma_wait3A, %dma_wait3A_79] : memref<256x128xf32, #tpu.memory_space<vmem>> -> memref<128x128xf32, #tpu.memory_space<vmem>>
      %dma_wait3A_81 = arith.constant 0 : i32
      %dma_wait3A_82 = tpu.memref_slice %arg8[%add3A_55, %dma_wait3A_81] : memref<10112x128xf32, #tpu.memory_space<vmem_shared>> -> memref<128x128xf32, #tpu.memory_space<vmem_shared>>
      %dma_wait3A_83 = arith.constant 0 : i32
      %dma_wait3A_84 = arith.constant 0 : i32
      %dma_wait3A_85 = tpu.memref_slice %arg7[%dma_wait3A_83, %dma_wait3A_84] : memref<256x128xf32, #tpu.memory_space<vmem>> -> memref<128x128xf32, #tpu.memory_space<vmem>>
      %dma_wait3A_86 = arith.constant 0 : i32
      %dma_wait3A_87 = tpu.memref_slice %arg8[%add3A_55, %dma_wait3A_86] : memref<10112x128xf32, #tpu.memory_space<vmem_shared>> -> memref<128x128xf32, #tpu.memory_space<vmem_shared>>
      tpu.wait_dma2 semaphore(%run_scoped3A_68 : memref<!tpu.dma_semaphore, #tpu.memory_space<semaphore_mem>>) src(%dma_wait3A_87 : memref<128x128xf32, #tpu.memory_space<vmem_shared>>) dst(%dma_wait3A_85 : memref<128x128xf32, #tpu.memory_space<vmem>>)
      tpu.yield
    }) : () -> ()
    %mul3A_56 = arith.constant 10112 : i32
    %mul3A_57 = arith.muli %arg0, %mul3A_56 : i32
    %add3A_58 = arith.addi %mul3A_57, %mul3A_0 : i32
    %add3A_59 = arith.constant 384 : i32
    %add3A_60 = arith.addi %add3A_58, %add3A_59 : i32
    "tpu.region"() ({
      %run_scoped3A_68 = tpu.sem_alloc : memref<!tpu.dma_semaphore, #tpu.memory_space<semaphore_mem>>
      %dma_start3A_69 = arith.constant 0 : i32
      %dma_start3A_70 = arith.constant 0 : i32
      %dma_start3A_71 = tpu.memref_slice %arg7[%dma_start3A_69, %dma_start3A_70] : memref<256x128xf32, #tpu.memory_space<vmem>> -> memref<128x128xf32, #tpu.memory_space<vmem>>
      %dma_start3A_72 = arith.constant 0 : i32
      %dma_start3A_73 = tpu.memref_slice %arg5[%add3A_60, %dma_start3A_72] : memref<20224x128xf32, #tpu.memory_space<hbm>> -> memref<128x128xf32, #tpu.memory_space<hbm>>
      %dma_start3A_74 = arith.constant 0 : i32
      %dma_start3A_75 = tpu.memref_slice %arg5[%add3A_60, %dma_start3A_74] : memref<20224x128xf32, #tpu.memory_space<hbm>> -> memref<128x128xf32, #tpu.memory_space<hbm>>
      %dma_start3A_76 = arith.constant 0 : i32
      %dma_start3A_77 = arith.constant 0 : i32
      %dma_start3A_78 = tpu.memref_slice %arg7[%dma_start3A_76, %dma_start3A_77] : memref<256x128xf32, #tpu.memory_space<vmem>> -> memref<128x128xf32, #tpu.memory_space<vmem>>
      tpu.enqueue_dma source(%dma_start3A_78 : memref<128x128xf32, #tpu.memory_space<vmem>>) target(%dma_start3A_75 : memref<128x128xf32, #tpu.memory_space<hbm>>) target_semaphore(%run_scoped3A_68 : memref<!tpu.dma_semaphore, #tpu.memory_space<semaphore_mem>>)
      %dma_wait3A = arith.constant 0 : i32
      %dma_wait3A_79 = arith.constant 0 : i32
      %dma_wait3A_80 = tpu.memref_slice %arg7[%dma_wait3A, %dma_wait3A_79] : memref<256x128xf32, #tpu.memory_space<vmem>> -> memref<128x128xf32, #tpu.memory_space<vmem>>
      %dma_wait3A_81 = arith.constant 0 : i32
      %dma_wait3A_82 = tpu.memref_slice %arg5[%add3A_60, %dma_wait3A_81] : memref<20224x128xf32, #tpu.memory_space<hbm>> -> memref<128x128xf32, #tpu.memory_space<hbm>>
      %dma_wait3A_83 = arith.constant 0 : i32
      %dma_wait3A_84 = tpu.memref_slice %arg5[%add3A_60, %dma_wait3A_83] : memref<20224x128xf32, #tpu.memory_space<hbm>> -> memref<128x128xf32, #tpu.memory_space<hbm>>
      %dma_wait3A_85 = arith.constant 0 : i32
      %dma_wait3A_86 = arith.constant 0 : i32
      %dma_wait3A_87 = tpu.memref_slice %arg7[%dma_wait3A_85, %dma_wait3A_86] : memref<256x128xf32, #tpu.memory_space<vmem>> -> memref<128x128xf32, #tpu.memory_space<vmem>>
      tpu.wait_dma2 semaphore(%run_scoped3A_68 : memref<!tpu.dma_semaphore, #tpu.memory_space<semaphore_mem>>) src(%dma_wait3A_87 : memref<128x128xf32, #tpu.memory_space<vmem>>) dst(%dma_wait3A_84 : memref<128x128xf32, #tpu.memory_space<hbm>>)
      tpu.yield
    }) : () -> ()
    %add3A_61 = arith.constant 512 : i32
    %add3A_62 = arith.addi %mul3A_0, %add3A_61 : i32
    "tpu.region"() ({
      %run_scoped3A_68 = tpu.sem_alloc : memref<!tpu.dma_semaphore, #tpu.memory_space<semaphore_mem>>
      %dma_start3A_69 = arith.constant 0 : i32
      %dma_start3A_70 = arith.constant 0 : i32
      %dma_start3A_71 = tpu.memref_slice %arg7[%dma_start3A_69, %dma_start3A_70] : memref<256x128xf32, #tpu.memory_space<vmem>> -> memref<120x128xf32, #tpu.memory_space<vmem>>
      %dma_start3A_72 = arith.constant 0 : i32
      %dma_start3A_73 = tpu.memref_slice %arg8[%add3A_62, %dma_start3A_72] : memref<10112x128xf32, #tpu.memory_space<vmem_shared>> -> memref<120x128xf32, #tpu.memory_space<vmem_shared>>
      %dma_start3A_74 = arith.constant 0 : i32
      %dma_start3A_75 = arith.constant 0 : i32
      %dma_start3A_76 = tpu.memref_slice %arg7[%dma_start3A_74, %dma_start3A_75] : memref<256x128xf32, #tpu.memory_space<vmem>> -> memref<120x128xf32, #tpu.memory_space<vmem>>
      %dma_start3A_77 = arith.constant 0 : i32
      %dma_start3A_78 = tpu.memref_slice %arg8[%add3A_62, %dma_start3A_77] : memref<10112x128xf32, #tpu.memory_space<vmem_shared>> -> memref<120x128xf32, #tpu.memory_space<vmem_shared>>
      tpu.enqueue_dma source(%dma_start3A_78 : memref<120x128xf32, #tpu.memory_space<vmem_shared>>) target(%dma_start3A_76 : memref<120x128xf32, #tpu.memory_space<vmem>>) target_semaphore(%run_scoped3A_68 : memref<!tpu.dma_semaphore, #tpu.memory_space<semaphore_mem>>)
      %dma_wait3A = arith.constant 0 : i32
      %dma_wait3A_79 = arith.constant 0 : i32
      %dma_wait3A_80 = tpu.memref_slice %arg7[%dma_wait3A, %dma_wait3A_79] : memref<256x128xf32, #tpu.memory_space<vmem>> -> memref<120x128xf32, #tpu.memory_space<vmem>>
      %dma_wait3A_81 = arith.constant 0 : i32
      %dma_wait3A_82 = tpu.memref_slice %arg8[%add3A_62, %dma_wait3A_81] : memref<10112x128xf32, #tpu.memory_space<vmem_shared>> -> memref<120x128xf32, #tpu.memory_space<vmem_shared>>
      %dma_wait3A_83 = arith.constant 0 : i32
      %dma_wait3A_84 = arith.constant 0 : i32
      %dma_wait3A_85 = tpu.memref_slice %arg7[%dma_wait3A_83, %dma_wait3A_84] : memref<256x128xf32, #tpu.memory_space<vmem>> -> memref<120x128xf32, #tpu.memory_space<vmem>>
      %dma_wait3A_86 = arith.constant 0 : i32
      %dma_wait3A_87 = tpu.memref_slice %arg8[%add3A_62, %dma_wait3A_86] : memref<10112x128xf32, #tpu.memory_space<vmem_shared>> -> memref<120x128xf32, #tpu.memory_space<vmem_shared>>
      tpu.wait_dma2 semaphore(%run_scoped3A_68 : memref<!tpu.dma_semaphore, #tpu.memory_space<semaphore_mem>>) src(%dma_wait3A_87 : memref<120x128xf32, #tpu.memory_space<vmem_shared>>) dst(%dma_wait3A_85 : memref<120x128xf32, #tpu.memory_space<vmem>>)
      tpu.yield
    }) : () -> ()
    %mul3A_63 = arith.constant 10112 : i32
    %mul3A_64 = arith.muli %arg0, %mul3A_63 : i32
    %add3A_65 = arith.addi %mul3A_64, %mul3A_0 : i32
    %add3A_66 = arith.constant 512 : i32
    %add3A_67 = arith.addi %add3A_65, %add3A_66 : i32
    "tpu.region"() ({
      %run_scoped3A_68 = tpu.sem_alloc : memref<!tpu.dma_semaphore, #tpu.memory_space<semaphore_mem>>
      %dma_start3A_69 = arith.constant 0 : i32
      %dma_start3A_70 = arith.constant 0 : i32
      %dma_start3A_71 = tpu.memref_slice %arg7[%dma_start3A_69, %dma_start3A_70] : memref<256x128xf32, #tpu.memory_space<vmem>> -> memref<120x128xf32, #tpu.memory_space<vmem>>
      %dma_start3A_72 = arith.constant 0 : i32
      %dma_start3A_73 = tpu.memref_slice %arg5[%add3A_67, %dma_start3A_72] : memref<20224x128xf32, #tpu.memory_space<hbm>> -> memref<120x128xf32, #tpu.memory_space<hbm>>
      %dma_start3A_74 = arith.constant 0 : i32
      %dma_start3A_75 = tpu.memref_slice %arg5[%add3A_67, %dma_start3A_74] : memref<20224x128xf32, #tpu.memory_space<hbm>> -> memref<120x128xf32, #tpu.memory_space<hbm>>
      %dma_start3A_76 = arith.constant 0 : i32
      %dma_start3A_77 = arith.constant 0 : i32
      %dma_start3A_78 = tpu.memref_slice %arg7[%dma_start3A_76, %dma_start3A_77] : memref<256x128xf32, #tpu.memory_space<vmem>> -> memref<120x128xf32, #tpu.memory_space<vmem>>
      tpu.enqueue_dma source(%dma_start3A_78 : memref<120x128xf32, #tpu.memory_space<vmem>>) target(%dma_start3A_75 : memref<120x128xf32, #tpu.memory_space<hbm>>) target_semaphore(%run_scoped3A_68 : memref<!tpu.dma_semaphore, #tpu.memory_space<semaphore_mem>>)
      %dma_wait3A = arith.constant 0 : i32
      %dma_wait3A_79 = arith.constant 0 : i32
      %dma_wait3A_80 = tpu.memref_slice %arg7[%dma_wait3A, %dma_wait3A_79] : memref<256x128xf32, #tpu.memory_space<vmem>> -> memref<120x128xf32, #tpu.memory_space<vmem>>
      %dma_wait3A_81 = arith.constant 0 : i32
      %dma_wait3A_82 = tpu.memref_slice %arg5[%add3A_67, %dma_wait3A_81] : memref<20224x128xf32, #tpu.memory_space<hbm>> -> memref<120x128xf32, #tpu.memory_space<hbm>>
      %dma_wait3A_83 = arith.constant 0 : i32
      %dma_wait3A_84 = tpu.memref_slice %arg5[%add3A_67, %dma_wait3A_83] : memref<20224x128xf32, #tpu.memory_space<hbm>> -> memref<120x128xf32, #tpu.memory_space<hbm>>
      %dma_wait3A_85 = arith.constant 0 : i32
      %dma_wait3A_86 = arith.constant 0 : i32
      %dma_wait3A_87 = tpu.memref_slice %arg7[%dma_wait3A_85, %dma_wait3A_86] : memref<256x128xf32, #tpu.memory_space<vmem>> -> memref<120x128xf32, #tpu.memory_space<vmem>>
      tpu.wait_dma2 semaphore(%run_scoped3A_68 : memref<!tpu.dma_semaphore, #tpu.memory_space<semaphore_mem>>) src(%dma_wait3A_87 : memref<120x128xf32, #tpu.memory_space<vmem>>) dst(%dma_wait3A_84 : memref<120x128xf32, #tpu.memory_space<hbm>>)
      tpu.yield
    }) : () -> ()
    return
  }
}

#map = affine_map<(d0, d1) -> (0, 0)>
#map1 = affine_map<(d0, d1) -> (0, 0, 0)>
module attributes {stable_mosaic.version = 14 : i64} {
  func.func @_sc_body(%arg0: i32, %arg1: i32, %arg2: memref<20000x128xf32, #tpu.memory_space<hbm>>, %arg3: memref<5056x2x128xi32, #tpu.memory_space<hbm>>, %arg4: memref<128x128xf32, #tpu.memory_space<hbm>>, %arg5: memref<20224x128xf32, #tpu.memory_space<hbm>>, %arg6: memref<2x2x128xi32, #tpu.memory_space<vmem>>, %arg7: memref<256x128xf32, #tpu.memory_space<vmem>>, %arg8: memref<10112x128xf32, #tpu.memory_space<vmem_shared>>, %arg9: memref<!tpu.dma_semaphore, #tpu.memory_space<semaphore_mem>>, %arg10: memref<!tpu.dma_semaphore, #tpu.memory_space<semaphore_mem>>) attributes {dimension_semantics = [#tpu.dimension_semantics<core_parallel>, #tpu.dimension_semantics<subcore_parallel>], iteration_bounds = array<i64: 2, 16>, scalar_prefetch = 0 : i64, scratch_operands = 5 : i64, tpu.core_type = #tpu.core_type<sc_vector_subcore>, window_params = [{transform_indices = #map}, {transform_indices = #map1}, {transform_indices = #map}, {transform_indices = #map}]} {
    %mul3A = arith.constant 632 : i32
    %mul3A_0 = arith.muli %arg1, %mul3A : i32
    "tpu.region"() ({
      %run_scoped3A_68 = tpu.sem_alloc : memref<!tpu.dma_semaphore, #tpu.memory_space<semaphore_mem>>
      %dma_start3A_69 = arith.constant 0 : i32
      %dma_start3A_70 = arith.constant 0 : i32
      %dma_start3A_71 = tpu.memref_slice %arg7[%dma_start3A_69, %dma_start3A_70] : memref<256x128xf32, #tpu.memory_space<vmem>> -> memref<128x128xf32, #tpu.memory_space<vmem>>
      %dma_start3A_72 = arith.constant 0 : i32
      %dma_start3A_73 = arith.constant 0 : i32
      %dma_start3A_74 = tpu.memref_slice %arg7[%dma_start3A_72, %dma_start3A_73] : memref<256x128xf32, #tpu.memory_space<vmem>> -> memref<128x128xf32, #tpu.memory_space<vmem>>
      tpu.enqueue_dma source(%arg4 : memref<128x128xf32, #tpu.memory_space<hbm>>) target(%dma_start3A_74 : memref<128x128xf32, #tpu.memory_space<vmem>>) target_semaphore(%run_scoped3A_68 : memref<!tpu.dma_semaphore, #tpu.memory_space<semaphore_mem>>)
      %dma_wait3A = arith.constant 0 : i32
      %dma_wait3A_75 = arith.constant 0 : i32
      %dma_wait3A_76 = tpu.memref_slice %arg7[%dma_wait3A, %dma_wait3A_75] : memref<256x128xf32, #tpu.memory_space<vmem>> -> memref<128x128xf32, #tpu.memory_space<vmem>>
      %dma_wait3A_77 = arith.constant 0 : i32
      %dma_wait3A_78 = arith.constant 0 : i32
      %dma_wait3A_79 = tpu.memref_slice %arg7[%dma_wait3A_77, %dma_wait3A_78] : memref<256x128xf32, #tpu.memory_space<vmem>> -> memref<128x128xf32, #tpu.memory_space<vmem>>
      tpu.wait_dma2 semaphore(%run_scoped3A_68 : memref<!tpu.dma_semaphore, #tpu.memory_space<semaphore_mem>>) src(%arg4 : memref<128x128xf32, #tpu.memory_space<hbm>>) dst(%dma_wait3A_79 : memref<128x128xf32, #tpu.memory_space<vmem>>)
      tpu.yield
    }) : () -> ()
    %add3A = arith.constant 0 : i32
    %add3A_1 = arith.addi %mul3A_0, %add3A : i32
    "tpu.region"() ({
      %run_scoped3A_68 = tpu.sem_alloc : memref<!tpu.dma_semaphore, #tpu.memory_space<semaphore_mem>>
      %dma_start3A_69 = arith.constant 0 : i32
      %dma_start3A_70 = arith.constant 0 : i32
      %dma_start3A_71 = tpu.memref_slice %arg7[%dma_start3A_69, %dma_start3A_70] : memref<256x128xf32, #tpu.memory_space<vmem>> -> memref<128x128xf32, #tpu.memory_space<vmem>>
      %dma_start3A_72 = arith.constant 0 : i32
      %dma_start3A_73 = tpu.memref_slice %arg8[%add3A_1, %dma_start3A_72] : memref<10112x128xf32, #tpu.memory_space<vmem_shared>> -> memref<128x128xf32, #tpu.memory_space<vmem_shared>>
      %dma_start3A_74 = arith.constant 0 : i32
      %dma_start3A_75 = tpu.memref_slice %arg8[%add3A_1, %dma_start3A_74] : memref<10112x128xf32, #tpu.memory_space<vmem_shared>> -> memref<128x128xf32, #tpu.memory_space<vmem_shared>>
      %dma_start3A_76 = arith.constant 0 : i32
      %dma_start3A_77 = arith.constant 0 : i32
      %dma_start3A_78 = tpu.memref_slice %arg7[%dma_start3A_76, %dma_start3A_77] : memref<256x128xf32, #tpu.memory_space<vmem>> -> memref<128x128xf32, #tpu.memory_space<vmem>>
      tpu.enqueue_dma source(%dma_start3A_78 : memref<128x128xf32, #tpu.memory_space<vmem>>) target(%dma_start3A_75 : memref<128x128xf32, #tpu.memory_space<vmem_shared>>) target_semaphore(%run_scoped3A_68 : memref<!tpu.dma_semaphore, #tpu.memory_space<semaphore_mem>>)
      %dma_wait3A = arith.constant 0 : i32
      %dma_wait3A_79 = arith.constant 0 : i32
      %dma_wait3A_80 = tpu.memref_slice %arg7[%dma_wait3A, %dma_wait3A_79] : memref<256x128xf32, #tpu.memory_space<vmem>> -> memref<128x128xf32, #tpu.memory_space<vmem>>
      %dma_wait3A_81 = arith.constant 0 : i32
      %dma_wait3A_82 = tpu.memref_slice %arg8[%add3A_1, %dma_wait3A_81] : memref<10112x128xf32, #tpu.memory_space<vmem_shared>> -> memref<128x128xf32, #tpu.memory_space<vmem_shared>>
      %dma_wait3A_83 = arith.constant 0 : i32
      %dma_wait3A_84 = tpu.memref_slice %arg8[%add3A_1, %dma_wait3A_83] : memref<10112x128xf32, #tpu.memory_space<vmem_shared>> -> memref<128x128xf32, #tpu.memory_space<vmem_shared>>
      %dma_wait3A_85 = arith.constant 0 : i32
      %dma_wait3A_86 = arith.constant 0 : i32
      %dma_wait3A_87 = tpu.memref_slice %arg7[%dma_wait3A_85, %dma_wait3A_86] : memref<256x128xf32, #tpu.memory_space<vmem>> -> memref<128x128xf32, #tpu.memory_space<vmem>>
      tpu.wait_dma2 semaphore(%run_scoped3A_68 : memref<!tpu.dma_semaphore, #tpu.memory_space<semaphore_mem>>) src(%dma_wait3A_87 : memref<128x128xf32, #tpu.memory_space<vmem>>) dst(%dma_wait3A_84 : memref<128x128xf32, #tpu.memory_space<vmem_shared>>)
      tpu.yield
    }) : () -> ()
    %add3A_2 = arith.constant 128 : i32
    %add3A_3 = arith.addi %mul3A_0, %add3A_2 : i32
    "tpu.region"() ({
      %run_scoped3A_68 = tpu.sem_alloc : memref<!tpu.dma_semaphore, #tpu.memory_space<semaphore_mem>>
      %dma_start3A_69 = arith.constant 0 : i32
      %dma_start3A_70 = arith.constant 0 : i32
      %dma_start3A_71 = tpu.memref_slice %arg7[%dma_start3A_69, %dma_start3A_70] : memref<256x128xf32, #tpu.memory_space<vmem>> -> memref<128x128xf32, #tpu.memory_space<vmem>>
      %dma_start3A_72 = arith.constant 0 : i32
      %dma_start3A_73 = tpu.memref_slice %arg8[%add3A_3, %dma_start3A_72] : memref<10112x128xf32, #tpu.memory_space<vmem_shared>> -> memref<128x128xf32, #tpu.memory_space<vmem_shared>>
      %dma_start3A_74 = arith.constant 0 : i32
      %dma_start3A_75 = tpu.memref_slice %arg8[%add3A_3, %dma_start3A_74] : memref<10112x128xf32, #tpu.memory_space<vmem_shared>> -> memref<128x128xf32, #tpu.memory_space<vmem_shared>>
      %dma_start3A_76 = arith.constant 0 : i32
      %dma_start3A_77 = arith.constant 0 : i32
      %dma_start3A_78 = tpu.memref_slice %arg7[%dma_start3A_76, %dma_start3A_77] : memref<256x128xf32, #tpu.memory_space<vmem>> -> memref<128x128xf32, #tpu.memory_space<vmem>>
      tpu.enqueue_dma source(%dma_start3A_78 : memref<128x128xf32, #tpu.memory_space<vmem>>) target(%dma_start3A_75 : memref<128x128xf32, #tpu.memory_space<vmem_shared>>) target_semaphore(%run_scoped3A_68 : memref<!tpu.dma_semaphore, #tpu.memory_space<semaphore_mem>>)
      %dma_wait3A = arith.constant 0 : i32
      %dma_wait3A_79 = arith.constant 0 : i32
      %dma_wait3A_80 = tpu.memref_slice %arg7[%dma_wait3A, %dma_wait3A_79] : memref<256x128xf32, #tpu.memory_space<vmem>> -> memref<128x128xf32, #tpu.memory_space<vmem>>
      %dma_wait3A_81 = arith.constant 0 : i32
      %dma_wait3A_82 = tpu.memref_slice %arg8[%add3A_3, %dma_wait3A_81] : memref<10112x128xf32, #tpu.memory_space<vmem_shared>> -> memref<128x128xf32, #tpu.memory_space<vmem_shared>>
      %dma_wait3A_83 = arith.constant 0 : i32
      %dma_wait3A_84 = tpu.memref_slice %arg8[%add3A_3, %dma_wait3A_83] : memref<10112x128xf32, #tpu.memory_space<vmem_shared>> -> memref<128x128xf32, #tpu.memory_space<vmem_shared>>
      %dma_wait3A_85 = arith.constant 0 : i32
      %dma_wait3A_86 = arith.constant 0 : i32
      %dma_wait3A_87 = tpu.memref_slice %arg7[%dma_wait3A_85, %dma_wait3A_86] : memref<256x128xf32, #tpu.memory_space<vmem>> -> memref<128x128xf32, #tpu.memory_space<vmem>>
      tpu.wait_dma2 semaphore(%run_scoped3A_68 : memref<!tpu.dma_semaphore, #tpu.memory_space<semaphore_mem>>) src(%dma_wait3A_87 : memref<128x128xf32, #tpu.memory_space<vmem>>) dst(%dma_wait3A_84 : memref<128x128xf32, #tpu.memory_space<vmem_shared>>)
      tpu.yield
    }) : () -> ()
    %add3A_4 = arith.constant 256 : i32
    %add3A_5 = arith.addi %mul3A_0, %add3A_4 : i32
    "tpu.region"() ({
      %run_scoped3A_68 = tpu.sem_alloc : memref<!tpu.dma_semaphore, #tpu.memory_space<semaphore_mem>>
      %dma_start3A_69 = arith.constant 0 : i32
      %dma_start3A_70 = arith.constant 0 : i32
      %dma_start3A_71 = tpu.memref_slice %arg7[%dma_start3A_69, %dma_start3A_70] : memref<256x128xf32, #tpu.memory_space<vmem>> -> memref<128x128xf32, #tpu.memory_space<vmem>>
      %dma_start3A_72 = arith.constant 0 : i32
      %dma_start3A_73 = tpu.memref_slice %arg8[%add3A_5, %dma_start3A_72] : memref<10112x128xf32, #tpu.memory_space<vmem_shared>> -> memref<128x128xf32, #tpu.memory_space<vmem_shared>>
      %dma_start3A_74 = arith.constant 0 : i32
      %dma_start3A_75 = tpu.memref_slice %arg8[%add3A_5, %dma_start3A_74] : memref<10112x128xf32, #tpu.memory_space<vmem_shared>> -> memref<128x128xf32, #tpu.memory_space<vmem_shared>>
      %dma_start3A_76 = arith.constant 0 : i32
      %dma_start3A_77 = arith.constant 0 : i32
      %dma_start3A_78 = tpu.memref_slice %arg7[%dma_start3A_76, %dma_start3A_77] : memref<256x128xf32, #tpu.memory_space<vmem>> -> memref<128x128xf32, #tpu.memory_space<vmem>>
      tpu.enqueue_dma source(%dma_start3A_78 : memref<128x128xf32, #tpu.memory_space<vmem>>) target(%dma_start3A_75 : memref<128x128xf32, #tpu.memory_space<vmem_shared>>) target_semaphore(%run_scoped3A_68 : memref<!tpu.dma_semaphore, #tpu.memory_space<semaphore_mem>>)
      %dma_wait3A = arith.constant 0 : i32
      %dma_wait3A_79 = arith.constant 0 : i32
      %dma_wait3A_80 = tpu.memref_slice %arg7[%dma_wait3A, %dma_wait3A_79] : memref<256x128xf32, #tpu.memory_space<vmem>> -> memref<128x128xf32, #tpu.memory_space<vmem>>
      %dma_wait3A_81 = arith.constant 0 : i32
      %dma_wait3A_82 = tpu.memref_slice %arg8[%add3A_5, %dma_wait3A_81] : memref<10112x128xf32, #tpu.memory_space<vmem_shared>> -> memref<128x128xf32, #tpu.memory_space<vmem_shared>>
      %dma_wait3A_83 = arith.constant 0 : i32
      %dma_wait3A_84 = tpu.memref_slice %arg8[%add3A_5, %dma_wait3A_83] : memref<10112x128xf32, #tpu.memory_space<vmem_shared>> -> memref<128x128xf32, #tpu.memory_space<vmem_shared>>
      %dma_wait3A_85 = arith.constant 0 : i32
      %dma_wait3A_86 = arith.constant 0 : i32
      %dma_wait3A_87 = tpu.memref_slice %arg7[%dma_wait3A_85, %dma_wait3A_86] : memref<256x128xf32, #tpu.memory_space<vmem>> -> memref<128x128xf32, #tpu.memory_space<vmem>>
      tpu.wait_dma2 semaphore(%run_scoped3A_68 : memref<!tpu.dma_semaphore, #tpu.memory_space<semaphore_mem>>) src(%dma_wait3A_87 : memref<128x128xf32, #tpu.memory_space<vmem>>) dst(%dma_wait3A_84 : memref<128x128xf32, #tpu.memory_space<vmem_shared>>)
      tpu.yield
    }) : () -> ()
    %add3A_6 = arith.constant 384 : i32
    %add3A_7 = arith.addi %mul3A_0, %add3A_6 : i32
    "tpu.region"() ({
      %run_scoped3A_68 = tpu.sem_alloc : memref<!tpu.dma_semaphore, #tpu.memory_space<semaphore_mem>>
      %dma_start3A_69 = arith.constant 0 : i32
      %dma_start3A_70 = arith.constant 0 : i32
      %dma_start3A_71 = tpu.memref_slice %arg7[%dma_start3A_69, %dma_start3A_70] : memref<256x128xf32, #tpu.memory_space<vmem>> -> memref<128x128xf32, #tpu.memory_space<vmem>>
      %dma_start3A_72 = arith.constant 0 : i32
      %dma_start3A_73 = tpu.memref_slice %arg8[%add3A_7, %dma_start3A_72] : memref<10112x128xf32, #tpu.memory_space<vmem_shared>> -> memref<128x128xf32, #tpu.memory_space<vmem_shared>>
      %dma_start3A_74 = arith.constant 0 : i32
      %dma_start3A_75 = tpu.memref_slice %arg8[%add3A_7, %dma_start3A_74] : memref<10112x128xf32, #tpu.memory_space<vmem_shared>> -> memref<128x128xf32, #tpu.memory_space<vmem_shared>>
      %dma_start3A_76 = arith.constant 0 : i32
      %dma_start3A_77 = arith.constant 0 : i32
      %dma_start3A_78 = tpu.memref_slice %arg7[%dma_start3A_76, %dma_start3A_77] : memref<256x128xf32, #tpu.memory_space<vmem>> -> memref<128x128xf32, #tpu.memory_space<vmem>>
      tpu.enqueue_dma source(%dma_start3A_78 : memref<128x128xf32, #tpu.memory_space<vmem>>) target(%dma_start3A_75 : memref<128x128xf32, #tpu.memory_space<vmem_shared>>) target_semaphore(%run_scoped3A_68 : memref<!tpu.dma_semaphore, #tpu.memory_space<semaphore_mem>>)
      %dma_wait3A = arith.constant 0 : i32
      %dma_wait3A_79 = arith.constant 0 : i32
      %dma_wait3A_80 = tpu.memref_slice %arg7[%dma_wait3A, %dma_wait3A_79] : memref<256x128xf32, #tpu.memory_space<vmem>> -> memref<128x128xf32, #tpu.memory_space<vmem>>
      %dma_wait3A_81 = arith.constant 0 : i32
      %dma_wait3A_82 = tpu.memref_slice %arg8[%add3A_7, %dma_wait3A_81] : memref<10112x128xf32, #tpu.memory_space<vmem_shared>> -> memref<128x128xf32, #tpu.memory_space<vmem_shared>>
      %dma_wait3A_83 = arith.constant 0 : i32
      %dma_wait3A_84 = tpu.memref_slice %arg8[%add3A_7, %dma_wait3A_83] : memref<10112x128xf32, #tpu.memory_space<vmem_shared>> -> memref<128x128xf32, #tpu.memory_space<vmem_shared>>
      %dma_wait3A_85 = arith.constant 0 : i32
      %dma_wait3A_86 = arith.constant 0 : i32
      %dma_wait3A_87 = tpu.memref_slice %arg7[%dma_wait3A_85, %dma_wait3A_86] : memref<256x128xf32, #tpu.memory_space<vmem>> -> memref<128x128xf32, #tpu.memory_space<vmem>>
      tpu.wait_dma2 semaphore(%run_scoped3A_68 : memref<!tpu.dma_semaphore, #tpu.memory_space<semaphore_mem>>) src(%dma_wait3A_87 : memref<128x128xf32, #tpu.memory_space<vmem>>) dst(%dma_wait3A_84 : memref<128x128xf32, #tpu.memory_space<vmem_shared>>)
      tpu.yield
    }) : () -> ()
    %add3A_8 = arith.constant 512 : i32
    %add3A_9 = arith.addi %mul3A_0, %add3A_8 : i32
    "tpu.region"() ({
      %run_scoped3A_68 = tpu.sem_alloc : memref<!tpu.dma_semaphore, #tpu.memory_space<semaphore_mem>>
      %dma_start3A_69 = arith.constant 0 : i32
      %dma_start3A_70 = arith.constant 0 : i32
      %dma_start3A_71 = tpu.memref_slice %arg7[%dma_start3A_69, %dma_start3A_70] : memref<256x128xf32, #tpu.memory_space<vmem>> -> memref<120x128xf32, #tpu.memory_space<vmem>>
      %dma_start3A_72 = arith.constant 0 : i32
      %dma_start3A_73 = tpu.memref_slice %arg8[%add3A_9, %dma_start3A_72] : memref<10112x128xf32, #tpu.memory_space<vmem_shared>> -> memref<120x128xf32, #tpu.memory_space<vmem_shared>>
      %dma_start3A_74 = arith.constant 0 : i32
      %dma_start3A_75 = tpu.memref_slice %arg8[%add3A_9, %dma_start3A_74] : memref<10112x128xf32, #tpu.memory_space<vmem_shared>> -> memref<120x128xf32, #tpu.memory_space<vmem_shared>>
      %dma_start3A_76 = arith.constant 0 : i32
      %dma_start3A_77 = arith.constant 0 : i32
      %dma_start3A_78 = tpu.memref_slice %arg7[%dma_start3A_76, %dma_start3A_77] : memref<256x128xf32, #tpu.memory_space<vmem>> -> memref<120x128xf32, #tpu.memory_space<vmem>>
      tpu.enqueue_dma source(%dma_start3A_78 : memref<120x128xf32, #tpu.memory_space<vmem>>) target(%dma_start3A_75 : memref<120x128xf32, #tpu.memory_space<vmem_shared>>) target_semaphore(%run_scoped3A_68 : memref<!tpu.dma_semaphore, #tpu.memory_space<semaphore_mem>>)
      %dma_wait3A = arith.constant 0 : i32
      %dma_wait3A_79 = arith.constant 0 : i32
      %dma_wait3A_80 = tpu.memref_slice %arg7[%dma_wait3A, %dma_wait3A_79] : memref<256x128xf32, #tpu.memory_space<vmem>> -> memref<120x128xf32, #tpu.memory_space<vmem>>
      %dma_wait3A_81 = arith.constant 0 : i32
      %dma_wait3A_82 = tpu.memref_slice %arg8[%add3A_9, %dma_wait3A_81] : memref<10112x128xf32, #tpu.memory_space<vmem_shared>> -> memref<120x128xf32, #tpu.memory_space<vmem_shared>>
      %dma_wait3A_83 = arith.constant 0 : i32
      %dma_wait3A_84 = tpu.memref_slice %arg8[%add3A_9, %dma_wait3A_83] : memref<10112x128xf32, #tpu.memory_space<vmem_shared>> -> memref<120x128xf32, #tpu.memory_space<vmem_shared>>
      %dma_wait3A_85 = arith.constant 0 : i32
      %dma_wait3A_86 = arith.constant 0 : i32
      %dma_wait3A_87 = tpu.memref_slice %arg7[%dma_wait3A_85, %dma_wait3A_86] : memref<256x128xf32, #tpu.memory_space<vmem>> -> memref<120x128xf32, #tpu.memory_space<vmem>>
      tpu.wait_dma2 semaphore(%run_scoped3A_68 : memref<!tpu.dma_semaphore, #tpu.memory_space<semaphore_mem>>) src(%dma_wait3A_87 : memref<120x128xf32, #tpu.memory_space<vmem>>) dst(%dma_wait3A_84 : memref<120x128xf32, #tpu.memory_space<vmem_shared>>)
      tpu.yield
    }) : () -> ()
    %barrier3A = arith.constant 0 : index
    tpu.barrier barrier_id(%barrier3A)
    %mul3A_10 = arith.constant 2528 : i32
    %mul3A_11 = arith.muli %arg0, %mul3A_10 : i32
    %mul3A_12 = arith.constant 158 : i32
    %mul3A_13 = arith.muli %arg1, %mul3A_12 : i32
    %add3A_14 = arith.addi %mul3A_11, %mul3A_13 : i32
    %add3A_15 = arith.constant 0 : i32
    %add3A_16 = arith.addi %add3A_14, %add3A_15 : i32
    %run_scoped3A = arith.constant 0 : i32
    "tpu.region"() ({
      %run_scoped3A_68 = tpu.sem_alloc : memref<!tpu.dma_semaphore, #tpu.memory_space<semaphore_mem>>
      %dma_start3A_69 = arith.constant 0 : i32
      %dma_start3A_70 = arith.constant 0 : i32
      %dma_start3A_71 = tpu.memref_slice %arg6[%run_scoped3A, %dma_start3A_69, %dma_start3A_70] : memref<2x2x128xi32, #tpu.memory_space<vmem>> -> memref<1x2x128xi32, #tpu.memory_space<vmem>>
      %dma_start3A_72 = tpu.memref_squeeze %dma_start3A_71 : memref<1x2x128xi32, #tpu.memory_space<vmem>> -> memref<2x128xi32, #tpu.memory_space<vmem>>
      %dma_start3A_73 = arith.constant 0 : i32
      %dma_start3A_74 = arith.constant 0 : i32
      %dma_start3A_75 = tpu.memref_slice %arg3[%add3A_16, %dma_start3A_73, %dma_start3A_74] : memref<5056x2x128xi32, #tpu.memory_space<hbm>> -> memref<1x2x128xi32, #tpu.memory_space<hbm>>
      %dma_start3A_76 = tpu.memref_squeeze %dma_start3A_75 : memref<1x2x128xi32, #tpu.memory_space<hbm>> -> memref<2x128xi32, #tpu.memory_space<hbm>>
      %dma_start3A_77 = arith.constant 0 : i32
      %dma_start3A_78 = arith.constant 0 : i32
      %dma_start3A_79 = tpu.memref_slice %arg6[%run_scoped3A, %dma_start3A_77, %dma_start3A_78] : memref<2x2x128xi32, #tpu.memory_space<vmem>> -> memref<1x2x128xi32, #tpu.memory_space<vmem>>
      %dma_start3A_80 = tpu.memref_squeeze %dma_start3A_79 : memref<1x2x128xi32, #tpu.memory_space<vmem>> -> memref<2x128xi32, #tpu.memory_space<vmem>>
      %dma_start3A_81 = arith.constant 0 : i32
      %dma_start3A_82 = arith.constant 0 : i32
      %dma_start3A_83 = tpu.memref_slice %arg3[%add3A_16, %dma_start3A_81, %dma_start3A_82] : memref<5056x2x128xi32, #tpu.memory_space<hbm>> -> memref<1x2x128xi32, #tpu.memory_space<hbm>>
      %dma_start3A_84 = tpu.memref_squeeze %dma_start3A_83 : memref<1x2x128xi32, #tpu.memory_space<hbm>> -> memref<2x128xi32, #tpu.memory_space<hbm>>
      tpu.enqueue_dma source(%dma_start3A_84 : memref<2x128xi32, #tpu.memory_space<hbm>>) target(%dma_start3A_80 : memref<2x128xi32, #tpu.memory_space<vmem>>) target_semaphore(%run_scoped3A_68 : memref<!tpu.dma_semaphore, #tpu.memory_space<semaphore_mem>>)
      %dma_wait3A = arith.constant 0 : i32
      %dma_wait3A_85 = arith.constant 0 : i32
      %dma_wait3A_86 = tpu.memref_slice %arg6[%run_scoped3A, %dma_wait3A, %dma_wait3A_85] : memref<2x2x128xi32, #tpu.memory_space<vmem>> -> memref<1x2x128xi32, #tpu.memory_space<vmem>>
      %dma_wait3A_87 = tpu.memref_squeeze %dma_wait3A_86 : memref<1x2x128xi32, #tpu.memory_space<vmem>> -> memref<2x128xi32, #tpu.memory_space<vmem>>
      %dma_wait3A_88 = arith.constant 0 : i32
      %dma_wait3A_89 = arith.constant 0 : i32
      %dma_wait3A_90 = tpu.memref_slice %arg3[%add3A_16, %dma_wait3A_88, %dma_wait3A_89] : memref<5056x2x128xi32, #tpu.memory_space<hbm>> -> memref<1x2x128xi32, #tpu.memory_space<hbm>>
      %dma_wait3A_91 = tpu.memref_squeeze %dma_wait3A_90 : memref<1x2x128xi32, #tpu.memory_space<hbm>> -> memref<2x128xi32, #tpu.memory_space<hbm>>
      %dma_wait3A_92 = arith.constant 0 : i32
      %dma_wait3A_93 = arith.constant 0 : i32
      %dma_wait3A_94 = tpu.memref_slice %arg6[%run_scoped3A, %dma_wait3A_92, %dma_wait3A_93] : memref<2x2x128xi32, #tpu.memory_space<vmem>> -> memref<1x2x128xi32, #tpu.memory_space<vmem>>
      %dma_wait3A_95 = tpu.memref_squeeze %dma_wait3A_94 : memref<1x2x128xi32, #tpu.memory_space<vmem>> -> memref<2x128xi32, #tpu.memory_space<vmem>>
      %dma_wait3A_96 = arith.constant 0 : i32
      %dma_wait3A_97 = arith.constant 0 : i32
      %dma_wait3A_98 = tpu.memref_slice %arg3[%add3A_16, %dma_wait3A_96, %dma_wait3A_97] : memref<5056x2x128xi32, #tpu.memory_space<hbm>> -> memref<1x2x128xi32, #tpu.memory_space<hbm>>
      %dma_wait3A_99 = tpu.memref_squeeze %dma_wait3A_98 : memref<1x2x128xi32, #tpu.memory_space<hbm>> -> memref<2x128xi32, #tpu.memory_space<hbm>>
      tpu.wait_dma2 semaphore(%run_scoped3A_68 : memref<!tpu.dma_semaphore, #tpu.memory_space<semaphore_mem>>) src(%dma_wait3A_99 : memref<2x128xi32, #tpu.memory_space<hbm>>) dst(%dma_wait3A_95 : memref<2x128xi32, #tpu.memory_space<vmem>>)
      tpu.yield
    }) : () -> ()
    %dma_start3A = arith.constant 0 : i32
    %dma_start3A_17 = arith.constant 0 : i32
    %dma_start3A_18 = arith.constant 0 : i32
    %dma_start3A_19 = arith.constant 0 : i32
    %dma_start3A_20 = tpu.memref_slice %arg7[%dma_start3A_18, %dma_start3A_19] : memref<256x128xf32, #tpu.memory_space<vmem>> -> memref<128x128xf32, #tpu.memory_space<vmem>>
    %dma_start3A_21 = arith.constant 0 : i32
    %dma_start3A_22 = tpu.memref_slice %arg6[%dma_start3A, %dma_start3A_17, %dma_start3A_21] : memref<2x2x128xi32, #tpu.memory_space<vmem>> -> memref<1x1x128xi32, #tpu.memory_space<vmem>>
    %dma_start3A_23 = tpu.memref_squeeze %dma_start3A_22 : memref<1x1x128xi32, #tpu.memory_space<vmem>> -> memref<128xi32, #tpu.memory_space<vmem>>
    %dma_start3A_24 = arith.constant 0 : i32
    %dma_start3A_25 = arith.constant 0 : i32
    %dma_start3A_26 = tpu.memref_slice %arg2[%dma_start3A_24, %dma_start3A_25] : memref<20000x128xf32, #tpu.memory_space<hbm>> -> memref<20000x128xf32, #tpu.memory_space<hbm>>
    tpu.enqueue_indirect_dma source(%dma_start3A_26 : memref<20000x128xf32, #tpu.memory_space<hbm>>) target(%dma_start3A_20 : memref<128x128xf32, #tpu.memory_space<vmem>>) offsets(%dma_start3A_23 : memref<128xi32, #tpu.memory_space<vmem>>) semaphore(%arg9 : memref<!tpu.dma_semaphore, #tpu.memory_space<semaphore_mem>>)
    %scan3A = arith.constant 0 : i32
    %scan3A_27 = arith.constant 0 : i32
    %scan3A_28 = arith.constant 79 : i32
    %scan3A_29 = arith.addi %scan3A_27, %scan3A_28 : i32
    %scan3A_30 = arith.constant 1 : i32
    scf.for %scan3A_68 = %scan3A_27 to %scan3A_29 step %scan3A_30  : i32 {
      %mul3A_69 = arith.constant 2 : i32
      %mul3A_70 = arith.muli %mul3A_69, %scan3A_68 : i32
      %add3A_71 = arith.constant 1 : i32
      %add3A_72 = arith.addi %mul3A_70, %add3A_71 : i32
      %add3A_73 = arith.addi %add3A_14, %add3A_72 : i32
      %run_scoped3A_74 = arith.constant 1 : i32
      "tpu.region"() ({
        %run_scoped3A_117 = tpu.sem_alloc : memref<!tpu.dma_semaphore, #tpu.memory_space<semaphore_mem>>
        %dma_start3A_118 = arith.constant 0 : i32
        %dma_start3A_119 = arith.constant 0 : i32
        %dma_start3A_120 = tpu.memref_slice %arg6[%run_scoped3A_74, %dma_start3A_118, %dma_start3A_119] : memref<2x2x128xi32, #tpu.memory_space<vmem>> -> memref<1x2x128xi32, #tpu.memory_space<vmem>>
        %dma_start3A_121 = tpu.memref_squeeze %dma_start3A_120 : memref<1x2x128xi32, #tpu.memory_space<vmem>> -> memref<2x128xi32, #tpu.memory_space<vmem>>
        %dma_start3A_122 = arith.constant 0 : i32
        %dma_start3A_123 = arith.constant 0 : i32
        %dma_start3A_124 = tpu.memref_slice %arg3[%add3A_73, %dma_start3A_122, %dma_start3A_123] : memref<5056x2x128xi32, #tpu.memory_space<hbm>> -> memref<1x2x128xi32, #tpu.memory_space<hbm>>
        %dma_start3A_125 = tpu.memref_squeeze %dma_start3A_124 : memref<1x2x128xi32, #tpu.memory_space<hbm>> -> memref<2x128xi32, #tpu.memory_space<hbm>>
        %dma_start3A_126 = arith.constant 0 : i32
        %dma_start3A_127 = arith.constant 0 : i32
        %dma_start3A_128 = tpu.memref_slice %arg6[%run_scoped3A_74, %dma_start3A_126, %dma_start3A_127] : memref<2x2x128xi32, #tpu.memory_space<vmem>> -> memref<1x2x128xi32, #tpu.memory_space<vmem>>
        %dma_start3A_129 = tpu.memref_squeeze %dma_start3A_128 : memref<1x2x128xi32, #tpu.memory_space<vmem>> -> memref<2x128xi32, #tpu.memory_space<vmem>>
        %dma_start3A_130 = arith.constant 0 : i32
        %dma_start3A_131 = arith.constant 0 : i32
        %dma_start3A_132 = tpu.memref_slice %arg3[%add3A_73, %dma_start3A_130, %dma_start3A_131] : memref<5056x2x128xi32, #tpu.memory_space<hbm>> -> memref<1x2x128xi32, #tpu.memory_space<hbm>>
        %dma_start3A_133 = tpu.memref_squeeze %dma_start3A_132 : memref<1x2x128xi32, #tpu.memory_space<hbm>> -> memref<2x128xi32, #tpu.memory_space<hbm>>
        tpu.enqueue_dma source(%dma_start3A_133 : memref<2x128xi32, #tpu.memory_space<hbm>>) target(%dma_start3A_129 : memref<2x128xi32, #tpu.memory_space<vmem>>) target_semaphore(%run_scoped3A_117 : memref<!tpu.dma_semaphore, #tpu.memory_space<semaphore_mem>>)
        %dma_wait3A_134 = arith.constant 0 : i32
        %dma_wait3A_135 = arith.constant 0 : i32
        %dma_wait3A_136 = tpu.memref_slice %arg6[%run_scoped3A_74, %dma_wait3A_134, %dma_wait3A_135] : memref<2x2x128xi32, #tpu.memory_space<vmem>> -> memref<1x2x128xi32, #tpu.memory_space<vmem>>
        %dma_wait3A_137 = tpu.memref_squeeze %dma_wait3A_136 : memref<1x2x128xi32, #tpu.memory_space<vmem>> -> memref<2x128xi32, #tpu.memory_space<vmem>>
        %dma_wait3A_138 = arith.constant 0 : i32
        %dma_wait3A_139 = arith.constant 0 : i32
        %dma_wait3A_140 = tpu.memref_slice %arg3[%add3A_73, %dma_wait3A_138, %dma_wait3A_139] : memref<5056x2x128xi32, #tpu.memory_space<hbm>> -> memref<1x2x128xi32, #tpu.memory_space<hbm>>
        %dma_wait3A_141 = tpu.memref_squeeze %dma_wait3A_140 : memref<1x2x128xi32, #tpu.memory_space<hbm>> -> memref<2x128xi32, #tpu.memory_space<hbm>>
        %dma_wait3A_142 = arith.constant 0 : i32
        %dma_wait3A_143 = arith.constant 0 : i32
        %dma_wait3A_144 = tpu.memref_slice %arg6[%run_scoped3A_74, %dma_wait3A_142, %dma_wait3A_143] : memref<2x2x128xi32, #tpu.memory_space<vmem>> -> memref<1x2x128xi32, #tpu.memory_space<vmem>>
        %dma_wait3A_145 = tpu.memref_squeeze %dma_wait3A_144 : memref<1x2x128xi32, #tpu.memory_space<vmem>> -> memref<2x128xi32, #tpu.memory_space<vmem>>
        %dma_wait3A_146 = arith.constant 0 : i32
        %dma_wait3A_147 = arith.constant 0 : i32
        %dma_wait3A_148 = tpu.memref_slice %arg3[%add3A_73, %dma_wait3A_146, %dma_wait3A_147] : memref<5056x2x128xi32, #tpu.memory_space<hbm>> -> memref<1x2x128xi32, #tpu.memory_space<hbm>>
        %dma_wait3A_149 = tpu.memref_squeeze %dma_wait3A_148 : memref<1x2x128xi32, #tpu.memory_space<hbm>> -> memref<2x128xi32, #tpu.memory_space<hbm>>
        tpu.wait_dma2 semaphore(%run_scoped3A_117 : memref<!tpu.dma_semaphore, #tpu.memory_space<semaphore_mem>>) src(%dma_wait3A_149 : memref<2x128xi32, #tpu.memory_space<hbm>>) dst(%dma_wait3A_145 : memref<2x128xi32, #tpu.memory_space<vmem>>)
        tpu.yield
      }) : () -> ()
      %dma_start3A_75 = arith.constant 1 : i32
      %dma_start3A_76 = arith.constant 0 : i32
      %dma_start3A_77 = arith.constant 128 : i32
      %dma_start3A_78 = arith.constant 0 : i32
      %dma_start3A_79 = tpu.memref_slice %arg7[%dma_start3A_77, %dma_start3A_78] : memref<256x128xf32, #tpu.memory_space<vmem>> -> memref<128x128xf32, #tpu.memory_space<vmem>>
      %dma_start3A_80 = arith.constant 0 : i32
      %dma_start3A_81 = tpu.memref_slice %arg6[%dma_start3A_75, %dma_start3A_76, %dma_start3A_80] : memref<2x2x128xi32, #tpu.memory_space<vmem>> -> memref<1x1x128xi32, #tpu.memory_space<vmem>>
      %dma_start3A_82 = tpu.memref_squeeze %dma_start3A_81 : memref<1x1x128xi32, #tpu.memory_space<vmem>> -> memref<128xi32, #tpu.memory_space<vmem>>
      %dma_start3A_83 = arith.constant 0 : i32
      %dma_start3A_84 = arith.constant 0 : i32
      %dma_start3A_85 = tpu.memref_slice %arg2[%dma_start3A_83, %dma_start3A_84] : memref<20000x128xf32, #tpu.memory_space<hbm>> -> memref<20000x128xf32, #tpu.memory_space<hbm>>
      tpu.enqueue_indirect_dma source(%dma_start3A_85 : memref<20000x128xf32, #tpu.memory_space<hbm>>) target(%dma_start3A_79 : memref<128x128xf32, #tpu.memory_space<vmem>>) offsets(%dma_start3A_82 : memref<128xi32, #tpu.memory_space<vmem>>) semaphore(%arg10 : memref<!tpu.dma_semaphore, #tpu.memory_space<semaphore_mem>>)
      %dma_wait3A = arith.constant 0 : i32
      %dma_wait3A_86 = arith.constant 0 : i32
      %dma_wait3A_87 = arith.constant 0 : i32
      %dma_wait3A_88 = arith.constant 0 : i32
      %dma_wait3A_89 = tpu.memref_slice %arg7[%dma_wait3A_87, %dma_wait3A_88] : memref<256x128xf32, #tpu.memory_space<vmem>> -> memref<128x128xf32, #tpu.memory_space<vmem>>
      %dma_wait3A_90 = arith.constant 0 : i32
      %dma_wait3A_91 = tpu.memref_slice %arg6[%dma_wait3A, %dma_wait3A_86, %dma_wait3A_90] : memref<2x2x128xi32, #tpu.memory_space<vmem>> -> memref<1x1x128xi32, #tpu.memory_space<vmem>>
      %dma_wait3A_92 = tpu.memref_squeeze %dma_wait3A_91 : memref<1x1x128xi32, #tpu.memory_space<vmem>> -> memref<128xi32, #tpu.memory_space<vmem>>
      %dma_wait3A_93 = arith.constant 0 : i32
      %dma_wait3A_94 = arith.constant 0 : i32
      %dma_wait3A_95 = tpu.memref_slice %arg2[%dma_wait3A_93, %dma_wait3A_94] : memref<20000x128xf32, #tpu.memory_space<hbm>> -> memref<20000x128xf32, #tpu.memory_space<hbm>>
      tpu.wait_indirect_dma semaphore(%arg9 : memref<!tpu.dma_semaphore, #tpu.memory_space<semaphore_mem>>) src(%dma_wait3A_95 : memref<20000x128xf32, #tpu.memory_space<hbm>>) dst(%dma_wait3A_89 : memref<128x128xf32, #tpu.memory_space<vmem>>)
      %run_scoped3A_96 = arith.constant 0 : i32
      %run_scoped3A_97 = arith.constant 1 : i32
      "tpu.region"() ({
        %run_scoped3A_117 = tpu.sem_alloc : memref<!tpu.dma_semaphore, #tpu.memory_space<semaphore_mem>>
        %dma_start3A_118 = arith.constant 0 : i32
        %dma_start3A_119 = arith.constant 0 : i32
        %dma_start3A_120 = tpu.memref_slice %arg7[%dma_start3A_118, %dma_start3A_119] : memref<256x128xf32, #tpu.memory_space<vmem>> -> memref<128x128xf32, #tpu.memory_space<vmem>>
        %dma_start3A_121 = arith.constant 0 : i32
        %dma_start3A_122 = tpu.memref_slice %arg6[%run_scoped3A_96, %run_scoped3A_97, %dma_start3A_121] : memref<2x2x128xi32, #tpu.memory_space<vmem>> -> memref<1x1x128xi32, #tpu.memory_space<vmem>>
        %dma_start3A_123 = tpu.memref_squeeze %dma_start3A_122 : memref<1x1x128xi32, #tpu.memory_space<vmem>> -> memref<128xi32, #tpu.memory_space<vmem>>
        %dma_start3A_124 = arith.constant 0 : i32
        %dma_start3A_125 = arith.constant 0 : i32
        %dma_start3A_126 = tpu.memref_slice %arg8[%dma_start3A_124, %dma_start3A_125] : memref<10112x128xf32, #tpu.memory_space<vmem_shared>> -> memref<10112x128xf32, #tpu.memory_space<vmem_shared>>
        tpu.enqueue_indirect_dma source(%dma_start3A_120 : memref<128x128xf32, #tpu.memory_space<vmem>>) target(%dma_start3A_126 : memref<10112x128xf32, #tpu.memory_space<vmem_shared>>) offsets(%dma_start3A_123 : memref<128xi32, #tpu.memory_space<vmem>>) semaphore(%run_scoped3A_117 : memref<!tpu.dma_semaphore, #tpu.memory_space<semaphore_mem>>) {add = true}
        %dma_wait3A_127 = arith.constant 0 : i32
        %dma_wait3A_128 = arith.constant 0 : i32
        %dma_wait3A_129 = tpu.memref_slice %arg7[%dma_wait3A_127, %dma_wait3A_128] : memref<256x128xf32, #tpu.memory_space<vmem>> -> memref<128x128xf32, #tpu.memory_space<vmem>>
        %dma_wait3A_130 = arith.constant 0 : i32
        %dma_wait3A_131 = tpu.memref_slice %arg6[%run_scoped3A_96, %run_scoped3A_97, %dma_wait3A_130] : memref<2x2x128xi32, #tpu.memory_space<vmem>> -> memref<1x1x128xi32, #tpu.memory_space<vmem>>
        %dma_wait3A_132 = tpu.memref_squeeze %dma_wait3A_131 : memref<1x1x128xi32, #tpu.memory_space<vmem>> -> memref<128xi32, #tpu.memory_space<vmem>>
        %dma_wait3A_133 = arith.constant 0 : i32
        %dma_wait3A_134 = arith.constant 0 : i32
        %dma_wait3A_135 = tpu.memref_slice %arg8[%dma_wait3A_133, %dma_wait3A_134] : memref<10112x128xf32, #tpu.memory_space<vmem_shared>> -> memref<10112x128xf32, #tpu.memory_space<vmem_shared>>
        tpu.wait_indirect_dma semaphore(%run_scoped3A_117 : memref<!tpu.dma_semaphore, #tpu.memory_space<semaphore_mem>>) src(%dma_wait3A_129 : memref<128x128xf32, #tpu.memory_space<vmem>>) dst(%dma_wait3A_135 : memref<10112x128xf32, #tpu.memory_space<vmem_shared>>)
        tpu.yield
      }) : () -> ()
      %mul3A_98 = arith.constant 2 : i32
      %mul3A_99 = arith.muli %mul3A_98, %scan3A_68 : i32
      %add3A_100 = arith.constant 2 : i32
      %add3A_101 = arith.addi %mul3A_99, %add3A_100 : i32
      %lt3A = arith.constant 158 : i32
      %lt3A_102 = arith.cmpi slt, %add3A_101, %lt3A : i32
      %convert_element_type3A = arith.extui %lt3A_102 : i1 to i32
      %cond3A = arith.constant 0 : i32
      %cond3A_103 = arith.cmpi ne, %convert_element_type3A, %cond3A : i32
      scf.if %cond3A_103 {
        %mul3A_117 = arith.constant 2 : i32
        %mul3A_118 = arith.muli %mul3A_117, %scan3A_68 : i32
        %add3A_119 = arith.constant 2 : i32
        %add3A_120 = arith.addi %mul3A_118, %add3A_119 : i32
        %add3A_121 = arith.addi %add3A_14, %add3A_120 : i32
        %run_scoped3A_122 = arith.constant 0 : i32
        "tpu.region"() ({
          %run_scoped3A_134 = tpu.sem_alloc : memref<!tpu.dma_semaphore, #tpu.memory_space<semaphore_mem>>
          %dma_start3A_135 = arith.constant 0 : i32
          %dma_start3A_136 = arith.constant 0 : i32
          %dma_start3A_137 = tpu.memref_slice %arg6[%run_scoped3A_122, %dma_start3A_135, %dma_start3A_136] : memref<2x2x128xi32, #tpu.memory_space<vmem>> -> memref<1x2x128xi32, #tpu.memory_space<vmem>>
          %dma_start3A_138 = tpu.memref_squeeze %dma_start3A_137 : memref<1x2x128xi32, #tpu.memory_space<vmem>> -> memref<2x128xi32, #tpu.memory_space<vmem>>
          %dma_start3A_139 = arith.constant 0 : i32
          %dma_start3A_140 = arith.constant 0 : i32
          %dma_start3A_141 = tpu.memref_slice %arg3[%add3A_121, %dma_start3A_139, %dma_start3A_140] : memref<5056x2x128xi32, #tpu.memory_space<hbm>> -> memref<1x2x128xi32, #tpu.memory_space<hbm>>
          %dma_start3A_142 = tpu.memref_squeeze %dma_start3A_141 : memref<1x2x128xi32, #tpu.memory_space<hbm>> -> memref<2x128xi32, #tpu.memory_space<hbm>>
          %dma_start3A_143 = arith.constant 0 : i32
          %dma_start3A_144 = arith.constant 0 : i32
          %dma_start3A_145 = tpu.memref_slice %arg6[%run_scoped3A_122, %dma_start3A_143, %dma_start3A_144] : memref<2x2x128xi32, #tpu.memory_space<vmem>> -> memref<1x2x128xi32, #tpu.memory_space<vmem>>
          %dma_start3A_146 = tpu.memref_squeeze %dma_start3A_145 : memref<1x2x128xi32, #tpu.memory_space<vmem>> -> memref<2x128xi32, #tpu.memory_space<vmem>>
          %dma_start3A_147 = arith.constant 0 : i32
          %dma_start3A_148 = arith.constant 0 : i32
          %dma_start3A_149 = tpu.memref_slice %arg3[%add3A_121, %dma_start3A_147, %dma_start3A_148] : memref<5056x2x128xi32, #tpu.memory_space<hbm>> -> memref<1x2x128xi32, #tpu.memory_space<hbm>>
          %dma_start3A_150 = tpu.memref_squeeze %dma_start3A_149 : memref<1x2x128xi32, #tpu.memory_space<hbm>> -> memref<2x128xi32, #tpu.memory_space<hbm>>
          tpu.enqueue_dma source(%dma_start3A_150 : memref<2x128xi32, #tpu.memory_space<hbm>>) target(%dma_start3A_146 : memref<2x128xi32, #tpu.memory_space<vmem>>) target_semaphore(%run_scoped3A_134 : memref<!tpu.dma_semaphore, #tpu.memory_space<semaphore_mem>>)
          %dma_wait3A_151 = arith.constant 0 : i32
          %dma_wait3A_152 = arith.constant 0 : i32
          %dma_wait3A_153 = tpu.memref_slice %arg6[%run_scoped3A_122, %dma_wait3A_151, %dma_wait3A_152] : memref<2x2x128xi32, #tpu.memory_space<vmem>> -> memref<1x2x128xi32, #tpu.memory_space<vmem>>
          %dma_wait3A_154 = tpu.memref_squeeze %dma_wait3A_153 : memref<1x2x128xi32, #tpu.memory_space<vmem>> -> memref<2x128xi32, #tpu.memory_space<vmem>>
          %dma_wait3A_155 = arith.constant 0 : i32
          %dma_wait3A_156 = arith.constant 0 : i32
          %dma_wait3A_157 = tpu.memref_slice %arg3[%add3A_121, %dma_wait3A_155, %dma_wait3A_156] : memref<5056x2x128xi32, #tpu.memory_space<hbm>> -> memref<1x2x128xi32, #tpu.memory_space<hbm>>
          %dma_wait3A_158 = tpu.memref_squeeze %dma_wait3A_157 : memref<1x2x128xi32, #tpu.memory_space<hbm>> -> memref<2x128xi32, #tpu.memory_space<hbm>>
          %dma_wait3A_159 = arith.constant 0 : i32
          %dma_wait3A_160 = arith.constant 0 : i32
          %dma_wait3A_161 = tpu.memref_slice %arg6[%run_scoped3A_122, %dma_wait3A_159, %dma_wait3A_160] : memref<2x2x128xi32, #tpu.memory_space<vmem>> -> memref<1x2x128xi32, #tpu.memory_space<vmem>>
          %dma_wait3A_162 = tpu.memref_squeeze %dma_wait3A_161 : memref<1x2x128xi32, #tpu.memory_space<vmem>> -> memref<2x128xi32, #tpu.memory_space<vmem>>
          %dma_wait3A_163 = arith.constant 0 : i32
          %dma_wait3A_164 = arith.constant 0 : i32
          %dma_wait3A_165 = tpu.memref_slice %arg3[%add3A_121, %dma_wait3A_163, %dma_wait3A_164] : memref<5056x2x128xi32, #tpu.memory_space<hbm>> -> memref<1x2x128xi32, #tpu.memory_space<hbm>>
          %dma_wait3A_166 = tpu.memref_squeeze %dma_wait3A_165 : memref<1x2x128xi32, #tpu.memory_space<hbm>> -> memref<2x128xi32, #tpu.memory_space<hbm>>
          tpu.wait_dma2 semaphore(%run_scoped3A_134 : memref<!tpu.dma_semaphore, #tpu.memory_space<semaphore_mem>>) src(%dma_wait3A_166 : memref<2x128xi32, #tpu.memory_space<hbm>>) dst(%dma_wait3A_162 : memref<2x128xi32, #tpu.memory_space<vmem>>)
          tpu.yield
        }) : () -> ()
        %dma_start3A_123 = arith.constant 0 : i32
        %dma_start3A_124 = arith.constant 0 : i32
        %dma_start3A_125 = arith.constant 0 : i32
        %dma_start3A_126 = arith.constant 0 : i32
        %dma_start3A_127 = tpu.memref_slice %arg7[%dma_start3A_125, %dma_start3A_126] : memref<256x128xf32, #tpu.memory_space<vmem>> -> memref<128x128xf32, #tpu.memory_space<vmem>>
        %dma_start3A_128 = arith.constant 0 : i32
        %dma_start3A_129 = tpu.memref_slice %arg6[%dma_start3A_123, %dma_start3A_124, %dma_start3A_128] : memref<2x2x128xi32, #tpu.memory_space<vmem>> -> memref<1x1x128xi32, #tpu.memory_space<vmem>>
        %dma_start3A_130 = tpu.memref_squeeze %dma_start3A_129 : memref<1x1x128xi32, #tpu.memory_space<vmem>> -> memref<128xi32, #tpu.memory_space<vmem>>
        %dma_start3A_131 = arith.constant 0 : i32
        %dma_start3A_132 = arith.constant 0 : i32
        %dma_start3A_133 = tpu.memref_slice %arg2[%dma_start3A_131, %dma_start3A_132] : memref<20000x128xf32, #tpu.memory_space<hbm>> -> memref<20000x128xf32, #tpu.memory_space<hbm>>
        tpu.enqueue_indirect_dma source(%dma_start3A_133 : memref<20000x128xf32, #tpu.memory_space<hbm>>) target(%dma_start3A_127 : memref<128x128xf32, #tpu.memory_space<vmem>>) offsets(%dma_start3A_130 : memref<128xi32, #tpu.memory_space<vmem>>) semaphore(%arg9 : memref<!tpu.dma_semaphore, #tpu.memory_space<semaphore_mem>>)
      } else {
      }
      %dma_wait3A_104 = arith.constant 1 : i32
      %dma_wait3A_105 = arith.constant 0 : i32
      %dma_wait3A_106 = arith.constant 128 : i32
      %dma_wait3A_107 = arith.constant 0 : i32
      %dma_wait3A_108 = tpu.memref_slice %arg7[%dma_wait3A_106, %dma_wait3A_107] : memref<256x128xf32, #tpu.memory_space<vmem>> -> memref<128x128xf32, #tpu.memory_space<vmem>>
      %dma_wait3A_109 = arith.constant 0 : i32
      %dma_wait3A_110 = tpu.memref_slice %arg6[%dma_wait3A_104, %dma_wait3A_105, %dma_wait3A_109] : memref<2x2x128xi32, #tpu.memory_space<vmem>> -> memref<1x1x128xi32, #tpu.memory_space<vmem>>
      %dma_wait3A_111 = tpu.memref_squeeze %dma_wait3A_110 : memref<1x1x128xi32, #tpu.memory_space<vmem>> -> memref<128xi32, #tpu.memory_space<vmem>>
      %dma_wait3A_112 = arith.constant 0 : i32
      %dma_wait3A_113 = arith.constant 0 : i32
      %dma_wait3A_114 = tpu.memref_slice %arg2[%dma_wait3A_112, %dma_wait3A_113] : memref<20000x128xf32, #tpu.memory_space<hbm>> -> memref<20000x128xf32, #tpu.memory_space<hbm>>
      tpu.wait_indirect_dma semaphore(%arg10 : memref<!tpu.dma_semaphore, #tpu.memory_space<semaphore_mem>>) src(%dma_wait3A_114 : memref<20000x128xf32, #tpu.memory_space<hbm>>) dst(%dma_wait3A_108 : memref<128x128xf32, #tpu.memory_space<vmem>>)
      %run_scoped3A_115 = arith.constant 1 : i32
      %run_scoped3A_116 = arith.constant 1 : i32
      "tpu.region"() ({
        %run_scoped3A_117 = tpu.sem_alloc : memref<!tpu.dma_semaphore, #tpu.memory_space<semaphore_mem>>
        %dma_start3A_118 = arith.constant 128 : i32
        %dma_start3A_119 = arith.constant 0 : i32
        %dma_start3A_120 = tpu.memref_slice %arg7[%dma_start3A_118, %dma_start3A_119] : memref<256x128xf32, #tpu.memory_space<vmem>> -> memref<128x128xf32, #tpu.memory_space<vmem>>
        %dma_start3A_121 = arith.constant 0 : i32
        %dma_start3A_122 = tpu.memref_slice %arg6[%run_scoped3A_115, %run_scoped3A_116, %dma_start3A_121] : memref<2x2x128xi32, #tpu.memory_space<vmem>> -> memref<1x1x128xi32, #tpu.memory_space<vmem>>
        %dma_start3A_123 = tpu.memref_squeeze %dma_start3A_122 : memref<1x1x128xi32, #tpu.memory_space<vmem>> -> memref<128xi32, #tpu.memory_space<vmem>>
        %dma_start3A_124 = arith.constant 0 : i32
        %dma_start3A_125 = arith.constant 0 : i32
        %dma_start3A_126 = tpu.memref_slice %arg8[%dma_start3A_124, %dma_start3A_125] : memref<10112x128xf32, #tpu.memory_space<vmem_shared>> -> memref<10112x128xf32, #tpu.memory_space<vmem_shared>>
        tpu.enqueue_indirect_dma source(%dma_start3A_120 : memref<128x128xf32, #tpu.memory_space<vmem>>) target(%dma_start3A_126 : memref<10112x128xf32, #tpu.memory_space<vmem_shared>>) offsets(%dma_start3A_123 : memref<128xi32, #tpu.memory_space<vmem>>) semaphore(%run_scoped3A_117 : memref<!tpu.dma_semaphore, #tpu.memory_space<semaphore_mem>>) {add = true}
        %dma_wait3A_127 = arith.constant 128 : i32
        %dma_wait3A_128 = arith.constant 0 : i32
        %dma_wait3A_129 = tpu.memref_slice %arg7[%dma_wait3A_127, %dma_wait3A_128] : memref<256x128xf32, #tpu.memory_space<vmem>> -> memref<128x128xf32, #tpu.memory_space<vmem>>
        %dma_wait3A_130 = arith.constant 0 : i32
        %dma_wait3A_131 = tpu.memref_slice %arg6[%run_scoped3A_115, %run_scoped3A_116, %dma_wait3A_130] : memref<2x2x128xi32, #tpu.memory_space<vmem>> -> memref<1x1x128xi32, #tpu.memory_space<vmem>>
        %dma_wait3A_132 = tpu.memref_squeeze %dma_wait3A_131 : memref<1x1x128xi32, #tpu.memory_space<vmem>> -> memref<128xi32, #tpu.memory_space<vmem>>
        %dma_wait3A_133 = arith.constant 0 : i32
        %dma_wait3A_134 = arith.constant 0 : i32
        %dma_wait3A_135 = tpu.memref_slice %arg8[%dma_wait3A_133, %dma_wait3A_134] : memref<10112x128xf32, #tpu.memory_space<vmem_shared>> -> memref<10112x128xf32, #tpu.memory_space<vmem_shared>>
        tpu.wait_indirect_dma semaphore(%run_scoped3A_117 : memref<!tpu.dma_semaphore, #tpu.memory_space<semaphore_mem>>) src(%dma_wait3A_129 : memref<128x128xf32, #tpu.memory_space<vmem>>) dst(%dma_wait3A_135 : memref<10112x128xf32, #tpu.memory_space<vmem_shared>>)
        tpu.yield
      }) : () -> ()
    }
    %scan3A_31 = arith.constant 79 : i32
    %barrier3A_32 = arith.constant 0 : index
    tpu.barrier barrier_id(%barrier3A_32)
    %add3A_33 = arith.constant 0 : i32
    %add3A_34 = arith.addi %mul3A_0, %add3A_33 : i32
    "tpu.region"() ({
      %run_scoped3A_68 = tpu.sem_alloc : memref<!tpu.dma_semaphore, #tpu.memory_space<semaphore_mem>>
      %dma_start3A_69 = arith.constant 0 : i32
      %dma_start3A_70 = arith.constant 0 : i32
      %dma_start3A_71 = tpu.memref_slice %arg7[%dma_start3A_69, %dma_start3A_70] : memref<256x128xf32, #tpu.memory_space<vmem>> -> memref<128x128xf32, #tpu.memory_space<vmem>>
      %dma_start3A_72 = arith.constant 0 : i32
      %dma_start3A_73 = tpu.memref_slice %arg8[%add3A_34, %dma_start3A_72] : memref<10112x128xf32, #tpu.memory_space<vmem_shared>> -> memref<128x128xf32, #tpu.memory_space<vmem_shared>>
      %dma_start3A_74 = arith.constant 0 : i32
      %dma_start3A_75 = arith.constant 0 : i32
      %dma_start3A_76 = tpu.memref_slice %arg7[%dma_start3A_74, %dma_start3A_75] : memref<256x128xf32, #tpu.memory_space<vmem>> -> memref<128x128xf32, #tpu.memory_space<vmem>>
      %dma_start3A_77 = arith.constant 0 : i32
      %dma_start3A_78 = tpu.memref_slice %arg8[%add3A_34, %dma_start3A_77] : memref<10112x128xf32, #tpu.memory_space<vmem_shared>> -> memref<128x128xf32, #tpu.memory_space<vmem_shared>>
      tpu.enqueue_dma source(%dma_start3A_78 : memref<128x128xf32, #tpu.memory_space<vmem_shared>>) target(%dma_start3A_76 : memref<128x128xf32, #tpu.memory_space<vmem>>) target_semaphore(%run_scoped3A_68 : memref<!tpu.dma_semaphore, #tpu.memory_space<semaphore_mem>>)
      %dma_wait3A = arith.constant 0 : i32
      %dma_wait3A_79 = arith.constant 0 : i32
      %dma_wait3A_80 = tpu.memref_slice %arg7[%dma_wait3A, %dma_wait3A_79] : memref<256x128xf32, #tpu.memory_space<vmem>> -> memref<128x128xf32, #tpu.memory_space<vmem>>
      %dma_wait3A_81 = arith.constant 0 : i32
      %dma_wait3A_82 = tpu.memref_slice %arg8[%add3A_34, %dma_wait3A_81] : memref<10112x128xf32, #tpu.memory_space<vmem_shared>> -> memref<128x128xf32, #tpu.memory_space<vmem_shared>>
      %dma_wait3A_83 = arith.constant 0 : i32
      %dma_wait3A_84 = arith.constant 0 : i32
      %dma_wait3A_85 = tpu.memref_slice %arg7[%dma_wait3A_83, %dma_wait3A_84] : memref<256x128xf32, #tpu.memory_space<vmem>> -> memref<128x128xf32, #tpu.memory_space<vmem>>
      %dma_wait3A_86 = arith.constant 0 : i32
      %dma_wait3A_87 = tpu.memref_slice %arg8[%add3A_34, %dma_wait3A_86] : memref<10112x128xf32, #tpu.memory_space<vmem_shared>> -> memref<128x128xf32, #tpu.memory_space<vmem_shared>>
      tpu.wait_dma2 semaphore(%run_scoped3A_68 : memref<!tpu.dma_semaphore, #tpu.memory_space<semaphore_mem>>) src(%dma_wait3A_87 : memref<128x128xf32, #tpu.memory_space<vmem_shared>>) dst(%dma_wait3A_85 : memref<128x128xf32, #tpu.memory_space<vmem>>)
      tpu.yield
    }) : () -> ()
    %mul3A_35 = arith.constant 10112 : i32
    %mul3A_36 = arith.muli %arg0, %mul3A_35 : i32
    %add3A_37 = arith.addi %mul3A_36, %mul3A_0 : i32
    %add3A_38 = arith.constant 0 : i32
    %add3A_39 = arith.addi %add3A_37, %add3A_38 : i32
    "tpu.region"() ({
      %run_scoped3A_68 = tpu.sem_alloc : memref<!tpu.dma_semaphore, #tpu.memory_space<semaphore_mem>>
      %dma_start3A_69 = arith.constant 0 : i32
      %dma_start3A_70 = arith.constant 0 : i32
      %dma_start3A_71 = tpu.memref_slice %arg7[%dma_start3A_69, %dma_start3A_70] : memref<256x128xf32, #tpu.memory_space<vmem>> -> memref<128x128xf32, #tpu.memory_space<vmem>>
      %dma_start3A_72 = arith.constant 0 : i32
      %dma_start3A_73 = tpu.memref_slice %arg5[%add3A_39, %dma_start3A_72] : memref<20224x128xf32, #tpu.memory_space<hbm>> -> memref<128x128xf32, #tpu.memory_space<hbm>>
      %dma_start3A_74 = arith.constant 0 : i32
      %dma_start3A_75 = tpu.memref_slice %arg5[%add3A_39, %dma_start3A_74] : memref<20224x128xf32, #tpu.memory_space<hbm>> -> memref<128x128xf32, #tpu.memory_space<hbm>>
      %dma_start3A_76 = arith.constant 0 : i32
      %dma_start3A_77 = arith.constant 0 : i32
      %dma_start3A_78 = tpu.memref_slice %arg7[%dma_start3A_76, %dma_start3A_77] : memref<256x128xf32, #tpu.memory_space<vmem>> -> memref<128x128xf32, #tpu.memory_space<vmem>>
      tpu.enqueue_dma source(%dma_start3A_78 : memref<128x128xf32, #tpu.memory_space<vmem>>) target(%dma_start3A_75 : memref<128x128xf32, #tpu.memory_space<hbm>>) target_semaphore(%run_scoped3A_68 : memref<!tpu.dma_semaphore, #tpu.memory_space<semaphore_mem>>)
      %dma_wait3A = arith.constant 0 : i32
      %dma_wait3A_79 = arith.constant 0 : i32
      %dma_wait3A_80 = tpu.memref_slice %arg7[%dma_wait3A, %dma_wait3A_79] : memref<256x128xf32, #tpu.memory_space<vmem>> -> memref<128x128xf32, #tpu.memory_space<vmem>>
      %dma_wait3A_81 = arith.constant 0 : i32
      %dma_wait3A_82 = tpu.memref_slice %arg5[%add3A_39, %dma_wait3A_81] : memref<20224x128xf32, #tpu.memory_space<hbm>> -> memref<128x128xf32, #tpu.memory_space<hbm>>
      %dma_wait3A_83 = arith.constant 0 : i32
      %dma_wait3A_84 = tpu.memref_slice %arg5[%add3A_39, %dma_wait3A_83] : memref<20224x128xf32, #tpu.memory_space<hbm>> -> memref<128x128xf32, #tpu.memory_space<hbm>>
      %dma_wait3A_85 = arith.constant 0 : i32
      %dma_wait3A_86 = arith.constant 0 : i32
      %dma_wait3A_87 = tpu.memref_slice %arg7[%dma_wait3A_85, %dma_wait3A_86] : memref<256x128xf32, #tpu.memory_space<vmem>> -> memref<128x128xf32, #tpu.memory_space<vmem>>
      tpu.wait_dma2 semaphore(%run_scoped3A_68 : memref<!tpu.dma_semaphore, #tpu.memory_space<semaphore_mem>>) src(%dma_wait3A_87 : memref<128x128xf32, #tpu.memory_space<vmem>>) dst(%dma_wait3A_84 : memref<128x128xf32, #tpu.memory_space<hbm>>)
      tpu.yield
    }) : () -> ()
    %add3A_40 = arith.constant 128 : i32
    %add3A_41 = arith.addi %mul3A_0, %add3A_40 : i32
    "tpu.region"() ({
      %run_scoped3A_68 = tpu.sem_alloc : memref<!tpu.dma_semaphore, #tpu.memory_space<semaphore_mem>>
      %dma_start3A_69 = arith.constant 0 : i32
      %dma_start3A_70 = arith.constant 0 : i32
      %dma_start3A_71 = tpu.memref_slice %arg7[%dma_start3A_69, %dma_start3A_70] : memref<256x128xf32, #tpu.memory_space<vmem>> -> memref<128x128xf32, #tpu.memory_space<vmem>>
      %dma_start3A_72 = arith.constant 0 : i32
      %dma_start3A_73 = tpu.memref_slice %arg8[%add3A_41, %dma_start3A_72] : memref<10112x128xf32, #tpu.memory_space<vmem_shared>> -> memref<128x128xf32, #tpu.memory_space<vmem_shared>>
      %dma_start3A_74 = arith.constant 0 : i32
      %dma_start3A_75 = arith.constant 0 : i32
      %dma_start3A_76 = tpu.memref_slice %arg7[%dma_start3A_74, %dma_start3A_75] : memref<256x128xf32, #tpu.memory_space<vmem>> -> memref<128x128xf32, #tpu.memory_space<vmem>>
      %dma_start3A_77 = arith.constant 0 : i32
      %dma_start3A_78 = tpu.memref_slice %arg8[%add3A_41, %dma_start3A_77] : memref<10112x128xf32, #tpu.memory_space<vmem_shared>> -> memref<128x128xf32, #tpu.memory_space<vmem_shared>>
      tpu.enqueue_dma source(%dma_start3A_78 : memref<128x128xf32, #tpu.memory_space<vmem_shared>>) target(%dma_start3A_76 : memref<128x128xf32, #tpu.memory_space<vmem>>) target_semaphore(%run_scoped3A_68 : memref<!tpu.dma_semaphore, #tpu.memory_space<semaphore_mem>>)
      %dma_wait3A = arith.constant 0 : i32
      %dma_wait3A_79 = arith.constant 0 : i32
      %dma_wait3A_80 = tpu.memref_slice %arg7[%dma_wait3A, %dma_wait3A_79] : memref<256x128xf32, #tpu.memory_space<vmem>> -> memref<128x128xf32, #tpu.memory_space<vmem>>
      %dma_wait3A_81 = arith.constant 0 : i32
      %dma_wait3A_82 = tpu.memref_slice %arg8[%add3A_41, %dma_wait3A_81] : memref<10112x128xf32, #tpu.memory_space<vmem_shared>> -> memref<128x128xf32, #tpu.memory_space<vmem_shared>>
      %dma_wait3A_83 = arith.constant 0 : i32
      %dma_wait3A_84 = arith.constant 0 : i32
      %dma_wait3A_85 = tpu.memref_slice %arg7[%dma_wait3A_83, %dma_wait3A_84] : memref<256x128xf32, #tpu.memory_space<vmem>> -> memref<128x128xf32, #tpu.memory_space<vmem>>
      %dma_wait3A_86 = arith.constant 0 : i32
      %dma_wait3A_87 = tpu.memref_slice %arg8[%add3A_41, %dma_wait3A_86] : memref<10112x128xf32, #tpu.memory_space<vmem_shared>> -> memref<128x128xf32, #tpu.memory_space<vmem_shared>>
      tpu.wait_dma2 semaphore(%run_scoped3A_68 : memref<!tpu.dma_semaphore, #tpu.memory_space<semaphore_mem>>) src(%dma_wait3A_87 : memref<128x128xf32, #tpu.memory_space<vmem_shared>>) dst(%dma_wait3A_85 : memref<128x128xf32, #tpu.memory_space<vmem>>)
      tpu.yield
    }) : () -> ()
    %mul3A_42 = arith.constant 10112 : i32
    %mul3A_43 = arith.muli %arg0, %mul3A_42 : i32
    %add3A_44 = arith.addi %mul3A_43, %mul3A_0 : i32
    %add3A_45 = arith.constant 128 : i32
    %add3A_46 = arith.addi %add3A_44, %add3A_45 : i32
    "tpu.region"() ({
      %run_scoped3A_68 = tpu.sem_alloc : memref<!tpu.dma_semaphore, #tpu.memory_space<semaphore_mem>>
      %dma_start3A_69 = arith.constant 0 : i32
      %dma_start3A_70 = arith.constant 0 : i32
      %dma_start3A_71 = tpu.memref_slice %arg7[%dma_start3A_69, %dma_start3A_70] : memref<256x128xf32, #tpu.memory_space<vmem>> -> memref<128x128xf32, #tpu.memory_space<vmem>>
      %dma_start3A_72 = arith.constant 0 : i32
      %dma_start3A_73 = tpu.memref_slice %arg5[%add3A_46, %dma_start3A_72] : memref<20224x128xf32, #tpu.memory_space<hbm>> -> memref<128x128xf32, #tpu.memory_space<hbm>>
      %dma_start3A_74 = arith.constant 0 : i32
      %dma_start3A_75 = tpu.memref_slice %arg5[%add3A_46, %dma_start3A_74] : memref<20224x128xf32, #tpu.memory_space<hbm>> -> memref<128x128xf32, #tpu.memory_space<hbm>>
      %dma_start3A_76 = arith.constant 0 : i32
      %dma_start3A_77 = arith.constant 0 : i32
      %dma_start3A_78 = tpu.memref_slice %arg7[%dma_start3A_76, %dma_start3A_77] : memref<256x128xf32, #tpu.memory_space<vmem>> -> memref<128x128xf32, #tpu.memory_space<vmem>>
      tpu.enqueue_dma source(%dma_start3A_78 : memref<128x128xf32, #tpu.memory_space<vmem>>) target(%dma_start3A_75 : memref<128x128xf32, #tpu.memory_space<hbm>>) target_semaphore(%run_scoped3A_68 : memref<!tpu.dma_semaphore, #tpu.memory_space<semaphore_mem>>)
      %dma_wait3A = arith.constant 0 : i32
      %dma_wait3A_79 = arith.constant 0 : i32
      %dma_wait3A_80 = tpu.memref_slice %arg7[%dma_wait3A, %dma_wait3A_79] : memref<256x128xf32, #tpu.memory_space<vmem>> -> memref<128x128xf32, #tpu.memory_space<vmem>>
      %dma_wait3A_81 = arith.constant 0 : i32
      %dma_wait3A_82 = tpu.memref_slice %arg5[%add3A_46, %dma_wait3A_81] : memref<20224x128xf32, #tpu.memory_space<hbm>> -> memref<128x128xf32, #tpu.memory_space<hbm>>
      %dma_wait3A_83 = arith.constant 0 : i32
      %dma_wait3A_84 = tpu.memref_slice %arg5[%add3A_46, %dma_wait3A_83] : memref<20224x128xf32, #tpu.memory_space<hbm>> -> memref<128x128xf32, #tpu.memory_space<hbm>>
      %dma_wait3A_85 = arith.constant 0 : i32
      %dma_wait3A_86 = arith.constant 0 : i32
      %dma_wait3A_87 = tpu.memref_slice %arg7[%dma_wait3A_85, %dma_wait3A_86] : memref<256x128xf32, #tpu.memory_space<vmem>> -> memref<128x128xf32, #tpu.memory_space<vmem>>
      tpu.wait_dma2 semaphore(%run_scoped3A_68 : memref<!tpu.dma_semaphore, #tpu.memory_space<semaphore_mem>>) src(%dma_wait3A_87 : memref<128x128xf32, #tpu.memory_space<vmem>>) dst(%dma_wait3A_84 : memref<128x128xf32, #tpu.memory_space<hbm>>)
      tpu.yield
    }) : () -> ()
    %add3A_47 = arith.constant 256 : i32
    %add3A_48 = arith.addi %mul3A_0, %add3A_47 : i32
    "tpu.region"() ({
      %run_scoped3A_68 = tpu.sem_alloc : memref<!tpu.dma_semaphore, #tpu.memory_space<semaphore_mem>>
      %dma_start3A_69 = arith.constant 0 : i32
      %dma_start3A_70 = arith.constant 0 : i32
      %dma_start3A_71 = tpu.memref_slice %arg7[%dma_start3A_69, %dma_start3A_70] : memref<256x128xf32, #tpu.memory_space<vmem>> -> memref<128x128xf32, #tpu.memory_space<vmem>>
      %dma_start3A_72 = arith.constant 0 : i32
      %dma_start3A_73 = tpu.memref_slice %arg8[%add3A_48, %dma_start3A_72] : memref<10112x128xf32, #tpu.memory_space<vmem_shared>> -> memref<128x128xf32, #tpu.memory_space<vmem_shared>>
      %dma_start3A_74 = arith.constant 0 : i32
      %dma_start3A_75 = arith.constant 0 : i32
      %dma_start3A_76 = tpu.memref_slice %arg7[%dma_start3A_74, %dma_start3A_75] : memref<256x128xf32, #tpu.memory_space<vmem>> -> memref<128x128xf32, #tpu.memory_space<vmem>>
      %dma_start3A_77 = arith.constant 0 : i32
      %dma_start3A_78 = tpu.memref_slice %arg8[%add3A_48, %dma_start3A_77] : memref<10112x128xf32, #tpu.memory_space<vmem_shared>> -> memref<128x128xf32, #tpu.memory_space<vmem_shared>>
      tpu.enqueue_dma source(%dma_start3A_78 : memref<128x128xf32, #tpu.memory_space<vmem_shared>>) target(%dma_start3A_76 : memref<128x128xf32, #tpu.memory_space<vmem>>) target_semaphore(%run_scoped3A_68 : memref<!tpu.dma_semaphore, #tpu.memory_space<semaphore_mem>>)
      %dma_wait3A = arith.constant 0 : i32
      %dma_wait3A_79 = arith.constant 0 : i32
      %dma_wait3A_80 = tpu.memref_slice %arg7[%dma_wait3A, %dma_wait3A_79] : memref<256x128xf32, #tpu.memory_space<vmem>> -> memref<128x128xf32, #tpu.memory_space<vmem>>
      %dma_wait3A_81 = arith.constant 0 : i32
      %dma_wait3A_82 = tpu.memref_slice %arg8[%add3A_48, %dma_wait3A_81] : memref<10112x128xf32, #tpu.memory_space<vmem_shared>> -> memref<128x128xf32, #tpu.memory_space<vmem_shared>>
      %dma_wait3A_83 = arith.constant 0 : i32
      %dma_wait3A_84 = arith.constant 0 : i32
      %dma_wait3A_85 = tpu.memref_slice %arg7[%dma_wait3A_83, %dma_wait3A_84] : memref<256x128xf32, #tpu.memory_space<vmem>> -> memref<128x128xf32, #tpu.memory_space<vmem>>
      %dma_wait3A_86 = arith.constant 0 : i32
      %dma_wait3A_87 = tpu.memref_slice %arg8[%add3A_48, %dma_wait3A_86] : memref<10112x128xf32, #tpu.memory_space<vmem_shared>> -> memref<128x128xf32, #tpu.memory_space<vmem_shared>>
      tpu.wait_dma2 semaphore(%run_scoped3A_68 : memref<!tpu.dma_semaphore, #tpu.memory_space<semaphore_mem>>) src(%dma_wait3A_87 : memref<128x128xf32, #tpu.memory_space<vmem_shared>>) dst(%dma_wait3A_85 : memref<128x128xf32, #tpu.memory_space<vmem>>)
      tpu.yield
    }) : () -> ()
    %mul3A_49 = arith.constant 10112 : i32
    %mul3A_50 = arith.muli %arg0, %mul3A_49 : i32
    %add3A_51 = arith.addi %mul3A_50, %mul3A_0 : i32
    %add3A_52 = arith.constant 256 : i32
    %add3A_53 = arith.addi %add3A_51, %add3A_52 : i32
    "tpu.region"() ({
      %run_scoped3A_68 = tpu.sem_alloc : memref<!tpu.dma_semaphore, #tpu.memory_space<semaphore_mem>>
      %dma_start3A_69 = arith.constant 0 : i32
      %dma_start3A_70 = arith.constant 0 : i32
      %dma_start3A_71 = tpu.memref_slice %arg7[%dma_start3A_69, %dma_start3A_70] : memref<256x128xf32, #tpu.memory_space<vmem>> -> memref<128x128xf32, #tpu.memory_space<vmem>>
      %dma_start3A_72 = arith.constant 0 : i32
      %dma_start3A_73 = tpu.memref_slice %arg5[%add3A_53, %dma_start3A_72] : memref<20224x128xf32, #tpu.memory_space<hbm>> -> memref<128x128xf32, #tpu.memory_space<hbm>>
      %dma_start3A_74 = arith.constant 0 : i32
      %dma_start3A_75 = tpu.memref_slice %arg5[%add3A_53, %dma_start3A_74] : memref<20224x128xf32, #tpu.memory_space<hbm>> -> memref<128x128xf32, #tpu.memory_space<hbm>>
      %dma_start3A_76 = arith.constant 0 : i32
      %dma_start3A_77 = arith.constant 0 : i32
      %dma_start3A_78 = tpu.memref_slice %arg7[%dma_start3A_76, %dma_start3A_77] : memref<256x128xf32, #tpu.memory_space<vmem>> -> memref<128x128xf32, #tpu.memory_space<vmem>>
      tpu.enqueue_dma source(%dma_start3A_78 : memref<128x128xf32, #tpu.memory_space<vmem>>) target(%dma_start3A_75 : memref<128x128xf32, #tpu.memory_space<hbm>>) target_semaphore(%run_scoped3A_68 : memref<!tpu.dma_semaphore, #tpu.memory_space<semaphore_mem>>)
      %dma_wait3A = arith.constant 0 : i32
      %dma_wait3A_79 = arith.constant 0 : i32
      %dma_wait3A_80 = tpu.memref_slice %arg7[%dma_wait3A, %dma_wait3A_79] : memref<256x128xf32, #tpu.memory_space<vmem>> -> memref<128x128xf32, #tpu.memory_space<vmem>>
      %dma_wait3A_81 = arith.constant 0 : i32
      %dma_wait3A_82 = tpu.memref_slice %arg5[%add3A_53, %dma_wait3A_81] : memref<20224x128xf32, #tpu.memory_space<hbm>> -> memref<128x128xf32, #tpu.memory_space<hbm>>
      %dma_wait3A_83 = arith.constant 0 : i32
      %dma_wait3A_84 = tpu.memref_slice %arg5[%add3A_53, %dma_wait3A_83] : memref<20224x128xf32, #tpu.memory_space<hbm>> -> memref<128x128xf32, #tpu.memory_space<hbm>>
      %dma_wait3A_85 = arith.constant 0 : i32
      %dma_wait3A_86 = arith.constant 0 : i32
      %dma_wait3A_87 = tpu.memref_slice %arg7[%dma_wait3A_85, %dma_wait3A_86] : memref<256x128xf32, #tpu.memory_space<vmem>> -> memref<128x128xf32, #tpu.memory_space<vmem>>
      tpu.wait_dma2 semaphore(%run_scoped3A_68 : memref<!tpu.dma_semaphore, #tpu.memory_space<semaphore_mem>>) src(%dma_wait3A_87 : memref<128x128xf32, #tpu.memory_space<vmem>>) dst(%dma_wait3A_84 : memref<128x128xf32, #tpu.memory_space<hbm>>)
      tpu.yield
    }) : () -> ()
    %add3A_54 = arith.constant 384 : i32
    %add3A_55 = arith.addi %mul3A_0, %add3A_54 : i32
    "tpu.region"() ({
      %run_scoped3A_68 = tpu.sem_alloc : memref<!tpu.dma_semaphore, #tpu.memory_space<semaphore_mem>>
      %dma_start3A_69 = arith.constant 0 : i32
      %dma_start3A_70 = arith.constant 0 : i32
      %dma_start3A_71 = tpu.memref_slice %arg7[%dma_start3A_69, %dma_start3A_70] : memref<256x128xf32, #tpu.memory_space<vmem>> -> memref<128x128xf32, #tpu.memory_space<vmem>>
      %dma_start3A_72 = arith.constant 0 : i32
      %dma_start3A_73 = tpu.memref_slice %arg8[%add3A_55, %dma_start3A_72] : memref<10112x128xf32, #tpu.memory_space<vmem_shared>> -> memref<128x128xf32, #tpu.memory_space<vmem_shared>>
      %dma_start3A_74 = arith.constant 0 : i32
      %dma_start3A_75 = arith.constant 0 : i32
      %dma_start3A_76 = tpu.memref_slice %arg7[%dma_start3A_74, %dma_start3A_75] : memref<256x128xf32, #tpu.memory_space<vmem>> -> memref<128x128xf32, #tpu.memory_space<vmem>>
      %dma_start3A_77 = arith.constant 0 : i32
      %dma_start3A_78 = tpu.memref_slice %arg8[%add3A_55, %dma_start3A_77] : memref<10112x128xf32, #tpu.memory_space<vmem_shared>> -> memref<128x128xf32, #tpu.memory_space<vmem_shared>>
      tpu.enqueue_dma source(%dma_start3A_78 : memref<128x128xf32, #tpu.memory_space<vmem_shared>>) target(%dma_start3A_76 : memref<128x128xf32, #tpu.memory_space<vmem>>) target_semaphore(%run_scoped3A_68 : memref<!tpu.dma_semaphore, #tpu.memory_space<semaphore_mem>>)
      %dma_wait3A = arith.constant 0 : i32
      %dma_wait3A_79 = arith.constant 0 : i32
      %dma_wait3A_80 = tpu.memref_slice %arg7[%dma_wait3A, %dma_wait3A_79] : memref<256x128xf32, #tpu.memory_space<vmem>> -> memref<128x128xf32, #tpu.memory_space<vmem>>
      %dma_wait3A_81 = arith.constant 0 : i32
      %dma_wait3A_82 = tpu.memref_slice %arg8[%add3A_55, %dma_wait3A_81] : memref<10112x128xf32, #tpu.memory_space<vmem_shared>> -> memref<128x128xf32, #tpu.memory_space<vmem_shared>>
      %dma_wait3A_83 = arith.constant 0 : i32
      %dma_wait3A_84 = arith.constant 0 : i32
      %dma_wait3A_85 = tpu.memref_slice %arg7[%dma_wait3A_83, %dma_wait3A_84] : memref<256x128xf32, #tpu.memory_space<vmem>> -> memref<128x128xf32, #tpu.memory_space<vmem>>
      %dma_wait3A_86 = arith.constant 0 : i32
      %dma_wait3A_87 = tpu.memref_slice %arg8[%add3A_55, %dma_wait3A_86] : memref<10112x128xf32, #tpu.memory_space<vmem_shared>> -> memref<128x128xf32, #tpu.memory_space<vmem_shared>>
      tpu.wait_dma2 semaphore(%run_scoped3A_68 : memref<!tpu.dma_semaphore, #tpu.memory_space<semaphore_mem>>) src(%dma_wait3A_87 : memref<128x128xf32, #tpu.memory_space<vmem_shared>>) dst(%dma_wait3A_85 : memref<128x128xf32, #tpu.memory_space<vmem>>)
      tpu.yield
    }) : () -> ()
    %mul3A_56 = arith.constant 10112 : i32
    %mul3A_57 = arith.muli %arg0, %mul3A_56 : i32
    %add3A_58 = arith.addi %mul3A_57, %mul3A_0 : i32
    %add3A_59 = arith.constant 384 : i32
    %add3A_60 = arith.addi %add3A_58, %add3A_59 : i32
    "tpu.region"() ({
      %run_scoped3A_68 = tpu.sem_alloc : memref<!tpu.dma_semaphore, #tpu.memory_space<semaphore_mem>>
      %dma_start3A_69 = arith.constant 0 : i32
      %dma_start3A_70 = arith.constant 0 : i32
      %dma_start3A_71 = tpu.memref_slice %arg7[%dma_start3A_69, %dma_start3A_70] : memref<256x128xf32, #tpu.memory_space<vmem>> -> memref<128x128xf32, #tpu.memory_space<vmem>>
      %dma_start3A_72 = arith.constant 0 : i32
      %dma_start3A_73 = tpu.memref_slice %arg5[%add3A_60, %dma_start3A_72] : memref<20224x128xf32, #tpu.memory_space<hbm>> -> memref<128x128xf32, #tpu.memory_space<hbm>>
      %dma_start3A_74 = arith.constant 0 : i32
      %dma_start3A_75 = tpu.memref_slice %arg5[%add3A_60, %dma_start3A_74] : memref<20224x128xf32, #tpu.memory_space<hbm>> -> memref<128x128xf32, #tpu.memory_space<hbm>>
      %dma_start3A_76 = arith.constant 0 : i32
      %dma_start3A_77 = arith.constant 0 : i32
      %dma_start3A_78 = tpu.memref_slice %arg7[%dma_start3A_76, %dma_start3A_77] : memref<256x128xf32, #tpu.memory_space<vmem>> -> memref<128x128xf32, #tpu.memory_space<vmem>>
      tpu.enqueue_dma source(%dma_start3A_78 : memref<128x128xf32, #tpu.memory_space<vmem>>) target(%dma_start3A_75 : memref<128x128xf32, #tpu.memory_space<hbm>>) target_semaphore(%run_scoped3A_68 : memref<!tpu.dma_semaphore, #tpu.memory_space<semaphore_mem>>)
      %dma_wait3A = arith.constant 0 : i32
      %dma_wait3A_79 = arith.constant 0 : i32
      %dma_wait3A_80 = tpu.memref_slice %arg7[%dma_wait3A, %dma_wait3A_79] : memref<256x128xf32, #tpu.memory_space<vmem>> -> memref<128x128xf32, #tpu.memory_space<vmem>>
      %dma_wait3A_81 = arith.constant 0 : i32
      %dma_wait3A_82 = tpu.memref_slice %arg5[%add3A_60, %dma_wait3A_81] : memref<20224x128xf32, #tpu.memory_space<hbm>> -> memref<128x128xf32, #tpu.memory_space<hbm>>
      %dma_wait3A_83 = arith.constant 0 : i32
      %dma_wait3A_84 = tpu.memref_slice %arg5[%add3A_60, %dma_wait3A_83] : memref<20224x128xf32, #tpu.memory_space<hbm>> -> memref<128x128xf32, #tpu.memory_space<hbm>>
      %dma_wait3A_85 = arith.constant 0 : i32
      %dma_wait3A_86 = arith.constant 0 : i32
      %dma_wait3A_87 = tpu.memref_slice %arg7[%dma_wait3A_85, %dma_wait3A_86] : memref<256x128xf32, #tpu.memory_space<vmem>> -> memref<128x128xf32, #tpu.memory_space<vmem>>
      tpu.wait_dma2 semaphore(%run_scoped3A_68 : memref<!tpu.dma_semaphore, #tpu.memory_space<semaphore_mem>>) src(%dma_wait3A_87 : memref<128x128xf32, #tpu.memory_space<vmem>>) dst(%dma_wait3A_84 : memref<128x128xf32, #tpu.memory_space<hbm>>)
      tpu.yield
    }) : () -> ()
    %add3A_61 = arith.constant 512 : i32
    %add3A_62 = arith.addi %mul3A_0, %add3A_61 : i32
    "tpu.region"() ({
      %run_scoped3A_68 = tpu.sem_alloc : memref<!tpu.dma_semaphore, #tpu.memory_space<semaphore_mem>>
      %dma_start3A_69 = arith.constant 0 : i32
      %dma_start3A_70 = arith.constant 0 : i32
      %dma_start3A_71 = tpu.memref_slice %arg7[%dma_start3A_69, %dma_start3A_70] : memref<256x128xf32, #tpu.memory_space<vmem>> -> memref<120x128xf32, #tpu.memory_space<vmem>>
      %dma_start3A_72 = arith.constant 0 : i32
      %dma_start3A_73 = tpu.memref_slice %arg8[%add3A_62, %dma_start3A_72] : memref<10112x128xf32, #tpu.memory_space<vmem_shared>> -> memref<120x128xf32, #tpu.memory_space<vmem_shared>>
      %dma_start3A_74 = arith.constant 0 : i32
      %dma_start3A_75 = arith.constant 0 : i32
      %dma_start3A_76 = tpu.memref_slice %arg7[%dma_start3A_74, %dma_start3A_75] : memref<256x128xf32, #tpu.memory_space<vmem>> -> memref<120x128xf32, #tpu.memory_space<vmem>>
      %dma_start3A_77 = arith.constant 0 : i32
      %dma_start3A_78 = tpu.memref_slice %arg8[%add3A_62, %dma_start3A_77] : memref<10112x128xf32, #tpu.memory_space<vmem_shared>> -> memref<120x128xf32, #tpu.memory_space<vmem_shared>>
      tpu.enqueue_dma source(%dma_start3A_78 : memref<120x128xf32, #tpu.memory_space<vmem_shared>>) target(%dma_start3A_76 : memref<120x128xf32, #tpu.memory_space<vmem>>) target_semaphore(%run_scoped3A_68 : memref<!tpu.dma_semaphore, #tpu.memory_space<semaphore_mem>>)
      %dma_wait3A = arith.constant 0 : i32
      %dma_wait3A_79 = arith.constant 0 : i32
      %dma_wait3A_80 = tpu.memref_slice %arg7[%dma_wait3A, %dma_wait3A_79] : memref<256x128xf32, #tpu.memory_space<vmem>> -> memref<120x128xf32, #tpu.memory_space<vmem>>
      %dma_wait3A_81 = arith.constant 0 : i32
      %dma_wait3A_82 = tpu.memref_slice %arg8[%add3A_62, %dma_wait3A_81] : memref<10112x128xf32, #tpu.memory_space<vmem_shared>> -> memref<120x128xf32, #tpu.memory_space<vmem_shared>>
      %dma_wait3A_83 = arith.constant 0 : i32
      %dma_wait3A_84 = arith.constant 0 : i32
      %dma_wait3A_85 = tpu.memref_slice %arg7[%dma_wait3A_83, %dma_wait3A_84] : memref<256x128xf32, #tpu.memory_space<vmem>> -> memref<120x128xf32, #tpu.memory_space<vmem>>
      %dma_wait3A_86 = arith.constant 0 : i32
      %dma_wait3A_87 = tpu.memref_slice %arg8[%add3A_62, %dma_wait3A_86] : memref<10112x128xf32, #tpu.memory_space<vmem_shared>> -> memref<120x128xf32, #tpu.memory_space<vmem_shared>>
      tpu.wait_dma2 semaphore(%run_scoped3A_68 : memref<!tpu.dma_semaphore, #tpu.memory_space<semaphore_mem>>) src(%dma_wait3A_87 : memref<120x128xf32, #tpu.memory_space<vmem_shared>>) dst(%dma_wait3A_85 : memref<120x128xf32, #tpu.memory_space<vmem>>)
      tpu.yield
    }) : () -> ()
    %mul3A_63 = arith.constant 10112 : i32
    %mul3A_64 = arith.muli %arg0, %mul3A_63 : i32
    %add3A_65 = arith.addi %mul3A_64, %mul3A_0 : i32
    %add3A_66 = arith.constant 512 : i32
    %add3A_67 = arith.addi %add3A_65, %add3A_66 : i32
    "tpu.region"() ({
      %run_scoped3A_68 = tpu.sem_alloc : memref<!tpu.dma_semaphore, #tpu.memory_space<semaphore_mem>>
      %dma_start3A_69 = arith.constant 0 : i32
      %dma_start3A_70 = arith.constant 0 : i32
      %dma_start3A_71 = tpu.memref_slice %arg7[%dma_start3A_69, %dma_start3A_70] : memref<256x128xf32, #tpu.memory_space<vmem>> -> memref<120x128xf32, #tpu.memory_space<vmem>>
      %dma_start3A_72 = arith.constant 0 : i32
      %dma_start3A_73 = tpu.memref_slice %arg5[%add3A_67, %dma_start3A_72] : memref<20224x128xf32, #tpu.memory_space<hbm>> -> memref<120x128xf32, #tpu.memory_space<hbm>>
      %dma_start3A_74 = arith.constant 0 : i32
      %dma_start3A_75 = tpu.memref_slice %arg5[%add3A_67, %dma_start3A_74] : memref<20224x128xf32, #tpu.memory_space<hbm>> -> memref<120x128xf32, #tpu.memory_space<hbm>>
      %dma_start3A_76 = arith.constant 0 : i32
      %dma_start3A_77 = arith.constant 0 : i32
      %dma_start3A_78 = tpu.memref_slice %arg7[%dma_start3A_76, %dma_start3A_77] : memref<256x128xf32, #tpu.memory_space<vmem>> -> memref<120x128xf32, #tpu.memory_space<vmem>>
      tpu.enqueue_dma source(%dma_start3A_78 : memref<120x128xf32, #tpu.memory_space<vmem>>) target(%dma_start3A_75 : memref<120x128xf32, #tpu.memory_space<hbm>>) target_semaphore(%run_scoped3A_68 : memref<!tpu.dma_semaphore, #tpu.memory_space<semaphore_mem>>)
      %dma_wait3A = arith.constant 0 : i32
      %dma_wait3A_79 = arith.constant 0 : i32
      %dma_wait3A_80 = tpu.memref_slice %arg7[%dma_wait3A, %dma_wait3A_79] : memref<256x128xf32, #tpu.memory_space<vmem>> -> memref<120x128xf32, #tpu.memory_space<vmem>>
      %dma_wait3A_81 = arith.constant 0 : i32
      %dma_wait3A_82 = tpu.memref_slice %arg5[%add3A_67, %dma_wait3A_81] : memref<20224x128xf32, #tpu.memory_space<hbm>> -> memref<120x128xf32, #tpu.memory_space<hbm>>
      %dma_wait3A_83 = arith.constant 0 : i32
      %dma_wait3A_84 = tpu.memref_slice %arg5[%add3A_67, %dma_wait3A_83] : memref<20224x128xf32, #tpu.memory_space<hbm>> -> memref<120x128xf32, #tpu.memory_space<hbm>>
      %dma_wait3A_85 = arith.constant 0 : i32
      %dma_wait3A_86 = arith.constant 0 : i32
      %dma_wait3A_87 = tpu.memref_slice %arg7[%dma_wait3A_85, %dma_wait3A_86] : memref<256x128xf32, #tpu.memory_space<vmem>> -> memref<120x128xf32, #tpu.memory_space<vmem>>
      tpu.wait_dma2 semaphore(%run_scoped3A_68 : memref<!tpu.dma_semaphore, #tpu.memory_space<semaphore_mem>>) src(%dma_wait3A_87 : memref<120x128xf32, #tpu.memory_space<vmem>>) dst(%dma_wait3A_84 : memref<120x128xf32, #tpu.memory_space<hbm>>)
      tpu.yield
    }) : () -> ()
    return
  }
}

#map = affine_map<(d0, d1) -> (0, 0)>
#map1 = affine_map<(d0, d1) -> (0, 0, 0)>
module attributes {stable_mosaic.version = 14 : i64} {
  func.func @_sc_body(%arg0: i32, %arg1: i32, %arg2: memref<20000x128xf32, #tpu.memory_space<hbm>>, %arg3: memref<5056x2x128xi32, #tpu.memory_space<hbm>>, %arg4: memref<128x128xf32, #tpu.memory_space<hbm>>, %arg5: memref<20224x128xf32, #tpu.memory_space<hbm>>, %arg6: memref<2x2x128xi32, #tpu.memory_space<vmem>>, %arg7: memref<256x128xf32, #tpu.memory_space<vmem>>, %arg8: memref<10112x128xf32, #tpu.memory_space<vmem_shared>>, %arg9: memref<!tpu.dma_semaphore, #tpu.memory_space<semaphore_mem>>, %arg10: memref<!tpu.dma_semaphore, #tpu.memory_space<semaphore_mem>>) attributes {dimension_semantics = [#tpu.dimension_semantics<core_parallel>, #tpu.dimension_semantics<subcore_parallel>], iteration_bounds = array<i64: 2, 16>, scalar_prefetch = 0 : i64, scratch_operands = 5 : i64, tpu.core_type = #tpu.core_type<sc_vector_subcore>, window_params = [{transform_indices = #map}, {transform_indices = #map1}, {transform_indices = #map}, {transform_indices = #map}]} {
    %mul3A = arith.constant 632 : i32
    %mul3A_0 = arith.muli %arg1, %mul3A : i32
    "tpu.region"() ({
      %run_scoped3A_68 = tpu.sem_alloc : memref<!tpu.dma_semaphore, #tpu.memory_space<semaphore_mem>>
      %dma_start3A_69 = arith.constant 0 : i32
      %dma_start3A_70 = arith.constant 0 : i32
      %dma_start3A_71 = tpu.memref_slice %arg7[%dma_start3A_69, %dma_start3A_70] : memref<256x128xf32, #tpu.memory_space<vmem>> -> memref<128x128xf32, #tpu.memory_space<vmem>>
      %dma_start3A_72 = arith.constant 0 : i32
      %dma_start3A_73 = arith.constant 0 : i32
      %dma_start3A_74 = tpu.memref_slice %arg7[%dma_start3A_72, %dma_start3A_73] : memref<256x128xf32, #tpu.memory_space<vmem>> -> memref<128x128xf32, #tpu.memory_space<vmem>>
      tpu.enqueue_dma source(%arg4 : memref<128x128xf32, #tpu.memory_space<hbm>>) target(%dma_start3A_74 : memref<128x128xf32, #tpu.memory_space<vmem>>) target_semaphore(%run_scoped3A_68 : memref<!tpu.dma_semaphore, #tpu.memory_space<semaphore_mem>>)
      %dma_wait3A = arith.constant 0 : i32
      %dma_wait3A_75 = arith.constant 0 : i32
      %dma_wait3A_76 = tpu.memref_slice %arg7[%dma_wait3A, %dma_wait3A_75] : memref<256x128xf32, #tpu.memory_space<vmem>> -> memref<128x128xf32, #tpu.memory_space<vmem>>
      %dma_wait3A_77 = arith.constant 0 : i32
      %dma_wait3A_78 = arith.constant 0 : i32
      %dma_wait3A_79 = tpu.memref_slice %arg7[%dma_wait3A_77, %dma_wait3A_78] : memref<256x128xf32, #tpu.memory_space<vmem>> -> memref<128x128xf32, #tpu.memory_space<vmem>>
      tpu.wait_dma2 semaphore(%run_scoped3A_68 : memref<!tpu.dma_semaphore, #tpu.memory_space<semaphore_mem>>) src(%arg4 : memref<128x128xf32, #tpu.memory_space<hbm>>) dst(%dma_wait3A_79 : memref<128x128xf32, #tpu.memory_space<vmem>>)
      tpu.yield
    }) : () -> ()
    %add3A = arith.constant 0 : i32
    %add3A_1 = arith.addi %mul3A_0, %add3A : i32
    "tpu.region"() ({
      %run_scoped3A_68 = tpu.sem_alloc : memref<!tpu.dma_semaphore, #tpu.memory_space<semaphore_mem>>
      %dma_start3A_69 = arith.constant 0 : i32
      %dma_start3A_70 = arith.constant 0 : i32
      %dma_start3A_71 = tpu.memref_slice %arg7[%dma_start3A_69, %dma_start3A_70] : memref<256x128xf32, #tpu.memory_space<vmem>> -> memref<128x128xf32, #tpu.memory_space<vmem>>
      %dma_start3A_72 = arith.constant 0 : i32
      %dma_start3A_73 = tpu.memref_slice %arg8[%add3A_1, %dma_start3A_72] : memref<10112x128xf32, #tpu.memory_space<vmem_shared>> -> memref<128x128xf32, #tpu.memory_space<vmem_shared>>
      %dma_start3A_74 = arith.constant 0 : i32
      %dma_start3A_75 = tpu.memref_slice %arg8[%add3A_1, %dma_start3A_74] : memref<10112x128xf32, #tpu.memory_space<vmem_shared>> -> memref<128x128xf32, #tpu.memory_space<vmem_shared>>
      %dma_start3A_76 = arith.constant 0 : i32
      %dma_start3A_77 = arith.constant 0 : i32
      %dma_start3A_78 = tpu.memref_slice %arg7[%dma_start3A_76, %dma_start3A_77] : memref<256x128xf32, #tpu.memory_space<vmem>> -> memref<128x128xf32, #tpu.memory_space<vmem>>
      tpu.enqueue_dma source(%dma_start3A_78 : memref<128x128xf32, #tpu.memory_space<vmem>>) target(%dma_start3A_75 : memref<128x128xf32, #tpu.memory_space<vmem_shared>>) target_semaphore(%run_scoped3A_68 : memref<!tpu.dma_semaphore, #tpu.memory_space<semaphore_mem>>)
      %dma_wait3A = arith.constant 0 : i32
      %dma_wait3A_79 = arith.constant 0 : i32
      %dma_wait3A_80 = tpu.memref_slice %arg7[%dma_wait3A, %dma_wait3A_79] : memref<256x128xf32, #tpu.memory_space<vmem>> -> memref<128x128xf32, #tpu.memory_space<vmem>>
      %dma_wait3A_81 = arith.constant 0 : i32
      %dma_wait3A_82 = tpu.memref_slice %arg8[%add3A_1, %dma_wait3A_81] : memref<10112x128xf32, #tpu.memory_space<vmem_shared>> -> memref<128x128xf32, #tpu.memory_space<vmem_shared>>
      %dma_wait3A_83 = arith.constant 0 : i32
      %dma_wait3A_84 = tpu.memref_slice %arg8[%add3A_1, %dma_wait3A_83] : memref<10112x128xf32, #tpu.memory_space<vmem_shared>> -> memref<128x128xf32, #tpu.memory_space<vmem_shared>>
      %dma_wait3A_85 = arith.constant 0 : i32
      %dma_wait3A_86 = arith.constant 0 : i32
      %dma_wait3A_87 = tpu.memref_slice %arg7[%dma_wait3A_85, %dma_wait3A_86] : memref<256x128xf32, #tpu.memory_space<vmem>> -> memref<128x128xf32, #tpu.memory_space<vmem>>
      tpu.wait_dma2 semaphore(%run_scoped3A_68 : memref<!tpu.dma_semaphore, #tpu.memory_space<semaphore_mem>>) src(%dma_wait3A_87 : memref<128x128xf32, #tpu.memory_space<vmem>>) dst(%dma_wait3A_84 : memref<128x128xf32, #tpu.memory_space<vmem_shared>>)
      tpu.yield
    }) : () -> ()
    %add3A_2 = arith.constant 128 : i32
    %add3A_3 = arith.addi %mul3A_0, %add3A_2 : i32
    "tpu.region"() ({
      %run_scoped3A_68 = tpu.sem_alloc : memref<!tpu.dma_semaphore, #tpu.memory_space<semaphore_mem>>
      %dma_start3A_69 = arith.constant 0 : i32
      %dma_start3A_70 = arith.constant 0 : i32
      %dma_start3A_71 = tpu.memref_slice %arg7[%dma_start3A_69, %dma_start3A_70] : memref<256x128xf32, #tpu.memory_space<vmem>> -> memref<128x128xf32, #tpu.memory_space<vmem>>
      %dma_start3A_72 = arith.constant 0 : i32
      %dma_start3A_73 = tpu.memref_slice %arg8[%add3A_3, %dma_start3A_72] : memref<10112x128xf32, #tpu.memory_space<vmem_shared>> -> memref<128x128xf32, #tpu.memory_space<vmem_shared>>
      %dma_start3A_74 = arith.constant 0 : i32
      %dma_start3A_75 = tpu.memref_slice %arg8[%add3A_3, %dma_start3A_74] : memref<10112x128xf32, #tpu.memory_space<vmem_shared>> -> memref<128x128xf32, #tpu.memory_space<vmem_shared>>
      %dma_start3A_76 = arith.constant 0 : i32
      %dma_start3A_77 = arith.constant 0 : i32
      %dma_start3A_78 = tpu.memref_slice %arg7[%dma_start3A_76, %dma_start3A_77] : memref<256x128xf32, #tpu.memory_space<vmem>> -> memref<128x128xf32, #tpu.memory_space<vmem>>
      tpu.enqueue_dma source(%dma_start3A_78 : memref<128x128xf32, #tpu.memory_space<vmem>>) target(%dma_start3A_75 : memref<128x128xf32, #tpu.memory_space<vmem_shared>>) target_semaphore(%run_scoped3A_68 : memref<!tpu.dma_semaphore, #tpu.memory_space<semaphore_mem>>)
      %dma_wait3A = arith.constant 0 : i32
      %dma_wait3A_79 = arith.constant 0 : i32
      %dma_wait3A_80 = tpu.memref_slice %arg7[%dma_wait3A, %dma_wait3A_79] : memref<256x128xf32, #tpu.memory_space<vmem>> -> memref<128x128xf32, #tpu.memory_space<vmem>>
      %dma_wait3A_81 = arith.constant 0 : i32
      %dma_wait3A_82 = tpu.memref_slice %arg8[%add3A_3, %dma_wait3A_81] : memref<10112x128xf32, #tpu.memory_space<vmem_shared>> -> memref<128x128xf32, #tpu.memory_space<vmem_shared>>
      %dma_wait3A_83 = arith.constant 0 : i32
      %dma_wait3A_84 = tpu.memref_slice %arg8[%add3A_3, %dma_wait3A_83] : memref<10112x128xf32, #tpu.memory_space<vmem_shared>> -> memref<128x128xf32, #tpu.memory_space<vmem_shared>>
      %dma_wait3A_85 = arith.constant 0 : i32
      %dma_wait3A_86 = arith.constant 0 : i32
      %dma_wait3A_87 = tpu.memref_slice %arg7[%dma_wait3A_85, %dma_wait3A_86] : memref<256x128xf32, #tpu.memory_space<vmem>> -> memref<128x128xf32, #tpu.memory_space<vmem>>
      tpu.wait_dma2 semaphore(%run_scoped3A_68 : memref<!tpu.dma_semaphore, #tpu.memory_space<semaphore_mem>>) src(%dma_wait3A_87 : memref<128x128xf32, #tpu.memory_space<vmem>>) dst(%dma_wait3A_84 : memref<128x128xf32, #tpu.memory_space<vmem_shared>>)
      tpu.yield
    }) : () -> ()
    %add3A_4 = arith.constant 256 : i32
    %add3A_5 = arith.addi %mul3A_0, %add3A_4 : i32
    "tpu.region"() ({
      %run_scoped3A_68 = tpu.sem_alloc : memref<!tpu.dma_semaphore, #tpu.memory_space<semaphore_mem>>
      %dma_start3A_69 = arith.constant 0 : i32
      %dma_start3A_70 = arith.constant 0 : i32
      %dma_start3A_71 = tpu.memref_slice %arg7[%dma_start3A_69, %dma_start3A_70] : memref<256x128xf32, #tpu.memory_space<vmem>> -> memref<128x128xf32, #tpu.memory_space<vmem>>
      %dma_start3A_72 = arith.constant 0 : i32
      %dma_start3A_73 = tpu.memref_slice %arg8[%add3A_5, %dma_start3A_72] : memref<10112x128xf32, #tpu.memory_space<vmem_shared>> -> memref<128x128xf32, #tpu.memory_space<vmem_shared>>
      %dma_start3A_74 = arith.constant 0 : i32
      %dma_start3A_75 = tpu.memref_slice %arg8[%add3A_5, %dma_start3A_74] : memref<10112x128xf32, #tpu.memory_space<vmem_shared>> -> memref<128x128xf32, #tpu.memory_space<vmem_shared>>
      %dma_start3A_76 = arith.constant 0 : i32
      %dma_start3A_77 = arith.constant 0 : i32
      %dma_start3A_78 = tpu.memref_slice %arg7[%dma_start3A_76, %dma_start3A_77] : memref<256x128xf32, #tpu.memory_space<vmem>> -> memref<128x128xf32, #tpu.memory_space<vmem>>
      tpu.enqueue_dma source(%dma_start3A_78 : memref<128x128xf32, #tpu.memory_space<vmem>>) target(%dma_start3A_75 : memref<128x128xf32, #tpu.memory_space<vmem_shared>>) target_semaphore(%run_scoped3A_68 : memref<!tpu.dma_semaphore, #tpu.memory_space<semaphore_mem>>)
      %dma_wait3A = arith.constant 0 : i32
      %dma_wait3A_79 = arith.constant 0 : i32
      %dma_wait3A_80 = tpu.memref_slice %arg7[%dma_wait3A, %dma_wait3A_79] : memref<256x128xf32, #tpu.memory_space<vmem>> -> memref<128x128xf32, #tpu.memory_space<vmem>>
      %dma_wait3A_81 = arith.constant 0 : i32
      %dma_wait3A_82 = tpu.memref_slice %arg8[%add3A_5, %dma_wait3A_81] : memref<10112x128xf32, #tpu.memory_space<vmem_shared>> -> memref<128x128xf32, #tpu.memory_space<vmem_shared>>
      %dma_wait3A_83 = arith.constant 0 : i32
      %dma_wait3A_84 = tpu.memref_slice %arg8[%add3A_5, %dma_wait3A_83] : memref<10112x128xf32, #tpu.memory_space<vmem_shared>> -> memref<128x128xf32, #tpu.memory_space<vmem_shared>>
      %dma_wait3A_85 = arith.constant 0 : i32
      %dma_wait3A_86 = arith.constant 0 : i32
      %dma_wait3A_87 = tpu.memref_slice %arg7[%dma_wait3A_85, %dma_wait3A_86] : memref<256x128xf32, #tpu.memory_space<vmem>> -> memref<128x128xf32, #tpu.memory_space<vmem>>
      tpu.wait_dma2 semaphore(%run_scoped3A_68 : memref<!tpu.dma_semaphore, #tpu.memory_space<semaphore_mem>>) src(%dma_wait3A_87 : memref<128x128xf32, #tpu.memory_space<vmem>>) dst(%dma_wait3A_84 : memref<128x128xf32, #tpu.memory_space<vmem_shared>>)
      tpu.yield
    }) : () -> ()
    %add3A_6 = arith.constant 384 : i32
    %add3A_7 = arith.addi %mul3A_0, %add3A_6 : i32
    "tpu.region"() ({
      %run_scoped3A_68 = tpu.sem_alloc : memref<!tpu.dma_semaphore, #tpu.memory_space<semaphore_mem>>
      %dma_start3A_69 = arith.constant 0 : i32
      %dma_start3A_70 = arith.constant 0 : i32
      %dma_start3A_71 = tpu.memref_slice %arg7[%dma_start3A_69, %dma_start3A_70] : memref<256x128xf32, #tpu.memory_space<vmem>> -> memref<128x128xf32, #tpu.memory_space<vmem>>
      %dma_start3A_72 = arith.constant 0 : i32
      %dma_start3A_73 = tpu.memref_slice %arg8[%add3A_7, %dma_start3A_72] : memref<10112x128xf32, #tpu.memory_space<vmem_shared>> -> memref<128x128xf32, #tpu.memory_space<vmem_shared>>
      %dma_start3A_74 = arith.constant 0 : i32
      %dma_start3A_75 = tpu.memref_slice %arg8[%add3A_7, %dma_start3A_74] : memref<10112x128xf32, #tpu.memory_space<vmem_shared>> -> memref<128x128xf32, #tpu.memory_space<vmem_shared>>
      %dma_start3A_76 = arith.constant 0 : i32
      %dma_start3A_77 = arith.constant 0 : i32
      %dma_start3A_78 = tpu.memref_slice %arg7[%dma_start3A_76, %dma_start3A_77] : memref<256x128xf32, #tpu.memory_space<vmem>> -> memref<128x128xf32, #tpu.memory_space<vmem>>
      tpu.enqueue_dma source(%dma_start3A_78 : memref<128x128xf32, #tpu.memory_space<vmem>>) target(%dma_start3A_75 : memref<128x128xf32, #tpu.memory_space<vmem_shared>>) target_semaphore(%run_scoped3A_68 : memref<!tpu.dma_semaphore, #tpu.memory_space<semaphore_mem>>)
      %dma_wait3A = arith.constant 0 : i32
      %dma_wait3A_79 = arith.constant 0 : i32
      %dma_wait3A_80 = tpu.memref_slice %arg7[%dma_wait3A, %dma_wait3A_79] : memref<256x128xf32, #tpu.memory_space<vmem>> -> memref<128x128xf32, #tpu.memory_space<vmem>>
      %dma_wait3A_81 = arith.constant 0 : i32
      %dma_wait3A_82 = tpu.memref_slice %arg8[%add3A_7, %dma_wait3A_81] : memref<10112x128xf32, #tpu.memory_space<vmem_shared>> -> memref<128x128xf32, #tpu.memory_space<vmem_shared>>
      %dma_wait3A_83 = arith.constant 0 : i32
      %dma_wait3A_84 = tpu.memref_slice %arg8[%add3A_7, %dma_wait3A_83] : memref<10112x128xf32, #tpu.memory_space<vmem_shared>> -> memref<128x128xf32, #tpu.memory_space<vmem_shared>>
      %dma_wait3A_85 = arith.constant 0 : i32
      %dma_wait3A_86 = arith.constant 0 : i32
      %dma_wait3A_87 = tpu.memref_slice %arg7[%dma_wait3A_85, %dma_wait3A_86] : memref<256x128xf32, #tpu.memory_space<vmem>> -> memref<128x128xf32, #tpu.memory_space<vmem>>
      tpu.wait_dma2 semaphore(%run_scoped3A_68 : memref<!tpu.dma_semaphore, #tpu.memory_space<semaphore_mem>>) src(%dma_wait3A_87 : memref<128x128xf32, #tpu.memory_space<vmem>>) dst(%dma_wait3A_84 : memref<128x128xf32, #tpu.memory_space<vmem_shared>>)
      tpu.yield
    }) : () -> ()
    %add3A_8 = arith.constant 512 : i32
    %add3A_9 = arith.addi %mul3A_0, %add3A_8 : i32
    "tpu.region"() ({
      %run_scoped3A_68 = tpu.sem_alloc : memref<!tpu.dma_semaphore, #tpu.memory_space<semaphore_mem>>
      %dma_start3A_69 = arith.constant 0 : i32
      %dma_start3A_70 = arith.constant 0 : i32
      %dma_start3A_71 = tpu.memref_slice %arg7[%dma_start3A_69, %dma_start3A_70] : memref<256x128xf32, #tpu.memory_space<vmem>> -> memref<120x128xf32, #tpu.memory_space<vmem>>
      %dma_start3A_72 = arith.constant 0 : i32
      %dma_start3A_73 = tpu.memref_slice %arg8[%add3A_9, %dma_start3A_72] : memref<10112x128xf32, #tpu.memory_space<vmem_shared>> -> memref<120x128xf32, #tpu.memory_space<vmem_shared>>
      %dma_start3A_74 = arith.constant 0 : i32
      %dma_start3A_75 = tpu.memref_slice %arg8[%add3A_9, %dma_start3A_74] : memref<10112x128xf32, #tpu.memory_space<vmem_shared>> -> memref<120x128xf32, #tpu.memory_space<vmem_shared>>
      %dma_start3A_76 = arith.constant 0 : i32
      %dma_start3A_77 = arith.constant 0 : i32
      %dma_start3A_78 = tpu.memref_slice %arg7[%dma_start3A_76, %dma_start3A_77] : memref<256x128xf32, #tpu.memory_space<vmem>> -> memref<120x128xf32, #tpu.memory_space<vmem>>
      tpu.enqueue_dma source(%dma_start3A_78 : memref<120x128xf32, #tpu.memory_space<vmem>>) target(%dma_start3A_75 : memref<120x128xf32, #tpu.memory_space<vmem_shared>>) target_semaphore(%run_scoped3A_68 : memref<!tpu.dma_semaphore, #tpu.memory_space<semaphore_mem>>)
      %dma_wait3A = arith.constant 0 : i32
      %dma_wait3A_79 = arith.constant 0 : i32
      %dma_wait3A_80 = tpu.memref_slice %arg7[%dma_wait3A, %dma_wait3A_79] : memref<256x128xf32, #tpu.memory_space<vmem>> -> memref<120x128xf32, #tpu.memory_space<vmem>>
      %dma_wait3A_81 = arith.constant 0 : i32
      %dma_wait3A_82 = tpu.memref_slice %arg8[%add3A_9, %dma_wait3A_81] : memref<10112x128xf32, #tpu.memory_space<vmem_shared>> -> memref<120x128xf32, #tpu.memory_space<vmem_shared>>
      %dma_wait3A_83 = arith.constant 0 : i32
      %dma_wait3A_84 = tpu.memref_slice %arg8[%add3A_9, %dma_wait3A_83] : memref<10112x128xf32, #tpu.memory_space<vmem_shared>> -> memref<120x128xf32, #tpu.memory_space<vmem_shared>>
      %dma_wait3A_85 = arith.constant 0 : i32
      %dma_wait3A_86 = arith.constant 0 : i32
      %dma_wait3A_87 = tpu.memref_slice %arg7[%dma_wait3A_85, %dma_wait3A_86] : memref<256x128xf32, #tpu.memory_space<vmem>> -> memref<120x128xf32, #tpu.memory_space<vmem>>
      tpu.wait_dma2 semaphore(%run_scoped3A_68 : memref<!tpu.dma_semaphore, #tpu.memory_space<semaphore_mem>>) src(%dma_wait3A_87 : memref<120x128xf32, #tpu.memory_space<vmem>>) dst(%dma_wait3A_84 : memref<120x128xf32, #tpu.memory_space<vmem_shared>>)
      tpu.yield
    }) : () -> ()
    %barrier3A = arith.constant 0 : index
    tpu.barrier barrier_id(%barrier3A)
    %mul3A_10 = arith.constant 2528 : i32
    %mul3A_11 = arith.muli %arg0, %mul3A_10 : i32
    %mul3A_12 = arith.constant 158 : i32
    %mul3A_13 = arith.muli %arg1, %mul3A_12 : i32
    %add3A_14 = arith.addi %mul3A_11, %mul3A_13 : i32
    %add3A_15 = arith.constant 0 : i32
    %add3A_16 = arith.addi %add3A_14, %add3A_15 : i32
    %run_scoped3A = arith.constant 0 : i32
    "tpu.region"() ({
      %run_scoped3A_68 = tpu.sem_alloc : memref<!tpu.dma_semaphore, #tpu.memory_space<semaphore_mem>>
      %dma_start3A_69 = arith.constant 0 : i32
      %dma_start3A_70 = arith.constant 0 : i32
      %dma_start3A_71 = tpu.memref_slice %arg6[%run_scoped3A, %dma_start3A_69, %dma_start3A_70] : memref<2x2x128xi32, #tpu.memory_space<vmem>> -> memref<1x2x128xi32, #tpu.memory_space<vmem>>
      %dma_start3A_72 = tpu.memref_squeeze %dma_start3A_71 : memref<1x2x128xi32, #tpu.memory_space<vmem>> -> memref<2x128xi32, #tpu.memory_space<vmem>>
      %dma_start3A_73 = arith.constant 0 : i32
      %dma_start3A_74 = arith.constant 0 : i32
      %dma_start3A_75 = tpu.memref_slice %arg3[%add3A_16, %dma_start3A_73, %dma_start3A_74] : memref<5056x2x128xi32, #tpu.memory_space<hbm>> -> memref<1x2x128xi32, #tpu.memory_space<hbm>>
      %dma_start3A_76 = tpu.memref_squeeze %dma_start3A_75 : memref<1x2x128xi32, #tpu.memory_space<hbm>> -> memref<2x128xi32, #tpu.memory_space<hbm>>
      %dma_start3A_77 = arith.constant 0 : i32
      %dma_start3A_78 = arith.constant 0 : i32
      %dma_start3A_79 = tpu.memref_slice %arg6[%run_scoped3A, %dma_start3A_77, %dma_start3A_78] : memref<2x2x128xi32, #tpu.memory_space<vmem>> -> memref<1x2x128xi32, #tpu.memory_space<vmem>>
      %dma_start3A_80 = tpu.memref_squeeze %dma_start3A_79 : memref<1x2x128xi32, #tpu.memory_space<vmem>> -> memref<2x128xi32, #tpu.memory_space<vmem>>
      %dma_start3A_81 = arith.constant 0 : i32
      %dma_start3A_82 = arith.constant 0 : i32
      %dma_start3A_83 = tpu.memref_slice %arg3[%add3A_16, %dma_start3A_81, %dma_start3A_82] : memref<5056x2x128xi32, #tpu.memory_space<hbm>> -> memref<1x2x128xi32, #tpu.memory_space<hbm>>
      %dma_start3A_84 = tpu.memref_squeeze %dma_start3A_83 : memref<1x2x128xi32, #tpu.memory_space<hbm>> -> memref<2x128xi32, #tpu.memory_space<hbm>>
      tpu.enqueue_dma source(%dma_start3A_84 : memref<2x128xi32, #tpu.memory_space<hbm>>) target(%dma_start3A_80 : memref<2x128xi32, #tpu.memory_space<vmem>>) target_semaphore(%run_scoped3A_68 : memref<!tpu.dma_semaphore, #tpu.memory_space<semaphore_mem>>)
      %dma_wait3A = arith.constant 0 : i32
      %dma_wait3A_85 = arith.constant 0 : i32
      %dma_wait3A_86 = tpu.memref_slice %arg6[%run_scoped3A, %dma_wait3A, %dma_wait3A_85] : memref<2x2x128xi32, #tpu.memory_space<vmem>> -> memref<1x2x128xi32, #tpu.memory_space<vmem>>
      %dma_wait3A_87 = tpu.memref_squeeze %dma_wait3A_86 : memref<1x2x128xi32, #tpu.memory_space<vmem>> -> memref<2x128xi32, #tpu.memory_space<vmem>>
      %dma_wait3A_88 = arith.constant 0 : i32
      %dma_wait3A_89 = arith.constant 0 : i32
      %dma_wait3A_90 = tpu.memref_slice %arg3[%add3A_16, %dma_wait3A_88, %dma_wait3A_89] : memref<5056x2x128xi32, #tpu.memory_space<hbm>> -> memref<1x2x128xi32, #tpu.memory_space<hbm>>
      %dma_wait3A_91 = tpu.memref_squeeze %dma_wait3A_90 : memref<1x2x128xi32, #tpu.memory_space<hbm>> -> memref<2x128xi32, #tpu.memory_space<hbm>>
      %dma_wait3A_92 = arith.constant 0 : i32
      %dma_wait3A_93 = arith.constant 0 : i32
      %dma_wait3A_94 = tpu.memref_slice %arg6[%run_scoped3A, %dma_wait3A_92, %dma_wait3A_93] : memref<2x2x128xi32, #tpu.memory_space<vmem>> -> memref<1x2x128xi32, #tpu.memory_space<vmem>>
      %dma_wait3A_95 = tpu.memref_squeeze %dma_wait3A_94 : memref<1x2x128xi32, #tpu.memory_space<vmem>> -> memref<2x128xi32, #tpu.memory_space<vmem>>
      %dma_wait3A_96 = arith.constant 0 : i32
      %dma_wait3A_97 = arith.constant 0 : i32
      %dma_wait3A_98 = tpu.memref_slice %arg3[%add3A_16, %dma_wait3A_96, %dma_wait3A_97] : memref<5056x2x128xi32, #tpu.memory_space<hbm>> -> memref<1x2x128xi32, #tpu.memory_space<hbm>>
      %dma_wait3A_99 = tpu.memref_squeeze %dma_wait3A_98 : memref<1x2x128xi32, #tpu.memory_space<hbm>> -> memref<2x128xi32, #tpu.memory_space<hbm>>
      tpu.wait_dma2 semaphore(%run_scoped3A_68 : memref<!tpu.dma_semaphore, #tpu.memory_space<semaphore_mem>>) src(%dma_wait3A_99 : memref<2x128xi32, #tpu.memory_space<hbm>>) dst(%dma_wait3A_95 : memref<2x128xi32, #tpu.memory_space<vmem>>)
      tpu.yield
    }) : () -> ()
    %dma_start3A = arith.constant 0 : i32
    %dma_start3A_17 = arith.constant 0 : i32
    %dma_start3A_18 = arith.constant 0 : i32
    %dma_start3A_19 = arith.constant 0 : i32
    %dma_start3A_20 = tpu.memref_slice %arg7[%dma_start3A_18, %dma_start3A_19] : memref<256x128xf32, #tpu.memory_space<vmem>> -> memref<128x128xf32, #tpu.memory_space<vmem>>
    %dma_start3A_21 = arith.constant 0 : i32
    %dma_start3A_22 = tpu.memref_slice %arg6[%dma_start3A, %dma_start3A_17, %dma_start3A_21] : memref<2x2x128xi32, #tpu.memory_space<vmem>> -> memref<1x1x128xi32, #tpu.memory_space<vmem>>
    %dma_start3A_23 = tpu.memref_squeeze %dma_start3A_22 : memref<1x1x128xi32, #tpu.memory_space<vmem>> -> memref<128xi32, #tpu.memory_space<vmem>>
    %dma_start3A_24 = arith.constant 0 : i32
    %dma_start3A_25 = arith.constant 0 : i32
    %dma_start3A_26 = tpu.memref_slice %arg2[%dma_start3A_24, %dma_start3A_25] : memref<20000x128xf32, #tpu.memory_space<hbm>> -> memref<20000x128xf32, #tpu.memory_space<hbm>>
    tpu.enqueue_indirect_dma source(%dma_start3A_26 : memref<20000x128xf32, #tpu.memory_space<hbm>>) target(%dma_start3A_20 : memref<128x128xf32, #tpu.memory_space<vmem>>) offsets(%dma_start3A_23 : memref<128xi32, #tpu.memory_space<vmem>>) semaphore(%arg9 : memref<!tpu.dma_semaphore, #tpu.memory_space<semaphore_mem>>)
    %scan3A = arith.constant 0 : i32
    %scan3A_27 = arith.constant 0 : i32
    %scan3A_28 = arith.constant 79 : i32
    %scan3A_29 = arith.addi %scan3A_27, %scan3A_28 : i32
    %scan3A_30 = arith.constant 1 : i32
    scf.for %scan3A_68 = %scan3A_27 to %scan3A_29 step %scan3A_30  : i32 {
      %mul3A_69 = arith.constant 2 : i32
      %mul3A_70 = arith.muli %mul3A_69, %scan3A_68 : i32
      %add3A_71 = arith.constant 1 : i32
      %add3A_72 = arith.addi %mul3A_70, %add3A_71 : i32
      %add3A_73 = arith.addi %add3A_14, %add3A_72 : i32
      %run_scoped3A_74 = arith.constant 1 : i32
      "tpu.region"() ({
        %run_scoped3A_117 = tpu.sem_alloc : memref<!tpu.dma_semaphore, #tpu.memory_space<semaphore_mem>>
        %dma_start3A_118 = arith.constant 0 : i32
        %dma_start3A_119 = arith.constant 0 : i32
        %dma_start3A_120 = tpu.memref_slice %arg6[%run_scoped3A_74, %dma_start3A_118, %dma_start3A_119] : memref<2x2x128xi32, #tpu.memory_space<vmem>> -> memref<1x2x128xi32, #tpu.memory_space<vmem>>
        %dma_start3A_121 = tpu.memref_squeeze %dma_start3A_120 : memref<1x2x128xi32, #tpu.memory_space<vmem>> -> memref<2x128xi32, #tpu.memory_space<vmem>>
        %dma_start3A_122 = arith.constant 0 : i32
        %dma_start3A_123 = arith.constant 0 : i32
        %dma_start3A_124 = tpu.memref_slice %arg3[%add3A_73, %dma_start3A_122, %dma_start3A_123] : memref<5056x2x128xi32, #tpu.memory_space<hbm>> -> memref<1x2x128xi32, #tpu.memory_space<hbm>>
        %dma_start3A_125 = tpu.memref_squeeze %dma_start3A_124 : memref<1x2x128xi32, #tpu.memory_space<hbm>> -> memref<2x128xi32, #tpu.memory_space<hbm>>
        %dma_start3A_126 = arith.constant 0 : i32
        %dma_start3A_127 = arith.constant 0 : i32
        %dma_start3A_128 = tpu.memref_slice %arg6[%run_scoped3A_74, %dma_start3A_126, %dma_start3A_127] : memref<2x2x128xi32, #tpu.memory_space<vmem>> -> memref<1x2x128xi32, #tpu.memory_space<vmem>>
        %dma_start3A_129 = tpu.memref_squeeze %dma_start3A_128 : memref<1x2x128xi32, #tpu.memory_space<vmem>> -> memref<2x128xi32, #tpu.memory_space<vmem>>
        %dma_start3A_130 = arith.constant 0 : i32
        %dma_start3A_131 = arith.constant 0 : i32
        %dma_start3A_132 = tpu.memref_slice %arg3[%add3A_73, %dma_start3A_130, %dma_start3A_131] : memref<5056x2x128xi32, #tpu.memory_space<hbm>> -> memref<1x2x128xi32, #tpu.memory_space<hbm>>
        %dma_start3A_133 = tpu.memref_squeeze %dma_start3A_132 : memref<1x2x128xi32, #tpu.memory_space<hbm>> -> memref<2x128xi32, #tpu.memory_space<hbm>>
        tpu.enqueue_dma source(%dma_start3A_133 : memref<2x128xi32, #tpu.memory_space<hbm>>) target(%dma_start3A_129 : memref<2x128xi32, #tpu.memory_space<vmem>>) target_semaphore(%run_scoped3A_117 : memref<!tpu.dma_semaphore, #tpu.memory_space<semaphore_mem>>)
        %dma_wait3A_134 = arith.constant 0 : i32
        %dma_wait3A_135 = arith.constant 0 : i32
        %dma_wait3A_136 = tpu.memref_slice %arg6[%run_scoped3A_74, %dma_wait3A_134, %dma_wait3A_135] : memref<2x2x128xi32, #tpu.memory_space<vmem>> -> memref<1x2x128xi32, #tpu.memory_space<vmem>>
        %dma_wait3A_137 = tpu.memref_squeeze %dma_wait3A_136 : memref<1x2x128xi32, #tpu.memory_space<vmem>> -> memref<2x128xi32, #tpu.memory_space<vmem>>
        %dma_wait3A_138 = arith.constant 0 : i32
        %dma_wait3A_139 = arith.constant 0 : i32
        %dma_wait3A_140 = tpu.memref_slice %arg3[%add3A_73, %dma_wait3A_138, %dma_wait3A_139] : memref<5056x2x128xi32, #tpu.memory_space<hbm>> -> memref<1x2x128xi32, #tpu.memory_space<hbm>>
        %dma_wait3A_141 = tpu.memref_squeeze %dma_wait3A_140 : memref<1x2x128xi32, #tpu.memory_space<hbm>> -> memref<2x128xi32, #tpu.memory_space<hbm>>
        %dma_wait3A_142 = arith.constant 0 : i32
        %dma_wait3A_143 = arith.constant 0 : i32
        %dma_wait3A_144 = tpu.memref_slice %arg6[%run_scoped3A_74, %dma_wait3A_142, %dma_wait3A_143] : memref<2x2x128xi32, #tpu.memory_space<vmem>> -> memref<1x2x128xi32, #tpu.memory_space<vmem>>
        %dma_wait3A_145 = tpu.memref_squeeze %dma_wait3A_144 : memref<1x2x128xi32, #tpu.memory_space<vmem>> -> memref<2x128xi32, #tpu.memory_space<vmem>>
        %dma_wait3A_146 = arith.constant 0 : i32
        %dma_wait3A_147 = arith.constant 0 : i32
        %dma_wait3A_148 = tpu.memref_slice %arg3[%add3A_73, %dma_wait3A_146, %dma_wait3A_147] : memref<5056x2x128xi32, #tpu.memory_space<hbm>> -> memref<1x2x128xi32, #tpu.memory_space<hbm>>
        %dma_wait3A_149 = tpu.memref_squeeze %dma_wait3A_148 : memref<1x2x128xi32, #tpu.memory_space<hbm>> -> memref<2x128xi32, #tpu.memory_space<hbm>>
        tpu.wait_dma2 semaphore(%run_scoped3A_117 : memref<!tpu.dma_semaphore, #tpu.memory_space<semaphore_mem>>) src(%dma_wait3A_149 : memref<2x128xi32, #tpu.memory_space<hbm>>) dst(%dma_wait3A_145 : memref<2x128xi32, #tpu.memory_space<vmem>>)
        tpu.yield
      }) : () -> ()
      %dma_start3A_75 = arith.constant 1 : i32
      %dma_start3A_76 = arith.constant 0 : i32
      %dma_start3A_77 = arith.constant 128 : i32
      %dma_start3A_78 = arith.constant 0 : i32
      %dma_start3A_79 = tpu.memref_slice %arg7[%dma_start3A_77, %dma_start3A_78] : memref<256x128xf32, #tpu.memory_space<vmem>> -> memref<128x128xf32, #tpu.memory_space<vmem>>
      %dma_start3A_80 = arith.constant 0 : i32
      %dma_start3A_81 = tpu.memref_slice %arg6[%dma_start3A_75, %dma_start3A_76, %dma_start3A_80] : memref<2x2x128xi32, #tpu.memory_space<vmem>> -> memref<1x1x128xi32, #tpu.memory_space<vmem>>
      %dma_start3A_82 = tpu.memref_squeeze %dma_start3A_81 : memref<1x1x128xi32, #tpu.memory_space<vmem>> -> memref<128xi32, #tpu.memory_space<vmem>>
      %dma_start3A_83 = arith.constant 0 : i32
      %dma_start3A_84 = arith.constant 0 : i32
      %dma_start3A_85 = tpu.memref_slice %arg2[%dma_start3A_83, %dma_start3A_84] : memref<20000x128xf32, #tpu.memory_space<hbm>> -> memref<20000x128xf32, #tpu.memory_space<hbm>>
      tpu.enqueue_indirect_dma source(%dma_start3A_85 : memref<20000x128xf32, #tpu.memory_space<hbm>>) target(%dma_start3A_79 : memref<128x128xf32, #tpu.memory_space<vmem>>) offsets(%dma_start3A_82 : memref<128xi32, #tpu.memory_space<vmem>>) semaphore(%arg10 : memref<!tpu.dma_semaphore, #tpu.memory_space<semaphore_mem>>)
      %dma_wait3A = arith.constant 0 : i32
      %dma_wait3A_86 = arith.constant 0 : i32
      %dma_wait3A_87 = arith.constant 0 : i32
      %dma_wait3A_88 = arith.constant 0 : i32
      %dma_wait3A_89 = tpu.memref_slice %arg7[%dma_wait3A_87, %dma_wait3A_88] : memref<256x128xf32, #tpu.memory_space<vmem>> -> memref<128x128xf32, #tpu.memory_space<vmem>>
      %dma_wait3A_90 = arith.constant 0 : i32
      %dma_wait3A_91 = tpu.memref_slice %arg6[%dma_wait3A, %dma_wait3A_86, %dma_wait3A_90] : memref<2x2x128xi32, #tpu.memory_space<vmem>> -> memref<1x1x128xi32, #tpu.memory_space<vmem>>
      %dma_wait3A_92 = tpu.memref_squeeze %dma_wait3A_91 : memref<1x1x128xi32, #tpu.memory_space<vmem>> -> memref<128xi32, #tpu.memory_space<vmem>>
      %dma_wait3A_93 = arith.constant 0 : i32
      %dma_wait3A_94 = arith.constant 0 : i32
      %dma_wait3A_95 = tpu.memref_slice %arg2[%dma_wait3A_93, %dma_wait3A_94] : memref<20000x128xf32, #tpu.memory_space<hbm>> -> memref<20000x128xf32, #tpu.memory_space<hbm>>
      tpu.wait_indirect_dma semaphore(%arg9 : memref<!tpu.dma_semaphore, #tpu.memory_space<semaphore_mem>>) src(%dma_wait3A_95 : memref<20000x128xf32, #tpu.memory_space<hbm>>) dst(%dma_wait3A_89 : memref<128x128xf32, #tpu.memory_space<vmem>>)
      %run_scoped3A_96 = arith.constant 0 : i32
      %run_scoped3A_97 = arith.constant 1 : i32
      "tpu.region"() ({
        %run_scoped3A_117 = tpu.sem_alloc : memref<!tpu.dma_semaphore, #tpu.memory_space<semaphore_mem>>
        %dma_start3A_118 = arith.constant 0 : i32
        %dma_start3A_119 = arith.constant 0 : i32
        %dma_start3A_120 = tpu.memref_slice %arg7[%dma_start3A_118, %dma_start3A_119] : memref<256x128xf32, #tpu.memory_space<vmem>> -> memref<128x128xf32, #tpu.memory_space<vmem>>
        %dma_start3A_121 = arith.constant 0 : i32
        %dma_start3A_122 = tpu.memref_slice %arg6[%run_scoped3A_96, %run_scoped3A_97, %dma_start3A_121] : memref<2x2x128xi32, #tpu.memory_space<vmem>> -> memref<1x1x128xi32, #tpu.memory_space<vmem>>
        %dma_start3A_123 = tpu.memref_squeeze %dma_start3A_122 : memref<1x1x128xi32, #tpu.memory_space<vmem>> -> memref<128xi32, #tpu.memory_space<vmem>>
        %dma_start3A_124 = arith.constant 0 : i32
        %dma_start3A_125 = arith.constant 0 : i32
        %dma_start3A_126 = tpu.memref_slice %arg8[%dma_start3A_124, %dma_start3A_125] : memref<10112x128xf32, #tpu.memory_space<vmem_shared>> -> memref<10112x128xf32, #tpu.memory_space<vmem_shared>>
        tpu.enqueue_indirect_dma source(%dma_start3A_120 : memref<128x128xf32, #tpu.memory_space<vmem>>) target(%dma_start3A_126 : memref<10112x128xf32, #tpu.memory_space<vmem_shared>>) offsets(%dma_start3A_123 : memref<128xi32, #tpu.memory_space<vmem>>) semaphore(%run_scoped3A_117 : memref<!tpu.dma_semaphore, #tpu.memory_space<semaphore_mem>>) {add = true}
        %dma_wait3A_127 = arith.constant 0 : i32
        %dma_wait3A_128 = arith.constant 0 : i32
        %dma_wait3A_129 = tpu.memref_slice %arg7[%dma_wait3A_127, %dma_wait3A_128] : memref<256x128xf32, #tpu.memory_space<vmem>> -> memref<128x128xf32, #tpu.memory_space<vmem>>
        %dma_wait3A_130 = arith.constant 0 : i32
        %dma_wait3A_131 = tpu.memref_slice %arg6[%run_scoped3A_96, %run_scoped3A_97, %dma_wait3A_130] : memref<2x2x128xi32, #tpu.memory_space<vmem>> -> memref<1x1x128xi32, #tpu.memory_space<vmem>>
        %dma_wait3A_132 = tpu.memref_squeeze %dma_wait3A_131 : memref<1x1x128xi32, #tpu.memory_space<vmem>> -> memref<128xi32, #tpu.memory_space<vmem>>
        %dma_wait3A_133 = arith.constant 0 : i32
        %dma_wait3A_134 = arith.constant 0 : i32
        %dma_wait3A_135 = tpu.memref_slice %arg8[%dma_wait3A_133, %dma_wait3A_134] : memref<10112x128xf32, #tpu.memory_space<vmem_shared>> -> memref<10112x128xf32, #tpu.memory_space<vmem_shared>>
        tpu.wait_indirect_dma semaphore(%run_scoped3A_117 : memref<!tpu.dma_semaphore, #tpu.memory_space<semaphore_mem>>) src(%dma_wait3A_129 : memref<128x128xf32, #tpu.memory_space<vmem>>) dst(%dma_wait3A_135 : memref<10112x128xf32, #tpu.memory_space<vmem_shared>>)
        tpu.yield
      }) : () -> ()
      %mul3A_98 = arith.constant 2 : i32
      %mul3A_99 = arith.muli %mul3A_98, %scan3A_68 : i32
      %add3A_100 = arith.constant 2 : i32
      %add3A_101 = arith.addi %mul3A_99, %add3A_100 : i32
      %lt3A = arith.constant 158 : i32
      %lt3A_102 = arith.cmpi slt, %add3A_101, %lt3A : i32
      %convert_element_type3A = arith.extui %lt3A_102 : i1 to i32
      %cond3A = arith.constant 0 : i32
      %cond3A_103 = arith.cmpi ne, %convert_element_type3A, %cond3A : i32
      scf.if %cond3A_103 {
        %mul3A_117 = arith.constant 2 : i32
        %mul3A_118 = arith.muli %mul3A_117, %scan3A_68 : i32
        %add3A_119 = arith.constant 2 : i32
        %add3A_120 = arith.addi %mul3A_118, %add3A_119 : i32
        %add3A_121 = arith.addi %add3A_14, %add3A_120 : i32
        %run_scoped3A_122 = arith.constant 0 : i32
        "tpu.region"() ({
          %run_scoped3A_134 = tpu.sem_alloc : memref<!tpu.dma_semaphore, #tpu.memory_space<semaphore_mem>>
          %dma_start3A_135 = arith.constant 0 : i32
          %dma_start3A_136 = arith.constant 0 : i32
          %dma_start3A_137 = tpu.memref_slice %arg6[%run_scoped3A_122, %dma_start3A_135, %dma_start3A_136] : memref<2x2x128xi32, #tpu.memory_space<vmem>> -> memref<1x2x128xi32, #tpu.memory_space<vmem>>
          %dma_start3A_138 = tpu.memref_squeeze %dma_start3A_137 : memref<1x2x128xi32, #tpu.memory_space<vmem>> -> memref<2x128xi32, #tpu.memory_space<vmem>>
          %dma_start3A_139 = arith.constant 0 : i32
          %dma_start3A_140 = arith.constant 0 : i32
          %dma_start3A_141 = tpu.memref_slice %arg3[%add3A_121, %dma_start3A_139, %dma_start3A_140] : memref<5056x2x128xi32, #tpu.memory_space<hbm>> -> memref<1x2x128xi32, #tpu.memory_space<hbm>>
          %dma_start3A_142 = tpu.memref_squeeze %dma_start3A_141 : memref<1x2x128xi32, #tpu.memory_space<hbm>> -> memref<2x128xi32, #tpu.memory_space<hbm>>
          %dma_start3A_143 = arith.constant 0 : i32
          %dma_start3A_144 = arith.constant 0 : i32
          %dma_start3A_145 = tpu.memref_slice %arg6[%run_scoped3A_122, %dma_start3A_143, %dma_start3A_144] : memref<2x2x128xi32, #tpu.memory_space<vmem>> -> memref<1x2x128xi32, #tpu.memory_space<vmem>>
          %dma_start3A_146 = tpu.memref_squeeze %dma_start3A_145 : memref<1x2x128xi32, #tpu.memory_space<vmem>> -> memref<2x128xi32, #tpu.memory_space<vmem>>
          %dma_start3A_147 = arith.constant 0 : i32
          %dma_start3A_148 = arith.constant 0 : i32
          %dma_start3A_149 = tpu.memref_slice %arg3[%add3A_121, %dma_start3A_147, %dma_start3A_148] : memref<5056x2x128xi32, #tpu.memory_space<hbm>> -> memref<1x2x128xi32, #tpu.memory_space<hbm>>
          %dma_start3A_150 = tpu.memref_squeeze %dma_start3A_149 : memref<1x2x128xi32, #tpu.memory_space<hbm>> -> memref<2x128xi32, #tpu.memory_space<hbm>>
          tpu.enqueue_dma source(%dma_start3A_150 : memref<2x128xi32, #tpu.memory_space<hbm>>) target(%dma_start3A_146 : memref<2x128xi32, #tpu.memory_space<vmem>>) target_semaphore(%run_scoped3A_134 : memref<!tpu.dma_semaphore, #tpu.memory_space<semaphore_mem>>)
          %dma_wait3A_151 = arith.constant 0 : i32
          %dma_wait3A_152 = arith.constant 0 : i32
          %dma_wait3A_153 = tpu.memref_slice %arg6[%run_scoped3A_122, %dma_wait3A_151, %dma_wait3A_152] : memref<2x2x128xi32, #tpu.memory_space<vmem>> -> memref<1x2x128xi32, #tpu.memory_space<vmem>>
          %dma_wait3A_154 = tpu.memref_squeeze %dma_wait3A_153 : memref<1x2x128xi32, #tpu.memory_space<vmem>> -> memref<2x128xi32, #tpu.memory_space<vmem>>
          %dma_wait3A_155 = arith.constant 0 : i32
          %dma_wait3A_156 = arith.constant 0 : i32
          %dma_wait3A_157 = tpu.memref_slice %arg3[%add3A_121, %dma_wait3A_155, %dma_wait3A_156] : memref<5056x2x128xi32, #tpu.memory_space<hbm>> -> memref<1x2x128xi32, #tpu.memory_space<hbm>>
          %dma_wait3A_158 = tpu.memref_squeeze %dma_wait3A_157 : memref<1x2x128xi32, #tpu.memory_space<hbm>> -> memref<2x128xi32, #tpu.memory_space<hbm>>
          %dma_wait3A_159 = arith.constant 0 : i32
          %dma_wait3A_160 = arith.constant 0 : i32
          %dma_wait3A_161 = tpu.memref_slice %arg6[%run_scoped3A_122, %dma_wait3A_159, %dma_wait3A_160] : memref<2x2x128xi32, #tpu.memory_space<vmem>> -> memref<1x2x128xi32, #tpu.memory_space<vmem>>
          %dma_wait3A_162 = tpu.memref_squeeze %dma_wait3A_161 : memref<1x2x128xi32, #tpu.memory_space<vmem>> -> memref<2x128xi32, #tpu.memory_space<vmem>>
          %dma_wait3A_163 = arith.constant 0 : i32
          %dma_wait3A_164 = arith.constant 0 : i32
          %dma_wait3A_165 = tpu.memref_slice %arg3[%add3A_121, %dma_wait3A_163, %dma_wait3A_164] : memref<5056x2x128xi32, #tpu.memory_space<hbm>> -> memref<1x2x128xi32, #tpu.memory_space<hbm>>
          %dma_wait3A_166 = tpu.memref_squeeze %dma_wait3A_165 : memref<1x2x128xi32, #tpu.memory_space<hbm>> -> memref<2x128xi32, #tpu.memory_space<hbm>>
          tpu.wait_dma2 semaphore(%run_scoped3A_134 : memref<!tpu.dma_semaphore, #tpu.memory_space<semaphore_mem>>) src(%dma_wait3A_166 : memref<2x128xi32, #tpu.memory_space<hbm>>) dst(%dma_wait3A_162 : memref<2x128xi32, #tpu.memory_space<vmem>>)
          tpu.yield
        }) : () -> ()
        %dma_start3A_123 = arith.constant 0 : i32
        %dma_start3A_124 = arith.constant 0 : i32
        %dma_start3A_125 = arith.constant 0 : i32
        %dma_start3A_126 = arith.constant 0 : i32
        %dma_start3A_127 = tpu.memref_slice %arg7[%dma_start3A_125, %dma_start3A_126] : memref<256x128xf32, #tpu.memory_space<vmem>> -> memref<128x128xf32, #tpu.memory_space<vmem>>
        %dma_start3A_128 = arith.constant 0 : i32
        %dma_start3A_129 = tpu.memref_slice %arg6[%dma_start3A_123, %dma_start3A_124, %dma_start3A_128] : memref<2x2x128xi32, #tpu.memory_space<vmem>> -> memref<1x1x128xi32, #tpu.memory_space<vmem>>
        %dma_start3A_130 = tpu.memref_squeeze %dma_start3A_129 : memref<1x1x128xi32, #tpu.memory_space<vmem>> -> memref<128xi32, #tpu.memory_space<vmem>>
        %dma_start3A_131 = arith.constant 0 : i32
        %dma_start3A_132 = arith.constant 0 : i32
        %dma_start3A_133 = tpu.memref_slice %arg2[%dma_start3A_131, %dma_start3A_132] : memref<20000x128xf32, #tpu.memory_space<hbm>> -> memref<20000x128xf32, #tpu.memory_space<hbm>>
        tpu.enqueue_indirect_dma source(%dma_start3A_133 : memref<20000x128xf32, #tpu.memory_space<hbm>>) target(%dma_start3A_127 : memref<128x128xf32, #tpu.memory_space<vmem>>) offsets(%dma_start3A_130 : memref<128xi32, #tpu.memory_space<vmem>>) semaphore(%arg9 : memref<!tpu.dma_semaphore, #tpu.memory_space<semaphore_mem>>)
      } else {
      }
      %dma_wait3A_104 = arith.constant 1 : i32
      %dma_wait3A_105 = arith.constant 0 : i32
      %dma_wait3A_106 = arith.constant 128 : i32
      %dma_wait3A_107 = arith.constant 0 : i32
      %dma_wait3A_108 = tpu.memref_slice %arg7[%dma_wait3A_106, %dma_wait3A_107] : memref<256x128xf32, #tpu.memory_space<vmem>> -> memref<128x128xf32, #tpu.memory_space<vmem>>
      %dma_wait3A_109 = arith.constant 0 : i32
      %dma_wait3A_110 = tpu.memref_slice %arg6[%dma_wait3A_104, %dma_wait3A_105, %dma_wait3A_109] : memref<2x2x128xi32, #tpu.memory_space<vmem>> -> memref<1x1x128xi32, #tpu.memory_space<vmem>>
      %dma_wait3A_111 = tpu.memref_squeeze %dma_wait3A_110 : memref<1x1x128xi32, #tpu.memory_space<vmem>> -> memref<128xi32, #tpu.memory_space<vmem>>
      %dma_wait3A_112 = arith.constant 0 : i32
      %dma_wait3A_113 = arith.constant 0 : i32
      %dma_wait3A_114 = tpu.memref_slice %arg2[%dma_wait3A_112, %dma_wait3A_113] : memref<20000x128xf32, #tpu.memory_space<hbm>> -> memref<20000x128xf32, #tpu.memory_space<hbm>>
      tpu.wait_indirect_dma semaphore(%arg10 : memref<!tpu.dma_semaphore, #tpu.memory_space<semaphore_mem>>) src(%dma_wait3A_114 : memref<20000x128xf32, #tpu.memory_space<hbm>>) dst(%dma_wait3A_108 : memref<128x128xf32, #tpu.memory_space<vmem>>)
      %run_scoped3A_115 = arith.constant 1 : i32
      %run_scoped3A_116 = arith.constant 1 : i32
      "tpu.region"() ({
        %run_scoped3A_117 = tpu.sem_alloc : memref<!tpu.dma_semaphore, #tpu.memory_space<semaphore_mem>>
        %dma_start3A_118 = arith.constant 128 : i32
        %dma_start3A_119 = arith.constant 0 : i32
        %dma_start3A_120 = tpu.memref_slice %arg7[%dma_start3A_118, %dma_start3A_119] : memref<256x128xf32, #tpu.memory_space<vmem>> -> memref<128x128xf32, #tpu.memory_space<vmem>>
        %dma_start3A_121 = arith.constant 0 : i32
        %dma_start3A_122 = tpu.memref_slice %arg6[%run_scoped3A_115, %run_scoped3A_116, %dma_start3A_121] : memref<2x2x128xi32, #tpu.memory_space<vmem>> -> memref<1x1x128xi32, #tpu.memory_space<vmem>>
        %dma_start3A_123 = tpu.memref_squeeze %dma_start3A_122 : memref<1x1x128xi32, #tpu.memory_space<vmem>> -> memref<128xi32, #tpu.memory_space<vmem>>
        %dma_start3A_124 = arith.constant 0 : i32
        %dma_start3A_125 = arith.constant 0 : i32
        %dma_start3A_126 = tpu.memref_slice %arg8[%dma_start3A_124, %dma_start3A_125] : memref<10112x128xf32, #tpu.memory_space<vmem_shared>> -> memref<10112x128xf32, #tpu.memory_space<vmem_shared>>
        tpu.enqueue_indirect_dma source(%dma_start3A_120 : memref<128x128xf32, #tpu.memory_space<vmem>>) target(%dma_start3A_126 : memref<10112x128xf32, #tpu.memory_space<vmem_shared>>) offsets(%dma_start3A_123 : memref<128xi32, #tpu.memory_space<vmem>>) semaphore(%run_scoped3A_117 : memref<!tpu.dma_semaphore, #tpu.memory_space<semaphore_mem>>) {add = true}
        %dma_wait3A_127 = arith.constant 128 : i32
        %dma_wait3A_128 = arith.constant 0 : i32
        %dma_wait3A_129 = tpu.memref_slice %arg7[%dma_wait3A_127, %dma_wait3A_128] : memref<256x128xf32, #tpu.memory_space<vmem>> -> memref<128x128xf32, #tpu.memory_space<vmem>>
        %dma_wait3A_130 = arith.constant 0 : i32
        %dma_wait3A_131 = tpu.memref_slice %arg6[%run_scoped3A_115, %run_scoped3A_116, %dma_wait3A_130] : memref<2x2x128xi32, #tpu.memory_space<vmem>> -> memref<1x1x128xi32, #tpu.memory_space<vmem>>
        %dma_wait3A_132 = tpu.memref_squeeze %dma_wait3A_131 : memref<1x1x128xi32, #tpu.memory_space<vmem>> -> memref<128xi32, #tpu.memory_space<vmem>>
        %dma_wait3A_133 = arith.constant 0 : i32
        %dma_wait3A_134 = arith.constant 0 : i32
        %dma_wait3A_135 = tpu.memref_slice %arg8[%dma_wait3A_133, %dma_wait3A_134] : memref<10112x128xf32, #tpu.memory_space<vmem_shared>> -> memref<10112x128xf32, #tpu.memory_space<vmem_shared>>
        tpu.wait_indirect_dma semaphore(%run_scoped3A_117 : memref<!tpu.dma_semaphore, #tpu.memory_space<semaphore_mem>>) src(%dma_wait3A_129 : memref<128x128xf32, #tpu.memory_space<vmem>>) dst(%dma_wait3A_135 : memref<10112x128xf32, #tpu.memory_space<vmem_shared>>)
        tpu.yield
      }) : () -> ()
    }
    %scan3A_31 = arith.constant 79 : i32
    %barrier3A_32 = arith.constant 0 : index
    tpu.barrier barrier_id(%barrier3A_32)
    %add3A_33 = arith.constant 0 : i32
    %add3A_34 = arith.addi %mul3A_0, %add3A_33 : i32
    "tpu.region"() ({
      %run_scoped3A_68 = tpu.sem_alloc : memref<!tpu.dma_semaphore, #tpu.memory_space<semaphore_mem>>
      %dma_start3A_69 = arith.constant 0 : i32
      %dma_start3A_70 = arith.constant 0 : i32
      %dma_start3A_71 = tpu.memref_slice %arg7[%dma_start3A_69, %dma_start3A_70] : memref<256x128xf32, #tpu.memory_space<vmem>> -> memref<128x128xf32, #tpu.memory_space<vmem>>
      %dma_start3A_72 = arith.constant 0 : i32
      %dma_start3A_73 = tpu.memref_slice %arg8[%add3A_34, %dma_start3A_72] : memref<10112x128xf32, #tpu.memory_space<vmem_shared>> -> memref<128x128xf32, #tpu.memory_space<vmem_shared>>
      %dma_start3A_74 = arith.constant 0 : i32
      %dma_start3A_75 = arith.constant 0 : i32
      %dma_start3A_76 = tpu.memref_slice %arg7[%dma_start3A_74, %dma_start3A_75] : memref<256x128xf32, #tpu.memory_space<vmem>> -> memref<128x128xf32, #tpu.memory_space<vmem>>
      %dma_start3A_77 = arith.constant 0 : i32
      %dma_start3A_78 = tpu.memref_slice %arg8[%add3A_34, %dma_start3A_77] : memref<10112x128xf32, #tpu.memory_space<vmem_shared>> -> memref<128x128xf32, #tpu.memory_space<vmem_shared>>
      tpu.enqueue_dma source(%dma_start3A_78 : memref<128x128xf32, #tpu.memory_space<vmem_shared>>) target(%dma_start3A_76 : memref<128x128xf32, #tpu.memory_space<vmem>>) target_semaphore(%run_scoped3A_68 : memref<!tpu.dma_semaphore, #tpu.memory_space<semaphore_mem>>)
      %dma_wait3A = arith.constant 0 : i32
      %dma_wait3A_79 = arith.constant 0 : i32
      %dma_wait3A_80 = tpu.memref_slice %arg7[%dma_wait3A, %dma_wait3A_79] : memref<256x128xf32, #tpu.memory_space<vmem>> -> memref<128x128xf32, #tpu.memory_space<vmem>>
      %dma_wait3A_81 = arith.constant 0 : i32
      %dma_wait3A_82 = tpu.memref_slice %arg8[%add3A_34, %dma_wait3A_81] : memref<10112x128xf32, #tpu.memory_space<vmem_shared>> -> memref<128x128xf32, #tpu.memory_space<vmem_shared>>
      %dma_wait3A_83 = arith.constant 0 : i32
      %dma_wait3A_84 = arith.constant 0 : i32
      %dma_wait3A_85 = tpu.memref_slice %arg7[%dma_wait3A_83, %dma_wait3A_84] : memref<256x128xf32, #tpu.memory_space<vmem>> -> memref<128x128xf32, #tpu.memory_space<vmem>>
      %dma_wait3A_86 = arith.constant 0 : i32
      %dma_wait3A_87 = tpu.memref_slice %arg8[%add3A_34, %dma_wait3A_86] : memref<10112x128xf32, #tpu.memory_space<vmem_shared>> -> memref<128x128xf32, #tpu.memory_space<vmem_shared>>
      tpu.wait_dma2 semaphore(%run_scoped3A_68 : memref<!tpu.dma_semaphore, #tpu.memory_space<semaphore_mem>>) src(%dma_wait3A_87 : memref<128x128xf32, #tpu.memory_space<vmem_shared>>) dst(%dma_wait3A_85 : memref<128x128xf32, #tpu.memory_space<vmem>>)
      tpu.yield
    }) : () -> ()
    %mul3A_35 = arith.constant 10112 : i32
    %mul3A_36 = arith.muli %arg0, %mul3A_35 : i32
    %add3A_37 = arith.addi %mul3A_36, %mul3A_0 : i32
    %add3A_38 = arith.constant 0 : i32
    %add3A_39 = arith.addi %add3A_37, %add3A_38 : i32
    "tpu.region"() ({
      %run_scoped3A_68 = tpu.sem_alloc : memref<!tpu.dma_semaphore, #tpu.memory_space<semaphore_mem>>
      %dma_start3A_69 = arith.constant 0 : i32
      %dma_start3A_70 = arith.constant 0 : i32
      %dma_start3A_71 = tpu.memref_slice %arg7[%dma_start3A_69, %dma_start3A_70] : memref<256x128xf32, #tpu.memory_space<vmem>> -> memref<128x128xf32, #tpu.memory_space<vmem>>
      %dma_start3A_72 = arith.constant 0 : i32
      %dma_start3A_73 = tpu.memref_slice %arg5[%add3A_39, %dma_start3A_72] : memref<20224x128xf32, #tpu.memory_space<hbm>> -> memref<128x128xf32, #tpu.memory_space<hbm>>
      %dma_start3A_74 = arith.constant 0 : i32
      %dma_start3A_75 = tpu.memref_slice %arg5[%add3A_39, %dma_start3A_74] : memref<20224x128xf32, #tpu.memory_space<hbm>> -> memref<128x128xf32, #tpu.memory_space<hbm>>
      %dma_start3A_76 = arith.constant 0 : i32
      %dma_start3A_77 = arith.constant 0 : i32
      %dma_start3A_78 = tpu.memref_slice %arg7[%dma_start3A_76, %dma_start3A_77] : memref<256x128xf32, #tpu.memory_space<vmem>> -> memref<128x128xf32, #tpu.memory_space<vmem>>
      tpu.enqueue_dma source(%dma_start3A_78 : memref<128x128xf32, #tpu.memory_space<vmem>>) target(%dma_start3A_75 : memref<128x128xf32, #tpu.memory_space<hbm>>) target_semaphore(%run_scoped3A_68 : memref<!tpu.dma_semaphore, #tpu.memory_space<semaphore_mem>>)
      %dma_wait3A = arith.constant 0 : i32
      %dma_wait3A_79 = arith.constant 0 : i32
      %dma_wait3A_80 = tpu.memref_slice %arg7[%dma_wait3A, %dma_wait3A_79] : memref<256x128xf32, #tpu.memory_space<vmem>> -> memref<128x128xf32, #tpu.memory_space<vmem>>
      %dma_wait3A_81 = arith.constant 0 : i32
      %dma_wait3A_82 = tpu.memref_slice %arg5[%add3A_39, %dma_wait3A_81] : memref<20224x128xf32, #tpu.memory_space<hbm>> -> memref<128x128xf32, #tpu.memory_space<hbm>>
      %dma_wait3A_83 = arith.constant 0 : i32
      %dma_wait3A_84 = tpu.memref_slice %arg5[%add3A_39, %dma_wait3A_83] : memref<20224x128xf32, #tpu.memory_space<hbm>> -> memref<128x128xf32, #tpu.memory_space<hbm>>
      %dma_wait3A_85 = arith.constant 0 : i32
      %dma_wait3A_86 = arith.constant 0 : i32
      %dma_wait3A_87 = tpu.memref_slice %arg7[%dma_wait3A_85, %dma_wait3A_86] : memref<256x128xf32, #tpu.memory_space<vmem>> -> memref<128x128xf32, #tpu.memory_space<vmem>>
      tpu.wait_dma2 semaphore(%run_scoped3A_68 : memref<!tpu.dma_semaphore, #tpu.memory_space<semaphore_mem>>) src(%dma_wait3A_87 : memref<128x128xf32, #tpu.memory_space<vmem>>) dst(%dma_wait3A_84 : memref<128x128xf32, #tpu.memory_space<hbm>>)
      tpu.yield
    }) : () -> ()
    %add3A_40 = arith.constant 128 : i32
    %add3A_41 = arith.addi %mul3A_0, %add3A_40 : i32
    "tpu.region"() ({
      %run_scoped3A_68 = tpu.sem_alloc : memref<!tpu.dma_semaphore, #tpu.memory_space<semaphore_mem>>
      %dma_start3A_69 = arith.constant 0 : i32
      %dma_start3A_70 = arith.constant 0 : i32
      %dma_start3A_71 = tpu.memref_slice %arg7[%dma_start3A_69, %dma_start3A_70] : memref<256x128xf32, #tpu.memory_space<vmem>> -> memref<128x128xf32, #tpu.memory_space<vmem>>
      %dma_start3A_72 = arith.constant 0 : i32
      %dma_start3A_73 = tpu.memref_slice %arg8[%add3A_41, %dma_start3A_72] : memref<10112x128xf32, #tpu.memory_space<vmem_shared>> -> memref<128x128xf32, #tpu.memory_space<vmem_shared>>
      %dma_start3A_74 = arith.constant 0 : i32
      %dma_start3A_75 = arith.constant 0 : i32
      %dma_start3A_76 = tpu.memref_slice %arg7[%dma_start3A_74, %dma_start3A_75] : memref<256x128xf32, #tpu.memory_space<vmem>> -> memref<128x128xf32, #tpu.memory_space<vmem>>
      %dma_start3A_77 = arith.constant 0 : i32
      %dma_start3A_78 = tpu.memref_slice %arg8[%add3A_41, %dma_start3A_77] : memref<10112x128xf32, #tpu.memory_space<vmem_shared>> -> memref<128x128xf32, #tpu.memory_space<vmem_shared>>
      tpu.enqueue_dma source(%dma_start3A_78 : memref<128x128xf32, #tpu.memory_space<vmem_shared>>) target(%dma_start3A_76 : memref<128x128xf32, #tpu.memory_space<vmem>>) target_semaphore(%run_scoped3A_68 : memref<!tpu.dma_semaphore, #tpu.memory_space<semaphore_mem>>)
      %dma_wait3A = arith.constant 0 : i32
      %dma_wait3A_79 = arith.constant 0 : i32
      %dma_wait3A_80 = tpu.memref_slice %arg7[%dma_wait3A, %dma_wait3A_79] : memref<256x128xf32, #tpu.memory_space<vmem>> -> memref<128x128xf32, #tpu.memory_space<vmem>>
      %dma_wait3A_81 = arith.constant 0 : i32
      %dma_wait3A_82 = tpu.memref_slice %arg8[%add3A_41, %dma_wait3A_81] : memref<10112x128xf32, #tpu.memory_space<vmem_shared>> -> memref<128x128xf32, #tpu.memory_space<vmem_shared>>
      %dma_wait3A_83 = arith.constant 0 : i32
      %dma_wait3A_84 = arith.constant 0 : i32
      %dma_wait3A_85 = tpu.memref_slice %arg7[%dma_wait3A_83, %dma_wait3A_84] : memref<256x128xf32, #tpu.memory_space<vmem>> -> memref<128x128xf32, #tpu.memory_space<vmem>>
      %dma_wait3A_86 = arith.constant 0 : i32
      %dma_wait3A_87 = tpu.memref_slice %arg8[%add3A_41, %dma_wait3A_86] : memref<10112x128xf32, #tpu.memory_space<vmem_shared>> -> memref<128x128xf32, #tpu.memory_space<vmem_shared>>
      tpu.wait_dma2 semaphore(%run_scoped3A_68 : memref<!tpu.dma_semaphore, #tpu.memory_space<semaphore_mem>>) src(%dma_wait3A_87 : memref<128x128xf32, #tpu.memory_space<vmem_shared>>) dst(%dma_wait3A_85 : memref<128x128xf32, #tpu.memory_space<vmem>>)
      tpu.yield
    }) : () -> ()
    %mul3A_42 = arith.constant 10112 : i32
    %mul3A_43 = arith.muli %arg0, %mul3A_42 : i32
    %add3A_44 = arith.addi %mul3A_43, %mul3A_0 : i32
    %add3A_45 = arith.constant 128 : i32
    %add3A_46 = arith.addi %add3A_44, %add3A_45 : i32
    "tpu.region"() ({
      %run_scoped3A_68 = tpu.sem_alloc : memref<!tpu.dma_semaphore, #tpu.memory_space<semaphore_mem>>
      %dma_start3A_69 = arith.constant 0 : i32
      %dma_start3A_70 = arith.constant 0 : i32
      %dma_start3A_71 = tpu.memref_slice %arg7[%dma_start3A_69, %dma_start3A_70] : memref<256x128xf32, #tpu.memory_space<vmem>> -> memref<128x128xf32, #tpu.memory_space<vmem>>
      %dma_start3A_72 = arith.constant 0 : i32
      %dma_start3A_73 = tpu.memref_slice %arg5[%add3A_46, %dma_start3A_72] : memref<20224x128xf32, #tpu.memory_space<hbm>> -> memref<128x128xf32, #tpu.memory_space<hbm>>
      %dma_start3A_74 = arith.constant 0 : i32
      %dma_start3A_75 = tpu.memref_slice %arg5[%add3A_46, %dma_start3A_74] : memref<20224x128xf32, #tpu.memory_space<hbm>> -> memref<128x128xf32, #tpu.memory_space<hbm>>
      %dma_start3A_76 = arith.constant 0 : i32
      %dma_start3A_77 = arith.constant 0 : i32
      %dma_start3A_78 = tpu.memref_slice %arg7[%dma_start3A_76, %dma_start3A_77] : memref<256x128xf32, #tpu.memory_space<vmem>> -> memref<128x128xf32, #tpu.memory_space<vmem>>
      tpu.enqueue_dma source(%dma_start3A_78 : memref<128x128xf32, #tpu.memory_space<vmem>>) target(%dma_start3A_75 : memref<128x128xf32, #tpu.memory_space<hbm>>) target_semaphore(%run_scoped3A_68 : memref<!tpu.dma_semaphore, #tpu.memory_space<semaphore_mem>>)
      %dma_wait3A = arith.constant 0 : i32
      %dma_wait3A_79 = arith.constant 0 : i32
      %dma_wait3A_80 = tpu.memref_slice %arg7[%dma_wait3A, %dma_wait3A_79] : memref<256x128xf32, #tpu.memory_space<vmem>> -> memref<128x128xf32, #tpu.memory_space<vmem>>
      %dma_wait3A_81 = arith.constant 0 : i32
      %dma_wait3A_82 = tpu.memref_slice %arg5[%add3A_46, %dma_wait3A_81] : memref<20224x128xf32, #tpu.memory_space<hbm>> -> memref<128x128xf32, #tpu.memory_space<hbm>>
      %dma_wait3A_83 = arith.constant 0 : i32
      %dma_wait3A_84 = tpu.memref_slice %arg5[%add3A_46, %dma_wait3A_83] : memref<20224x128xf32, #tpu.memory_space<hbm>> -> memref<128x128xf32, #tpu.memory_space<hbm>>
      %dma_wait3A_85 = arith.constant 0 : i32
      %dma_wait3A_86 = arith.constant 0 : i32
      %dma_wait3A_87 = tpu.memref_slice %arg7[%dma_wait3A_85, %dma_wait3A_86] : memref<256x128xf32, #tpu.memory_space<vmem>> -> memref<128x128xf32, #tpu.memory_space<vmem>>
      tpu.wait_dma2 semaphore(%run_scoped3A_68 : memref<!tpu.dma_semaphore, #tpu.memory_space<semaphore_mem>>) src(%dma_wait3A_87 : memref<128x128xf32, #tpu.memory_space<vmem>>) dst(%dma_wait3A_84 : memref<128x128xf32, #tpu.memory_space<hbm>>)
      tpu.yield
    }) : () -> ()
    %add3A_47 = arith.constant 256 : i32
    %add3A_48 = arith.addi %mul3A_0, %add3A_47 : i32
    "tpu.region"() ({
      %run_scoped3A_68 = tpu.sem_alloc : memref<!tpu.dma_semaphore, #tpu.memory_space<semaphore_mem>>
      %dma_start3A_69 = arith.constant 0 : i32
      %dma_start3A_70 = arith.constant 0 : i32
      %dma_start3A_71 = tpu.memref_slice %arg7[%dma_start3A_69, %dma_start3A_70] : memref<256x128xf32, #tpu.memory_space<vmem>> -> memref<128x128xf32, #tpu.memory_space<vmem>>
      %dma_start3A_72 = arith.constant 0 : i32
      %dma_start3A_73 = tpu.memref_slice %arg8[%add3A_48, %dma_start3A_72] : memref<10112x128xf32, #tpu.memory_space<vmem_shared>> -> memref<128x128xf32, #tpu.memory_space<vmem_shared>>
      %dma_start3A_74 = arith.constant 0 : i32
      %dma_start3A_75 = arith.constant 0 : i32
      %dma_start3A_76 = tpu.memref_slice %arg7[%dma_start3A_74, %dma_start3A_75] : memref<256x128xf32, #tpu.memory_space<vmem>> -> memref<128x128xf32, #tpu.memory_space<vmem>>
      %dma_start3A_77 = arith.constant 0 : i32
      %dma_start3A_78 = tpu.memref_slice %arg8[%add3A_48, %dma_start3A_77] : memref<10112x128xf32, #tpu.memory_space<vmem_shared>> -> memref<128x128xf32, #tpu.memory_space<vmem_shared>>
      tpu.enqueue_dma source(%dma_start3A_78 : memref<128x128xf32, #tpu.memory_space<vmem_shared>>) target(%dma_start3A_76 : memref<128x128xf32, #tpu.memory_space<vmem>>) target_semaphore(%run_scoped3A_68 : memref<!tpu.dma_semaphore, #tpu.memory_space<semaphore_mem>>)
      %dma_wait3A = arith.constant 0 : i32
      %dma_wait3A_79 = arith.constant 0 : i32
      %dma_wait3A_80 = tpu.memref_slice %arg7[%dma_wait3A, %dma_wait3A_79] : memref<256x128xf32, #tpu.memory_space<vmem>> -> memref<128x128xf32, #tpu.memory_space<vmem>>
      %dma_wait3A_81 = arith.constant 0 : i32
      %dma_wait3A_82 = tpu.memref_slice %arg8[%add3A_48, %dma_wait3A_81] : memref<10112x128xf32, #tpu.memory_space<vmem_shared>> -> memref<128x128xf32, #tpu.memory_space<vmem_shared>>
      %dma_wait3A_83 = arith.constant 0 : i32
      %dma_wait3A_84 = arith.constant 0 : i32
      %dma_wait3A_85 = tpu.memref_slice %arg7[%dma_wait3A_83, %dma_wait3A_84] : memref<256x128xf32, #tpu.memory_space<vmem>> -> memref<128x128xf32, #tpu.memory_space<vmem>>
      %dma_wait3A_86 = arith.constant 0 : i32
      %dma_wait3A_87 = tpu.memref_slice %arg8[%add3A_48, %dma_wait3A_86] : memref<10112x128xf32, #tpu.memory_space<vmem_shared>> -> memref<128x128xf32, #tpu.memory_space<vmem_shared>>
      tpu.wait_dma2 semaphore(%run_scoped3A_68 : memref<!tpu.dma_semaphore, #tpu.memory_space<semaphore_mem>>) src(%dma_wait3A_87 : memref<128x128xf32, #tpu.memory_space<vmem_shared>>) dst(%dma_wait3A_85 : memref<128x128xf32, #tpu.memory_space<vmem>>)
      tpu.yield
    }) : () -> ()
    %mul3A_49 = arith.constant 10112 : i32
    %mul3A_50 = arith.muli %arg0, %mul3A_49 : i32
    %add3A_51 = arith.addi %mul3A_50, %mul3A_0 : i32
    %add3A_52 = arith.constant 256 : i32
    %add3A_53 = arith.addi %add3A_51, %add3A_52 : i32
    "tpu.region"() ({
      %run_scoped3A_68 = tpu.sem_alloc : memref<!tpu.dma_semaphore, #tpu.memory_space<semaphore_mem>>
      %dma_start3A_69 = arith.constant 0 : i32
      %dma_start3A_70 = arith.constant 0 : i32
      %dma_start3A_71 = tpu.memref_slice %arg7[%dma_start3A_69, %dma_start3A_70] : memref<256x128xf32, #tpu.memory_space<vmem>> -> memref<128x128xf32, #tpu.memory_space<vmem>>
      %dma_start3A_72 = arith.constant 0 : i32
      %dma_start3A_73 = tpu.memref_slice %arg5[%add3A_53, %dma_start3A_72] : memref<20224x128xf32, #tpu.memory_space<hbm>> -> memref<128x128xf32, #tpu.memory_space<hbm>>
      %dma_start3A_74 = arith.constant 0 : i32
      %dma_start3A_75 = tpu.memref_slice %arg5[%add3A_53, %dma_start3A_74] : memref<20224x128xf32, #tpu.memory_space<hbm>> -> memref<128x128xf32, #tpu.memory_space<hbm>>
      %dma_start3A_76 = arith.constant 0 : i32
      %dma_start3A_77 = arith.constant 0 : i32
      %dma_start3A_78 = tpu.memref_slice %arg7[%dma_start3A_76, %dma_start3A_77] : memref<256x128xf32, #tpu.memory_space<vmem>> -> memref<128x128xf32, #tpu.memory_space<vmem>>
      tpu.enqueue_dma source(%dma_start3A_78 : memref<128x128xf32, #tpu.memory_space<vmem>>) target(%dma_start3A_75 : memref<128x128xf32, #tpu.memory_space<hbm>>) target_semaphore(%run_scoped3A_68 : memref<!tpu.dma_semaphore, #tpu.memory_space<semaphore_mem>>)
      %dma_wait3A = arith.constant 0 : i32
      %dma_wait3A_79 = arith.constant 0 : i32
      %dma_wait3A_80 = tpu.memref_slice %arg7[%dma_wait3A, %dma_wait3A_79] : memref<256x128xf32, #tpu.memory_space<vmem>> -> memref<128x128xf32, #tpu.memory_space<vmem>>
      %dma_wait3A_81 = arith.constant 0 : i32
      %dma_wait3A_82 = tpu.memref_slice %arg5[%add3A_53, %dma_wait3A_81] : memref<20224x128xf32, #tpu.memory_space<hbm>> -> memref<128x128xf32, #tpu.memory_space<hbm>>
      %dma_wait3A_83 = arith.constant 0 : i32
      %dma_wait3A_84 = tpu.memref_slice %arg5[%add3A_53, %dma_wait3A_83] : memref<20224x128xf32, #tpu.memory_space<hbm>> -> memref<128x128xf32, #tpu.memory_space<hbm>>
      %dma_wait3A_85 = arith.constant 0 : i32
      %dma_wait3A_86 = arith.constant 0 : i32
      %dma_wait3A_87 = tpu.memref_slice %arg7[%dma_wait3A_85, %dma_wait3A_86] : memref<256x128xf32, #tpu.memory_space<vmem>> -> memref<128x128xf32, #tpu.memory_space<vmem>>
      tpu.wait_dma2 semaphore(%run_scoped3A_68 : memref<!tpu.dma_semaphore, #tpu.memory_space<semaphore_mem>>) src(%dma_wait3A_87 : memref<128x128xf32, #tpu.memory_space<vmem>>) dst(%dma_wait3A_84 : memref<128x128xf32, #tpu.memory_space<hbm>>)
      tpu.yield
    }) : () -> ()
    %add3A_54 = arith.constant 384 : i32
    %add3A_55 = arith.addi %mul3A_0, %add3A_54 : i32
    "tpu.region"() ({
      %run_scoped3A_68 = tpu.sem_alloc : memref<!tpu.dma_semaphore, #tpu.memory_space<semaphore_mem>>
      %dma_start3A_69 = arith.constant 0 : i32
      %dma_start3A_70 = arith.constant 0 : i32
      %dma_start3A_71 = tpu.memref_slice %arg7[%dma_start3A_69, %dma_start3A_70] : memref<256x128xf32, #tpu.memory_space<vmem>> -> memref<128x128xf32, #tpu.memory_space<vmem>>
      %dma_start3A_72 = arith.constant 0 : i32
      %dma_start3A_73 = tpu.memref_slice %arg8[%add3A_55, %dma_start3A_72] : memref<10112x128xf32, #tpu.memory_space<vmem_shared>> -> memref<128x128xf32, #tpu.memory_space<vmem_shared>>
      %dma_start3A_74 = arith.constant 0 : i32
      %dma_start3A_75 = arith.constant 0 : i32
      %dma_start3A_76 = tpu.memref_slice %arg7[%dma_start3A_74, %dma_start3A_75] : memref<256x128xf32, #tpu.memory_space<vmem>> -> memref<128x128xf32, #tpu.memory_space<vmem>>
      %dma_start3A_77 = arith.constant 0 : i32
      %dma_start3A_78 = tpu.memref_slice %arg8[%add3A_55, %dma_start3A_77] : memref<10112x128xf32, #tpu.memory_space<vmem_shared>> -> memref<128x128xf32, #tpu.memory_space<vmem_shared>>
      tpu.enqueue_dma source(%dma_start3A_78 : memref<128x128xf32, #tpu.memory_space<vmem_shared>>) target(%dma_start3A_76 : memref<128x128xf32, #tpu.memory_space<vmem>>) target_semaphore(%run_scoped3A_68 : memref<!tpu.dma_semaphore, #tpu.memory_space<semaphore_mem>>)
      %dma_wait3A = arith.constant 0 : i32
      %dma_wait3A_79 = arith.constant 0 : i32
      %dma_wait3A_80 = tpu.memref_slice %arg7[%dma_wait3A, %dma_wait3A_79] : memref<256x128xf32, #tpu.memory_space<vmem>> -> memref<128x128xf32, #tpu.memory_space<vmem>>
      %dma_wait3A_81 = arith.constant 0 : i32
      %dma_wait3A_82 = tpu.memref_slice %arg8[%add3A_55, %dma_wait3A_81] : memref<10112x128xf32, #tpu.memory_space<vmem_shared>> -> memref<128x128xf32, #tpu.memory_space<vmem_shared>>
      %dma_wait3A_83 = arith.constant 0 : i32
      %dma_wait3A_84 = arith.constant 0 : i32
      %dma_wait3A_85 = tpu.memref_slice %arg7[%dma_wait3A_83, %dma_wait3A_84] : memref<256x128xf32, #tpu.memory_space<vmem>> -> memref<128x128xf32, #tpu.memory_space<vmem>>
      %dma_wait3A_86 = arith.constant 0 : i32
      %dma_wait3A_87 = tpu.memref_slice %arg8[%add3A_55, %dma_wait3A_86] : memref<10112x128xf32, #tpu.memory_space<vmem_shared>> -> memref<128x128xf32, #tpu.memory_space<vmem_shared>>
      tpu.wait_dma2 semaphore(%run_scoped3A_68 : memref<!tpu.dma_semaphore, #tpu.memory_space<semaphore_mem>>) src(%dma_wait3A_87 : memref<128x128xf32, #tpu.memory_space<vmem_shared>>) dst(%dma_wait3A_85 : memref<128x128xf32, #tpu.memory_space<vmem>>)
      tpu.yield
    }) : () -> ()
    %mul3A_56 = arith.constant 10112 : i32
    %mul3A_57 = arith.muli %arg0, %mul3A_56 : i32
    %add3A_58 = arith.addi %mul3A_57, %mul3A_0 : i32
    %add3A_59 = arith.constant 384 : i32
    %add3A_60 = arith.addi %add3A_58, %add3A_59 : i32
    "tpu.region"() ({
      %run_scoped3A_68 = tpu.sem_alloc : memref<!tpu.dma_semaphore, #tpu.memory_space<semaphore_mem>>
      %dma_start3A_69 = arith.constant 0 : i32
      %dma_start3A_70 = arith.constant 0 : i32
      %dma_start3A_71 = tpu.memref_slice %arg7[%dma_start3A_69, %dma_start3A_70] : memref<256x128xf32, #tpu.memory_space<vmem>> -> memref<128x128xf32, #tpu.memory_space<vmem>>
      %dma_start3A_72 = arith.constant 0 : i32
      %dma_start3A_73 = tpu.memref_slice %arg5[%add3A_60, %dma_start3A_72] : memref<20224x128xf32, #tpu.memory_space<hbm>> -> memref<128x128xf32, #tpu.memory_space<hbm>>
      %dma_start3A_74 = arith.constant 0 : i32
      %dma_start3A_75 = tpu.memref_slice %arg5[%add3A_60, %dma_start3A_74] : memref<20224x128xf32, #tpu.memory_space<hbm>> -> memref<128x128xf32, #tpu.memory_space<hbm>>
      %dma_start3A_76 = arith.constant 0 : i32
      %dma_start3A_77 = arith.constant 0 : i32
      %dma_start3A_78 = tpu.memref_slice %arg7[%dma_start3A_76, %dma_start3A_77] : memref<256x128xf32, #tpu.memory_space<vmem>> -> memref<128x128xf32, #tpu.memory_space<vmem>>
      tpu.enqueue_dma source(%dma_start3A_78 : memref<128x128xf32, #tpu.memory_space<vmem>>) target(%dma_start3A_75 : memref<128x128xf32, #tpu.memory_space<hbm>>) target_semaphore(%run_scoped3A_68 : memref<!tpu.dma_semaphore, #tpu.memory_space<semaphore_mem>>)
      %dma_wait3A = arith.constant 0 : i32
      %dma_wait3A_79 = arith.constant 0 : i32
      %dma_wait3A_80 = tpu.memref_slice %arg7[%dma_wait3A, %dma_wait3A_79] : memref<256x128xf32, #tpu.memory_space<vmem>> -> memref<128x128xf32, #tpu.memory_space<vmem>>
      %dma_wait3A_81 = arith.constant 0 : i32
      %dma_wait3A_82 = tpu.memref_slice %arg5[%add3A_60, %dma_wait3A_81] : memref<20224x128xf32, #tpu.memory_space<hbm>> -> memref<128x128xf32, #tpu.memory_space<hbm>>
      %dma_wait3A_83 = arith.constant 0 : i32
      %dma_wait3A_84 = tpu.memref_slice %arg5[%add3A_60, %dma_wait3A_83] : memref<20224x128xf32, #tpu.memory_space<hbm>> -> memref<128x128xf32, #tpu.memory_space<hbm>>
      %dma_wait3A_85 = arith.constant 0 : i32
      %dma_wait3A_86 = arith.constant 0 : i32
      %dma_wait3A_87 = tpu.memref_slice %arg7[%dma_wait3A_85, %dma_wait3A_86] : memref<256x128xf32, #tpu.memory_space<vmem>> -> memref<128x128xf32, #tpu.memory_space<vmem>>
      tpu.wait_dma2 semaphore(%run_scoped3A_68 : memref<!tpu.dma_semaphore, #tpu.memory_space<semaphore_mem>>) src(%dma_wait3A_87 : memref<128x128xf32, #tpu.memory_space<vmem>>) dst(%dma_wait3A_84 : memref<128x128xf32, #tpu.memory_space<hbm>>)
      tpu.yield
    }) : () -> ()
    %add3A_61 = arith.constant 512 : i32
    %add3A_62 = arith.addi %mul3A_0, %add3A_61 : i32
    "tpu.region"() ({
      %run_scoped3A_68 = tpu.sem_alloc : memref<!tpu.dma_semaphore, #tpu.memory_space<semaphore_mem>>
      %dma_start3A_69 = arith.constant 0 : i32
      %dma_start3A_70 = arith.constant 0 : i32
      %dma_start3A_71 = tpu.memref_slice %arg7[%dma_start3A_69, %dma_start3A_70] : memref<256x128xf32, #tpu.memory_space<vmem>> -> memref<120x128xf32, #tpu.memory_space<vmem>>
      %dma_start3A_72 = arith.constant 0 : i32
      %dma_start3A_73 = tpu.memref_slice %arg8[%add3A_62, %dma_start3A_72] : memref<10112x128xf32, #tpu.memory_space<vmem_shared>> -> memref<120x128xf32, #tpu.memory_space<vmem_shared>>
      %dma_start3A_74 = arith.constant 0 : i32
      %dma_start3A_75 = arith.constant 0 : i32
      %dma_start3A_76 = tpu.memref_slice %arg7[%dma_start3A_74, %dma_start3A_75] : memref<256x128xf32, #tpu.memory_space<vmem>> -> memref<120x128xf32, #tpu.memory_space<vmem>>
      %dma_start3A_77 = arith.constant 0 : i32
      %dma_start3A_78 = tpu.memref_slice %arg8[%add3A_62, %dma_start3A_77] : memref<10112x128xf32, #tpu.memory_space<vmem_shared>> -> memref<120x128xf32, #tpu.memory_space<vmem_shared>>
      tpu.enqueue_dma source(%dma_start3A_78 : memref<120x128xf32, #tpu.memory_space<vmem_shared>>) target(%dma_start3A_76 : memref<120x128xf32, #tpu.memory_space<vmem>>) target_semaphore(%run_scoped3A_68 : memref<!tpu.dma_semaphore, #tpu.memory_space<semaphore_mem>>)
      %dma_wait3A = arith.constant 0 : i32
      %dma_wait3A_79 = arith.constant 0 : i32
      %dma_wait3A_80 = tpu.memref_slice %arg7[%dma_wait3A, %dma_wait3A_79] : memref<256x128xf32, #tpu.memory_space<vmem>> -> memref<120x128xf32, #tpu.memory_space<vmem>>
      %dma_wait3A_81 = arith.constant 0 : i32
      %dma_wait3A_82 = tpu.memref_slice %arg8[%add3A_62, %dma_wait3A_81] : memref<10112x128xf32, #tpu.memory_space<vmem_shared>> -> memref<120x128xf32, #tpu.memory_space<vmem_shared>>
      %dma_wait3A_83 = arith.constant 0 : i32
      %dma_wait3A_84 = arith.constant 0 : i32
      %dma_wait3A_85 = tpu.memref_slice %arg7[%dma_wait3A_83, %dma_wait3A_84] : memref<256x128xf32, #tpu.memory_space<vmem>> -> memref<120x128xf32, #tpu.memory_space<vmem>>
      %dma_wait3A_86 = arith.constant 0 : i32
      %dma_wait3A_87 = tpu.memref_slice %arg8[%add3A_62, %dma_wait3A_86] : memref<10112x128xf32, #tpu.memory_space<vmem_shared>> -> memref<120x128xf32, #tpu.memory_space<vmem_shared>>
      tpu.wait_dma2 semaphore(%run_scoped3A_68 : memref<!tpu.dma_semaphore, #tpu.memory_space<semaphore_mem>>) src(%dma_wait3A_87 : memref<120x128xf32, #tpu.memory_space<vmem_shared>>) dst(%dma_wait3A_85 : memref<120x128xf32, #tpu.memory_space<vmem>>)
      tpu.yield
    }) : () -> ()
    %mul3A_63 = arith.constant 10112 : i32
    %mul3A_64 = arith.muli %arg0, %mul3A_63 : i32
    %add3A_65 = arith.addi %mul3A_64, %mul3A_0 : i32
    %add3A_66 = arith.constant 512 : i32
    %add3A_67 = arith.addi %add3A_65, %add3A_66 : i32
    "tpu.region"() ({
      %run_scoped3A_68 = tpu.sem_alloc : memref<!tpu.dma_semaphore, #tpu.memory_space<semaphore_mem>>
      %dma_start3A_69 = arith.constant 0 : i32
      %dma_start3A_70 = arith.constant 0 : i32
      %dma_start3A_71 = tpu.memref_slice %arg7[%dma_start3A_69, %dma_start3A_70] : memref<256x128xf32, #tpu.memory_space<vmem>> -> memref<120x128xf32, #tpu.memory_space<vmem>>
      %dma_start3A_72 = arith.constant 0 : i32
      %dma_start3A_73 = tpu.memref_slice %arg5[%add3A_67, %dma_start3A_72] : memref<20224x128xf32, #tpu.memory_space<hbm>> -> memref<120x128xf32, #tpu.memory_space<hbm>>
      %dma_start3A_74 = arith.constant 0 : i32
      %dma_start3A_75 = tpu.memref_slice %arg5[%add3A_67, %dma_start3A_74] : memref<20224x128xf32, #tpu.memory_space<hbm>> -> memref<120x128xf32, #tpu.memory_space<hbm>>
      %dma_start3A_76 = arith.constant 0 : i32
      %dma_start3A_77 = arith.constant 0 : i32
      %dma_start3A_78 = tpu.memref_slice %arg7[%dma_start3A_76, %dma_start3A_77] : memref<256x128xf32, #tpu.memory_space<vmem>> -> memref<120x128xf32, #tpu.memory_space<vmem>>
      tpu.enqueue_dma source(%dma_start3A_78 : memref<120x128xf32, #tpu.memory_space<vmem>>) target(%dma_start3A_75 : memref<120x128xf32, #tpu.memory_space<hbm>>) target_semaphore(%run_scoped3A_68 : memref<!tpu.dma_semaphore, #tpu.memory_space<semaphore_mem>>)
      %dma_wait3A = arith.constant 0 : i32
      %dma_wait3A_79 = arith.constant 0 : i32
      %dma_wait3A_80 = tpu.memref_slice %arg7[%dma_wait3A, %dma_wait3A_79] : memref<256x128xf32, #tpu.memory_space<vmem>> -> memref<120x128xf32, #tpu.memory_space<vmem>>
      %dma_wait3A_81 = arith.constant 0 : i32
      %dma_wait3A_82 = tpu.memref_slice %arg5[%add3A_67, %dma_wait3A_81] : memref<20224x128xf32, #tpu.memory_space<hbm>> -> memref<120x128xf32, #tpu.memory_space<hbm>>
      %dma_wait3A_83 = arith.constant 0 : i32
      %dma_wait3A_84 = tpu.memref_slice %arg5[%add3A_67, %dma_wait3A_83] : memref<20224x128xf32, #tpu.memory_space<hbm>> -> memref<120x128xf32, #tpu.memory_space<hbm>>
      %dma_wait3A_85 = arith.constant 0 : i32
      %dma_wait3A_86 = arith.constant 0 : i32
      %dma_wait3A_87 = tpu.memref_slice %arg7[%dma_wait3A_85, %dma_wait3A_86] : memref<256x128xf32, #tpu.memory_space<vmem>> -> memref<120x128xf32, #tpu.memory_space<vmem>>
      tpu.wait_dma2 semaphore(%run_scoped3A_68 : memref<!tpu.dma_semaphore, #tpu.memory_space<semaphore_mem>>) src(%dma_wait3A_87 : memref<120x128xf32, #tpu.memory_space<vmem>>) dst(%dma_wait3A_84 : memref<120x128xf32, #tpu.memory_space<hbm>>)
      tpu.yield
    }) : () -> ()
    return
  }
}

module attributes {stable_mosaic.version = 14 : i64} {
  func.func @_tpq_body(%arg0: i32, %arg1: memref<1000x128xf32, #tpu.memory_space<vmem>>, %arg2: memref<1x128xf32, #tpu.memory_space<vmem>>, %arg3: memref<1x128xf32, #tpu.memory_space<vmem>>, %arg4: memref<16x128xf32, #tpu.memory_space<vmem>>, %arg5: memref<1x128xf32, #tpu.memory_space<vmem>>, %arg6: memref<2x1000x128xf32, #tpu.memory_space<vmem>>) attributes {dimension_semantics = [#tpu.dimension_semantics<arbitrary>], iteration_bounds = array<i64: 10>, scalar_prefetch = 0 : i64, scratch_operands = 0 : i64, tpu.core_type = #tpu.core_type<tc>, window_params = [{transform_indices = @transform_0, window_bounds = array<i64: 1000, 128>}, {pipeline_mode = #tpu.pipeline_mode<synchronous>, transform_indices = @transform_1, window_bounds = array<i64: 1, 128>}, {pipeline_mode = #tpu.pipeline_mode<synchronous>, transform_indices = @transform_2, window_bounds = array<i64: 1, 128>}, {pipeline_mode = #tpu.pipeline_mode<synchronous>, transform_indices = @transform_3, window_bounds = array<i64: 16, 128>}, {pipeline_mode = #tpu.pipeline_mode<synchronous>, transform_indices = @transform_4, window_bounds = array<i64: 1, 128>}, {transform_indices = @transform_5, window_bounds = array<i64: 2, 1000, 128>}]} {
    %get3A = arith.constant 0 : index
    %get3A_0 = arith.constant 0 : index
    %get3A_1 = vector.load %arg1[%get3A, %get3A_0] : memref<1000x128xf32, #tpu.memory_space<vmem>>, vector<1000x128xf32>
    %get3A_2 = arith.constant 7 : index
    %get3A_3 = arith.constant 0 : index
    %get3A_4 = vector.load %arg4[%get3A_2, %get3A_3] : memref<16x128xf32, #tpu.memory_space<vmem>>, vector<1x128xf32>
    %get3A_5 = arith.constant 0 : index
    %get3A_6 = arith.constant 0 : index
    %get3A_7 = vector.load %arg5[%get3A_5, %get3A_6] : memref<1x128xf32, #tpu.memory_space<vmem>>, vector<1x128xf32>
    %add3A = arith.addf %get3A_4, %get3A_7 : vector<1x128xf32>
    %get3A_8 = arith.constant 0 : index
    %get3A_9 = arith.constant 0 : index
    %get3A_10 = vector.load %arg2[%get3A_8, %get3A_9] : memref<1x128xf32, #tpu.memory_space<vmem>>, vector<1x128xf32>
    %mul3A = vector.broadcast %get3A_10 : vector<1x128xf32> to vector<1000x128xf32>
    %mul3A_11 = arith.mulf %get3A_1, %mul3A : vector<1000x128xf32>
    %get3A_12 = arith.constant 0 : index
    %get3A_13 = arith.constant 0 : index
    %get3A_14 = vector.load %arg3[%get3A_12, %get3A_13] : memref<1x128xf32, #tpu.memory_space<vmem>>, vector<1x128xf32>
    %add3A_15 = vector.broadcast %get3A_14 : vector<1x128xf32> to vector<1000x128xf32>
    %add3A_16 = arith.addf %mul3A_11, %add3A_15 : vector<1000x128xf32>
    %add3A_17 = vector.broadcast %add3A : vector<1x128xf32> to vector<1000x128xf32>
    %add3A_18 = arith.addf %add3A_16, %add3A_17 : vector<1000x128xf32>
    %max3A = arith.constant 0.000000e+00 : f32
    %max3A_19 = vector.broadcast %max3A : f32 to vector<1000x128xf32>
    %max3A_20 = arith.maximumf %add3A_18, %max3A_19 : vector<1000x128xf32>
    %add3A_21 = arith.constant 1.000000e-07 : f32
    %add3A_22 = vector.broadcast %add3A_21 : f32 to vector<1000x128xf32>
    %add3A_23 = arith.addf %max3A_20, %add3A_22 : vector<1000x128xf32>
    %exp3A = math.exp %add3A_23 : vector<1000x128xf32>
    %swap3A = arith.constant 0 : index
    %swap3A_24 = arith.constant 0 : index
    %swap3A_25 = arith.constant 0 : index
    %swap3A_26 = vector.load %arg6[%swap3A, %swap3A_24, %swap3A_25] : memref<2x1000x128xf32, #tpu.memory_space<vmem>>, vector<1x1000x128xf32>
    %swap3A_27 = vector.shape_cast %swap3A_26 : vector<1x1000x128xf32> to vector<1000x128xf32>
    %swap3A_28 = vector.shape_cast %exp3A : vector<1000x128xf32> to vector<1x1000x128xf32>
    tpu.vector_store %arg6[%swap3A, %swap3A_24, %swap3A_25], %swap3A_28 {strides = array<i32>} : memref<2x1000x128xf32, #tpu.memory_space<vmem>>, vector<1x1000x128xf32>,
    %mul3A_29 = arith.mulf %add3A_23, %exp3A : vector<1000x128xf32>
    %swap3A_30 = arith.constant 1 : index
    %swap3A_31 = arith.constant 0 : index
    %swap3A_32 = arith.constant 0 : index
    %swap3A_33 = vector.load %arg6[%swap3A_30, %swap3A_31, %swap3A_32] : memref<2x1000x128xf32, #tpu.memory_space<vmem>>, vector<1x1000x128xf32>
    %swap3A_34 = vector.shape_cast %swap3A_33 : vector<1x1000x128xf32> to vector<1000x128xf32>
    %swap3A_35 = vector.shape_cast %mul3A_29 : vector<1000x128xf32> to vector<1x1000x128xf32>
    tpu.vector_store %arg6[%swap3A_30, %swap3A_31, %swap3A_32], %swap3A_35 {strides = array<i32>} : memref<2x1000x128xf32, #tpu.memory_space<vmem>>, vector<1x1000x128xf32>,
    return
  }
  func.func @transform_0(%arg0: i32) -> (i32, i32) {
    %c0_i32 = arith.constant 0 : i32
    %c0_i32_0 = arith.constant 0 : i32
    return %arg0, %c0_i32 : i32, i32
  }
  func.func @transform_1(%arg0: i32) -> (i32, i32) {
    %c0_i32 = arith.constant 0 : i32
    %c0_i32_0 = arith.constant 0 : i32
    %c0_i32_1 = arith.constant 0 : i32
    return %c0_i32, %c0_i32_0 : i32, i32
  }
  func.func @transform_2(%arg0: i32) -> (i32, i32) {
    %c0_i32 = arith.constant 0 : i32
    %c0_i32_0 = arith.constant 0 : i32
    %c0_i32_1 = arith.constant 0 : i32
    return %c0_i32, %c0_i32_0 : i32, i32
  }
  func.func @transform_3(%arg0: i32) -> (i32, i32) {
    %c0_i32 = arith.constant 0 : i32
    %c0_i32_0 = arith.constant 0 : i32
    %c0_i32_1 = arith.constant 0 : i32
    return %c0_i32, %c0_i32_0 : i32, i32
  }
  func.func @transform_4(%arg0: i32) -> (i32, i32) {
    %c0_i32 = arith.constant 0 : i32
    %c0_i32_0 = arith.constant 0 : i32
    %c0_i32_1 = arith.constant 0 : i32
    return %c0_i32, %c0_i32_0 : i32, i32
  }
  func.func @transform_5(%arg0: i32) -> (i32, i32, i32) {
    %c0_i32 = arith.constant 0 : i32
    %c0_i32_0 = arith.constant 0 : i32
    %c0_i32_1 = arith.constant 0 : i32
    return %c0_i32, %arg0, %c0_i32_0 : i32, i32, i32
  }
}

module attributes {stable_mosaic.version = 14 : i64} {
  func.func @_ba_body(%arg0: i32, %arg1: memref<2x1000x128xf32, #tpu.memory_space<vmem>>, %arg2: memref<1000x128xf32, #tpu.memory_space<vmem>>, %arg3: memref<1x128xf32, #tpu.memory_space<vmem>>, %arg4: memref<1x128xf32, #tpu.memory_space<vmem>>, %arg5: memref<128x128xf32, #tpu.memory_space<vmem>>, %arg6: memref<1x128xf32, #tpu.memory_space<vmem>>, %arg7: memref<1x128xf32, #tpu.memory_space<vmem>>, %arg8: memref<1x128xf32, #tpu.memory_space<vmem>>, %arg9: memref<16x128xf32, #tpu.memory_space<vmem>>, %arg10: memref<1x128xf32, #tpu.memory_space<vmem>>, %arg11: memref<1000x128xf32, #tpu.memory_space<vmem>>, %arg12: memref<2x1000x128xf32, #tpu.memory_space<vmem>>) attributes {dimension_semantics = [#tpu.dimension_semantics<arbitrary>], iteration_bounds = array<i64: 10>, scalar_prefetch = 0 : i64, scratch_operands = 0 : i64, tpu.core_type = #tpu.core_type<tc>, window_params = [{transform_indices = @transform_0, window_bounds = array<i64: 2, 1000, 128>}, {transform_indices = @transform_1, window_bounds = array<i64: 1000, 128>}, {pipeline_mode = #tpu.pipeline_mode<synchronous>, transform_indices = @transform_2, window_bounds = array<i64: 1, 128>}, {pipeline_mode = #tpu.pipeline_mode<synchronous>, transform_indices = @transform_3, window_bounds = array<i64: 1, 128>}, {pipeline_mode = #tpu.pipeline_mode<synchronous>, transform_indices = @transform_4, window_bounds = array<i64: 128, 128>}, {pipeline_mode = #tpu.pipeline_mode<synchronous>, transform_indices = @transform_5, window_bounds = array<i64: 1, 128>}, {pipeline_mode = #tpu.pipeline_mode<synchronous>, transform_indices = @transform_6, window_bounds = array<i64: 1, 128>}, {pipeline_mode = #tpu.pipeline_mode<synchronous>, transform_indices = @transform_7, window_bounds = array<i64: 1, 128>}, {pipeline_mode = #tpu.pipeline_mode<synchronous>, transform_indices = @transform_8, window_bounds = array<i64: 16, 128>}, {pipeline_mode = #tpu.pipeline_mode<synchronous>, transform_indices = @transform_9, window_bounds = array<i64: 1, 128>}, {transform_indices = @transform_10, window_bounds = array<i64: 1000, 128>}, {transform_indices = @transform_11, window_bounds = array<i64: 2, 1000, 128>}]} {
    %get3A = arith.constant 1 : index
    %get3A_0 = arith.constant 0 : index
    %get3A_1 = arith.constant 0 : index
    %get3A_2 = vector.load %arg1[%get3A, %get3A_0, %get3A_1] : memref<2x1000x128xf32, #tpu.memory_space<vmem>>, vector<1x1000x128xf32>
    %get3A_3 = vector.shape_cast %get3A_2 : vector<1x1000x128xf32> to vector<1000x128xf32>
    %get3A_4 = arith.constant 0 : index
    %get3A_5 = arith.constant 0 : index
    %get3A_6 = arith.constant 0 : index
    %get3A_7 = vector.load %arg1[%get3A_4, %get3A_5, %get3A_6] : memref<2x1000x128xf32, #tpu.memory_space<vmem>>, vector<1x1000x128xf32>
    %get3A_8 = vector.shape_cast %get3A_7 : vector<1x1000x128xf32> to vector<1000x128xf32>
    %add3A = arith.constant 1.000000e-30 : f32
    %add3A_9 = vector.broadcast %add3A : f32 to vector<1000x128xf32>
    %add3A_10 = arith.addf %get3A_8, %add3A_9 : vector<1000x128xf32>
    %div3A = arith.divf %get3A_3, %add3A_10 : vector<1000x128xf32>
    %get3A_11 = arith.constant 0 : index
    %get3A_12 = arith.constant 0 : index
    %get3A_13 = vector.load %arg2[%get3A_11, %get3A_12] : memref<1000x128xf32, #tpu.memory_space<vmem>>, vector<1000x128xf32>
    %get3A_14 = arith.constant 0 : index
    %get3A_15 = arith.constant 0 : index
    %get3A_16 = vector.load %arg3[%get3A_14, %get3A_15] : memref<1x128xf32, #tpu.memory_space<vmem>>, vector<1x128xf32>
    %mul3A = vector.broadcast %get3A_16 : vector<1x128xf32> to vector<1000x128xf32>
    %mul3A_17 = arith.mulf %get3A_13, %mul3A : vector<1000x128xf32>
    %get3A_18 = arith.constant 0 : index
    %get3A_19 = arith.constant 0 : index
    %get3A_20 = vector.load %arg4[%get3A_18, %get3A_19] : memref<1x128xf32, #tpu.memory_space<vmem>>, vector<1x128xf32>
    %add3A_21 = vector.broadcast %get3A_20 : vector<1x128xf32> to vector<1000x128xf32>
    %add3A_22 = arith.addf %mul3A_17, %add3A_21 : vector<1000x128xf32>
    %add3A_23 = arith.addf %add3A_22, %div3A : vector<1000x128xf32>
    %get3A_24 = arith.constant 0 : index
    %get3A_25 = arith.constant 0 : index
    %get3A_26 = vector.load %arg5[%get3A_24, %get3A_25] : memref<128x128xf32, #tpu.memory_space<vmem>>, vector<128x128xf32>
    %dot_general3A = arith.constant dense<0.000000e+00> : vector<1000x128xf32>
    %dot_general3A_27 = tpu.matmul %add3A_23, %get3A_26, %dot_general3A {dimension_numbers = #tpu.dot_dimension_numbers<[1], [0], [0], [1], [0, 0, 1, 1], [], []>, transpose_lhs_hint = false} : vector<1000x128xf32>, vector<128x128xf32>, vector<1000x128xf32> -> vector<1000x128xf32>
    %get3A_28 = arith.constant 0 : index
    %get3A_29 = arith.constant 0 : index
    %get3A_30 = vector.load %arg6[%get3A_28, %get3A_29] : memref<1x128xf32, #tpu.memory_space<vmem>>, vector<1x128xf32>
    %add3A_31 = vector.broadcast %get3A_30 : vector<1x128xf32> to vector<1000x128xf32>
    %add3A_32 = arith.addf %dot_general3A_27, %add3A_31 : vector<1000x128xf32>
    %max3A = arith.constant 0.000000e+00 : f32
    %max3A_33 = vector.broadcast %max3A : f32 to vector<1000x128xf32>
    %max3A_34 = arith.maximumf %add3A_32, %max3A_33 : vector<1000x128xf32>
    %swap3A = arith.constant 0 : index
    %swap3A_35 = arith.constant 0 : index
    %swap3A_36 = vector.load %arg11[%swap3A, %swap3A_35] : memref<1000x128xf32, #tpu.memory_space<vmem>>, vector<1000x128xf32>
    tpu.vector_store %arg11[%swap3A, %swap3A_35], %max3A_34 {strides = array<i32>} : memref<1000x128xf32, #tpu.memory_space<vmem>>, vector<1000x128xf32>,
    %get3A_37 = arith.constant 7 : index
    %get3A_38 = arith.constant 0 : index
    %get3A_39 = vector.load %arg9[%get3A_37, %get3A_38] : memref<16x128xf32, #tpu.memory_space<vmem>>, vector<1x128xf32>
    %get3A_40 = arith.constant 0 : index
    %get3A_41 = arith.constant 0 : index
    %get3A_42 = vector.load %arg10[%get3A_40, %get3A_41] : memref<1x128xf32, #tpu.memory_space<vmem>>, vector<1x128xf32>
    %add3A_43 = arith.addf %get3A_39, %get3A_42 : vector<1x128xf32>
    %get3A_44 = arith.constant 0 : index
    %get3A_45 = arith.constant 0 : index
    %get3A_46 = vector.load %arg7[%get3A_44, %get3A_45] : memref<1x128xf32, #tpu.memory_space<vmem>>, vector<1x128xf32>
    %mul3A_47 = vector.broadcast %get3A_46 : vector<1x128xf32> to vector<1000x128xf32>
    %mul3A_48 = arith.mulf %max3A_34, %mul3A_47 : vector<1000x128xf32>
    %get3A_49 = arith.constant 0 : index
    %get3A_50 = arith.constant 0 : index
    %get3A_51 = vector.load %arg8[%get3A_49, %get3A_50] : memref<1x128xf32, #tpu.memory_space<vmem>>, vector<1x128xf32>
    %add3A_52 = vector.broadcast %get3A_51 : vector<1x128xf32> to vector<1000x128xf32>
    %add3A_53 = arith.addf %mul3A_48, %add3A_52 : vector<1000x128xf32>
    %add3A_54 = vector.broadcast %add3A_43 : vector<1x128xf32> to vector<1000x128xf32>
    %add3A_55 = arith.addf %add3A_53, %add3A_54 : vector<1000x128xf32>
    %max3A_56 = arith.constant 0.000000e+00 : f32
    %max3A_57 = vector.broadcast %max3A_56 : f32 to vector<1000x128xf32>
    %max3A_58 = arith.maximumf %add3A_55, %max3A_57 : vector<1000x128xf32>
    %add3A_59 = arith.constant 1.000000e-07 : f32
    %add3A_60 = vector.broadcast %add3A_59 : f32 to vector<1000x128xf32>
    %add3A_61 = arith.addf %max3A_58, %add3A_60 : vector<1000x128xf32>
    %exp3A = math.exp %add3A_61 : vector<1000x128xf32>
    %swap3A_62 = arith.constant 0 : index
    %swap3A_63 = arith.constant 0 : index
    %swap3A_64 = arith.constant 0 : index
    %swap3A_65 = vector.load %arg12[%swap3A_62, %swap3A_63, %swap3A_64] : memref<2x1000x128xf32, #tpu.memory_space<vmem>>, vector<1x1000x128xf32>
    %swap3A_66 = vector.shape_cast %swap3A_65 : vector<1x1000x128xf32> to vector<1000x128xf32>
    %swap3A_67 = vector.shape_cast %exp3A : vector<1000x128xf32> to vector<1x1000x128xf32>
    tpu.vector_store %arg12[%swap3A_62, %swap3A_63, %swap3A_64], %swap3A_67 {strides = array<i32>} : memref<2x1000x128xf32, #tpu.memory_space<vmem>>, vector<1x1000x128xf32>,
    %mul3A_68 = arith.mulf %add3A_61, %exp3A : vector<1000x128xf32>
    %swap3A_69 = arith.constant 1 : index
    %swap3A_70 = arith.constant 0 : index
    %swap3A_71 = arith.constant 0 : index
    %swap3A_72 = vector.load %arg12[%swap3A_69, %swap3A_70, %swap3A_71] : memref<2x1000x128xf32, #tpu.memory_space<vmem>>, vector<1x1000x128xf32>
    %swap3A_73 = vector.shape_cast %swap3A_72 : vector<1x1000x128xf32> to vector<1000x128xf32>
    %swap3A_74 = vector.shape_cast %mul3A_68 : vector<1000x128xf32> to vector<1x1000x128xf32>
    tpu.vector_store %arg12[%swap3A_69, %swap3A_70, %swap3A_71], %swap3A_74 {strides = array<i32>} : memref<2x1000x128xf32, #tpu.memory_space<vmem>>, vector<1x1000x128xf32>,
    return
  }
  func.func @transform_0(%arg0: i32) -> (i32, i32, i32) {
    %c0_i32 = arith.constant 0 : i32
    %c0_i32_0 = arith.constant 0 : i32
    %c0_i32_1 = arith.constant 0 : i32
    return %c0_i32, %arg0, %c0_i32_0 : i32, i32, i32
  }
  func.func @transform_1(%arg0: i32) -> (i32, i32) {
    %c0_i32 = arith.constant 0 : i32
    %c0_i32_0 = arith.constant 0 : i32
    return %arg0, %c0_i32 : i32, i32
  }
  func.func @transform_2(%arg0: i32) -> (i32, i32) {
    %c0_i32 = arith.constant 0 : i32
    %c0_i32_0 = arith.constant 0 : i32
    %c0_i32_1 = arith.constant 0 : i32
    return %c0_i32, %c0_i32_0 : i32, i32
  }
  func.func @transform_3(%arg0: i32) -> (i32, i32) {
    %c0_i32 = arith.constant 0 : i32
    %c0_i32_0 = arith.constant 0 : i32
    %c0_i32_1 = arith.constant 0 : i32
    return %c0_i32, %c0_i32_0 : i32, i32
  }
  func.func @transform_4(%arg0: i32) -> (i32, i32) {
    %c0_i32 = arith.constant 0 : i32
    %c0_i32_0 = arith.constant 0 : i32
    %c0_i32_1 = arith.constant 0 : i32
    return %c0_i32, %c0_i32_0 : i32, i32
  }
  func.func @transform_5(%arg0: i32) -> (i32, i32) {
    %c0_i32 = arith.constant 0 : i32
    %c0_i32_0 = arith.constant 0 : i32
    %c0_i32_1 = arith.constant 0 : i32
    return %c0_i32, %c0_i32_0 : i32, i32
  }
  func.func @transform_6(%arg0: i32) -> (i32, i32) {
    %c0_i32 = arith.constant 0 : i32
    %c0_i32_0 = arith.constant 0 : i32
    %c0_i32_1 = arith.constant 0 : i32
    return %c0_i32, %c0_i32_0 : i32, i32
  }
  func.func @transform_7(%arg0: i32) -> (i32, i32) {
    %c0_i32 = arith.constant 0 : i32
    %c0_i32_0 = arith.constant 0 : i32
    %c0_i32_1 = arith.constant 0 : i32
    return %c0_i32, %c0_i32_0 : i32, i32
  }
  func.func @transform_8(%arg0: i32) -> (i32, i32) {
    %c0_i32 = arith.constant 0 : i32
    %c0_i32_0 = arith.constant 0 : i32
    %c0_i32_1 = arith.constant 0 : i32
    return %c0_i32, %c0_i32_0 : i32, i32
  }
  func.func @transform_9(%arg0: i32) -> (i32, i32) {
    %c0_i32 = arith.constant 0 : i32
    %c0_i32_0 = arith.constant 0 : i32
    %c0_i32_1 = arith.constant 0 : i32
    return %c0_i32, %c0_i32_0 : i32, i32
  }
  func.func @transform_10(%arg0: i32) -> (i32, i32) {
    %c0_i32 = arith.constant 0 : i32
    %c0_i32_0 = arith.constant 0 : i32
    return %arg0, %c0_i32 : i32, i32
  }
  func.func @transform_11(%arg0: i32) -> (i32, i32, i32) {
    %c0_i32 = arith.constant 0 : i32
    %c0_i32_0 = arith.constant 0 : i32
    %c0_i32_1 = arith.constant 0 : i32
    return %c0_i32, %arg0, %c0_i32_0 : i32, i32, i32
  }
}

module attributes {stable_mosaic.version = 14 : i64} {
  func.func @_b3_body(%arg0: i32, %arg1: memref<2x1000x128xf32, #tpu.memory_space<vmem>>, %arg2: memref<1000x128xf32, #tpu.memory_space<vmem>>, %arg3: memref<1x128xf32, #tpu.memory_space<vmem>>, %arg4: memref<1x128xf32, #tpu.memory_space<vmem>>, %arg5: memref<128x128xf32, #tpu.memory_space<vmem>>, %arg6: memref<1x128xf32, #tpu.memory_space<vmem>>, %arg7: memref<1x1x1000xi32, #tpu.memory_space<vmem>>, %arg8: memref<1x128xf32, #tpu.memory_space<vmem>>, %arg9: memref<1x128xf32, #tpu.memory_space<vmem>>, %arg10: memref<128x128xf32, #tpu.memory_space<vmem>>, %arg11: memref<1x128xf32, #tpu.memory_space<vmem>>, %arg12: memref<1x128xf32, #tpu.memory_space<vmem>>, %arg13: memref<1x128xf32, #tpu.memory_space<vmem>>, %arg14: memref<128x128xf32, #tpu.memory_space<vmem>>, %arg15: memref<1x128xf32, #tpu.memory_space<vmem>>, %arg16: memref<64x128xf32, #tpu.memory_space<vmem>>, %arg17: memref<64x128xf32, #tpu.memory_space<vmem>>) attributes {dimension_semantics = [#tpu.dimension_semantics<arbitrary>], iteration_bounds = array<i64: 10>, scalar_prefetch = 0 : i64, scratch_operands = 1 : i64, tpu.core_type = #tpu.core_type<tc>, window_params = [{transform_indices = @transform_0, window_bounds = array<i64: 2, 1000, 128>}, {transform_indices = @transform_1, window_bounds = array<i64: 1000, 128>}, {pipeline_mode = #tpu.pipeline_mode<synchronous>, transform_indices = @transform_2, window_bounds = array<i64: 1, 128>}, {pipeline_mode = #tpu.pipeline_mode<synchronous>, transform_indices = @transform_3, window_bounds = array<i64: 1, 128>}, {pipeline_mode = #tpu.pipeline_mode<synchronous>, transform_indices = @transform_4, window_bounds = array<i64: 128, 128>}, {pipeline_mode = #tpu.pipeline_mode<synchronous>, transform_indices = @transform_5, window_bounds = array<i64: 1, 128>}, {transform_indices = @transform_6, window_bounds = array<i64: 1, 1, 1000>}, {pipeline_mode = #tpu.pipeline_mode<synchronous>, transform_indices = @transform_7, window_bounds = array<i64: 1, 128>}, {pipeline_mode = #tpu.pipeline_mode<synchronous>, transform_indices = @transform_8, window_bounds = array<i64: 1, 128>}, {pipeline_mode = #tpu.pipeline_mode<synchronous>, transform_indices = @transform_9, window_bounds = array<i64: 128, 128>}, {pipeline_mode = #tpu.pipeline_mode<synchronous>, transform_indices = @transform_10, window_bounds = array<i64: 1, 128>}, {pipeline_mode = #tpu.pipeline_mode<synchronous>, transform_indices = @transform_11, window_bounds = array<i64: 1, 128>}, {pipeline_mode = #tpu.pipeline_mode<synchronous>, transform_indices = @transform_12, window_bounds = array<i64: 1, 128>}, {pipeline_mode = #tpu.pipeline_mode<synchronous>, transform_indices = @transform_13, window_bounds = array<i64: 128, 128>}, {pipeline_mode = #tpu.pipeline_mode<synchronous>, transform_indices = @transform_14, window_bounds = array<i64: 1, 128>}, {pipeline_mode = #tpu.pipeline_mode<synchronous>, transform_indices = @transform_15, window_bounds = array<i64: 64, 128>}]} {
    %get3A = arith.constant 1 : index
    %get3A_0 = arith.constant 0 : index
    %get3A_1 = arith.constant 0 : index
    %get3A_2 = vector.load %arg1[%get3A, %get3A_0, %get3A_1] : memref<2x1000x128xf32, #tpu.memory_space<vmem>>, vector<1x1000x128xf32>
    %get3A_3 = vector.shape_cast %get3A_2 : vector<1x1000x128xf32> to vector<1000x128xf32>
    %get3A_4 = arith.constant 0 : index
    %get3A_5 = arith.constant 0 : index
    %get3A_6 = arith.constant 0 : index
    %get3A_7 = vector.load %arg1[%get3A_4, %get3A_5, %get3A_6] : memref<2x1000x128xf32, #tpu.memory_space<vmem>>, vector<1x1000x128xf32>
    %get3A_8 = vector.shape_cast %get3A_7 : vector<1x1000x128xf32> to vector<1000x128xf32>
    %add3A = arith.constant 1.000000e-30 : f32
    %add3A_9 = vector.broadcast %add3A : f32 to vector<1000x128xf32>
    %add3A_10 = arith.addf %get3A_8, %add3A_9 : vector<1000x128xf32>
    %div3A = arith.divf %get3A_3, %add3A_10 : vector<1000x128xf32>
    %get3A_11 = arith.constant 0 : index
    %get3A_12 = arith.constant 0 : index
    %get3A_13 = vector.load %arg2[%get3A_11, %get3A_12] : memref<1000x128xf32, #tpu.memory_space<vmem>>, vector<1000x128xf32>
    %get3A_14 = arith.constant 0 : index
    %get3A_15 = arith.constant 0 : index
    %get3A_16 = vector.load %arg3[%get3A_14, %get3A_15] : memref<1x128xf32, #tpu.memory_space<vmem>>, vector<1x128xf32>
    %mul3A = vector.broadcast %get3A_16 : vector<1x128xf32> to vector<1000x128xf32>
    %mul3A_17 = arith.mulf %get3A_13, %mul3A : vector<1000x128xf32>
    %get3A_18 = arith.constant 0 : index
    %get3A_19 = arith.constant 0 : index
    %get3A_20 = vector.load %arg4[%get3A_18, %get3A_19] : memref<1x128xf32, #tpu.memory_space<vmem>>, vector<1x128xf32>
    %add3A_21 = vector.broadcast %get3A_20 : vector<1x128xf32> to vector<1000x128xf32>
    %add3A_22 = arith.addf %mul3A_17, %add3A_21 : vector<1000x128xf32>
    %add3A_23 = arith.addf %add3A_22, %div3A : vector<1000x128xf32>
    %get3A_24 = arith.constant 0 : index
    %get3A_25 = arith.constant 0 : index
    %get3A_26 = vector.load %arg5[%get3A_24, %get3A_25] : memref<128x128xf32, #tpu.memory_space<vmem>>, vector<128x128xf32>
    %dot_general3A = arith.constant dense<0.000000e+00> : vector<1000x128xf32>
    %dot_general3A_27 = tpu.matmul %add3A_23, %get3A_26, %dot_general3A {dimension_numbers = #tpu.dot_dimension_numbers<[1], [0], [0], [1], [0, 0, 1, 1], [], []>, transpose_lhs_hint = false} : vector<1000x128xf32>, vector<128x128xf32>, vector<1000x128xf32> -> vector<1000x128xf32>
    %get3A_28 = arith.constant 0 : index
    %get3A_29 = arith.constant 0 : index
    %get3A_30 = vector.load %arg6[%get3A_28, %get3A_29] : memref<1x128xf32, #tpu.memory_space<vmem>>, vector<1x128xf32>
    %add3A_31 = vector.broadcast %get3A_30 : vector<1x128xf32> to vector<1000x128xf32>
    %add3A_32 = arith.addf %dot_general3A_27, %add3A_31 : vector<1000x128xf32>
    %max3A = arith.constant 0.000000e+00 : f32
    %max3A_33 = vector.broadcast %max3A : f32 to vector<1000x128xf32>
    %max3A_34 = arith.maximumf %add3A_32, %max3A_33 : vector<1000x128xf32>
    %get3A_35 = arith.constant 0 : index
    %get3A_36 = arith.constant 0 : index
    %get3A_37 = arith.constant 0 : index
    %get3A_38 = vector.load %arg7[%get3A_35, %get3A_36, %get3A_37] : memref<1x1x1000xi32, #tpu.memory_space<vmem>>, vector<1x1x1000xi32>
    %get3A_39 = vector.shape_cast %get3A_38 : vector<1x1x1000xi32> to vector<1000xi32>
    %broadcast_in_dim3A = vector.shape_cast %get3A_39 : vector<1000xi32> to vector<1000x1xi32>
    %iota3A = tpu.iota {dimensions = array<i32: 1>} : vector<1000x64xi32>
    %eq3A = vector.broadcast %broadcast_in_dim3A : vector<1000x1xi32> to vector<1000x64xi32>
    %eq3A_40 = arith.cmpi eq, %eq3A, %iota3A : vector<1000x64xi32>
    %convert_element_type3A = arith.extui %eq3A_40 : vector<1000x64xi1> to vector<1000x64xi32>
    %convert_element_type3A_41 = arith.sitofp %convert_element_type3A : vector<1000x64xi32> to vector<1000x64xf32>
    %dot_general3A_42 = arith.constant dense<0.000000e+00> : vector<64x128xf32>
    %dot_general3A_43 = tpu.matmul %convert_element_type3A_41, %max3A_34, %dot_general3A_42 {dimension_numbers = #tpu.dot_dimension_numbers<[0], [0], [1], [1], [0, 1, 1, 1], [], []>, transpose_lhs_hint = false} : vector<1000x64xf32>, vector<1000x128xf32>, vector<64x128xf32> -> vector<64x128xf32>
    %eq3A_44 = arith.constant 0 : i32
    %eq3A_45 = arith.cmpi eq, %arg0, %eq3A_44 : i32
    %convert_element_type3A_46 = arith.extui %eq3A_45 : i1 to i32
    %cond3A = arith.constant 0 : i32
    %cond3A_47 = arith.cmpi ne, %convert_element_type3A_46, %cond3A : i32
    scf.if %cond3A_47 {
      %broadcast_in_dim3A_59 = arith.constant 0.000000e+00 : f32
      %broadcast_in_dim3A_60 = vector.broadcast %broadcast_in_dim3A_59 : f32 to vector<64x128xf32>
      %swap3A_61 = arith.constant 0 : index
      %swap3A_62 = arith.constant 0 : index
      %swap3A_63 = vector.load %arg17[%swap3A_61, %swap3A_62] : memref<64x128xf32, #tpu.memory_space<vmem>>, vector<64x128xf32>
      tpu.vector_store %arg17[%swap3A_61, %swap3A_62], %broadcast_in_dim3A_60 {strides = array<i32>} : memref<64x128xf32, #tpu.memory_space<vmem>>, vector<64x128xf32>,
    } else {
    }
    %get3A_48 = arith.constant 0 : index
    %get3A_49 = arith.constant 0 : index
    %get3A_50 = vector.load %arg17[%get3A_48, %get3A_49] : memref<64x128xf32, #tpu.memory_space<vmem>>, vector<64x128xf32>
    %add3A_51 = arith.addf %get3A_50, %dot_general3A_43 : vector<64x128xf32>
    %swap3A = arith.constant 0 : index
    %swap3A_52 = arith.constant 0 : index
    %swap3A_53 = vector.load %arg17[%swap3A, %swap3A_52] : memref<64x128xf32, #tpu.memory_space<vmem>>, vector<64x128xf32>
    tpu.vector_store %arg17[%swap3A, %swap3A_52], %add3A_51 {strides = array<i32>} : memref<64x128xf32, #tpu.memory_space<vmem>>, vector<64x128xf32>,
    %eq3A_54 = arith.constant 9 : i32
    %eq3A_55 = arith.cmpi eq, %arg0, %eq3A_54 : i32
    %convert_element_type3A_56 = arith.extui %eq3A_55 : i1 to i32
    %cond3A_57 = arith.constant 0 : i32
    %cond3A_58 = arith.cmpi ne, %convert_element_type3A_56, %cond3A_57 : i32
    scf.if %cond3A_58 {
      %get3A_59 = arith.constant 0 : index
      %get3A_60 = arith.constant 0 : index
      %get3A_61 = vector.load %arg17[%get3A_59, %get3A_60] : memref<64x128xf32, #tpu.memory_space<vmem>>, vector<64x128xf32>
      %get3A_62 = arith.constant 0 : index
      %get3A_63 = arith.constant 0 : index
      %get3A_64 = vector.load %arg8[%get3A_62, %get3A_63] : memref<1x128xf32, #tpu.memory_space<vmem>>, vector<1x128xf32>
      %mul3A_65 = vector.broadcast %get3A_64 : vector<1x128xf32> to vector<64x128xf32>
      %mul3A_66 = arith.mulf %get3A_61, %mul3A_65 : vector<64x128xf32>
      %get3A_67 = arith.constant 0 : index
      %get3A_68 = arith.constant 0 : index
      %get3A_69 = vector.load %arg9[%get3A_67, %get3A_68] : memref<1x128xf32, #tpu.memory_space<vmem>>, vector<1x128xf32>
      %add3A_70 = vector.broadcast %get3A_69 : vector<1x128xf32> to vector<64x128xf32>
      %add3A_71 = arith.addf %mul3A_66, %add3A_70 : vector<64x128xf32>
      %get3A_72 = arith.constant 0 : index
      %get3A_73 = arith.constant 0 : index
      %get3A_74 = vector.load %arg10[%get3A_72, %get3A_73] : memref<128x128xf32, #tpu.memory_space<vmem>>, vector<128x128xf32>
      %dot_general3A_75 = arith.constant dense<0.000000e+00> : vector<64x128xf32>
      %dot_general3A_76 = tpu.matmul %add3A_71, %get3A_74, %dot_general3A_75 {dimension_numbers = #tpu.dot_dimension_numbers<[1], [0], [0], [1], [0, 0, 1, 1], [], []>, transpose_lhs_hint = false} : vector<64x128xf32>, vector<128x128xf32>, vector<64x128xf32> -> vector<64x128xf32>
      %get3A_77 = arith.constant 0 : index
      %get3A_78 = arith.constant 0 : index
      %get3A_79 = vector.load %arg11[%get3A_77, %get3A_78] : memref<1x128xf32, #tpu.memory_space<vmem>>, vector<1x128xf32>
      %add3A_80 = vector.broadcast %get3A_79 : vector<1x128xf32> to vector<64x128xf32>
      %add3A_81 = arith.addf %dot_general3A_76, %add3A_80 : vector<64x128xf32>
      %max3A_82 = arith.constant 0.000000e+00 : f32
      %max3A_83 = vector.broadcast %max3A_82 : f32 to vector<64x128xf32>
      %max3A_84 = arith.maximumf %add3A_81, %max3A_83 : vector<64x128xf32>
      %get3A_85 = arith.constant 0 : index
      %get3A_86 = arith.constant 0 : index
      %get3A_87 = vector.load %arg12[%get3A_85, %get3A_86] : memref<1x128xf32, #tpu.memory_space<vmem>>, vector<1x128xf32>
      %mul3A_88 = vector.broadcast %get3A_87 : vector<1x128xf32> to vector<64x128xf32>
      %mul3A_89 = arith.mulf %max3A_84, %mul3A_88 : vector<64x128xf32>
      %get3A_90 = arith.constant 0 : index
      %get3A_91 = arith.constant 0 : index
      %get3A_92 = vector.load %arg13[%get3A_90, %get3A_91] : memref<1x128xf32, #tpu.memory_space<vmem>>, vector<1x128xf32>
      %add3A_93 = vector.broadcast %get3A_92 : vector<1x128xf32> to vector<64x128xf32>
      %add3A_94 = arith.addf %mul3A_89, %add3A_93 : vector<64x128xf32>
      %get3A_95 = arith.constant 0 : index
      %get3A_96 = arith.constant 0 : index
      %get3A_97 = vector.load %arg14[%get3A_95, %get3A_96] : memref<128x128xf32, #tpu.memory_space<vmem>>, vector<128x128xf32>
      %dot_general3A_98 = arith.constant dense<0.000000e+00> : vector<64x128xf32>
      %dot_general3A_99 = tpu.matmul %add3A_94, %get3A_97, %dot_general3A_98 {dimension_numbers = #tpu.dot_dimension_numbers<[1], [0], [0], [1], [0, 0, 1, 1], [], []>, transpose_lhs_hint = false} : vector<64x128xf32>, vector<128x128xf32>, vector<64x128xf32> -> vector<64x128xf32>
      %get3A_100 = arith.constant 0 : index
      %get3A_101 = arith.constant 0 : index
      %get3A_102 = vector.load %arg15[%get3A_100, %get3A_101] : memref<1x128xf32, #tpu.memory_space<vmem>>, vector<1x128xf32>
      %add3A_103 = vector.broadcast %get3A_102 : vector<1x128xf32> to vector<64x128xf32>
      %add3A_104 = arith.addf %dot_general3A_99, %add3A_103 : vector<64x128xf32>
      %iota3A_105 = tpu.iota {dimensions = array<i32: 1>} : vector<64x128xi32>
      %lt3A = arith.constant 10 : i32
      %lt3A_106 = vector.broadcast %lt3A : i32 to vector<64x128xi32>
      %lt3A_107 = arith.cmpi slt, %iota3A_105, %lt3A_106 : vector<64x128xi32>
      %jit3A = arith.constant 0xFF800000 : f32
      %broadcast_in_dim3A_108 = vector.broadcast %jit3A : f32 to vector<64x128xf32>
      %select_n3A = arith.select %lt3A_107, %add3A_104, %broadcast_in_dim3A_108 : vector<64x128xi1>, vector<64x128xf32>
      %reduce_max3A = arith.constant dense<0xFF800000> : vector<64xf32>
      %reduce_max3A_109 = vector.multi_reduction <maximumf>, %select_n3A, %reduce_max3A [1] : vector<64x128xf32> to vector<64xf32>
      %broadcast_in_dim3A_110 = vector.shape_cast %reduce_max3A_109 : vector<64xf32> to vector<64x1xf32>
      %sub3A = vector.broadcast %broadcast_in_dim3A_110 : vector<64x1xf32> to vector<64x128xf32>
      %sub3A_111 = arith.subf %add3A_104, %sub3A : vector<64x128xf32>
      %exp3A = math.exp %sub3A_111 : vector<64x128xf32>
      %jit3A_112 = arith.constant 0.000000e+00 : f32
      %broadcast_in_dim3A_113 = vector.broadcast %jit3A_112 : f32 to vector<64x128xf32>
      %select_n3A_114 = arith.select %lt3A_107, %exp3A, %broadcast_in_dim3A_113 : vector<64x128xi1>, vector<64x128xf32>
      %reduce_sum3A = arith.constant dense<0.000000e+00> : vector<64xf32>
      %reduce_sum3A_115 = vector.multi_reduction <add>, %select_n3A_114, %reduce_sum3A [1] : vector<64x128xf32> to vector<64xf32>
      %broadcast_in_dim3A_116 = vector.shape_cast %reduce_sum3A_115 : vector<64xf32> to vector<64x1xf32>
      %log3A = math.log %broadcast_in_dim3A_116 : vector<64x1xf32>
      %add3A_117 = arith.addf %log3A, %broadcast_in_dim3A_110 : vector<64x1xf32>
      %sub3A_118 = vector.broadcast %add3A_117 : vector<64x1xf32> to vector<64x128xf32>
      %sub3A_119 = arith.subf %add3A_104, %sub3A_118 : vector<64x128xf32>
      %swap3A_120 = arith.constant 0 : index
      %swap3A_121 = arith.constant 0 : index
      %swap3A_122 = vector.load %arg16[%swap3A_120, %swap3A_121] : memref<64x128xf32, #tpu.memory_space<vmem>>, vector<64x128xf32>
      tpu.vector_store %arg16[%swap3A_120, %swap3A_121], %sub3A_119 {strides = array<i32>} : memref<64x128xf32, #tpu.memory_space<vmem>>, vector<64x128xf32>,
    } else {
    }
    return
  }
  func.func @transform_0(%arg0: i32) -> (i32, i32, i32) {
    %c0_i32 = arith.constant 0 : i32
    %c0_i32_0 = arith.constant 0 : i32
    %c0_i32_1 = arith.constant 0 : i32
    return %c0_i32, %arg0, %c0_i32_0 : i32, i32, i32
  }
  func.func @transform_1(%arg0: i32) -> (i32, i32) {
    %c0_i32 = arith.constant 0 : i32
    %c0_i32_0 = arith.constant 0 : i32
    return %arg0, %c0_i32 : i32, i32
  }
  func.func @transform_2(%arg0: i32) -> (i32, i32) {
    %c0_i32 = arith.constant 0 : i32
    %c0_i32_0 = arith.constant 0 : i32
    %c0_i32_1 = arith.constant 0 : i32
    return %c0_i32, %c0_i32_0 : i32, i32
  }
  func.func @transform_3(%arg0: i32) -> (i32, i32) {
    %c0_i32 = arith.constant 0 : i32
    %c0_i32_0 = arith.constant 0 : i32
    %c0_i32_1 = arith.constant 0 : i32
    return %c0_i32, %c0_i32_0 : i32, i32
  }
  func.func @transform_4(%arg0: i32) -> (i32, i32) {
    %c0_i32 = arith.constant 0 : i32
    %c0_i32_0 = arith.constant 0 : i32
    %c0_i32_1 = arith.constant 0 : i32
    return %c0_i32, %c0_i32_0 : i32, i32
  }
  func.func @transform_5(%arg0: i32) -> (i32, i32) {
    %c0_i32 = arith.constant 0 : i32
    %c0_i32_0 = arith.constant 0 : i32
    %c0_i32_1 = arith.constant 0 : i32
    return %c0_i32, %c0_i32_0 : i32, i32
  }
  func.func @transform_6(%arg0: i32) -> (i32, i32, i32) {
    %c0_i32 = arith.constant 0 : i32
    %c0_i32_0 = arith.constant 0 : i32
    %c0_i32_1 = arith.constant 0 : i32
    return %arg0, %c0_i32, %c0_i32_0 : i32, i32, i32
  }
  func.func @transform_7(%arg0: i32) -> (i32, i32) {
    %c0_i32 = arith.constant 0 : i32
    %c0_i32_0 = arith.constant 0 : i32
    %c0_i32_1 = arith.constant 0 : i32
    return %c0_i32, %c0_i32_0 : i32, i32
  }
  func.func @transform_8(%arg0: i32) -> (i32, i32) {
    %c0_i32 = arith.constant 0 : i32
    %c0_i32_0 = arith.constant 0 : i32
    %c0_i32_1 = arith.constant 0 : i32
    return %c0_i32, %c0_i32_0 : i32, i32
  }
  func.func @transform_9(%arg0: i32) -> (i32, i32) {
    %c0_i32 = arith.constant 0 : i32
    %c0_i32_0 = arith.constant 0 : i32
    %c0_i32_1 = arith.constant 0 : i32
    return %c0_i32, %c0_i32_0 : i32, i32
  }
  func.func @transform_10(%arg0: i32) -> (i32, i32) {
    %c0_i32 = arith.constant 0 : i32
    %c0_i32_0 = arith.constant 0 : i32
    %c0_i32_1 = arith.constant 0 : i32
    return %c0_i32, %c0_i32_0 : i32, i32
  }
  func.func @transform_11(%arg0: i32) -> (i32, i32) {
    %c0_i32 = arith.constant 0 : i32
    %c0_i32_0 = arith.constant 0 : i32
    %c0_i32_1 = arith.constant 0 : i32
    return %c0_i32, %c0_i32_0 : i32, i32
  }
  func.func @transform_12(%arg0: i32) -> (i32, i32) {
    %c0_i32 = arith.constant 0 : i32
    %c0_i32_0 = arith.constant 0 : i32
    %c0_i32_1 = arith.constant 0 : i32
    return %c0_i32, %c0_i32_0 : i32, i32
  }
  func.func @transform_13(%arg0: i32) -> (i32, i32) {
    %c0_i32 = arith.constant 0 : i32
    %c0_i32_0 = arith.constant 0 : i32
    %c0_i32_1 = arith.constant 0 : i32
    return %c0_i32, %c0_i32_0 : i32, i32
  }
  func.func @transform_14(%arg0: i32) -> (i32, i32) {
    %c0_i32 = arith.constant 0 : i32
    %c0_i32_0 = arith.constant 0 : i32
    %c0_i32_1 = arith.constant 0 : i32
    return %c0_i32, %c0_i32_0 : i32, i32
  }
  func.func @transform_15(%arg0: i32) -> (i32, i32) {
    %c0_i32 = arith.constant 0 : i32
    %c0_i32_0 = arith.constant 0 : i32
    %c0_i32_1 = arith.constant 0 : i32
    return %c0_i32, %c0_i32_0 : i32, i32
  }
}

</mosaic_0001>

<sc_bundles>
// kernel: kernel.12.cloned.1.call-start
scs
__scs_entry_jumppad:
0x0: {  	(pc) =	sbr.rel $0x88, $3  }
0x1: {  	(tag) =	ssettag $0x0;
	lr =	simm.s32 $0x1  }
0x2: {  	[smem:$0x3F84] =	sst lr;
	_ =	strace $0xD0000000  }
0x3: {  	_ = 	snop  }
0x4: {  	_ = 	snop  }
0x5: {  	_ = 	snop  }
0x6: {  	_ = 	snop  }
0x7: {  	_ = 	snop  }
__scs_overlays_trampoline_lowered:
0x8: {  	[smem:$0x3F93] =	sst s0  }
0x9: {  	[smem:$0x3F94] =	sst s1  }
0xa: {  	[smem:$0x3F95] =	sst s2  }
0xb: {  	[smem:$0x3F96] =	sst s3  }
0xc: {  	[smem:$0x3F97] =	sst s4  }
0xd: {  	[smem:$0x3F98] =	sst s5  }
0xe: {  	[smem:$0x3F99] =	sst s6  }
0xf: {  	[smem:$0x3F9A] =	sst s7  }
0x10: {  	[smem:$0x3F9B] =	sst s8  }
0x11: {  	[smem:$0x3F9C] =	sst s9;
	s0 =	simm.s32 @!p0 $0x0  }
0x12: {  	s1 =	sld [smem:$0x3F82];
	s0 =	simm.s32 @p0 $0x1  }
0x13: {  	[smem:$0x3F9D] =	sst s0;
	s0 =	simm.s32 @!p1 $0x0  }
0x14: {  	s2 =	sld [smem:$0x3F81];
	s0 =	simm.s32 @p1 $0x1  }
0x15: {  	[smem:$0x3F9E] =	sst s0;
	s0 =	simm.s32 @!p2 $0x0  }
0x16: {  	s3 =	sld [smem:$0x3FDB];
	s0 =	simm.s32 @p2 $0x1  }
0x17: {  	s4 =	simm.s32 $0x1BF5;
	[smem:$0x3FA0] =	sst s0  }
0x18: {  	s0 =	sld [smem:$0x3F83];
	_ =	swait.ge [sflag:s4], $0x0  }
0x19: {  	s7 =	sld [smem:$0x3F84]  }
0x1a: {  	s8 =	sadd.s32 $0xFFFFE003, lr  }
0x1b: {  	s9 =	sadd.s32 $0xFFFFFEF7, lr;
	s5 =	simm.s32 $0xFFFFFFFF;
	p2 =	slt.u32 s8, $0xFFFFF086  }
0x1c: {  	p1 =	slt.u32 s9, $0xF7A;
	s5 =	simm.s32 @!p2 $0x0  }
0x1d: {  	s5 =	simm.s32 @p1 $0x1;
	p0 =	seq.s32 s7, s2  }
0x1e: {  	s7 =	smul.u32 @!p0 $0xF7A, s2;
	p2 =	seq.s32 @!p0 s5, $0x0  }
0x1f: {  	s9 =	smul.u32 $0xF7A, s1;
	s8 =	simm.s32 @!p0 $0x1BF5;
	p2 =	por !p2, p0  }
0x20: {  	[sflag:s8] =	ssyncset.s32 @!p0 $0xFFFFF086;
	s6 =	sadd.s32 @!p0 s3, s7;
	s7 =	simm.s32 @!p0 $0x108  }
0x21: {  	s3 =	sadd.s32 s3, s9;
	s6 =	sadd.s32 @!p0 $0x88, s6;
	s7 =	simm.s32 @p2 $0x1082  }
0x22: {  	[simem:s7], [sflag:s8] =	dma.local @!p0 [hbm:s6], $0xF7A  }
0x23: {  	s9 =	sor.u32 $0xD0000000, s2;
	s6 =	simm.s32 $0x108;
	_ =	swait.ge @!p0 [sflag:s8], $0x0  }
0x24: {  	s3 =	sadd.s32 $0x88, s3;
	s6 =	simm.s32 @!p1 $0x1082;
	[sflag:s4] =	ssyncset.s32 $0xFFFFF086  }
0x25: {  	[simem:s6], [sflag:s4] =	dma.local [hbm:s3], $0xF7A  }
0x26: {  	[smem:$0x3F84] =	sst s1;
	(tag) =	ssettag s2;
	_ =	strace s9  }
0x27: {  	s1 =	sld [smem:$0x3F94]  }
0x28: {  	s2 =	sld [smem:$0x3F95]  }
0x29: {  	s4 =	sld [smem:$0x3F97]  }
0x2a: {  	p0 =	seq.s32 s5, $0x0;
	s5 =	sld [smem:$0x3F98]  }
0x2b: {  	s6 =	sld [smem:$0x3F99]  }
0x2c: {  	s7 =	sld [smem:$0x3F9A]  }
0x2d: {  	s3 =	simm.s32 $0x108;
	s8 =	sld [smem:$0x3F9B]  }
0x2e: {  	s3 =	simm.s32 @!p0 $0x1082;
	s9 =	sld [smem:$0x3F9C]  }
0x2f: {  	lr =	sadd.s32 s0, s3;
	s0 =	sld [smem:$0x3F93]  }
0x30: {  	s3 =	sld [smem:$0x3F96]  }
0x31: {  	[smem:$0x3F9F] =	sst s10  }
0x32: {  	s10 =	sld [smem:$0x3F9D];
	_ =	sdelay $0x3  }
0x33: {  	p0 =	seq.s32 s10, $0x1;
	s10 =	sld [smem:$0x3F9F];
	_ =	sdelay $0x3  }
0x34: {  	[smem:$0x3F9F] =	sst s10  }
0x35: {  	s10 =	sld [smem:$0x3F9E];
	_ =	sdelay $0x3  }
0x36: {  	p1 =	seq.s32 s10, $0x1;
	s10 =	sld [smem:$0x3F9F];
	_ =	sdelay $0x3  }
0x37: {  	[smem:$0x3F9F] =	sst s10  }
0x38: {  	s10 =	sld [smem:$0x3FA0]  }
0x39: {  	_ = 	snop;
	(pc) =	sbr.ind lr, $3  }
0x3a: {  	_ = 	snop  }
0x3b: {  	_ = 	snop  }
0x3c: {  	p2 =	seq.s32 s10, $0x1;
	s10 =	sld [smem:$0x3F9F]  }
0x3d: {  	_ =	shalt  }
0x3e: {  	_ =	shalt  }
0x3f: {  	_ =	shalt  }
0x40: {  	_ =	shalt  }
0x41: {  	_ =	shalt  }
0x42: {  	_ =	shalt  }
0x43: {  	_ =	shalt  }
0x44: {  	_ =	shalt  }
0x45: {  	_ =	shalt  }
0x46: {  	_ =	shalt  }
0x47: {  	_ =	shalt  }
0x48: {  	_ =	shalt  }
0x49: {  	_ =	shalt  }
0x4a: {  	_ =	shalt  }
0x4b: {  	_ =	shalt  }
0x4c: {  	_ =	shalt  }
0x4d: {  	_ =	shalt  }
0x4e: {  	_ =	shalt  }
0x4f: {  	_ =	shalt  }
0x50: {  	_ =	shalt  }
0x51: {  	_ =	shalt  }
0x52: {  	_ =	shalt  }
0x53: {  	_ =	shalt  }
0x54: {  	_ =	shalt  }
0x55: {  	_ =	shalt  }
0x56: {  	_ =	shalt  }
0x57: {  	_ =	shalt  }
0x58: {  	_ =	shalt  }
0x59: {  	_ =	shalt  }
0x5a: {  	_ =	shalt  }
0x5b: {  	_ =	shalt  }
0x5c: {  	_ =	shalt  }
0x5d: {  	_ =	shalt  }
0x5e: {  	_ =	shalt  }
0x5f: {  	_ =	shalt  }
0x60: {  	_ =	shalt  }
0x61: {  	_ =	shalt  }
0x62: {  	_ =	shalt  }
0x63: {  	_ =	shalt  }
0x64: {  	_ =	shalt  }
0x65: {  	_ =	shalt  }
0x66: {  	_ =	shalt  }
0x67: {  	_ =	shalt  }
0x68: {  	_ =	shalt  }
0x69: {  	_ =	shalt  }
0x6a: {  	_ =	shalt  }
0x6b: {  	_ =	shalt  }
0x6c: {  	_ =	shalt  }
0x6d: {  	_ =	shalt  }
0x6e: {  	_ =	shalt  }
0x6f: {  	_ =	shalt  }
0x70: {  	_ =	shalt  }
0x71: {  	_ =	shalt  }
0x72: {  	_ =	shalt  }
0x73: {  	_ =	shalt  }
0x74: {  	_ =	shalt  }
0x75: {  	_ =	shalt  }
0x76: {  	_ =	shalt  }
0x77: {  	_ =	shalt  }
0x78: {  	_ =	shalt  }
0x79: {  	_ =	shalt  }
0x7a: {  	_ =	shalt  }
0x7b: {  	_ =	shalt  }
0x7c: {  	_ =	shalt  }
0x7d: {  	_ =	shalt  }
0x7e: {  	_ =	shalt  }
0x7f: {  	_ =	shalt  }
0x80: {  	_ =	shalt  }
0x81: {  	_ =	shalt  }
0x82: {  	_ =	shalt  }
0x83: {  	_ =	shalt  }
0x84: {  	_ =	shalt  }
0x85: {  	_ =	shalt  }
0x86: {  	_ =	shalt  }
0x87: {  	_ =	shalt  }
.Lfunc_end0:
.L_simem_size_0:
called_computation.1_lowered:
.L_overlay_start_0:
0x88: {  	s2 =	sld [smem:$0x3FD9]  }
0x89: {  	s3 =	sld [smem:$0x3FFE];
	_ =	sdelay $0x1  }
0x8a: {  	s1 =	srdreg.scid  }
0x8b: {  	s0 =	sand.u32 $0x1, s1  }
0x8c: {  	s16 =	sshll.u32 s0, $0xA;
	s2 =	sadd.s32 s3, s2  }
0x8d: {  	s2 =	sadd.s32 s2, s16  }
0x8e: {  	[smem:$0x3FAB] =	sst s2  }
0x8f: {  	_ = 	snop  }
0x90: {  	(tm) =	ssettm $0x1  }
0x91: {  	s17 =	sld [smem:$0x3FFB];
	_ =	sdelay $0x3  }
0x92: {  	_ =	strace s17  }
0x93: {  	s2 =	sld [smem:$0x3FFC];
	_ =	sdelay $0x3  }
0x94: {  	_ =	strace s2  }
0x95: {  	s2 =	sld [smem:$0x3FFD];
	_ =	sdelay $0x3  }
0x96: {  	_ =	strace s2  }
0x97: {  	_ =	strace $0x8FFFFFFF  }
0x98: {  	s18 =	sld [smem:$0x3FDB];
	_ =	sdelay $0x1  }
0x99: {  	s19 =	simm.s32 $_scs_section_size  }
0x9a: {  	s4 =	simm.s32 $_size__tile_overlayer_lowered;
	s5 =	simm.s32 $_tile_overlayer_lowered  }
0x9b: {  	s22 =	simm.s32 $0x1BFF;
	s21 =	sshll.u32 s5, $0x1;
	s2 =	sadd.s32 s19, s18  }
0x9c: {  	s6 =	simm.s32 $0x0;
	s20 =	sshll.u32 s4, $0x1;
	s4 =	sadd.s32 s21, s2  }
0x9d: {  	[timem:s6], [sflag:s22] =	dma.local [hbm:s4], s20  }
0x9e: {  	_ =	swait.ge [sflag:s22], s20  }
0x9f: {  	s3 =	ssub.s32 $0x0, s20;
	[sflag:s22] =	ssyncset.done $0x0  }
0xa0: {  	[sflag:s22] =	ssyncadd.s32 s3;
	_ =	sdelay $0x1  }
0xa1: {  	s23 =	simm.s32 $0x1B8B  }
0xa2: {  	_ =	swait.ge [sflag:s23], $0x1  }
0xa3: {  	[sflag:s23] =	ssyncset.done $0x0  }
0xa4: {  	s25 =	simm.s32 $0x1B8E;
	s24 =	sld [smem:$0x3FFE];
	[sflag:s23] =	ssyncadd.s32 $0xFFFFFFFF  }
0xa5: {  	s26 =	simm.s32 $execute0_lowered;
	[smem:$0x3FD2] =	sst s25  }
0xa6: {  	s4 =	sshll.u32 s26, $0x1;
	_ =	strace $0x80000049;
	[dreg:$0x1] =	wrdreg $0xFFFFFFFF  }
0xa7: {  	s28 =	simm.s32 $_size_execute0_lowered;
	s2 =	sadd.s32 s2, s4;
	[dreg:$0x0] =	wrdreg $0x0  }
0xa8: {  	s4 =	sshll.u32 s28, $0x1;
	[dreg:$0x2] =	wrdreg s2  }
0xa9: {  	[dreg:$0x3] =	wrdreg s4  }
0xaa: {  	[dreg:$0x4] =	wrdreg $0xC0  }
0xab: {  	_ =	task [dreg:s6], $0x5FFFF  }
0xac: {  	[dreg:$0x1] =	wrdreg $0xFFFFFFFF  }
0xad: {  	[dreg:$0x0] =	wrdreg $0x60  }
0xae: {  	[dreg:$0x2] =	wrdreg s24  }
0xaf: {  	[dreg:$0x3] =	wrdreg $0x82000  }
0xb0: {  	[dreg:$0x4] =	wrdreg $0x9  }
0xb1: {  	_ =	task.clear_ibuf [dreg:s6], $0x5FFFF;
	_ =	strace $0x90000049  }
0xb2: {  	s29 =	simm.s32 $0x9;
	_ =	strace $0x8000004B  }
0xb3: {  	_ =	swait.ge [sflag:s29], $0x1  }
0xb4: {  	[sflag:s29] =	ssyncadd.s32 $0xFFFFFFFF  }
0xb5: {  	_ =	strace $0x9000004B  }
0xb6: {  	_ =	sfence  }
0xb7: {  	s30 =	sld [smem:$0x0];
	_ =	sdelay $0x2  }
0xb8: {  	s31 =	sshll.u32 s1, $0xD;
	s1 =	sshrl.u32 s1, $0x2  }
0xb9: {  	s3 =	sand.u32 $0x4000, s31;
	s1 =	sadd.s32 s1, s30  }
0xba: {  	s0 =	sor.u32 s3, s0;
	s1 =	sshll.u32 s1, $0x11  }
0xbb: {  	s0 =	sor.u32 s1, s0  }
0xbc: {  	s0 =	sadd.s32 $0x8F2B, s0  }
0xbd: {  	[sflag:s0] =	ssyncadd.remote.s32 $0x1  }
0xbe: {  	_ =	sfence.sel $0xFFFF  }
0xbf: {  	[dreg:$0x0] =	wrdreg $0xFFFFFFFF;
	(pc) =	sbr.abs _section_cstart, $3  }
0xc0: {  	[dreg:$0x1] =	wrdreg $0xFFFFFFFF  }
0xc1: {  	_ =	task.clear_ibuf [dreg:s6], $0x2FFFF;
	_ =	strace $0x9FFFFFFF  }
0xc2: {  	(tm) =	ssettm $0x7FFFFFFF  }
0xc3: {  	_ =	shalt  }
tec
execute0_lowered:
.L_overlay_start_1:
0x0: {  	(tag) =	ssettag $0x1  }
0x1: {  	s6 =	rddreg [dreg:$0x0]  }
0x2: {  	s2 =	rddreg [dreg:$0x1]  }
0x3: {  	s4 =	srdreg.scid;
	s0 =	stileid.u32  }
0x4: {  	s3 =	simm.s32 $0x0;
	s21 =	simm.s32 $0x3;
	s22 =	simm.s32 $0x80  }
0x5: {  	s23 =	simm.s32 $0x100;
	s24 =	simm.s32 $0x4200;
	s7 =	smul.u32 $0x278, s0  }
0x6: {  	s25 =	simm.s32 $0x1;
	s26 =	simm.s32 $0x2;
	s30 =	smul.u32 $0x4F000, s0  }
0x7: {  	s28 =	simm.s32 $0x180;
	s29 =	simm.s32 $0x0;
	s12 =	smul.u32 $0x9E, s0  }
0x8: {  	s13 =	sand.u32 $0x1, s4;
	[smem:$0x7FF] =	sst s3;
	s20 =	smul.u32 $0x13C0, s0  }
0x9: {  	s4 =	sadd.s32 $0x2C600, s6;
	s17 =	sadd.s32 $0x4E00, s6;
	s8 =	smul.u32 $0x2780, s13  }
0xa: {  	s1 =	sadd.s32 $0x7A800, s6;
	_ =	strace $0x8000004A;
	s10 =	smul.u32 $0x9E0, s13  }
0xb: {  	[dreg:$0x3] =	wrdreg s1;
	s9 =	ssub.s32 $0x2, s13;
	s19 =	smul.u32 $0x13C00, s13  }
0xc: {  	s11 =	sshrl.u32 s9, $0x1;
	s7 =	sadd.s32 s7, s8;
	s8 =	sshrl.u32 s30, $0x2  }
0xd: {  	s18 =	ssub.s32 s9, s11;
	s31 =	sadd.s32 s12, s10;
	s19 =	sadd.s32 s19, s17  }
0xe: {  	s7 =	sshll.u32 s7, $0x4;
	s11 =	sshll.u32 s31, $0x5;
	s19 =	sadd.s32 s20, s19  }
0xf: {  	s20 =	simm.s32 $0x200;
	s16 =	sadd.s32 s7, s6;
	s6 =	sadd.s32 s8, s2  }
0x10: {  	s11 =	sadd.s32 s17, s11;
	s17 =	smax.u32 s18, $0x1;
	s7 =	sadd.s32 $0x4000, s6  }
0x11: {  	s8 =	sadd.s32 $0x8000, s6;
	s9 =	sadd.s32 $0xC000, s6;
	s10 =	sadd.s32 $0x10000, s6  }
0x12: {  	s12 =	sadd.s32 $0x7B000, s16;
	s13 =	sadd.s32 $0x7B800, s16;
	s14 =	sadd.s32 $0x7C000, s16  }
0x13: {  	s15 =	sadd.s32 $0x7C800, s16;
	s16 =	sadd.s32 $0x7D000, s16;
	s18 =	sadd.s32 $0x13A0, s11  }
.LBB2_1:
0x14: {  	s0 =	rddreg [dreg:$0x3]  }
0x15: {  	[tilespmem:s20], [sflag:$0x3] =	stream.linear.gather [hbm4b:s0+s3], $0x4000, $0x38;
	[tilespmem:$0x1BE00] =	vst v63  }
0x16: {  	_ =	swait.ge [sflag:s21], $0x4000  }
0x17: {  	[sflag:s21] =	ssyncset.done $0x0  }
0x18: {  	[sflag:s21] =	ssyncadd.s32 $0xFFFFC000  }
0x19: {  	[spmem:s6] =	stream.linear.scatter [tilespmem:s20], [sflag:$0x3], $0x4000, $0x38;
	[tilespmem:$0x1BE00] =	vst v63  }
0x1a: {  	_ =	swait.ge [sflag:s21], $0x4000  }
0x1b: {  	[sflag:s21] =	ssyncset.done $0x0  }
0x1c: {  	[sflag:s21] =	ssyncadd.s32 $0xFFFFC000  }
0x1d: {  	[spmem:s7] =	stream.linear.scatter [tilespmem:s20], [sflag:$0x3], $0x4000, $0x38;
	[tilespmem:$0x1BE00] =	vst v63  }
0x1e: {  	_ =	swait.ge [sflag:s21], $0x4000  }
0x1f: {  	[sflag:s21] =	ssyncset.done $0x0  }
0x20: {  	[sflag:s21] =	ssyncadd.s32 $0xFFFFC000  }
0x21: {  	[spmem:s8] =	stream.linear.scatter [tilespmem:s20], [sflag:$0x3], $0x4000, $0x38;
	[tilespmem:$0x1BE00] =	vst v63  }
0x22: {  	_ =	swait.ge [sflag:s21], $0x4000  }
0x23: {  	[sflag:s21] =	ssyncset.done $0x0  }
0x24: {  	[sflag:s21] =	ssyncadd.s32 $0xFFFFC000  }
0x25: {  	[spmem:s9] =	stream.linear.scatter [tilespmem:s20], [sflag:$0x3], $0x4000, $0x38;
	[tilespmem:$0x1BE00] =	vst v63  }
0x26: {  	_ =	swait.ge [sflag:s21], $0x4000  }
0x27: {  	[sflag:s21] =	ssyncset.done $0x0  }
0x28: {  	[sflag:s21] =	ssyncadd.s32 $0xFFFFC000  }
0x29: {  	[spmem:s10] =	stream.linear.scatter [tilespmem:s20], [sflag:$0x3], $0x3C00, $0x38;
	[tilespmem:$0x1BE00] =	vst v63  }
0x2a: {  	_ =	swait.ge [sflag:s21], $0x3C00  }
0x2b: {  	[sflag:s21] =	ssyncset.done $0x0  }
0x2c: {  	[sflag:s21] =	ssyncadd.s32 $0xFFFFC400  }
0x2d: {  	[bflag:$0x0] =	sbarrier.arrive $0xFFFF  }
0x2e: {  	[tilespmem:s3], [sflag:$0x3] =	stream.linear.gather [hbm4b:s11+s3], $0x100, $0x38;
	[tilespmem:$0x1BE00] =	vst v63  }
0x2f: {  	_ =	swait.ge [sflag:s21], $0x100  }
0x30: {  	[sflag:s21] =	ssyncset.done $0x0  }
0x31: {  	s30 =	sadd.s32 $0xFFFFEC80, s19;
	[sflag:s21] =	ssyncadd.s32 $0xFFFFFF00  }
0x32: {  	[tilespmem:s20], [sflag:$0x1] =	stream.indirect.gather [hbm4b:s4+s22], $0x80, s3, s22, $0xb8;
	[tilespmem:$0x1BE00] =	vst v63  }
0x33: {  	s31 =	sadd.s32 $0x13A0, s30  }
0x34: {  	[tilespmem:s23], [sflag:$0x3] =	stream.linear.gather [hbm4b:s31+s3], $0x100, $0x38;
	[tilespmem:$0x1BE00] =	vst v63  }
0x35: {  	_ =	swait.ge [sflag:s21], $0x100  }
0x36: {  	[sflag:s21] =	ssyncset.done $0x0  }
0x37: {  	[sflag:s21] =	ssyncadd.s32 $0xFFFFFF00  }
0x38: {  	[tilespmem:s24], [sflag:$0x2] =	stream.indirect.gather [hbm4b:s4+s22], $0x80, s23, s22, $0xb8;
	[tilespmem:$0x1BE00] =	vst v63  }
0x39: {  	_ =	swait.ge [sflag:s25], $0x4000  }
0x3a: {  	[sflag:s25] =	ssyncset.done $0x0  }
0x3b: {  	[sflag:s25] =	ssyncadd.s32 $0xFFFFC000  }
0x3c: {  	[spmem:s2] =	stream.indirect.scatter.add.f32 [tilespmem:s20], [sflag:$0x3], $0x80, s22, s22, $0xb8;
	[tilespmem:$0x1BE00] =	vst v63  }
0x3d: {  	_ =	swait.ge [sflag:s21], $0x4000  }
0x3e: {  	[sflag:s21] =	ssyncset.done $0x0  }
0x3f: {  	s30 =	sadd.s32 $0x13C0, s30;
	[sflag:s21] =	ssyncadd.s32 $0xFFFFC000  }
0x40: {  	[tilespmem:s3], [sflag:$0x3] =	stream.linear.gather [hbm4b:s30+s3], $0x100, $0x38;
	[tilespmem:$0x1BE00] =	vst v63  }
0x41: {  	_ =	swait.ge [sflag:s21], $0x100  }
0x42: {  	[sflag:s21] =	ssyncset.done $0x0  }
0x43: {  	[sflag:s21] =	ssyncadd.s32 $0xFFFFFF00  }
0x44: {  	[tilespmem:s20], [sflag:$0x1] =	stream.indirect.gather [hbm4b:s4+s22], $0x80, s3, s22, $0xb8;
	[tilespmem:$0x1BE00] =	vst v63  }
0x45: {  	_ =	swait.ge [sflag:s26], $0x4000  }
0x46: {  	[sflag:s26] =	ssyncset.done $0x0  }
0x47: {  	[sflag:s26] =	ssyncadd.s32 $0xFFFFC000  }
0x48: {  	[spmem:s2] =	stream.indirect.scatter.add.f32 [tilespmem:s24], [sflag:$0x3], $0x80, s28, s22, $0xb8;
	[tilespmem:$0x1BE00] =	vst v63  }
0x49: {  	_ =	swait.ge [sflag:s21], $0x4000  }
0x4a: {  	s31 =	simm.s32 $0xFFFFED00;
	s30 =	sadd.s32 $0xFFFFECC0, s19;
	[sflag:s21] =	ssyncset.done $0x0  }
.LBB2_2:
0x4b: {  	s0 =	sadd.s32 $0x13A0, s30  }
0x4c: {  	[sflag:s21] =	ssyncadd.s32 $0xFFFFC000;
	s1 =	smov.u32 s31;
	s5 =	sadd.s32 $0x40, s31  }
0x4d: {  	[tilespmem:s23], [sflag:$0x3] =	stream.linear.gather [hbm4b:s0+s3], $0x100, $0x38;
	[tilespmem:$0x1BE00] =	vst v63  }
0x4e: {  	p0 =	sne.s32 s31, $0xFFFFFFC0;
	_ =	swait.ge [sflag:s21], $0x100  }
0x4f: {  	[sflag:s21] =	ssyncset.done $0x0  }
0x50: {  	[sflag:s21] =	ssyncadd.s32 $0xFFFFFF00  }
0x51: {  	[tilespmem:s24], [sflag:$0x2] =	stream.indirect.gather [hbm4b:s4+s22], $0x80, s23, s22, $0xb8;
	[tilespmem:$0x1BE00] =	vst v63  }
0x52: {  	_ =	swait.ge [sflag:s25], $0x4000  }
0x53: {  	[sflag:s25] =	ssyncset.done $0x0  }
0x54: {  	[sflag:s25] =	ssyncadd.s32 $0xFFFFC000  }
0x55: {  	[spmem:s2] =	stream.indirect.scatter.add.f32 [tilespmem:s20], [sflag:$0x3], $0x80, s22, s22, $0xb8;
	[tilespmem:$0x1BE00] =	vst v63  }
0x56: {  	_ =	swait.ge [sflag:s21], $0x4000  }
0x57: {  	[sflag:s21] =	ssyncset.done $0x0  }
0x58: {  	s0 =	sadd.s32 $0x13C0, s30;
	[sflag:s21] =	ssyncadd.s32 $0xFFFFC000  }
0x59: {  	[tilespmem:s3], [sflag:$0x3] =	stream.linear.gather [hbm4b:s0+s3], $0x100, $0x38;
	[tilespmem:$0x1BE00] =	vst v63  }
0x5a: {  	_ =	swait.ge [sflag:s21], $0x100  }
0x5b: {  	[sflag:s21] =	ssyncset.done $0x0  }
0x5c: {  	[sflag:s21] =	ssyncadd.s32 $0xFFFFFF00  }
0x5d: {  	[tilespmem:s20], [sflag:$0x1] =	stream.indirect.gather [hbm4b:s4+s22], $0x80, s3, s22, $0xb8;
	[tilespmem:$0x1BE00] =	vst v63  }
0x5e: {  	_ =	swait.ge [sflag:s26], $0x4000  }
.Ltmp0:
0x5f: {  	[sflag:s26] =	ssyncset.done $0x0;
	(pc) =	sbr.rel @p0 .LBB2_2-.Ltmp0, $4  }
0x60: {  	[sflag:s26] =	ssyncadd.s32 $0xFFFFC000  }
0x61: {  	[spmem:s2] =	stream.indirect.scatter.add.f32 [tilespmem:s24], [sflag:$0x3], $0x80, s28, s22, $0xb8;
	[tilespmem:$0x1BE00] =	vst v63  }
0x62: {  	_ =	swait.ge [sflag:s21], $0x4000  }
0x63: {  	s30 =	sadd.s32 s1, s19;
	s31 =	smov.u32 s5;
	[sflag:s21] =	ssyncset.done $0x0  }
0x64: {  	s0 =	sadd.s32 $0x13A0, s30;
	[sflag:s21] =	ssyncadd.s32 $0xFFFFC000  }
0x65: {  	[tilespmem:s23], [sflag:$0x3] =	stream.linear.gather [hbm4b:s0+s3], $0x100, $0x38;
	[tilespmem:$0x1BE00] =	vst v63  }
0x66: {  	_ =	swait.ge [sflag:s21], $0x100  }
0x67: {  	[sflag:s21] =	ssyncset.done $0x0  }
0x68: {  	[sflag:s21] =	ssyncadd.s32 $0xFFFFFF00  }
0x69: {  	[tilespmem:s24], [sflag:$0x2] =	stream.indirect.gather [hbm4b:s4+s22], $0x80, s23, s22, $0xb8;
	[tilespmem:$0x1BE00] =	vst v63  }
0x6a: {  	_ =	swait.ge [sflag:s25], $0x4000  }
0x6b: {  	[sflag:s25] =	ssyncset.done $0x0  }
0x6c: {  	[sflag:s25] =	ssyncadd.s32 $0xFFFFC000  }
0x6d: {  	[spmem:s2] =	stream.indirect.scatter.add.f32 [tilespmem:s20], [sflag:$0x3], $0x80, s22, s22, $0xb8;
	[tilespmem:$0x1BE00] =	vst v63  }
0x6e: {  	_ =	swait.ge [sflag:s21], $0x4000  }
0x6f: {  	[sflag:s21] =	ssyncset.done $0x0  }
0x70: {  	s31 =	sadd.s32 $0x13C0, s30;
	[sflag:s21] =	ssyncadd.s32 $0xFFFFC000  }
0x71: {  	[tilespmem:s3], [sflag:$0x3] =	stream.linear.gather [hbm4b:s31+s3], $0x100, $0x38;
	[tilespmem:$0x1BE00] =	vst v63  }
0x72: {  	_ =	swait.ge [sflag:s21], $0x100  }
0x73: {  	[sflag:s21] =	ssyncset.done $0x0  }
0x74: {  	[sflag:s21] =	ssyncadd.s32 $0xFFFFFF00  }
0x75: {  	[tilespmem:s20], [sflag:$0x1] =	stream.indirect.gather [hbm4b:s4+s22], $0x80, s3, s22, $0xb8;
	[tilespmem:$0x1BE00] =	vst v63  }
0x76: {  	_ =	swait.ge [sflag:s26], $0x4000  }
0x77: {  	[sflag:s26] =	ssyncset.done $0x0  }
0x78: {  	[sflag:s26] =	ssyncadd.s32 $0xFFFFC000  }
0x79: {  	[spmem:s2] =	stream.indirect.scatter.add.f32 [tilespmem:s24], [sflag:$0x3], $0x80, s28, s22, $0xb8;
	[tilespmem:$0x1BE00] =	vst v63  }
0x7a: {  	_ =	swait.ge [sflag:s21], $0x4000  }
0x7b: {  	[sflag:s21] =	ssyncset.done $0x0  }
0x7c: {  	[sflag:s21] =	ssyncadd.s32 $0xFFFFC000  }
0x7d: {  	[tilespmem:s23], [sflag:$0x3] =	stream.linear.gather [hbm4b:s18+s3], $0x100, $0x38;
	[tilespmem:$0x1BE00] =	vst v63  }
0x7e: {  	_ =	swait.ge [sflag:s21], $0x100  }
0x7f: {  	[sflag:s21] =	ssyncset.done $0x0  }
0x80: {  	[sflag:s21] =	ssyncadd.s32 $0xFFFFFF00  }
0x81: {  	[tilespmem:s24], [sflag:$0x2] =	stream.indirect.gather [hbm4b:s4+s22], $0x80, s23, s22, $0xb8;
	[tilespmem:$0x1BE00] =	vst v63  }
0x82: {  	_ =	swait.ge [sflag:s25], $0x4000  }
0x83: {  	[sflag:s25] =	ssyncset.done $0x0  }
0x84: {  	[sflag:s25] =	ssyncadd.s32 $0xFFFFC000  }
0x85: {  	[spmem:s2] =	stream.indirect.scatter.add.f32 [tilespmem:s20], [sflag:$0x3], $0x80, s22, s22, $0xb8;
	[tilespmem:$0x1BE00] =	vst v63  }
0x86: {  	_ =	swait.ge [sflag:s21], $0x4000  }
0x87: {  	[sflag:s21] =	ssyncset.done $0x0  }
0x88: {  	[sflag:s21] =	ssyncadd.s32 $0xFFFFC000  }
0x89: {  	_ =	swait.ge [sflag:s26], $0x4000  }
0x8a: {  	[sflag:s26] =	ssyncset.done $0x0  }
0x8b: {  	[sflag:s26] =	ssyncadd.s32 $0xFFFFC000  }
0x8c: {  	[spmem:s2] =	stream.indirect.scatter.add.f32 [tilespmem:s24], [sflag:$0x3], $0x80, s28, s22, $0xb8;
	[tilespmem:$0x1BE00] =	vst v63  }
0x8d: {  	_ =	swait.ge [sflag:s21], $0x4000  }
0x8e: {  	[sflag:s21] =	ssyncset.done $0x0  }
0x8f: {  	[sflag:s21] =	ssyncadd.s32 $0xFFFFC000  }
0x90: {  	[bflag:$0x0] =	sbarrier.arrive $0xFFFF  }
0x91: {  	[tilespmem:s20], [sflag:$0x3] =	stream.linear.gather [spmem:s6], $0x4000, $0x38;
	[tilespmem:$0x1BE00] =	vst v63  }
0x92: {  	_ =	swait.ge [sflag:s21], $0x4000  }
0x93: {  	[sflag:s21] =	ssyncset.done $0x0  }
0x94: {  	[sflag:s21] =	ssyncadd.s32 $0xFFFFC000  }
0x95: {  	[hbm4b:s12+s3] =	stream.linear.scatter [tilespmem:s20], [sflag:$0x3], $0x4000, $0x38;
	[tilespmem:$0x1BE00] =	vst v63  }
0x96: {  	_ =	swait.ge [sflag:s21], $0x4000  }
0x97: {  	[sflag:s21] =	ssyncset.done $0x0  }
0x98: {  	[sflag:s21] =	ssyncadd.s32 $0xFFFFC000  }
0x99: {  	[tilespmem:s20], [sflag:$0x3] =	stream.linear.gather [spmem:s7], $0x4000, $0x38;
	[tilespmem:$0x1BE00] =	vst v63  }
0x9a: {  	_ =	swait.ge [sflag:s21], $0x4000  }
0x9b: {  	[sflag:s21] =	ssyncset.done $0x0  }
0x9c: {  	[sflag:s21] =	ssyncadd.s32 $0xFFFFC000  }
0x9d: {  	[hbm4b:s13+s3] =	stream.linear.scatter [tilespmem:s20], [sflag:$0x3], $0x4000, $0x38;
	[tilespmem:$0x1BE00] =	vst v63  }
0x9e: {  	_ =	swait.ge [sflag:s21], $0x4000  }
0x9f: {  	[sflag:s21] =	ssyncset.done $0x0  }
0xa0: {  	[sflag:s21] =	ssyncadd.s32 $0xFFFFC000  }
0xa1: {  	[tilespmem:s20], [sflag:$0x3] =	stream.linear.gather [spmem:s8], $0x4000, $0x38;
	[tilespmem:$0x1BE00] =	vst v63  }
0xa2: {  	_ =	swait.ge [sflag:s21], $0x4000  }
0xa3: {  	[sflag:s21] =	ssyncset.done $0x0  }
0xa4: {  	[sflag:s21] =	ssyncadd.s32 $0xFFFFC000  }
0xa5: {  	[hbm4b:s14+s3] =	stream.linear.scatter [tilespmem:s20], [sflag:$0x3], $0x4000, $0x38;
	[tilespmem:$0x1BE00] =	vst v63  }
0xa6: {  	_ =	swait.ge [sflag:s21], $0x4000  }
0xa7: {  	[sflag:s21] =	ssyncset.done $0x0  }
0xa8: {  	[sflag:s21] =	ssyncadd.s32 $0xFFFFC000  }
0xa9: {  	[tilespmem:s20], [sflag:$0x3] =	stream.linear.gather [spmem:s9], $0x4000, $0x38;
	[tilespmem:$0x1BE00] =	vst v63  }
0xaa: {  	_ =	swait.ge [sflag:s21], $0x4000  }
0xab: {  	[sflag:s21] =	ssyncset.done $0x0  }
0xac: {  	[sflag:s21] =	ssyncadd.s32 $0xFFFFC000  }
0xad: {  	[hbm4b:s15+s3] =	stream.linear.scatter [tilespmem:s20], [sflag:$0x3], $0x4000, $0x38;
	[tilespmem:$0x1BE00] =	vst v63  }
0xae: {  	_ =	swait.ge [sflag:s21], $0x4000  }
0xaf: {  	[sflag:s21] =	ssyncset.done $0x0  }
0xb0: {  	[sflag:s21] =	ssyncadd.s32 $0xFFFFC000  }
0xb1: {  	[tilespmem:s20], [sflag:$0x3] =	stream.linear.gather [spmem:s10], $0x3C00, $0x38;
	[tilespmem:$0x1BE00] =	vst v63  }
0xb2: {  	s29 =	sadd.s32 $0x1, s29;
	_ =	swait.ge [sflag:s21], $0x3C00  }
0xb3: {  	p0 =	sne.s32 s29, s17;
	[sflag:s21] =	ssyncset.done $0x0  }
.Ltmp1:
0xb4: {  	[sflag:s21] =	ssyncadd.s32 $0xFFFFC400;
	(pc) =	sbr.rel @p0 .LBB2_1-.Ltmp1, $4  }
0xb5: {  	[hbm4b:s16+s3] =	stream.linear.scatter [tilespmem:s20], [sflag:$0x3], $0x3C00, $0x38;
	[tilespmem:$0x1BE00] =	vst v63  }
0xb6: {  	_ =	swait.ge [sflag:s21], $0x3C00  }
0xb7: {  	[sflag:s21] =	ssyncset.done $0x0  }
0xb8: {  	[sflag:s21] =	ssyncadd.s32 $0xFFFFC400  }
0xb9: {  	_ =	sfence.sel $0x180000  }
0xba: {  	[bflag:$0x0] =	sbarrier.arrive $0xFFFF  }
0xbb: {  	_ =	strace $0x9000004A  }
0xbc: {  	s0 =	stileid.u32;
	[bflag:$0x2] =	sbarrier.arrive $0xFFFF  }
0xbd: {  	p0 =	sne.s32 s0, $0x0;
	s0 =	rddreg [dreg:$0x2]  }
0xbe: {  	s0 =	sadd.s32 @!p0 $0x100000, s0  }
0xbf: {  	[sflag:s0] =	ssyncadd.tile.s32 @!p0 $0x1;
	_ =	shalt  }
.Lfunc_end2:
_tile_overlayer_lowered:
.L_overlay_start_2:
0xc0: {  	(tag) =	ssettag $0x2  }
0xc1: {  	s0 =	rddreg [dreg:$0x0];
	s2 =	stileid.u32  }
0xc2: {  	s1 =	rddreg [dreg:$0x1];
	p0 =	sne.s32 s2, $0x0  }
0xc3: {  	s3 =	rddreg [dreg:$0x2];
	[bflag:$0x3] =	sbarrier.arrive $0xFFFF;
	s2 =	simm.s32 @!p0 $0x1C03  }
0xc4: {  	[timem:s3], [sflag:s2] =	dma.local @!p0 [hbm:s0], s1  }
0xc5: {  	s0 =	simm.s32 @!p0 $0x3  }
0xc6: {  	_ =	swait.ge @!p0 [sflag:s0], s1  }
0xc7: {  	s1 =	ssub.s32 @!p0 $0x0, s1;
	[sflag:s0] =	ssyncset.done @!p0 $0x0  }
0xc8: {  	[sflag:s0] =	ssyncadd.s32 @!p0 s1  }
0xc9: {  	[bflag:$0x3] =	sbarrier.arrive $0xFFFF  }
0xca: {  	_ =	shalt  }

// kernel: kernel.15.cloned.1.call-start
scs
__scs_entry_jumppad:
0x0: {  	(pc) =	sbr.rel $0x88, $3  }
0x1: {  	(tag) =	ssettag $0x0;
	lr =	simm.s32 $0x1  }
0x2: {  	[smem:$0x3F84] =	sst lr;
	_ =	strace $0xD0000000  }
0x3: {  	_ = 	snop  }
0x4: {  	_ = 	snop  }
0x5: {  	_ = 	snop  }
0x6: {  	_ = 	snop  }
0x7: {  	_ = 	snop  }
__scs_overlays_trampoline_lowered:
0x8: {  	[smem:$0x3F93] =	sst s0  }
0x9: {  	[smem:$0x3F94] =	sst s1  }
0xa: {  	[smem:$0x3F95] =	sst s2  }
0xb: {  	[smem:$0x3F96] =	sst s3  }
0xc: {  	[smem:$0x3F97] =	sst s4  }
0xd: {  	[smem:$0x3F98] =	sst s5  }
0xe: {  	[smem:$0x3F99] =	sst s6  }
0xf: {  	[smem:$0x3F9A] =	sst s7  }
0x10: {  	[smem:$0x3F9B] =	sst s8  }
0x11: {  	[smem:$0x3F9C] =	sst s9;
	s0 =	simm.s32 @!p0 $0x0  }
0x12: {  	s1 =	sld [smem:$0x3F82];
	s0 =	simm.s32 @p0 $0x1  }
0x13: {  	[smem:$0x3F9D] =	sst s0;
	s0 =	simm.s32 @!p1 $0x0  }
0x14: {  	s2 =	sld [smem:$0x3F81];
	s0 =	simm.s32 @p1 $0x1  }
0x15: {  	[smem:$0x3F9E] =	sst s0;
	s0 =	simm.s32 @!p2 $0x0  }
0x16: {  	s3 =	sld [smem:$0x3FDB];
	s0 =	simm.s32 @p2 $0x1  }
0x17: {  	s4 =	simm.s32 $0x1BF5;
	[smem:$0x3FA0] =	sst s0  }
0x18: {  	s0 =	sld [smem:$0x3F83];
	_ =	swait.ge [sflag:s4], $0x0  }
0x19: {  	s7 =	sld [smem:$0x3F84]  }
0x1a: {  	s8 =	sadd.s32 $0xFFFFE003, lr  }
0x1b: {  	s9 =	sadd.s32 $0xFFFFFEF7, lr;
	s5 =	simm.s32 $0xFFFFFFFF;
	p2 =	slt.u32 s8, $0xFFFFF086  }
0x1c: {  	p1 =	slt.u32 s9, $0xF7A;
	s5 =	simm.s32 @!p2 $0x0  }
0x1d: {  	s5 =	simm.s32 @p1 $0x1;
	p0 =	seq.s32 s7, s2  }
0x1e: {  	s7 =	smul.u32 @!p0 $0xF7A, s2;
	p2 =	seq.s32 @!p0 s5, $0x0  }
0x1f: {  	s9 =	smul.u32 $0xF7A, s1;
	s8 =	simm.s32 @!p0 $0x1BF5;
	p2 =	por !p2, p0  }
0x20: {  	[sflag:s8] =	ssyncset.s32 @!p0 $0xFFFFF086;
	s6 =	sadd.s32 @!p0 s3, s7;
	s7 =	simm.s32 @!p0 $0x108  }
0x21: {  	s3 =	sadd.s32 s3, s9;
	s6 =	sadd.s32 @!p0 $0x88, s6;
	s7 =	simm.s32 @p2 $0x1082  }
0x22: {  	[simem:s7], [sflag:s8] =	dma.local @!p0 [hbm:s6], $0xF7A  }
0x23: {  	s9 =	sor.u32 $0xD0000000, s2;
	s6 =	simm.s32 $0x108;
	_ =	swait.ge @!p0 [sflag:s8], $0x0  }
0x24: {  	s3 =	sadd.s32 $0x88, s3;
	s6 =	simm.s32 @!p1 $0x1082;
	[sflag:s4] =	ssyncset.s32 $0xFFFFF086  }
0x25: {  	[simem:s6], [sflag:s4] =	dma.local [hbm:s3], $0xF7A  }
0x26: {  	[smem:$0x3F84] =	sst s1;
	(tag) =	ssettag s2;
	_ =	strace s9  }
0x27: {  	s1 =	sld [smem:$0x3F94]  }
0x28: {  	s2 =	sld [smem:$0x3F95]  }
0x29: {  	s4 =	sld [smem:$0x3F97]  }
0x2a: {  	p0 =	seq.s32 s5, $0x0;
	s5 =	sld [smem:$0x3F98]  }
0x2b: {  	s6 =	sld [smem:$0x3F99]  }
0x2c: {  	s7 =	sld [smem:$0x3F9A]  }
0x2d: {  	s3 =	simm.s32 $0x108;
	s8 =	sld [smem:$0x3F9B]  }
0x2e: {  	s3 =	simm.s32 @!p0 $0x1082;
	s9 =	sld [smem:$0x3F9C]  }
0x2f: {  	lr =	sadd.s32 s0, s3;
	s0 =	sld [smem:$0x3F93]  }
0x30: {  	s3 =	sld [smem:$0x3F96]  }
0x31: {  	[smem:$0x3F9F] =	sst s10  }
0x32: {  	s10 =	sld [smem:$0x3F9D];
	_ =	sdelay $0x3  }
0x33: {  	p0 =	seq.s32 s10, $0x1;
	s10 =	sld [smem:$0x3F9F];
	_ =	sdelay $0x3  }
0x34: {  	[smem:$0x3F9F] =	sst s10  }
0x35: {  	s10 =	sld [smem:$0x3F9E];
	_ =	sdelay $0x3  }
0x36: {  	p1 =	seq.s32 s10, $0x1;
	s10 =	sld [smem:$0x3F9F];
	_ =	sdelay $0x3  }
0x37: {  	[smem:$0x3F9F] =	sst s10  }
0x38: {  	s10 =	sld [smem:$0x3FA0]  }
0x39: {  	_ = 	snop;
	(pc) =	sbr.ind lr, $3  }
0x3a: {  	_ = 	snop  }
0x3b: {  	_ = 	snop  }
0x3c: {  	p2 =	seq.s32 s10, $0x1;
	s10 =	sld [smem:$0x3F9F]  }
0x3d: {  	_ =	shalt  }
0x3e: {  	_ =	shalt  }
0x3f: {  	_ =	shalt  }
0x40: {  	_ =	shalt  }
0x41: {  	_ =	shalt  }
0x42: {  	_ =	shalt  }
0x43: {  	_ =	shalt  }
0x44: {  	_ =	shalt  }
0x45: {  	_ =	shalt  }
0x46: {  	_ =	shalt  }
0x47: {  	_ =	shalt  }
0x48: {  	_ =	shalt  }
0x49: {  	_ =	shalt  }
0x4a: {  	_ =	shalt  }
0x4b: {  	_ =	shalt  }
0x4c: {  	_ =	shalt  }
0x4d: {  	_ =	shalt  }
0x4e: {  	_ =	shalt  }
0x4f: {  	_ =	shalt  }
0x50: {  	_ =	shalt  }
0x51: {  	_ =	shalt  }
0x52: {  	_ =	shalt  }
0x53: {  	_ =	shalt  }
0x54: {  	_ =	shalt  }
0x55: {  	_ =	shalt  }
0x56: {  	_ =	shalt  }
0x57: {  	_ =	shalt  }
0x58: {  	_ =	shalt  }
0x59: {  	_ =	shalt  }
0x5a: {  	_ =	shalt  }
0x5b: {  	_ =	shalt  }
0x5c: {  	_ =	shalt  }
0x5d: {  	_ =	shalt  }
0x5e: {  	_ =	shalt  }
0x5f: {  	_ =	shalt  }
0x60: {  	_ =	shalt  }
0x61: {  	_ =	shalt  }
0x62: {  	_ =	shalt  }
0x63: {  	_ =	shalt  }
0x64: {  	_ =	shalt  }
0x65: {  	_ =	shalt  }
0x66: {  	_ =	shalt  }
0x67: {  	_ =	shalt  }
0x68: {  	_ =	shalt  }
0x69: {  	_ =	shalt  }
0x6a: {  	_ =	shalt  }
0x6b: {  	_ =	shalt  }
0x6c: {  	_ =	shalt  }
0x6d: {  	_ =	shalt  }
0x6e: {  	_ =	shalt  }
0x6f: {  	_ =	shalt  }
0x70: {  	_ =	shalt  }
0x71: {  	_ =	shalt  }
0x72: {  	_ =	shalt  }
0x73: {  	_ =	shalt  }
0x74: {  	_ =	shalt  }
0x75: {  	_ =	shalt  }
0x76: {  	_ =	shalt  }
0x77: {  	_ =	shalt  }
0x78: {  	_ =	shalt  }
0x79: {  	_ =	shalt  }
0x7a: {  	_ =	shalt  }
0x7b: {  	_ =	shalt  }
0x7c: {  	_ =	shalt  }
0x7d: {  	_ =	shalt  }
0x7e: {  	_ =	shalt  }
0x7f: {  	_ =	shalt  }
0x80: {  	_ =	shalt  }
0x81: {  	_ =	shalt  }
0x82: {  	_ =	shalt  }
0x83: {  	_ =	shalt  }
0x84: {  	_ =	shalt  }
0x85: {  	_ =	shalt  }
0x86: {  	_ =	shalt  }
0x87: {  	_ =	shalt  }
.Lfunc_end0:
.L_simem_size_0:
called_computation.2_lowered:
.L_overlay_start_0:
0x88: {  	s2 =	sld [smem:$0x3FD9]  }
0x89: {  	s3 =	sld [smem:$0x3FFE];
	_ =	sdelay $0x1  }
0x8a: {  	s1 =	srdreg.scid  }
0x8b: {  	s0 =	sand.u32 $0x1, s1  }
0x8c: {  	s16 =	sshll.u32 s0, $0xA;
	s2 =	sadd.s32 s3, s2  }
0x8d: {  	s2 =	sadd.s32 s2, s16  }
0x8e: {  	[smem:$0x3FAB] =	sst s2  }
0x8f: {  	_ = 	snop  }
0x90: {  	(tm) =	ssettm $0x1  }
0x91: {  	s17 =	sld [smem:$0x3FFB];
	_ =	sdelay $0x3  }
0x92: {  	_ =	strace s17  }
0x93: {  	s2 =	sld [smem:$0x3FFC];
	_ =	sdelay $0x3  }
0x94: {  	_ =	strace s2  }
0x95: {  	s2 =	sld [smem:$0x3FFD];
	_ =	sdelay $0x3  }
0x96: {  	_ =	strace s2  }
0x97: {  	_ =	strace $0x8FFFFFFF  }
0x98: {  	s18 =	sld [smem:$0x3FDB];
	_ =	sdelay $0x1  }
0x99: {  	s19 =	simm.s32 $_scs_section_size  }
0x9a: {  	s4 =	simm.s32 $_size__tile_overlayer_lowered;
	s5 =	simm.s32 $_tile_overlayer_lowered  }
0x9b: {  	s22 =	simm.s32 $0x1BFF;
	s21 =	sshll.u32 s5, $0x1;
	s2 =	sadd.s32 s19, s18  }
0x9c: {  	s6 =	simm.s32 $0x0;
	s20 =	sshll.u32 s4, $0x1;
	s4 =	sadd.s32 s21, s2  }
0x9d: {  	[timem:s6], [sflag:s22] =	dma.local [hbm:s4], s20  }
0x9e: {  	_ =	swait.ge [sflag:s22], s20  }
0x9f: {  	s3 =	ssub.s32 $0x0, s20;
	[sflag:s22] =	ssyncset.done $0x0  }
0xa0: {  	[sflag:s22] =	ssyncadd.s32 s3;
	_ =	sdelay $0x1  }
0xa1: {  	s23 =	simm.s32 $0x1B8B  }
0xa2: {  	_ =	swait.ge [sflag:s23], $0x1  }
0xa3: {  	[sflag:s23] =	ssyncset.done $0x0  }
0xa4: {  	s25 =	simm.s32 $0x1B8E;
	s24 =	sld [smem:$0x3FFE];
	[sflag:s23] =	ssyncadd.s32 $0xFFFFFFFF  }
0xa5: {  	s26 =	simm.s32 $execute0_lowered;
	[smem:$0x3FD2] =	sst s25  }
0xa6: {  	s4 =	sshll.u32 s26, $0x1;
	_ =	strace $0x8000004C;
	[dreg:$0x1] =	wrdreg $0xFFFFFFFF  }
0xa7: {  	s28 =	simm.s32 $_size_execute0_lowered;
	s2 =	sadd.s32 s2, s4;
	[dreg:$0x0] =	wrdreg $0x0  }
0xa8: {  	s4 =	sshll.u32 s28, $0x1;
	[dreg:$0x2] =	wrdreg s2  }
0xa9: {  	[dreg:$0x3] =	wrdreg s4  }
0xaa: {  	[dreg:$0x4] =	wrdreg $0xC0  }
0xab: {  	_ =	task [dreg:s6], $0x5FFFF  }
0xac: {  	[dreg:$0x1] =	wrdreg $0xFFFFFFFF  }
0xad: {  	[dreg:$0x0] =	wrdreg $0x60  }
0xae: {  	[dreg:$0x2] =	wrdreg s24  }
0xaf: {  	[dreg:$0x3] =	wrdreg $0x82000  }
0xb0: {  	[dreg:$0x4] =	wrdreg $0x9  }
0xb1: {  	_ =	task.clear_ibuf [dreg:s6], $0x5FFFF;
	_ =	strace $0x9000004C  }
0xb2: {  	s29 =	simm.s32 $0x9;
	_ =	strace $0x8000004E  }
0xb3: {  	_ =	swait.ge [sflag:s29], $0x1  }
0xb4: {  	[sflag:s29] =	ssyncadd.s32 $0xFFFFFFFF  }
0xb5: {  	_ =	strace $0x9000004E  }
0xb6: {  	_ =	sfence  }
0xb7: {  	s30 =	sld [smem:$0x0];
	_ =	sdelay $0x2  }
0xb8: {  	s31 =	sshll.u32 s1, $0xD;
	s1 =	sshrl.u32 s1, $0x2  }
0xb9: {  	s3 =	sand.u32 $0x4000, s31;
	s1 =	sadd.s32 s1, s30  }
0xba: {  	s0 =	sor.u32 s3, s0;
	s1 =	sshll.u32 s1, $0x11  }
0xbb: {  	s0 =	sor.u32 s1, s0  }
0xbc: {  	s0 =	sadd.s32 $0x8F2B, s0  }
0xbd: {  	[sflag:s0] =	ssyncadd.remote.s32 $0x1  }
0xbe: {  	_ =	sfence.sel $0xFFFF  }
0xbf: {  	[dreg:$0x0] =	wrdreg $0xFFFFFFFF;
	(pc) =	sbr.abs _section_cstart, $3  }
0xc0: {  	[dreg:$0x1] =	wrdreg $0xFFFFFFFF  }
0xc1: {  	_ =	task.clear_ibuf [dreg:s6], $0x2FFFF;
	_ =	strace $0x9FFFFFFF  }
0xc2: {  	(tm) =	ssettm $0x7FFFFFFF  }
0xc3: {  	_ =	shalt  }
tec
execute0_lowered:
.L_overlay_start_1:
0x0: {  	(tag) =	ssettag $0x1  }
0x1: {  	s6 =	rddreg [dreg:$0x0]  }
0x2: {  	s2 =	rddreg [dreg:$0x1]  }
0x3: {  	s4 =	srdreg.scid;
	s0 =	stileid.u32  }
0x4: {  	s3 =	simm.s32 $0x0;
	s21 =	simm.s32 $0x3;
	s22 =	simm.s32 $0x80  }
0x5: {  	s23 =	simm.s32 $0x100;
	s24 =	simm.s32 $0x4200;
	s7 =	smul.u32 $0x278, s0  }
0x6: {  	s25 =	simm.s32 $0x1;
	s26 =	simm.s32 $0x2;
	s30 =	smul.u32 $0x4F000, s0  }
0x7: {  	s28 =	simm.s32 $0x180;
	s29 =	simm.s32 $0x0;
	s12 =	smul.u32 $0x9E, s0  }
0x8: {  	s13 =	sand.u32 $0x1, s4;
	[smem:$0x7FF] =	sst s3;
	s20 =	smul.u32 $0x13C0, s0  }
0x9: {  	s4 =	sadd.s32 $0x2C600, s6;
	s17 =	sadd.s32 $0x4E00, s6;
	s8 =	smul.u32 $0x2780, s13  }
0xa: {  	s1 =	sadd.s32 $0x7A800, s6;
	_ =	strace $0x8000004D;
	s10 =	smul.u32 $0x9E0, s13  }
0xb: {  	[dreg:$0x3] =	wrdreg s1;
	s9 =	ssub.s32 $0x2, s13;
	s19 =	smul.u32 $0x13C00, s13  }
0xc: {  	s11 =	sshrl.u32 s9, $0x1;
	s7 =	sadd.s32 s7, s8;
	s8 =	sshrl.u32 s30, $0x2  }
0xd: {  	s18 =	ssub.s32 s9, s11;
	s31 =	sadd.s32 s12, s10;
	s19 =	sadd.s32 s19, s17  }
0xe: {  	s7 =	sshll.u32 s7, $0x4;
	s11 =	sshll.u32 s31, $0x5;
	s19 =	sadd.s32 s20, s19  }
0xf: {  	s20 =	simm.s32 $0x200;
	s16 =	sadd.s32 s7, s6;
	s6 =	sadd.s32 s8, s2  }
0x10: {  	s11 =	sadd.s32 s17, s11;
	s17 =	smax.u32 s18, $0x1;
	s7 =	sadd.s32 $0x4000, s6  }
0x11: {  	s8 =	sadd.s32 $0x8000, s6;
	s9 =	sadd.s32 $0xC000, s6;
	s10 =	sadd.s32 $0x10000, s6  }
0x12: {  	s12 =	sadd.s32 $0x7B000, s16;
	s13 =	sadd.s32 $0x7B800, s16;
	s14 =	sadd.s32 $0x7C000, s16  }
0x13: {  	s15 =	sadd.s32 $0x7C800, s16;
	s16 =	sadd.s32 $0x7D000, s16;
	s18 =	sadd.s32 $0x13A0, s11  }
.LBB2_1:
0x14: {  	s0 =	rddreg [dreg:$0x3]  }
0x15: {  	[tilespmem:s20], [sflag:$0x3] =	stream.linear.gather [hbm4b:s0+s3], $0x4000, $0x38;
	[tilespmem:$0x1BE00] =	vst v63  }
0x16: {  	_ =	swait.ge [sflag:s21], $0x4000  }
0x17: {  	[sflag:s21] =	ssyncset.done $0x0  }
0x18: {  	[sflag:s21] =	ssyncadd.s32 $0xFFFFC000  }
0x19: {  	[spmem:s6] =	stream.linear.scatter [tilespmem:s20], [sflag:$0x3], $0x4000, $0x38;
	[tilespmem:$0x1BE00] =	vst v63  }
0x1a: {  	_ =	swait.ge [sflag:s21], $0x4000  }
0x1b: {  	[sflag:s21] =	ssyncset.done $0x0  }
0x1c: {  	[sflag:s21] =	ssyncadd.s32 $0xFFFFC000  }
0x1d: {  	[spmem:s7] =	stream.linear.scatter [tilespmem:s20], [sflag:$0x3], $0x4000, $0x38;
	[tilespmem:$0x1BE00] =	vst v63  }
0x1e: {  	_ =	swait.ge [sflag:s21], $0x4000  }
0x1f: {  	[sflag:s21] =	ssyncset.done $0x0  }
0x20: {  	[sflag:s21] =	ssyncadd.s32 $0xFFFFC000  }
0x21: {  	[spmem:s8] =	stream.linear.scatter [tilespmem:s20], [sflag:$0x3], $0x4000, $0x38;
	[tilespmem:$0x1BE00] =	vst v63  }
0x22: {  	_ =	swait.ge [sflag:s21], $0x4000  }
0x23: {  	[sflag:s21] =	ssyncset.done $0x0  }
0x24: {  	[sflag:s21] =	ssyncadd.s32 $0xFFFFC000  }
0x25: {  	[spmem:s9] =	stream.linear.scatter [tilespmem:s20], [sflag:$0x3], $0x4000, $0x38;
	[tilespmem:$0x1BE00] =	vst v63  }
0x26: {  	_ =	swait.ge [sflag:s21], $0x4000  }
0x27: {  	[sflag:s21] =	ssyncset.done $0x0  }
0x28: {  	[sflag:s21] =	ssyncadd.s32 $0xFFFFC000  }
0x29: {  	[spmem:s10] =	stream.linear.scatter [tilespmem:s20], [sflag:$0x3], $0x3C00, $0x38;
	[tilespmem:$0x1BE00] =	vst v63  }
0x2a: {  	_ =	swait.ge [sflag:s21], $0x3C00  }
0x2b: {  	[sflag:s21] =	ssyncset.done $0x0  }
0x2c: {  	[sflag:s21] =	ssyncadd.s32 $0xFFFFC400  }
0x2d: {  	[bflag:$0x0] =	sbarrier.arrive $0xFFFF  }
0x2e: {  	[tilespmem:s3], [sflag:$0x3] =	stream.linear.gather [hbm4b:s11+s3], $0x100, $0x38;
	[tilespmem:$0x1BE00] =	vst v63  }
0x2f: {  	_ =	swait.ge [sflag:s21], $0x100  }
0x30: {  	[sflag:s21] =	ssyncset.done $0x0  }
0x31: {  	s30 =	sadd.s32 $0xFFFFEC80, s19;
	[sflag:s21] =	ssyncadd.s32 $0xFFFFFF00  }
0x32: {  	[tilespmem:s20], [sflag:$0x1] =	stream.indirect.gather [hbm4b:s4+s22], $0x80, s3, s22, $0xb8;
	[tilespmem:$0x1BE00] =	vst v63  }
0x33: {  	s31 =	sadd.s32 $0x13A0, s30  }
0x34: {  	[tilespmem:s23], [sflag:$0x3] =	stream.linear.gather [hbm4b:s31+s3], $0x100, $0x38;
	[tilespmem:$0x1BE00] =	vst v63  }
0x35: {  	_ =	swait.ge [sflag:s21], $0x100  }
0x36: {  	[sflag:s21] =	ssyncset.done $0x0  }
0x37: {  	[sflag:s21] =	ssyncadd.s32 $0xFFFFFF00  }
0x38: {  	[tilespmem:s24], [sflag:$0x2] =	stream.indirect.gather [hbm4b:s4+s22], $0x80, s23, s22, $0xb8;
	[tilespmem:$0x1BE00] =	vst v63  }
0x39: {  	_ =	swait.ge [sflag:s25], $0x4000  }
0x3a: {  	[sflag:s25] =	ssyncset.done $0x0  }
0x3b: {  	[sflag:s25] =	ssyncadd.s32 $0xFFFFC000  }
0x3c: {  	[spmem:s2] =	stream.indirect.scatter.add.f32 [tilespmem:s20], [sflag:$0x3], $0x80, s22, s22, $0xb8;
	[tilespmem:$0x1BE00] =	vst v63  }
0x3d: {  	_ =	swait.ge [sflag:s21], $0x4000  }
0x3e: {  	[sflag:s21] =	ssyncset.done $0x0  }
0x3f: {  	s30 =	sadd.s32 $0x13C0, s30;
	[sflag:s21] =	ssyncadd.s32 $0xFFFFC000  }
0x40: {  	[tilespmem:s3], [sflag:$0x3] =	stream.linear.gather [hbm4b:s30+s3], $0x100, $0x38;
	[tilespmem:$0x1BE00] =	vst v63  }
0x41: {  	_ =	swait.ge [sflag:s21], $0x100  }
0x42: {  	[sflag:s21] =	ssyncset.done $0x0  }
0x43: {  	[sflag:s21] =	ssyncadd.s32 $0xFFFFFF00  }
0x44: {  	[tilespmem:s20], [sflag:$0x1] =	stream.indirect.gather [hbm4b:s4+s22], $0x80, s3, s22, $0xb8;
	[tilespmem:$0x1BE00] =	vst v63  }
0x45: {  	_ =	swait.ge [sflag:s26], $0x4000  }
0x46: {  	[sflag:s26] =	ssyncset.done $0x0  }
0x47: {  	[sflag:s26] =	ssyncadd.s32 $0xFFFFC000  }
0x48: {  	[spmem:s2] =	stream.indirect.scatter.add.f32 [tilespmem:s24], [sflag:$0x3], $0x80, s28, s22, $0xb8;
	[tilespmem:$0x1BE00] =	vst v63  }
0x49: {  	_ =	swait.ge [sflag:s21], $0x4000  }
0x4a: {  	s31 =	simm.s32 $0xFFFFED00;
	s30 =	sadd.s32 $0xFFFFECC0, s19;
	[sflag:s21] =	ssyncset.done $0x0  }
.LBB2_2:
0x4b: {  	s0 =	sadd.s32 $0x13A0, s30  }
0x4c: {  	[sflag:s21] =	ssyncadd.s32 $0xFFFFC000;
	s1 =	smov.u32 s31;
	s5 =	sadd.s32 $0x40, s31  }
0x4d: {  	[tilespmem:s23], [sflag:$0x3] =	stream.linear.gather [hbm4b:s0+s3], $0x100, $0x38;
	[tilespmem:$0x1BE00] =	vst v63  }
0x4e: {  	p0 =	sne.s32 s31, $0xFFFFFFC0;
	_ =	swait.ge [sflag:s21], $0x100  }
0x4f: {  	[sflag:s21] =	ssyncset.done $0x0  }
0x50: {  	[sflag:s21] =	ssyncadd.s32 $0xFFFFFF00  }
0x51: {  	[tilespmem:s24], [sflag:$0x2] =	stream.indirect.gather [hbm4b:s4+s22], $0x80, s23, s22, $0xb8;
	[tilespmem:$0x1BE00] =	vst v63  }
0x52: {  	_ =	swait.ge [sflag:s25], $0x4000  }
0x53: {  	[sflag:s25] =	ssyncset.done $0x0  }
0x54: {  	[sflag:s25] =	ssyncadd.s32 $0xFFFFC000  }
0x55: {  	[spmem:s2] =	stream.indirect.scatter.add.f32 [tilespmem:s20], [sflag:$0x3], $0x80, s22, s22, $0xb8;
	[tilespmem:$0x1BE00] =	vst v63  }
0x56: {  	_ =	swait.ge [sflag:s21], $0x4000  }
0x57: {  	[sflag:s21] =	ssyncset.done $0x0  }
0x58: {  	s0 =	sadd.s32 $0x13C0, s30;
	[sflag:s21] =	ssyncadd.s32 $0xFFFFC000  }
0x59: {  	[tilespmem:s3], [sflag:$0x3] =	stream.linear.gather [hbm4b:s0+s3], $0x100, $0x38;
	[tilespmem:$0x1BE00] =	vst v63  }
0x5a: {  	_ =	swait.ge [sflag:s21], $0x100  }
0x5b: {  	[sflag:s21] =	ssyncset.done $0x0  }
0x5c: {  	[sflag:s21] =	ssyncadd.s32 $0xFFFFFF00  }
0x5d: {  	[tilespmem:s20], [sflag:$0x1] =	stream.indirect.gather [hbm4b:s4+s22], $0x80, s3, s22, $0xb8;
	[tilespmem:$0x1BE00] =	vst v63  }
0x5e: {  	_ =	swait.ge [sflag:s26], $0x4000  }
.Ltmp0:
0x5f: {  	[sflag:s26] =	ssyncset.done $0x0;
	(pc) =	sbr.rel @p0 .LBB2_2-.Ltmp0, $4  }
0x60: {  	[sflag:s26] =	ssyncadd.s32 $0xFFFFC000  }
0x61: {  	[spmem:s2] =	stream.indirect.scatter.add.f32 [tilespmem:s24], [sflag:$0x3], $0x80, s28, s22, $0xb8;
	[tilespmem:$0x1BE00] =	vst v63  }
0x62: {  	_ =	swait.ge [sflag:s21], $0x4000  }
0x63: {  	s30 =	sadd.s32 s1, s19;
	s31 =	smov.u32 s5;
	[sflag:s21] =	ssyncset.done $0x0  }
0x64: {  	s0 =	sadd.s32 $0x13A0, s30;
	[sflag:s21] =	ssyncadd.s32 $0xFFFFC000  }
0x65: {  	[tilespmem:s23], [sflag:$0x3] =	stream.linear.gather [hbm4b:s0+s3], $0x100, $0x38;
	[tilespmem:$0x1BE00] =	vst v63  }
0x66: {  	_ =	swait.ge [sflag:s21], $0x100  }
0x67: {  	[sflag:s21] =	ssyncset.done $0x0  }
0x68: {  	[sflag:s21] =	ssyncadd.s32 $0xFFFFFF00  }
0x69: {  	[tilespmem:s24], [sflag:$0x2] =	stream.indirect.gather [hbm4b:s4+s22], $0x80, s23, s22, $0xb8;
	[tilespmem:$0x1BE00] =	vst v63  }
0x6a: {  	_ =	swait.ge [sflag:s25], $0x4000  }
0x6b: {  	[sflag:s25] =	ssyncset.done $0x0  }
0x6c: {  	[sflag:s25] =	ssyncadd.s32 $0xFFFFC000  }
0x6d: {  	[spmem:s2] =	stream.indirect.scatter.add.f32 [tilespmem:s20], [sflag:$0x3], $0x80, s22, s22, $0xb8;
	[tilespmem:$0x1BE00] =	vst v63  }
0x6e: {  	_ =	swait.ge [sflag:s21], $0x4000  }
0x6f: {  	[sflag:s21] =	ssyncset.done $0x0  }
0x70: {  	s31 =	sadd.s32 $0x13C0, s30;
	[sflag:s21] =	ssyncadd.s32 $0xFFFFC000  }
0x71: {  	[tilespmem:s3], [sflag:$0x3] =	stream.linear.gather [hbm4b:s31+s3], $0x100, $0x38;
	[tilespmem:$0x1BE00] =	vst v63  }
0x72: {  	_ =	swait.ge [sflag:s21], $0x100  }
0x73: {  	[sflag:s21] =	ssyncset.done $0x0  }
0x74: {  	[sflag:s21] =	ssyncadd.s32 $0xFFFFFF00  }
0x75: {  	[tilespmem:s20], [sflag:$0x1] =	stream.indirect.gather [hbm4b:s4+s22], $0x80, s3, s22, $0xb8;
	[tilespmem:$0x1BE00] =	vst v63  }
0x76: {  	_ =	swait.ge [sflag:s26], $0x4000  }
0x77: {  	[sflag:s26] =	ssyncset.done $0x0  }
0x78: {  	[sflag:s26] =	ssyncadd.s32 $0xFFFFC000  }
0x79: {  	[spmem:s2] =	stream.indirect.scatter.add.f32 [tilespmem:s24], [sflag:$0x3], $0x80, s28, s22, $0xb8;
	[tilespmem:$0x1BE00] =	vst v63  }
0x7a: {  	_ =	swait.ge [sflag:s21], $0x4000  }
0x7b: {  	[sflag:s21] =	ssyncset.done $0x0  }
0x7c: {  	[sflag:s21] =	ssyncadd.s32 $0xFFFFC000  }
0x7d: {  	[tilespmem:s23], [sflag:$0x3] =	stream.linear.gather [hbm4b:s18+s3], $0x100, $0x38;
	[tilespmem:$0x1BE00] =	vst v63  }
0x7e: {  	_ =	swait.ge [sflag:s21], $0x100  }
0x7f: {  	[sflag:s21] =	ssyncset.done $0x0  }
0x80: {  	[sflag:s21] =	ssyncadd.s32 $0xFFFFFF00  }
0x81: {  	[tilespmem:s24], [sflag:$0x2] =	stream.indirect.gather [hbm4b:s4+s22], $0x80, s23, s22, $0xb8;
	[tilespmem:$0x1BE00] =	vst v63  }
0x82: {  	_ =	swait.ge [sflag:s25], $0x4000  }
0x83: {  	[sflag:s25] =	ssyncset.done $0x0  }
0x84: {  	[sflag:s25] =	ssyncadd.s32 $0xFFFFC000  }
0x85: {  	[spmem:s2] =	stream.indirect.scatter.add.f32 [tilespmem:s20], [sflag:$0x3], $0x80, s22, s22, $0xb8;
	[tilespmem:$0x1BE00] =	vst v63  }
0x86: {  	_ =	swait.ge [sflag:s21], $0x4000  }
0x87: {  	[sflag:s21] =	ssyncset.done $0x0  }
0x88: {  	[sflag:s21] =	ssyncadd.s32 $0xFFFFC000  }
0x89: {  	_ =	swait.ge [sflag:s26], $0x4000  }
0x8a: {  	[sflag:s26] =	ssyncset.done $0x0  }
0x8b: {  	[sflag:s26] =	ssyncadd.s32 $0xFFFFC000  }
0x8c: {  	[spmem:s2] =	stream.indirect.scatter.add.f32 [tilespmem:s24], [sflag:$0x3], $0x80, s28, s22, $0xb8;
	[tilespmem:$0x1BE00] =	vst v63  }
0x8d: {  	_ =	swait.ge [sflag:s21], $0x4000  }
0x8e: {  	[sflag:s21] =	ssyncset.done $0x0  }
0x8f: {  	[sflag:s21] =	ssyncadd.s32 $0xFFFFC000  }
0x90: {  	[bflag:$0x0] =	sbarrier.arrive $0xFFFF  }
0x91: {  	[tilespmem:s20], [sflag:$0x3] =	stream.linear.gather [spmem:s6], $0x4000, $0x38;
	[tilespmem:$0x1BE00] =	vst v63  }
0x92: {  	_ =	swait.ge [sflag:s21], $0x4000  }
0x93: {  	[sflag:s21] =	ssyncset.done $0x0  }
0x94: {  	[sflag:s21] =	ssyncadd.s32 $0xFFFFC000  }
0x95: {  	[hbm4b:s12+s3] =	stream.linear.scatter [tilespmem:s20], [sflag:$0x3], $0x4000, $0x38;
	[tilespmem:$0x1BE00] =	vst v63  }
0x96: {  	_ =	swait.ge [sflag:s21], $0x4000  }
0x97: {  	[sflag:s21] =	ssyncset.done $0x0  }
0x98: {  	[sflag:s21] =	ssyncadd.s32 $0xFFFFC000  }
0x99: {  	[tilespmem:s20], [sflag:$0x3] =	stream.linear.gather [spmem:s7], $0x4000, $0x38;
	[tilespmem:$0x1BE00] =	vst v63  }
0x9a: {  	_ =	swait.ge [sflag:s21], $0x4000  }
0x9b: {  	[sflag:s21] =	ssyncset.done $0x0  }
0x9c: {  	[sflag:s21] =	ssyncadd.s32 $0xFFFFC000  }
0x9d: {  	[hbm4b:s13+s3] =	stream.linear.scatter [tilespmem:s20], [sflag:$0x3], $0x4000, $0x38;
	[tilespmem:$0x1BE00] =	vst v63  }
0x9e: {  	_ =	swait.ge [sflag:s21], $0x4000  }
0x9f: {  	[sflag:s21] =	ssyncset.done $0x0  }
0xa0: {  	[sflag:s21] =	ssyncadd.s32 $0xFFFFC000  }
0xa1: {  	[tilespmem:s20], [sflag:$0x3] =	stream.linear.gather [spmem:s8], $0x4000, $0x38;
	[tilespmem:$0x1BE00] =	vst v63  }
0xa2: {  	_ =	swait.ge [sflag:s21], $0x4000  }
0xa3: {  	[sflag:s21] =	ssyncset.done $0x0  }
0xa4: {  	[sflag:s21] =	ssyncadd.s32 $0xFFFFC000  }
0xa5: {  	[hbm4b:s14+s3] =	stream.linear.scatter [tilespmem:s20], [sflag:$0x3], $0x4000, $0x38;
	[tilespmem:$0x1BE00] =	vst v63  }
0xa6: {  	_ =	swait.ge [sflag:s21], $0x4000  }
0xa7: {  	[sflag:s21] =	ssyncset.done $0x0  }
0xa8: {  	[sflag:s21] =	ssyncadd.s32 $0xFFFFC000  }
0xa9: {  	[tilespmem:s20], [sflag:$0x3] =	stream.linear.gather [spmem:s9], $0x4000, $0x38;
	[tilespmem:$0x1BE00] =	vst v63  }
0xaa: {  	_ =	swait.ge [sflag:s21], $0x4000  }
0xab: {  	[sflag:s21] =	ssyncset.done $0x0  }
0xac: {  	[sflag:s21] =	ssyncadd.s32 $0xFFFFC000  }
0xad: {  	[hbm4b:s15+s3] =	stream.linear.scatter [tilespmem:s20], [sflag:$0x3], $0x4000, $0x38;
	[tilespmem:$0x1BE00] =	vst v63  }
0xae: {  	_ =	swait.ge [sflag:s21], $0x4000  }
0xaf: {  	[sflag:s21] =	ssyncset.done $0x0  }
0xb0: {  	[sflag:s21] =	ssyncadd.s32 $0xFFFFC000  }
0xb1: {  	[tilespmem:s20], [sflag:$0x3] =	stream.linear.gather [spmem:s10], $0x3C00, $0x38;
	[tilespmem:$0x1BE00] =	vst v63  }
0xb2: {  	s29 =	sadd.s32 $0x1, s29;
	_ =	swait.ge [sflag:s21], $0x3C00  }
0xb3: {  	p0 =	sne.s32 s29, s17;
	[sflag:s21] =	ssyncset.done $0x0  }
.Ltmp1:
0xb4: {  	[sflag:s21] =	ssyncadd.s32 $0xFFFFC400;
	(pc) =	sbr.rel @p0 .LBB2_1-.Ltmp1, $4  }
0xb5: {  	[hbm4b:s16+s3] =	stream.linear.scatter [tilespmem:s20], [sflag:$0x3], $0x3C00, $0x38;
	[tilespmem:$0x1BE00] =	vst v63  }
0xb6: {  	_ =	swait.ge [sflag:s21], $0x3C00  }
0xb7: {  	[sflag:s21] =	ssyncset.done $0x0  }
0xb8: {  	[sflag:s21] =	ssyncadd.s32 $0xFFFFC400  }
0xb9: {  	_ =	sfence.sel $0x180000  }
0xba: {  	[bflag:$0x0] =	sbarrier.arrive $0xFFFF  }
0xbb: {  	_ =	strace $0x9000004D  }
0xbc: {  	s0 =	stileid.u32;
	[bflag:$0x2] =	sbarrier.arrive $0xFFFF  }
0xbd: {  	p0 =	sne.s32 s0, $0x0;
	s0 =	rddreg [dreg:$0x2]  }
0xbe: {  	s0 =	sadd.s32 @!p0 $0x100000, s0  }
0xbf: {  	[sflag:s0] =	ssyncadd.tile.s32 @!p0 $0x1;
	_ =	shalt  }
.Lfunc_end2:
_tile_overlayer_lowered:
.L_overlay_start_2:
0xc0: {  	(tag) =	ssettag $0x2  }
0xc1: {  	s0 =	rddreg [dreg:$0x0];
	s2 =	stileid.u32  }
0xc2: {  	s1 =	rddreg [dreg:$0x1];
	p0 =	sne.s32 s2, $0x0  }
0xc3: {  	s3 =	rddreg [dreg:$0x2];
	[bflag:$0x3] =	sbarrier.arrive $0xFFFF;
	s2 =	simm.s32 @!p0 $0x1C03  }
0xc4: {  	[timem:s3], [sflag:s2] =	dma.local @!p0 [hbm:s0], s1  }
0xc5: {  	s0 =	simm.s32 @!p0 $0x3  }
0xc6: {  	_ =	swait.ge @!p0 [sflag:s0], s1  }
0xc7: {  	s1 =	ssub.s32 @!p0 $0x0, s1;
	[sflag:s0] =	ssyncset.done @!p0 $0x0  }
0xc8: {  	[sflag:s0] =	ssyncadd.s32 @!p0 s1  }
0xc9: {  	[bflag:$0x3] =	sbarrier.arrive $0xFFFF  }
0xca: {  	_ =	shalt  }

// kernel: kernel.9.cloned.1.call-start
scs
__scs_entry_jumppad:
0x0: {  	(pc) =	sbr.rel $0x88, $3  }
0x1: {  	(tag) =	ssettag $0x0;
	lr =	simm.s32 $0x1  }
0x2: {  	[smem:$0x3F84] =	sst lr;
	_ =	strace $0xD0000000  }
0x3: {  	_ = 	snop  }
0x4: {  	_ = 	snop  }
0x5: {  	_ = 	snop  }
0x6: {  	_ = 	snop  }
0x7: {  	_ = 	snop  }
__scs_overlays_trampoline_lowered:
0x8: {  	[smem:$0x3F93] =	sst s0  }
0x9: {  	[smem:$0x3F94] =	sst s1  }
0xa: {  	[smem:$0x3F95] =	sst s2  }
0xb: {  	[smem:$0x3F96] =	sst s3  }
0xc: {  	[smem:$0x3F97] =	sst s4  }
0xd: {  	[smem:$0x3F98] =	sst s5  }
0xe: {  	[smem:$0x3F99] =	sst s6  }
0xf: {  	[smem:$0x3F9A] =	sst s7  }
0x10: {  	[smem:$0x3F9B] =	sst s8  }
0x11: {  	[smem:$0x3F9C] =	sst s9;
	s0 =	simm.s32 @!p0 $0x0  }
0x12: {  	s1 =	sld [smem:$0x3F82];
	s0 =	simm.s32 @p0 $0x1  }
0x13: {  	[smem:$0x3F9D] =	sst s0;
	s0 =	simm.s32 @!p1 $0x0  }
0x14: {  	s2 =	sld [smem:$0x3F81];
	s0 =	simm.s32 @p1 $0x1  }
0x15: {  	[smem:$0x3F9E] =	sst s0;
	s0 =	simm.s32 @!p2 $0x0  }
0x16: {  	s3 =	sld [smem:$0x3FDB];
	s0 =	simm.s32 @p2 $0x1  }
0x17: {  	s4 =	simm.s32 $0x1BF5;
	[smem:$0x3FA0] =	sst s0  }
0x18: {  	s0 =	sld [smem:$0x3F83];
	_ =	swait.ge [sflag:s4], $0x0  }
0x19: {  	s7 =	sld [smem:$0x3F84]  }
0x1a: {  	s8 =	sadd.s32 $0xFFFFE003, lr  }
0x1b: {  	s9 =	sadd.s32 $0xFFFFFEF7, lr;
	s5 =	simm.s32 $0xFFFFFFFF;
	p2 =	slt.u32 s8, $0xFFFFF086  }
0x1c: {  	p1 =	slt.u32 s9, $0xF7A;
	s5 =	simm.s32 @!p2 $0x0  }
0x1d: {  	s5 =	simm.s32 @p1 $0x1;
	p0 =	seq.s32 s7, s2  }
0x1e: {  	s7 =	smul.u32 @!p0 $0xF7A, s2;
	p2 =	seq.s32 @!p0 s5, $0x0  }
0x1f: {  	s9 =	smul.u32 $0xF7A, s1;
	s8 =	simm.s32 @!p0 $0x1BF5;
	p2 =	por !p2, p0  }
0x20: {  	[sflag:s8] =	ssyncset.s32 @!p0 $0xFFFFF086;
	s6 =	sadd.s32 @!p0 s3, s7;
	s7 =	simm.s32 @!p0 $0x108  }
0x21: {  	s3 =	sadd.s32 s3, s9;
	s6 =	sadd.s32 @!p0 $0x88, s6;
	s7 =	simm.s32 @p2 $0x1082  }
0x22: {  	[simem:s7], [sflag:s8] =	dma.local @!p0 [hbm:s6], $0xF7A  }
0x23: {  	s9 =	sor.u32 $0xD0000000, s2;
	s6 =	simm.s32 $0x108;
	_ =	swait.ge @!p0 [sflag:s8], $0x0  }
0x24: {  	s3 =	sadd.s32 $0x88, s3;
	s6 =	simm.s32 @!p1 $0x1082;
	[sflag:s4] =	ssyncset.s32 $0xFFFFF086  }
0x25: {  	[simem:s6], [sflag:s4] =	dma.local [hbm:s3], $0xF7A  }
0x26: {  	[smem:$0x3F84] =	sst s1;
	(tag) =	ssettag s2;
	_ =	strace s9  }
0x27: {  	s1 =	sld [smem:$0x3F94]  }
0x28: {  	s2 =	sld [smem:$0x3F95]  }
0x29: {  	s4 =	sld [smem:$0x3F97]  }
0x2a: {  	p0 =	seq.s32 s5, $0x0;
	s5 =	sld [smem:$0x3F98]  }
0x2b: {  	s6 =	sld [smem:$0x3F99]  }
0x2c: {  	s7 =	sld [smem:$0x3F9A]  }
0x2d: {  	s3 =	simm.s32 $0x108;
	s8 =	sld [smem:$0x3F9B]  }
0x2e: {  	s3 =	simm.s32 @!p0 $0x1082;
	s9 =	sld [smem:$0x3F9C]  }
0x2f: {  	lr =	sadd.s32 s0, s3;
	s0 =	sld [smem:$0x3F93]  }
0x30: {  	s3 =	sld [smem:$0x3F96]  }
0x31: {  	[smem:$0x3F9F] =	sst s10  }
0x32: {  	s10 =	sld [smem:$0x3F9D];
	_ =	sdelay $0x3  }
0x33: {  	p0 =	seq.s32 s10, $0x1;
	s10 =	sld [smem:$0x3F9F];
	_ =	sdelay $0x3  }
0x34: {  	[smem:$0x3F9F] =	sst s10  }
0x35: {  	s10 =	sld [smem:$0x3F9E];
	_ =	sdelay $0x3  }
0x36: {  	p1 =	seq.s32 s10, $0x1;
	s10 =	sld [smem:$0x3F9F];
	_ =	sdelay $0x3  }
0x37: {  	[smem:$0x3F9F] =	sst s10  }
0x38: {  	s10 =	sld [smem:$0x3FA0]  }
0x39: {  	_ = 	snop;
	(pc) =	sbr.ind lr, $3  }
0x3a: {  	_ = 	snop  }
0x3b: {  	_ = 	snop  }
0x3c: {  	p2 =	seq.s32 s10, $0x1;
	s10 =	sld [smem:$0x3F9F]  }
0x3d: {  	_ =	shalt  }
0x3e: {  	_ =	shalt  }
0x3f: {  	_ =	shalt  }
0x40: {  	_ =	shalt  }
0x41: {  	_ =	shalt  }
0x42: {  	_ =	shalt  }
0x43: {  	_ =	shalt  }
0x44: {  	_ =	shalt  }
0x45: {  	_ =	shalt  }
0x46: {  	_ =	shalt  }
0x47: {  	_ =	shalt  }
0x48: {  	_ =	shalt  }
0x49: {  	_ =	shalt  }
0x4a: {  	_ =	shalt  }
0x4b: {  	_ =	shalt  }
0x4c: {  	_ =	shalt  }
0x4d: {  	_ =	shalt  }
0x4e: {  	_ =	shalt  }
0x4f: {  	_ =	shalt  }
0x50: {  	_ =	shalt  }
0x51: {  	_ =	shalt  }
0x52: {  	_ =	shalt  }
0x53: {  	_ =	shalt  }
0x54: {  	_ =	shalt  }
0x55: {  	_ =	shalt  }
0x56: {  	_ =	shalt  }
0x57: {  	_ =	shalt  }
0x58: {  	_ =	shalt  }
0x59: {  	_ =	shalt  }
0x5a: {  	_ =	shalt  }
0x5b: {  	_ =	shalt  }
0x5c: {  	_ =	shalt  }
0x5d: {  	_ =	shalt  }
0x5e: {  	_ =	shalt  }
0x5f: {  	_ =	shalt  }
0x60: {  	_ =	shalt  }
0x61: {  	_ =	shalt  }
0x62: {  	_ =	shalt  }
0x63: {  	_ =	shalt  }
0x64: {  	_ =	shalt  }
0x65: {  	_ =	shalt  }
0x66: {  	_ =	shalt  }
0x67: {  	_ =	shalt  }
0x68: {  	_ =	shalt  }
0x69: {  	_ =	shalt  }
0x6a: {  	_ =	shalt  }
0x6b: {  	_ =	shalt  }
0x6c: {  	_ =	shalt  }
0x6d: {  	_ =	shalt  }
0x6e: {  	_ =	shalt  }
0x6f: {  	_ =	shalt  }
0x70: {  	_ =	shalt  }
0x71: {  	_ =	shalt  }
0x72: {  	_ =	shalt  }
0x73: {  	_ =	shalt  }
0x74: {  	_ =	shalt  }
0x75: {  	_ =	shalt  }
0x76: {  	_ =	shalt  }
0x77: {  	_ =	shalt  }
0x78: {  	_ =	shalt  }
0x79: {  	_ =	shalt  }
0x7a: {  	_ =	shalt  }
0x7b: {  	_ =	shalt  }
0x7c: {  	_ =	shalt  }
0x7d: {  	_ =	shalt  }
0x7e: {  	_ =	shalt  }
0x7f: {  	_ =	shalt  }
0x80: {  	_ =	shalt  }
0x81: {  	_ =	shalt  }
0x82: {  	_ =	shalt  }
0x83: {  	_ =	shalt  }
0x84: {  	_ =	shalt  }
0x85: {  	_ =	shalt  }
0x86: {  	_ =	shalt  }
0x87: {  	_ =	shalt  }
.Lfunc_end0:
.L_simem_size_0:
called_computation_lowered:
.L_overlay_start_0:
0x88: {  	s2 =	sld [smem:$0x3FD9]  }
0x89: {  	s3 =	sld [smem:$0x3FFE];
	_ =	sdelay $0x1  }
0x8a: {  	s1 =	srdreg.scid  }
0x8b: {  	s0 =	sand.u32 $0x1, s1  }
0x8c: {  	s16 =	sshll.u32 s0, $0xA;
	s2 =	sadd.s32 s3, s2  }
0x8d: {  	s2 =	sadd.s32 s2, s16  }
0x8e: {  	[smem:$0x3FAB] =	sst s2  }
0x8f: {  	_ = 	snop  }
0x90: {  	(tm) =	ssettm $0x1  }
0x91: {  	s17 =	sld [smem:$0x3FFB];
	_ =	sdelay $0x3  }
0x92: {  	_ =	strace s17  }
0x93: {  	s2 =	sld [smem:$0x3FFC];
	_ =	sdelay $0x3  }
0x94: {  	_ =	strace s2  }
0x95: {  	s2 =	sld [smem:$0x3FFD];
	_ =	sdelay $0x3  }
0x96: {  	_ =	strace s2  }
0x97: {  	_ =	strace $0x8FFFFFFF  }
0x98: {  	s18 =	sld [smem:$0x3FDB];
	_ =	sdelay $0x1  }
0x99: {  	s19 =	simm.s32 $_scs_section_size  }
0x9a: {  	s4 =	simm.s32 $_size__tile_overlayer_lowered;
	s5 =	simm.s32 $_tile_overlayer_lowered  }
0x9b: {  	s22 =	simm.s32 $0x1BFF;
	s21 =	sshll.u32 s5, $0x1;
	s2 =	sadd.s32 s19, s18  }
0x9c: {  	s6 =	simm.s32 $0x0;
	s20 =	sshll.u32 s4, $0x1;
	s4 =	sadd.s32 s21, s2  }
0x9d: {  	[timem:s6], [sflag:s22] =	dma.local [hbm:s4], s20  }
0x9e: {  	_ =	swait.ge [sflag:s22], s20  }
0x9f: {  	s3 =	ssub.s32 $0x0, s20;
	[sflag:s22] =	ssyncset.done $0x0  }
0xa0: {  	[sflag:s22] =	ssyncadd.s32 s3;
	_ =	sdelay $0x1  }
0xa1: {  	s23 =	simm.s32 $0x1B8B  }
0xa2: {  	_ =	swait.ge [sflag:s23], $0x1  }
0xa3: {  	[sflag:s23] =	ssyncset.done $0x0  }
0xa4: {  	s25 =	simm.s32 $0x1B8E;
	s24 =	sld [smem:$0x3FFE];
	[sflag:s23] =	ssyncadd.s32 $0xFFFFFFFF  }
0xa5: {  	s26 =	simm.s32 $execute0_lowered;
	[smem:$0x3FD2] =	sst s25  }
0xa6: {  	s4 =	sshll.u32 s26, $0x1;
	_ =	strace $0x80000046;
	[dreg:$0x1] =	wrdreg $0xFFFFFFFF  }
0xa7: {  	s28 =	simm.s32 $_size_execute0_lowered;
	s2 =	sadd.s32 s2, s4;
	[dreg:$0x0] =	wrdreg $0x0  }
0xa8: {  	s4 =	sshll.u32 s28, $0x1;
	[dreg:$0x2] =	wrdreg s2  }
0xa9: {  	[dreg:$0x3] =	wrdreg s4  }
0xaa: {  	[dreg:$0x4] =	wrdreg $0xC0  }
0xab: {  	_ =	task [dreg:s6], $0x5FFFF  }
0xac: {  	[dreg:$0x1] =	wrdreg $0xFFFFFFFF  }
0xad: {  	[dreg:$0x0] =	wrdreg $0x60  }
0xae: {  	[dreg:$0x2] =	wrdreg s24  }
0xaf: {  	[dreg:$0x3] =	wrdreg $0x82000  }
0xb0: {  	[dreg:$0x4] =	wrdreg $0x9  }
0xb1: {  	_ =	task.clear_ibuf [dreg:s6], $0x5FFFF;
	_ =	strace $0x90000046  }
0xb2: {  	s29 =	simm.s32 $0x9;
	_ =	strace $0x80000048  }
0xb3: {  	_ =	swait.ge [sflag:s29], $0x1  }
0xb4: {  	[sflag:s29] =	ssyncadd.s32 $0xFFFFFFFF  }
0xb5: {  	_ =	strace $0x90000048  }
0xb6: {  	_ =	sfence  }
0xb7: {  	s30 =	sld [smem:$0x0];
	_ =	sdelay $0x2  }
0xb8: {  	s31 =	sshll.u32 s1, $0xD;
	s1 =	sshrl.u32 s1, $0x2  }
0xb9: {  	s3 =	sand.u32 $0x4000, s31;
	s1 =	sadd.s32 s1, s30  }
0xba: {  	s0 =	sor.u32 s3, s0;
	s1 =	sshll.u32 s1, $0x11  }
0xbb: {  	s0 =	sor.u32 s1, s0  }
0xbc: {  	s0 =	sadd.s32 $0x8F2B, s0  }
0xbd: {  	[sflag:s0] =	ssyncadd.remote.s32 $0x1  }
0xbe: {  	_ =	sfence.sel $0xFFFF  }
0xbf: {  	[dreg:$0x0] =	wrdreg $0xFFFFFFFF;
	(pc) =	sbr.abs _section_cstart, $3  }
0xc0: {  	[dreg:$0x1] =	wrdreg $0xFFFFFFFF  }
0xc1: {  	_ =	task.clear_ibuf [dreg:s6], $0x2FFFF;
	_ =	strace $0x9FFFFFFF  }
0xc2: {  	(tm) =	ssettm $0x7FFFFFFF  }
0xc3: {  	_ =	shalt  }
tec
execute0_lowered:
.L_overlay_start_1:
0x0: {  	(tag) =	ssettag $0x1  }
0x1: {  	s6 =	rddreg [dreg:$0x0]  }
0x2: {  	s2 =	rddreg [dreg:$0x1]  }
0x3: {  	s4 =	srdreg.scid;
	s0 =	stileid.u32  }
0x4: {  	s3 =	simm.s32 $0x0;
	s21 =	simm.s32 $0x3;
	s22 =	simm.s32 $0x80  }
0x5: {  	s23 =	simm.s32 $0x100;
	s24 =	simm.s32 $0x4200;
	s7 =	smul.u32 $0x278, s0  }
0x6: {  	s25 =	simm.s32 $0x1;
	s26 =	simm.s32 $0x2;
	s30 =	smul.u32 $0x4F000, s0  }
0x7: {  	s28 =	simm.s32 $0x180;
	s29 =	simm.s32 $0x0;
	s12 =	smul.u32 $0x9E, s0  }
0x8: {  	s13 =	sand.u32 $0x1, s4;
	[smem:$0x7FF] =	sst s3;
	s20 =	smul.u32 $0x13C0, s0  }
0x9: {  	s4 =	sadd.s32 $0x2C600, s6;
	s17 =	sadd.s32 $0x4E00, s6;
	s8 =	smul.u32 $0x2780, s13  }
0xa: {  	s1 =	sadd.s32 $0x7A800, s6;
	_ =	strace $0x80000047;
	s10 =	smul.u32 $0x9E0, s13  }
0xb: {  	[dreg:$0x3] =	wrdreg s1;
	s9 =	ssub.s32 $0x2, s13;
	s19 =	smul.u32 $0x13C00, s13  }
0xc: {  	s11 =	sshrl.u32 s9, $0x1;
	s7 =	sadd.s32 s7, s8;
	s8 =	sshrl.u32 s30, $0x2  }
0xd: {  	s18 =	ssub.s32 s9, s11;
	s31 =	sadd.s32 s12, s10;
	s19 =	sadd.s32 s19, s17  }
0xe: {  	s7 =	sshll.u32 s7, $0x4;
	s11 =	sshll.u32 s31, $0x5;
	s19 =	sadd.s32 s20, s19  }
0xf: {  	s20 =	simm.s32 $0x200;
	s16 =	sadd.s32 s7, s6;
	s6 =	sadd.s32 s8, s2  }
0x10: {  	s11 =	sadd.s32 s17, s11;
	s17 =	smax.u32 s18, $0x1;
	s7 =	sadd.s32 $0x4000, s6  }
0x11: {  	s8 =	sadd.s32 $0x8000, s6;
	s9 =	sadd.s32 $0xC000, s6;
	s10 =	sadd.s32 $0x10000, s6  }
0x12: {  	s12 =	sadd.s32 $0x7B000, s16;
	s13 =	sadd.s32 $0x7B800, s16;
	s14 =	sadd.s32 $0x7C000, s16  }
0x13: {  	s15 =	sadd.s32 $0x7C800, s16;
	s16 =	sadd.s32 $0x7D000, s16;
	s18 =	sadd.s32 $0x13A0, s11  }
.LBB2_1:
0x14: {  	s0 =	rddreg [dreg:$0x3]  }
0x15: {  	[tilespmem:s20], [sflag:$0x3] =	stream.linear.gather [hbm4b:s0+s3], $0x4000, $0x38;
	[tilespmem:$0x1BE00] =	vst v63  }
0x16: {  	_ =	swait.ge [sflag:s21], $0x4000  }
0x17: {  	[sflag:s21] =	ssyncset.done $0x0  }
0x18: {  	[sflag:s21] =	ssyncadd.s32 $0xFFFFC000  }
0x19: {  	[spmem:s6] =	stream.linear.scatter [tilespmem:s20], [sflag:$0x3], $0x4000, $0x38;
	[tilespmem:$0x1BE00] =	vst v63  }
0x1a: {  	_ =	swait.ge [sflag:s21], $0x4000  }
0x1b: {  	[sflag:s21] =	ssyncset.done $0x0  }
0x1c: {  	[sflag:s21] =	ssyncadd.s32 $0xFFFFC000  }
0x1d: {  	[spmem:s7] =	stream.linear.scatter [tilespmem:s20], [sflag:$0x3], $0x4000, $0x38;
	[tilespmem:$0x1BE00] =	vst v63  }
0x1e: {  	_ =	swait.ge [sflag:s21], $0x4000  }
0x1f: {  	[sflag:s21] =	ssyncset.done $0x0  }
0x20: {  	[sflag:s21] =	ssyncadd.s32 $0xFFFFC000  }
0x21: {  	[spmem:s8] =	stream.linear.scatter [tilespmem:s20], [sflag:$0x3], $0x4000, $0x38;
	[tilespmem:$0x1BE00] =	vst v63  }
0x22: {  	_ =	swait.ge [sflag:s21], $0x4000  }
0x23: {  	[sflag:s21] =	ssyncset.done $0x0  }
0x24: {  	[sflag:s21] =	ssyncadd.s32 $0xFFFFC000  }
0x25: {  	[spmem:s9] =	stream.linear.scatter [tilespmem:s20], [sflag:$0x3], $0x4000, $0x38;
	[tilespmem:$0x1BE00] =	vst v63  }
0x26: {  	_ =	swait.ge [sflag:s21], $0x4000  }
0x27: {  	[sflag:s21] =	ssyncset.done $0x0  }
0x28: {  	[sflag:s21] =	ssyncadd.s32 $0xFFFFC000  }
0x29: {  	[spmem:s10] =	stream.linear.scatter [tilespmem:s20], [sflag:$0x3], $0x3C00, $0x38;
	[tilespmem:$0x1BE00] =	vst v63  }
0x2a: {  	_ =	swait.ge [sflag:s21], $0x3C00  }
0x2b: {  	[sflag:s21] =	ssyncset.done $0x0  }
0x2c: {  	[sflag:s21] =	ssyncadd.s32 $0xFFFFC400  }
0x2d: {  	[bflag:$0x0] =	sbarrier.arrive $0xFFFF  }
0x2e: {  	[tilespmem:s3], [sflag:$0x3] =	stream.linear.gather [hbm4b:s11+s3], $0x100, $0x38;
	[tilespmem:$0x1BE00] =	vst v63  }
0x2f: {  	_ =	swait.ge [sflag:s21], $0x100  }
0x30: {  	[sflag:s21] =	ssyncset.done $0x0  }
0x31: {  	s30 =	sadd.s32 $0xFFFFEC80, s19;
	[sflag:s21] =	ssyncadd.s32 $0xFFFFFF00  }
0x32: {  	[tilespmem:s20], [sflag:$0x1] =	stream.indirect.gather [hbm4b:s4+s22], $0x80, s3, s22, $0xb8;
	[tilespmem:$0x1BE00] =	vst v63  }
0x33: {  	s31 =	sadd.s32 $0x13A0, s30  }
0x34: {  	[tilespmem:s23], [sflag:$0x3] =	stream.linear.gather [hbm4b:s31+s3], $0x100, $0x38;
	[tilespmem:$0x1BE00] =	vst v63  }
0x35: {  	_ =	swait.ge [sflag:s21], $0x100  }
0x36: {  	[sflag:s21] =	ssyncset.done $0x0  }
0x37: {  	[sflag:s21] =	ssyncadd.s32 $0xFFFFFF00  }
0x38: {  	[tilespmem:s24], [sflag:$0x2] =	stream.indirect.gather [hbm4b:s4+s22], $0x80, s23, s22, $0xb8;
	[tilespmem:$0x1BE00] =	vst v63  }
0x39: {  	_ =	swait.ge [sflag:s25], $0x4000  }
0x3a: {  	[sflag:s25] =	ssyncset.done $0x0  }
0x3b: {  	[sflag:s25] =	ssyncadd.s32 $0xFFFFC000  }
0x3c: {  	[spmem:s2] =	stream.indirect.scatter.add.f32 [tilespmem:s20], [sflag:$0x3], $0x80, s22, s22, $0xb8;
	[tilespmem:$0x1BE00] =	vst v63  }
0x3d: {  	_ =	swait.ge [sflag:s21], $0x4000  }
0x3e: {  	[sflag:s21] =	ssyncset.done $0x0  }
0x3f: {  	s30 =	sadd.s32 $0x13C0, s30;
	[sflag:s21] =	ssyncadd.s32 $0xFFFFC000  }
0x40: {  	[tilespmem:s3], [sflag:$0x3] =	stream.linear.gather [hbm4b:s30+s3], $0x100, $0x38;
	[tilespmem:$0x1BE00] =	vst v63  }
0x41: {  	_ =	swait.ge [sflag:s21], $0x100  }
0x42: {  	[sflag:s21] =	ssyncset.done $0x0  }
0x43: {  	[sflag:s21] =	ssyncadd.s32 $0xFFFFFF00  }
0x44: {  	[tilespmem:s20], [sflag:$0x1] =	stream.indirect.gather [hbm4b:s4+s22], $0x80, s3, s22, $0xb8;
	[tilespmem:$0x1BE00] =	vst v63  }
0x45: {  	_ =	swait.ge [sflag:s26], $0x4000  }
0x46: {  	[sflag:s26] =	ssyncset.done $0x0  }
0x47: {  	[sflag:s26] =	ssyncadd.s32 $0xFFFFC000  }
0x48: {  	[spmem:s2] =	stream.indirect.scatter.add.f32 [tilespmem:s24], [sflag:$0x3], $0x80, s28, s22, $0xb8;
	[tilespmem:$0x1BE00] =	vst v63  }
0x49: {  	_ =	swait.ge [sflag:s21], $0x4000  }
0x4a: {  	s31 =	simm.s32 $0xFFFFED00;
	s30 =	sadd.s32 $0xFFFFECC0, s19;
	[sflag:s21] =	ssyncset.done $0x0  }
.LBB2_2:
0x4b: {  	s0 =	sadd.s32 $0x13A0, s30  }
0x4c: {  	[sflag:s21] =	ssyncadd.s32 $0xFFFFC000;
	s1 =	smov.u32 s31;
	s5 =	sadd.s32 $0x40, s31  }
0x4d: {  	[tilespmem:s23], [sflag:$0x3] =	stream.linear.gather [hbm4b:s0+s3], $0x100, $0x38;
	[tilespmem:$0x1BE00] =	vst v63  }
0x4e: {  	p0 =	sne.s32 s31, $0xFFFFFFC0;
	_ =	swait.ge [sflag:s21], $0x100  }
0x4f: {  	[sflag:s21] =	ssyncset.done $0x0  }
0x50: {  	[sflag:s21] =	ssyncadd.s32 $0xFFFFFF00  }
0x51: {  	[tilespmem:s24], [sflag:$0x2] =	stream.indirect.gather [hbm4b:s4+s22], $0x80, s23, s22, $0xb8;
	[tilespmem:$0x1BE00] =	vst v63  }
0x52: {  	_ =	swait.ge [sflag:s25], $0x4000  }
0x53: {  	[sflag:s25] =	ssyncset.done $0x0  }
0x54: {  	[sflag:s25] =	ssyncadd.s32 $0xFFFFC000  }
0x55: {  	[spmem:s2] =	stream.indirect.scatter.add.f32 [tilespmem:s20], [sflag:$0x3], $0x80, s22, s22, $0xb8;
	[tilespmem:$0x1BE00] =	vst v63  }
0x56: {  	_ =	swait.ge [sflag:s21], $0x4000  }
0x57: {  	[sflag:s21] =	ssyncset.done $0x0  }
0x58: {  	s0 =	sadd.s32 $0x13C0, s30;
	[sflag:s21] =	ssyncadd.s32 $0xFFFFC000  }
0x59: {  	[tilespmem:s3], [sflag:$0x3] =	stream.linear.gather [hbm4b:s0+s3], $0x100, $0x38;
	[tilespmem:$0x1BE00] =	vst v63  }
0x5a: {  	_ =	swait.ge [sflag:s21], $0x100  }
0x5b: {  	[sflag:s21] =	ssyncset.done $0x0  }
0x5c: {  	[sflag:s21] =	ssyncadd.s32 $0xFFFFFF00  }
0x5d: {  	[tilespmem:s20], [sflag:$0x1] =	stream.indirect.gather [hbm4b:s4+s22], $0x80, s3, s22, $0xb8;
	[tilespmem:$0x1BE00] =	vst v63  }
0x5e: {  	_ =	swait.ge [sflag:s26], $0x4000  }
.Ltmp0:
0x5f: {  	[sflag:s26] =	ssyncset.done $0x0;
	(pc) =	sbr.rel @p0 .LBB2_2-.Ltmp0, $4  }
0x60: {  	[sflag:s26] =	ssyncadd.s32 $0xFFFFC000  }
0x61: {  	[spmem:s2] =	stream.indirect.scatter.add.f32 [tilespmem:s24], [sflag:$0x3], $0x80, s28, s22, $0xb8;
	[tilespmem:$0x1BE00] =	vst v63  }
0x62: {  	_ =	swait.ge [sflag:s21], $0x4000  }
0x63: {  	s30 =	sadd.s32 s1, s19;
	s31 =	smov.u32 s5;
	[sflag:s21] =	ssyncset.done $0x0  }
0x64: {  	s0 =	sadd.s32 $0x13A0, s30;
	[sflag:s21] =	ssyncadd.s32 $0xFFFFC000  }
0x65: {  	[tilespmem:s23], [sflag:$0x3] =	stream.linear.gather [hbm4b:s0+s3], $0x100, $0x38;
	[tilespmem:$0x1BE00] =	vst v63  }
0x66: {  	_ =	swait.ge [sflag:s21], $0x100  }
0x67: {  	[sflag:s21] =	ssyncset.done $0x0  }
0x68: {  	[sflag:s21] =	ssyncadd.s32 $0xFFFFFF00  }
0x69: {  	[tilespmem:s24], [sflag:$0x2] =	stream.indirect.gather [hbm4b:s4+s22], $0x80, s23, s22, $0xb8;
	[tilespmem:$0x1BE00] =	vst v63  }
0x6a: {  	_ =	swait.ge [sflag:s25], $0x4000  }
0x6b: {  	[sflag:s25] =	ssyncset.done $0x0  }
0x6c: {  	[sflag:s25] =	ssyncadd.s32 $0xFFFFC000  }
0x6d: {  	[spmem:s2] =	stream.indirect.scatter.add.f32 [tilespmem:s20], [sflag:$0x3], $0x80, s22, s22, $0xb8;
	[tilespmem:$0x1BE00] =	vst v63  }
0x6e: {  	_ =	swait.ge [sflag:s21], $0x4000  }
0x6f: {  	[sflag:s21] =	ssyncset.done $0x0  }
0x70: {  	s31 =	sadd.s32 $0x13C0, s30;
	[sflag:s21] =	ssyncadd.s32 $0xFFFFC000  }
0x71: {  	[tilespmem:s3], [sflag:$0x3] =	stream.linear.gather [hbm4b:s31+s3], $0x100, $0x38;
	[tilespmem:$0x1BE00] =	vst v63  }
0x72: {  	_ =	swait.ge [sflag:s21], $0x100  }
0x73: {  	[sflag:s21] =	ssyncset.done $0x0  }
0x74: {  	[sflag:s21] =	ssyncadd.s32 $0xFFFFFF00  }
0x75: {  	[tilespmem:s20], [sflag:$0x1] =	stream.indirect.gather [hbm4b:s4+s22], $0x80, s3, s22, $0xb8;
	[tilespmem:$0x1BE00] =	vst v63  }
0x76: {  	_ =	swait.ge [sflag:s26], $0x4000  }
0x77: {  	[sflag:s26] =	ssyncset.done $0x0  }
0x78: {  	[sflag:s26] =	ssyncadd.s32 $0xFFFFC000  }
0x79: {  	[spmem:s2] =	stream.indirect.scatter.add.f32 [tilespmem:s24], [sflag:$0x3], $0x80, s28, s22, $0xb8;
	[tilespmem:$0x1BE00] =	vst v63  }
0x7a: {  	_ =	swait.ge [sflag:s21], $0x4000  }
0x7b: {  	[sflag:s21] =	ssyncset.done $0x0  }
0x7c: {  	[sflag:s21] =	ssyncadd.s32 $0xFFFFC000  }
0x7d: {  	[tilespmem:s23], [sflag:$0x3] =	stream.linear.gather [hbm4b:s18+s3], $0x100, $0x38;
	[tilespmem:$0x1BE00] =	vst v63  }
0x7e: {  	_ =	swait.ge [sflag:s21], $0x100  }
0x7f: {  	[sflag:s21] =	ssyncset.done $0x0  }
0x80: {  	[sflag:s21] =	ssyncadd.s32 $0xFFFFFF00  }
0x81: {  	[tilespmem:s24], [sflag:$0x2] =	stream.indirect.gather [hbm4b:s4+s22], $0x80, s23, s22, $0xb8;
	[tilespmem:$0x1BE00] =	vst v63  }
0x82: {  	_ =	swait.ge [sflag:s25], $0x4000  }
0x83: {  	[sflag:s25] =	ssyncset.done $0x0  }
0x84: {  	[sflag:s25] =	ssyncadd.s32 $0xFFFFC000  }
0x85: {  	[spmem:s2] =	stream.indirect.scatter.add.f32 [tilespmem:s20], [sflag:$0x3], $0x80, s22, s22, $0xb8;
	[tilespmem:$0x1BE00] =	vst v63  }
0x86: {  	_ =	swait.ge [sflag:s21], $0x4000  }
0x87: {  	[sflag:s21] =	ssyncset.done $0x0  }
0x88: {  	[sflag:s21] =	ssyncadd.s32 $0xFFFFC000  }
0x89: {  	_ =	swait.ge [sflag:s26], $0x4000  }
0x8a: {  	[sflag:s26] =	ssyncset.done $0x0  }
0x8b: {  	[sflag:s26] =	ssyncadd.s32 $0xFFFFC000  }
0x8c: {  	[spmem:s2] =	stream.indirect.scatter.add.f32 [tilespmem:s24], [sflag:$0x3], $0x80, s28, s22, $0xb8;
	[tilespmem:$0x1BE00] =	vst v63  }
0x8d: {  	_ =	swait.ge [sflag:s21], $0x4000  }
0x8e: {  	[sflag:s21] =	ssyncset.done $0x0  }
0x8f: {  	[sflag:s21] =	ssyncadd.s32 $0xFFFFC000  }
0x90: {  	[bflag:$0x0] =	sbarrier.arrive $0xFFFF  }
0x91: {  	[tilespmem:s20], [sflag:$0x3] =	stream.linear.gather [spmem:s6], $0x4000, $0x38;
	[tilespmem:$0x1BE00] =	vst v63  }
0x92: {  	_ =	swait.ge [sflag:s21], $0x4000  }
0x93: {  	[sflag:s21] =	ssyncset.done $0x0  }
0x94: {  	[sflag:s21] =	ssyncadd.s32 $0xFFFFC000  }
0x95: {  	[hbm4b:s12+s3] =	stream.linear.scatter [tilespmem:s20], [sflag:$0x3], $0x4000, $0x38;
	[tilespmem:$0x1BE00] =	vst v63  }
0x96: {  	_ =	swait.ge [sflag:s21], $0x4000  }
0x97: {  	[sflag:s21] =	ssyncset.done $0x0  }
0x98: {  	[sflag:s21] =	ssyncadd.s32 $0xFFFFC000  }
0x99: {  	[tilespmem:s20], [sflag:$0x3] =	stream.linear.gather [spmem:s7], $0x4000, $0x38;
	[tilespmem:$0x1BE00] =	vst v63  }
0x9a: {  	_ =	swait.ge [sflag:s21], $0x4000  }
0x9b: {  	[sflag:s21] =	ssyncset.done $0x0  }
0x9c: {  	[sflag:s21] =	ssyncadd.s32 $0xFFFFC000  }
0x9d: {  	[hbm4b:s13+s3] =	stream.linear.scatter [tilespmem:s20], [sflag:$0x3], $0x4000, $0x38;
	[tilespmem:$0x1BE00] =	vst v63  }
0x9e: {  	_ =	swait.ge [sflag:s21], $0x4000  }
0x9f: {  	[sflag:s21] =	ssyncset.done $0x0  }
0xa0: {  	[sflag:s21] =	ssyncadd.s32 $0xFFFFC000  }
0xa1: {  	[tilespmem:s20], [sflag:$0x3] =	stream.linear.gather [spmem:s8], $0x4000, $0x38;
	[tilespmem:$0x1BE00] =	vst v63  }
0xa2: {  	_ =	swait.ge [sflag:s21], $0x4000  }
0xa3: {  	[sflag:s21] =	ssyncset.done $0x0  }
0xa4: {  	[sflag:s21] =	ssyncadd.s32 $0xFFFFC000  }
0xa5: {  	[hbm4b:s14+s3] =	stream.linear.scatter [tilespmem:s20], [sflag:$0x3], $0x4000, $0x38;
	[tilespmem:$0x1BE00] =	vst v63  }
0xa6: {  	_ =	swait.ge [sflag:s21], $0x4000  }
0xa7: {  	[sflag:s21] =	ssyncset.done $0x0  }
0xa8: {  	[sflag:s21] =	ssyncadd.s32 $0xFFFFC000  }
0xa9: {  	[tilespmem:s20], [sflag:$0x3] =	stream.linear.gather [spmem:s9], $0x4000, $0x38;
	[tilespmem:$0x1BE00] =	vst v63  }
0xaa: {  	_ =	swait.ge [sflag:s21], $0x4000  }
0xab: {  	[sflag:s21] =	ssyncset.done $0x0  }
0xac: {  	[sflag:s21] =	ssyncadd.s32 $0xFFFFC000  }
0xad: {  	[hbm4b:s15+s3] =	stream.linear.scatter [tilespmem:s20], [sflag:$0x3], $0x4000, $0x38;
	[tilespmem:$0x1BE00] =	vst v63  }
0xae: {  	_ =	swait.ge [sflag:s21], $0x4000  }
0xaf: {  	[sflag:s21] =	ssyncset.done $0x0  }
0xb0: {  	[sflag:s21] =	ssyncadd.s32 $0xFFFFC000  }
0xb1: {  	[tilespmem:s20], [sflag:$0x3] =	stream.linear.gather [spmem:s10], $0x3C00, $0x38;
	[tilespmem:$0x1BE00] =	vst v63  }
0xb2: {  	s29 =	sadd.s32 $0x1, s29;
	_ =	swait.ge [sflag:s21], $0x3C00  }
0xb3: {  	p0 =	sne.s32 s29, s17;
	[sflag:s21] =	ssyncset.done $0x0  }
.Ltmp1:
0xb4: {  	[sflag:s21] =	ssyncadd.s32 $0xFFFFC400;
	(pc) =	sbr.rel @p0 .LBB2_1-.Ltmp1, $4  }
0xb5: {  	[hbm4b:s16+s3] =	stream.linear.scatter [tilespmem:s20], [sflag:$0x3], $0x3C00, $0x38;
	[tilespmem:$0x1BE00] =	vst v63  }
0xb6: {  	_ =	swait.ge [sflag:s21], $0x3C00  }
0xb7: {  	[sflag:s21] =	ssyncset.done $0x0  }
0xb8: {  	[sflag:s21] =	ssyncadd.s32 $0xFFFFC400  }
0xb9: {  	_ =	sfence.sel $0x180000  }
0xba: {  	[bflag:$0x0] =	sbarrier.arrive $0xFFFF  }
0xbb: {  	_ =	strace $0x90000047  }
0xbc: {  	s0 =	stileid.u32;
	[bflag:$0x2] =	sbarrier.arrive $0xFFFF  }
0xbd: {  	p0 =	sne.s32 s0, $0x0;
	s0 =	rddreg [dreg:$0x2]  }
0xbe: {  	s0 =	sadd.s32 @!p0 $0x100000, s0  }
0xbf: {  	[sflag:s0] =	ssyncadd.tile.s32 @!p0 $0x1;
	_ =	shalt  }
.Lfunc_end2:
_tile_overlayer_lowered:
.L_overlay_start_2:
0xc0: {  	(tag) =	ssettag $0x2  }
0xc1: {  	s0 =	rddreg [dreg:$0x0];
	s2 =	stileid.u32  }
0xc2: {  	s1 =	rddreg [dreg:$0x1];
	p0 =	sne.s32 s2, $0x0  }
0xc3: {  	s3 =	rddreg [dreg:$0x2];
	[bflag:$0x3] =	sbarrier.arrive $0xFFFF;
	s2 =	simm.s32 @!p0 $0x1C03  }
0xc4: {  	[timem:s3], [sflag:s2] =	dma.local @!p0 [hbm:s0], s1  }
0xc5: {  	s0 =	simm.s32 @!p0 $0x3  }
0xc6: {  	_ =	swait.ge @!p0 [sflag:s0], s1  }
0xc7: {  	s1 =	ssub.s32 @!p0 $0x0, s1;
	[sflag:s0] =	ssyncset.done @!p0 $0x0  }
0xc8: {  	[sflag:s0] =	ssyncadd.s32 @!p0 s1  }
0xc9: {  	[bflag:$0x3] =	sbarrier.arrive $0xFFFF  }
0xca: {  	_ =	shalt  }

</sc_bundles>
